<compile_context>
chip_gen: v7x
topology: tpu7x:2x2x1
jax: 0.10.2.dev20260603
libtpu: 0.0.44.dev20260713+nightly
codegen_flags: <defaults>
</compile_context>

<pallas_src>
import functools

import jax
import jax.numpy as jnp
from jax import lax
from jax.experimental import pallas as pl
from jax.experimental.pallas import tpu as pltpu
from jax.experimental.pallas import tpu_sc as plsc

N = 10000
E = 320000
D = 128
DE = 16
H = 128

NC = 2
NS = 16
NW = NC * NS
CH = 32
NCHUNK = 316
EP = NW * NCHUNK * CH
R = 10112
STRIPE = R // NS


def _silu(v):
    return v / (1.0 + jnp.exp(-v))


def _node_tables_body(x_ref, nw1_ref, nb1_ref, nw2_ref, nb2_ref,
                      mw1_ref, mb1_ref, ew2_ref, eb2_ref,
                      pd_ref, ps_ref, we2c_ref, bec_ref):
    x = x_ref[...]
    h = _silu(jnp.dot(x, nw1_ref[...], preferred_element_type=jnp.float32)
              + nb1_ref[...])
    h = jnp.dot(h, nw2_ref[...], preferred_element_type=jnp.float32) + nb2_ref[...]
    mw1 = mw1_ref[...]
    w1a = mw1[:H, :]
    w1b = mw1[H:2 * H, :]
    w1c = mw1[2 * H:, :]
    pd_ref[...] = jnp.dot(h, w1a, preferred_element_type=jnp.float32)
    ps_ref[...] = jnp.dot(h, w1b, preferred_element_type=jnp.float32)
    we2c_ref[...] = jnp.dot(ew2_ref[...], w1c, preferred_element_type=jnp.float32)
    bec_ref[...] = jnp.dot(eb2_ref[...], w1c,
                           preferred_element_type=jnp.float32) + mb1_ref[...]


_node_tables = pl.pallas_call(
    _node_tables_body,
    out_shape=[
        jax.ShapeDtypeStruct((R, H), jnp.float32),
        jax.ShapeDtypeStruct((R, H), jnp.float32),
        jax.ShapeDtypeStruct((H, H), jnp.float32),
        jax.ShapeDtypeStruct((1, H), jnp.float32),
    ],
)


EBLK = 1024


def _edge_pre_body(ea_ref, ew1_ref, eb1_ref, we2c_ref, bec_ref, out_ref):
    t = _silu(jnp.dot(ea_ref[...], ew1_ref[...],
                      preferred_element_type=jnp.float32) + eb1_ref[...])
    out_ref[...] = jnp.dot(t, we2c_ref[...],
                           preferred_element_type=jnp.float32) + bec_ref[...]


_edge_pre = pl.pallas_call(
    _edge_pre_body,
    grid=(EP // EBLK,),
    in_specs=[
        pl.BlockSpec((EBLK, DE), lambda i: (i, 0)),
        pl.BlockSpec((DE, H), lambda i: (0, 0)),
        pl.BlockSpec((1, H), lambda i: (0, 0)),
        pl.BlockSpec((H, H), lambda i: (0, 0)),
        pl.BlockSpec((1, H), lambda i: (0, 0)),
    ],
    out_specs=pl.BlockSpec((EBLK, H), lambda i: (i, 0)),
    out_shape=jax.ShapeDtypeStruct((EP, H), jnp.float32),
    compiler_params=pltpu.CompilerParams(
        dimension_semantics=("arbitrary",)),
)


@functools.cache
def _get_sc_aggregate():
    mesh = plsc.VectorSubcoreMesh(core_axis_name="c", subcore_axis_name="s",
                                  num_cores=NC, num_subcores=NS)
    return _make_sc_aggregate(mesh)


def _make_sc_aggregate(_sc_mesh):
  @functools.partial(
    pl.kernel,
    out_type=[
        jax.ShapeDtypeStruct((NC, R, H), jnp.float32),
        jax.ShapeDtypeStruct((NC, R, H), jnp.float32),
    ],
    mesh=_sc_mesh,
    scratch_types=[
        pltpu.VMEM((2, CH), jnp.int32),
        pltpu.VMEM((2, CH), jnp.int32),
        pltpu.VMEM((2, CH, H), jnp.float32),
        pltpu.VMEM((2, CH, H), jnp.float32),
        pltpu.VMEM((2, CH, H), jnp.float32),
        pltpu.VMEM_SHARED((R, H), jnp.float32),
        pltpu.SemaphoreType.DMA,
        pltpu.SemaphoreType.DMA,
        pltpu.SemaphoreType.DMA,
        pltpu.SemaphoreType.DMA,
        pltpu.SemaphoreType.DMA,
        pltpu.SemaphoreType.DMA,
    ],
)
  def _sc_aggregate(dst_hbm, src_hbm, pd_hbm, ps_hbm, epre_hbm,
                    out_s, out_c,
                    dstv, srcv, rd, rs, ev, acc_s,
                    sem1, sem2, sem3, sem4, sem5, sem6):
      c = lax.axis_index("c")
      s = lax.axis_index("s")
      wid = c * NS + s

      def _fill_row(i, _):
          for u in range(H // 16):
              ev[0, i, pl.ds(u * 16, 16)] = jnp.zeros((16,), jnp.float32)
          return 0
      lax.fori_loop(0, CH, _fill_row, 0)

      n_base = (R // CH) // NS
      n_extra = (R // CH) % NS
      nblk = jnp.where(s < n_extra, n_base + 1, n_base)
      start_row = (s * n_base + jnp.minimum(s, n_extra)) * CH

      def _fill_idx(row0):
          def _one(k, _):
              dstv[0, pl.ds(k * 16, 16)] = (lax.iota(jnp.int32, 16)
                                            + row0 + k * 16)
              return 0
          lax.fori_loop(0, CH // 16, _one, 0)

      def _zinit(k, _):
          row = start_row + k * CH
          _fill_idx(row)
          pltpu.sync_copy(ev.at[0], acc_s.at[dstv.at[0]])
          return 0
      lax.fori_loop(0, nblk, _zinit, 0)

      plsc.subcore_barrier()

      sems = ((sem1, sem2, sem3), (sem4, sem5, sem6))

      def _fire(k, b):
          base = (wid * NCHUNK + k) * CH
          pltpu.sync_copy(dst_hbm.at[pl.ds(base, CH)], dstv.at[b])
          pltpu.sync_copy(src_hbm.at[pl.ds(base, CH)], srcv.at[b])
          pltpu.async_copy(pd_hbm.at[dstv.at[b]], rd.at[b], sems[b][0])
          pltpu.async_copy(ps_hbm.at[srcv.at[b]], rs.at[b], sems[b][1])
          pltpu.async_copy(epre_hbm.at[pl.ds(base, CH)], ev.at[b], sems[b][2])

      def _drain(b):
          pltpu.make_async_copy(pd_hbm.at[dstv.at[b]], rd.at[b], sems[b][0]).wait()
          pltpu.make_async_copy(ps_hbm.at[srcv.at[b]], rs.at[b], sems[b][1]).wait()
          pltpu.make_async_copy(
              epre_hbm.at[pl.ds(0, CH)], ev.at[b], sems[b][2]).wait()

      def _consume(b):
          @plsc.parallel_loop(0, CH, 1, unroll=2)
          def _row(i):
              for u in range(H // 16):
                  sl = pl.ds(u * 16, 16)
                  v = rd[b, i, sl] + rs[b, i, sl] + ev[b, i, sl]
                  ev[b, i, sl] = v / (1.0 + jnp.exp(-v))
          pltpu.sync_copy(ev.at[b], acc_s.at[dstv.at[b]], add=True)

      _fire(0, 0)

      def _pair(kk, _):
          k0 = kk * 2
          _fire(k0 + 1, 1)
          _drain(0)
          _consume(0)

          @pl.when(k0 + 2 < NCHUNK)
          def _():
              _fire(k0 + 2, 0)
          _drain(1)
          _consume(1)
          return 0
      lax.fori_loop(0, NCHUNK // 2, _pair, 0)

      plsc.subcore_barrier()

      def _zout(k, _):
          row = start_row + k * CH
          _fill_idx(row)
          pltpu.async_copy(acc_s.at[dstv.at[0]], rd.at[0], sem1).wait()
          pltpu.sync_copy(rd.at[0], out_s.at[c, pl.ds(row, CH)])
          return 0
      lax.fori_loop(0, nblk, _zout, 0)

      plsc.subcore_barrier()

      def _ones_fill(i, _):
          for u in range(H // 16):
              ev[0, i, pl.ds(u * 16, 16)] = jnp.full((16,), 1.0, jnp.float32)
          return 0
      lax.fori_loop(0, CH, _ones_fill, 0)

      def _z2(k, _):
          row = start_row + k * CH
          _fill_idx(row)
          pltpu.sync_copy(rs.at[0], acc_s.at[dstv.at[0]])
          return 0
      def _rs_zero(i, _):
          for u in range(H // 16):
              rs[0, i, pl.ds(u * 16, 16)] = jnp.zeros((16,), jnp.float32)
          return 0
      lax.fori_loop(0, CH, _rs_zero, 0)
      lax.fori_loop(0, nblk, _z2, 0)

      plsc.subcore_barrier()

      pltpu.sync_copy(dst_hbm.at[pl.ds(wid * NCHUNK * CH, CH)], dstv.at[0])

      def _cpair(kk, _):
          k0 = kk * 2
          base1 = (wid * NCHUNK + k0 + 1) * CH
          pltpu.sync_copy(dst_hbm.at[pl.ds(base1, CH)], dstv.at[1])
          pltpu.sync_copy(ev.at[0], acc_s.at[dstv.at[0]], add=True)

          @pl.when(k0 + 2 < NCHUNK)
          def _():
              base2 = (wid * NCHUNK + k0 + 2) * CH
              pltpu.sync_copy(dst_hbm.at[pl.ds(base2, CH)], dstv.at[0])
          pltpu.sync_copy(ev.at[0], acc_s.at[dstv.at[1]], add=True)
          return 0
      lax.fori_loop(0, NCHUNK // 2, _cpair, 0)

      plsc.subcore_barrier()

      def _zout2(k, _):
          row = start_row + k * CH
          _fill_idx(row)
          pltpu.async_copy(acc_s.at[dstv.at[0]], rd.at[0], sem1).wait()
          pltpu.sync_copy(rd.at[0], out_c.at[c, pl.ds(row, CH)])
          return 0
      lax.fori_loop(0, nblk, _zout2, 0)

  return _sc_aggregate


def _finish_body(x_ref, s_ref, c_ref, mw2_ref, mb2_ref,
                 uw1_ref, ub1_ref, uw2_ref, ub2_ref, g_ref, b_ref,
                 out_ref):
    x = x_ref[...]
    ssum = s_ref[0, pl.ds(0, N), :] + s_ref[1, pl.ds(0, N), :]
    c16 = c_ref[0, pl.ds(0, N), :] + c_ref[1, pl.ds(0, N), :]
    cnt = c16[:, 0:1]
    aggsum = jnp.dot(ssum, mw2_ref[...],
                     preferred_element_type=jnp.float32) + cnt * mb2_ref[...]
    agg = aggsum / jnp.maximum(cnt, 1.0)
    uw1 = uw1_ref[...]
    pre = (jnp.dot(x, uw1[:D, :], preferred_element_type=jnp.float32)
           + jnp.dot(agg, uw1[D:, :], preferred_element_type=jnp.float32)
           + ub1_ref[...])
    upd = jnp.dot(_silu(pre), uw2_ref[...],
                  preferred_element_type=jnp.float32) + ub2_ref[...]
    out = x + upd
    mu = jnp.mean(out, axis=-1, keepdims=True)
    var = jnp.mean((out - mu) * (out - mu), axis=-1, keepdims=True)
    out_ref[...] = (out - mu) * lax.rsqrt(var + 1e-5) * g_ref[...] + b_ref[...]


_finish = pl.pallas_call(
    _finish_body,
    out_shape=jax.ShapeDtypeStruct((N, D), jnp.float32),
)


def kernel(x, edge_index, edge_attr, node_w1, node_b1, node_w2, node_b2,
           edge_w1, edge_b1, edge_w2, edge_b2, msg_w1, msg_b1, msg_w2,
           msg_b2, upd_w1, upd_b1, upd_w2, upd_b2, ln_g, ln_b):
    x = x.astype(jnp.float32)
    src = edge_index[0].astype(jnp.int32)
    dst = edge_index[1].astype(jnp.int32)

    x_pad = jnp.pad(x, ((0, R - N), (0, 0)))
    ea_pad = jnp.pad(edge_attr, ((0, EP - E), (0, 0)))
    dst_pad = jnp.pad(dst, (0, EP - E), constant_values=N)
    src_pad = jnp.pad(src, (0, EP - E), constant_values=0)

    pd, ps, we2c, bec = _node_tables(
        x_pad, node_w1, node_b1.reshape(1, H), node_w2, node_b2.reshape(1, H),
        msg_w1, msg_b1.reshape(1, H), edge_w2, edge_b2.reshape(1, H))

    epre = _edge_pre(ea_pad, edge_w1, edge_b1.reshape(1, H), we2c, bec)

    out_s, out_c = _get_sc_aggregate()(dst_pad, src_pad, pd, ps, epre)

    return _finish(x, out_s, out_c, msg_w2, msg_b2.reshape(1, H),
                   upd_w1, upd_b1.reshape(1, H), upd_w2, upd_b2.reshape(1, D),
                   ln_g.reshape(1, D), ln_b.reshape(1, D))

# --- scband reference (transcript-rebuilt; emitter-appended) ---
"""Pipeline reference for scband-crystal-graph-diffusion-model-3186865734464 (READ-ONLY COPY).

The authoritative reference and input builder live on the scoring server;
editing this copy changes nothing except your own understanding.
"""

import jax, jax.numpy as jnp
import numpy as np

N = 10000
E = 320000
D = 128
DE = 16
H = 128

def _lin_init(key, fan_in, fan_out):
    k1, k2 = jax.random.split(key)
    lim = 1.0 / np.sqrt(fan_in)
    w = jax.random.uniform(k1, (fan_in, fan_out), minval=-lim, maxval=lim, dtype=jnp.float32)
    b = jax.random.uniform(k2, (fan_out,), minval=-lim, maxval=lim, dtype=jnp.float32)
    return w, b

def setup_inputs(seed: int = 0):
    key = jax.random.key(seed)
    ks = jax.random.split(key, 12)
    x = jax.random.normal(ks[0], (N, D), dtype=jnp.float32)
    edge_index = jax.random.randint(ks[1], (2, E), 0, N, dtype=jnp.int64) if jax.config.jax_enable_x64 else jax.random.randint(ks[1], (2, E), 0, N, dtype=jnp.int32)
    edge_attr = jax.random.normal(ks[2], (E, DE), dtype=jnp.float32)
    node_w1, node_b1 = _lin_init(ks[3], D, H)
    node_w2, node_b2 = _lin_init(ks[4], H, H)
    edge_w1, edge_b1 = _lin_init(ks[5], DE, H)
    edge_w2, edge_b2 = _lin_init(ks[6], H, H)
    msg_w1, msg_b1 = _lin_init(ks[7], 3 * H, H)
    msg_w2, msg_b2 = _lin_init(ks[8], H, H)
    upd_w1, upd_b1 = _lin_init(ks[9], D + H, H)
    upd_w2, upd_b2 = _lin_init(ks[10], H, D)
    ln_g = jnp.ones((D,), dtype=jnp.float32)
    ln_b = jnp.zeros((D,), dtype=jnp.float32)
    return dict(x=x, edge_index=edge_index, edge_attr=edge_attr,
                node_w1=node_w1, node_b1=node_b1, node_w2=node_w2, node_b2=node_b2,
                edge_w1=edge_w1, edge_b1=edge_b1, edge_w2=edge_w2, edge_b2=edge_b2,
                msg_w1=msg_w1, msg_b1=msg_b1, msg_w2=msg_w2, msg_b2=msg_b2,
                upd_w1=upd_w1, upd_b1=upd_b1, upd_w2=upd_w2, upd_b2=upd_b2,
                ln_g=ln_g, ln_b=ln_b)

def reference(x, edge_index, edge_attr,
              node_w1, node_b1, node_w2, node_b2,
              edge_w1, edge_b1, edge_w2, edge_b2,
              msg_w1, msg_b1, msg_w2, msg_b2,
              upd_w1, upd_b1, upd_w2, upd_b2,
              ln_g, ln_b):
    silu = jax.nn.silu
    # node_proj and edge_proj MLPs
    h_nodes = silu(x @ node_w1 + node_b1) @ node_w2 + node_b2
    h_edges = silu(edge_attr @ edge_w1 + edge_b1) @ edge_w2 + edge_b2
    src = edge_index[0]
    dst = edge_index[1]
    # message: cat([x_i (target), x_j (source), edge_attr_hidden])
    x_i = jnp.take(h_nodes, dst, axis=0)
    x_j = jnp.take(h_nodes, src, axis=0)
    m_in = jnp.concatenate([x_i, x_j, h_edges], axis=-1)
    m = silu(m_in @ msg_w1 + msg_b1) @ msg_w2 + msg_b2
    # mean aggregation over destination nodes (scatter-add + count)
    agg_sum = jax.ops.segment_sum(m, dst, num_segments=N)
    cnt = jax.ops.segment_sum(jnp.ones((E,), jnp.float32), dst, num_segments=N)
    agg = agg_sum / jnp.clip(cnt, 1.0)[:, None]
    # update net + residual + layer norm
    u = jnp.concatenate([x, agg], axis=-1)
    upd = silu(u @ upd_w1 + upd_b1) @ upd_w2 + upd_b2
    out = x + upd
    mu = jnp.mean(out, axis=-1, keepdims=True)
    var = jnp.var(out, axis=-1, keepdims=True)
    out = (out - mu) / jnp.sqrt(var + 1e-5) * ln_g + ln_b
    return out

if __name__ == "__main__":
    import jax
    _d = setup_inputs()
    print(jax.jit(kernel)(*tuple(_d.values())))

</pallas_src>

<mosaic_0001>
#map = affine_map<(d0, d1) -> (0)>
#map1 = affine_map<(d0, d1) -> (0, 0)>
#map2 = affine_map<(d0, d1) -> (0, 0, 0)>
module attributes {stable_mosaic.version = 14 : i64} {
  func.func @_sc_aggregate(%arg0: i32, %arg1: i32, %arg2: memref<323584xi32, #tpu.memory_space<hbm>>, %arg3: memref<323584xi32, #tpu.memory_space<hbm>>, %arg4: memref<10112x128xf32, #tpu.memory_space<hbm>>, %arg5: memref<10112x128xf32, #tpu.memory_space<hbm>>, %arg6: memref<323584x128xf32, #tpu.memory_space<hbm>>, %arg7: memref<2x10112x128xf32, #tpu.memory_space<hbm>>, %arg8: memref<2x10112x128xf32, #tpu.memory_space<hbm>>, %arg9: memref<2x32xi32, #tpu.memory_space<vmem>>, %arg10: memref<2x32xi32, #tpu.memory_space<vmem>>, %arg11: memref<2x32x128xf32, #tpu.memory_space<vmem>>, %arg12: memref<2x32x128xf32, #tpu.memory_space<vmem>>, %arg13: memref<2x32x128xf32, #tpu.memory_space<vmem>>, %arg14: memref<10112x128xf32, #tpu.memory_space<vmem_shared>>, %arg15: memref<!tpu.dma_semaphore, #tpu.memory_space<semaphore_mem>>, %arg16: memref<!tpu.dma_semaphore, #tpu.memory_space<semaphore_mem>>, %arg17: memref<!tpu.dma_semaphore, #tpu.memory_space<semaphore_mem>>, %arg18: memref<!tpu.dma_semaphore, #tpu.memory_space<semaphore_mem>>, %arg19: memref<!tpu.dma_semaphore, #tpu.memory_space<semaphore_mem>>, %arg20: memref<!tpu.dma_semaphore, #tpu.memory_space<semaphore_mem>>) attributes {dimension_semantics = [#tpu.dimension_semantics<core_parallel>, #tpu.dimension_semantics<subcore_parallel>], iteration_bounds = array<i64: 2, 16>, scalar_prefetch = 0 : i64, scratch_operands = 12 : i64, tpu.core_type = #tpu.core_type<sc_vector_subcore>, window_params = [{transform_indices = #map}, {transform_indices = #map}, {transform_indices = #map1}, {transform_indices = #map1}, {transform_indices = #map1}, {transform_indices = #map2}, {transform_indices = #map2}]} {
    %mul3A = arith.constant 16 : i32
    %mul3A_0 = arith.muli %arg0, %mul3A : i32
    %add3A = arith.addi %mul3A_0, %arg1 : i32
    %scan3A = arith.constant 0 : i32
    %scan3A_1 = arith.constant 0 : i32
    %scan3A_2 = arith.constant 32 : i32
    %scan3A_3 = arith.addi %scan3A_1, %scan3A_2 : i32
    %scan3A_4 = arith.constant 1 : i32
    %scan3A_5 = scf.for %scan3A_142 = %scan3A_1 to %scan3A_3 step %scan3A_4 iter_args(%scan3A_143 = %scan3A) -> (i32)  : i32 {
      %broadcast_in_dim3A = arith.constant 0.000000e+00 : f32
      %broadcast_in_dim3A_144 = vector.broadcast %broadcast_in_dim3A : f32 to vector<16xf32>
      %swap3A = arith.constant 0 : i32
      %swap3A_145 = arith.index_cast %swap3A : i32 to index
      %swap3A_146 = arith.index_cast %scan3A_142 : i32 to index
      %swap3A_147 = arith.constant 0 : index
      %swap3A_148 = tpu.vector_load %arg13[%swap3A_145, %swap3A_146, %swap3A_147] {strides = array<i32>} : memref<2x32x128xf32, #tpu.memory_space<vmem>>, vector<1x1x16xf32>,
      %swap3A_149 = vector.shape_cast %swap3A_148 : vector<1x1x16xf32> to vector<16xf32>
      %swap3A_150 = vector.shape_cast %broadcast_in_dim3A_144 : vector<16xf32> to vector<1x1x16xf32>
      tpu.vector_store %arg13[%swap3A_145, %swap3A_146, %swap3A_147], %swap3A_150 {strides = array<i32>} : memref<2x32x128xf32, #tpu.memory_space<vmem>>, vector<1x1x16xf32>,
      %broadcast_in_dim3A_151 = arith.constant 0.000000e+00 : f32
      %broadcast_in_dim3A_152 = vector.broadcast %broadcast_in_dim3A_151 : f32 to vector<16xf32>
      %swap3A_153 = arith.constant 0 : i32
      %swap3A_154 = arith.index_cast %swap3A_153 : i32 to index
      %swap3A_155 = arith.index_cast %scan3A_142 : i32 to index
      %swap3A_156 = arith.constant 16 : index
      %swap3A_157 = tpu.vector_load %arg13[%swap3A_154, %swap3A_155, %swap3A_156] {strides = array<i32>} : memref<2x32x128xf32, #tpu.memory_space<vmem>>, vector<1x1x16xf32>,
      %swap3A_158 = vector.shape_cast %swap3A_157 : vector<1x1x16xf32> to vector<16xf32>
      %swap3A_159 = vector.shape_cast %broadcast_in_dim3A_152 : vector<16xf32> to vector<1x1x16xf32>
      tpu.vector_store %arg13[%swap3A_154, %swap3A_155, %swap3A_156], %swap3A_159 {strides = array<i32>} : memref<2x32x128xf32, #tpu.memory_space<vmem>>, vector<1x1x16xf32>,
      %broadcast_in_dim3A_160 = arith.constant 0.000000e+00 : f32
      %broadcast_in_dim3A_161 = vector.broadcast %broadcast_in_dim3A_160 : f32 to vector<16xf32>
      %swap3A_162 = arith.constant 0 : i32
      %swap3A_163 = arith.index_cast %swap3A_162 : i32 to index
      %swap3A_164 = arith.index_cast %scan3A_142 : i32 to index
      %swap3A_165 = arith.constant 32 : index
      %swap3A_166 = tpu.vector_load %arg13[%swap3A_163, %swap3A_164, %swap3A_165] {strides = array<i32>} : memref<2x32x128xf32, #tpu.memory_space<vmem>>, vector<1x1x16xf32>,
      %swap3A_167 = vector.shape_cast %swap3A_166 : vector<1x1x16xf32> to vector<16xf32>
      %swap3A_168 = vector.shape_cast %broadcast_in_dim3A_161 : vector<16xf32> to vector<1x1x16xf32>
      tpu.vector_store %arg13[%swap3A_163, %swap3A_164, %swap3A_165], %swap3A_168 {strides = array<i32>} : memref<2x32x128xf32, #tpu.memory_space<vmem>>, vector<1x1x16xf32>,
      %broadcast_in_dim3A_169 = arith.constant 0.000000e+00 : f32
      %broadcast_in_dim3A_170 = vector.broadcast %broadcast_in_dim3A_169 : f32 to vector<16xf32>
      %swap3A_171 = arith.constant 0 : i32
      %swap3A_172 = arith.index_cast %swap3A_171 : i32 to index
      %swap3A_173 = arith.index_cast %scan3A_142 : i32 to index
      %swap3A_174 = arith.constant 48 : index
      %swap3A_175 = tpu.vector_load %arg13[%swap3A_172, %swap3A_173, %swap3A_174] {strides = array<i32>} : memref<2x32x128xf32, #tpu.memory_space<vmem>>, vector<1x1x16xf32>,
      %swap3A_176 = vector.shape_cast %swap3A_175 : vector<1x1x16xf32> to vector<16xf32>
      %swap3A_177 = vector.shape_cast %broadcast_in_dim3A_170 : vector<16xf32> to vector<1x1x16xf32>
      tpu.vector_store %arg13[%swap3A_172, %swap3A_173, %swap3A_174], %swap3A_177 {strides = array<i32>} : memref<2x32x128xf32, #tpu.memory_space<vmem>>, vector<1x1x16xf32>,
      %broadcast_in_dim3A_178 = arith.constant 0.000000e+00 : f32
      %broadcast_in_dim3A_179 = vector.broadcast %broadcast_in_dim3A_178 : f32 to vector<16xf32>
      %swap3A_180 = arith.constant 0 : i32
      %swap3A_181 = arith.index_cast %swap3A_180 : i32 to index
      %swap3A_182 = arith.index_cast %scan3A_142 : i32 to index
      %swap3A_183 = arith.constant 64 : index
      %swap3A_184 = tpu.vector_load %arg13[%swap3A_181, %swap3A_182, %swap3A_183] {strides = array<i32>} : memref<2x32x128xf32, #tpu.memory_space<vmem>>, vector<1x1x16xf32>,
      %swap3A_185 = vector.shape_cast %swap3A_184 : vector<1x1x16xf32> to vector<16xf32>
      %swap3A_186 = vector.shape_cast %broadcast_in_dim3A_179 : vector<16xf32> to vector<1x1x16xf32>
      tpu.vector_store %arg13[%swap3A_181, %swap3A_182, %swap3A_183], %swap3A_186 {strides = array<i32>} : memref<2x32x128xf32, #tpu.memory_space<vmem>>, vector<1x1x16xf32>,
      %broadcast_in_dim3A_187 = arith.constant 0.000000e+00 : f32
      %broadcast_in_dim3A_188 = vector.broadcast %broadcast_in_dim3A_187 : f32 to vector<16xf32>
      %swap3A_189 = arith.constant 0 : i32
      %swap3A_190 = arith.index_cast %swap3A_189 : i32 to index
      %swap3A_191 = arith.index_cast %scan3A_142 : i32 to index
      %swap3A_192 = arith.constant 80 : index
      %swap3A_193 = tpu.vector_load %arg13[%swap3A_190, %swap3A_191, %swap3A_192] {strides = array<i32>} : memref<2x32x128xf32, #tpu.memory_space<vmem>>, vector<1x1x16xf32>,
      %swap3A_194 = vector.shape_cast %swap3A_193 : vector<1x1x16xf32> to vector<16xf32>
      %swap3A_195 = vector.shape_cast %broadcast_in_dim3A_188 : vector<16xf32> to vector<1x1x16xf32>
      tpu.vector_store %arg13[%swap3A_190, %swap3A_191, %swap3A_192], %swap3A_195 {strides = array<i32>} : memref<2x32x128xf32, #tpu.memory_space<vmem>>, vector<1x1x16xf32>,
      %broadcast_in_dim3A_196 = arith.constant 0.000000e+00 : f32
      %broadcast_in_dim3A_197 = vector.broadcast %broadcast_in_dim3A_196 : f32 to vector<16xf32>
      %swap3A_198 = arith.constant 0 : i32
      %swap3A_199 = arith.index_cast %swap3A_198 : i32 to index
      %swap3A_200 = arith.index_cast %scan3A_142 : i32 to index
      %swap3A_201 = arith.constant 96 : index
      %swap3A_202 = tpu.vector_load %arg13[%swap3A_199, %swap3A_200, %swap3A_201] {strides = array<i32>} : memref<2x32x128xf32, #tpu.memory_space<vmem>>, vector<1x1x16xf32>,
      %swap3A_203 = vector.shape_cast %swap3A_202 : vector<1x1x16xf32> to vector<16xf32>
      %swap3A_204 = vector.shape_cast %broadcast_in_dim3A_197 : vector<16xf32> to vector<1x1x16xf32>
      tpu.vector_store %arg13[%swap3A_199, %swap3A_200, %swap3A_201], %swap3A_204 {strides = array<i32>} : memref<2x32x128xf32, #tpu.memory_space<vmem>>, vector<1x1x16xf32>,
      %broadcast_in_dim3A_205 = arith.constant 0.000000e+00 : f32
      %broadcast_in_dim3A_206 = vector.broadcast %broadcast_in_dim3A_205 : f32 to vector<16xf32>
      %swap3A_207 = arith.constant 0 : i32
      %swap3A_208 = arith.index_cast %swap3A_207 : i32 to index
      %swap3A_209 = arith.index_cast %scan3A_142 : i32 to index
      %swap3A_210 = arith.constant 112 : index
      %swap3A_211 = tpu.vector_load %arg13[%swap3A_208, %swap3A_209, %swap3A_210] {strides = array<i32>} : memref<2x32x128xf32, #tpu.memory_space<vmem>>, vector<1x1x16xf32>,
      %swap3A_212 = vector.shape_cast %swap3A_211 : vector<1x1x16xf32> to vector<16xf32>
      %swap3A_213 = vector.shape_cast %broadcast_in_dim3A_206 : vector<16xf32> to vector<1x1x16xf32>
      tpu.vector_store %arg13[%swap3A_208, %swap3A_209, %swap3A_210], %swap3A_213 {strides = array<i32>} : memref<2x32x128xf32, #tpu.memory_space<vmem>>, vector<1x1x16xf32>,
      %scan3A_214 = arith.constant 0 : i32
      scf.yield %scan3A_214 : i32
    }
    %scan3A_6 = arith.constant 32 : i32
    %lt3A = arith.constant 12 : i32
    %lt3A_7 = arith.cmpi slt, %arg1, %lt3A : i32
    %jit3A = arith.constant 20 : i32
    %jit3A_8 = arith.constant 19 : i32
    %select_n3A = arith.select %lt3A_7, %jit3A, %jit3A_8 : i32
    %mul3A_9 = arith.constant 19 : i32
    %mul3A_10 = arith.muli %arg1, %mul3A_9 : i32
    %min3A = arith.constant 12 : i32
    %min3A_11 = arith.minsi %arg1, %min3A : i32
    %add3A_12 = arith.addi %mul3A_10, %min3A_11 : i32
    %mul3A_13 = arith.constant 32 : i32
    %mul3A_14 = arith.muli %add3A_12, %mul3A_13 : i32
    %while3A = arith.constant 0 : i32
    %while3A_15 = arith.constant 0 : i32
    %while3A_16 = arith.subi %select_n3A, %while3A : i32
    %while3A_17 = arith.addi %while3A, %while3A_16 : i32
    %while3A_18 = arith.constant 1 : i32
    %while3A_19 = arith.divsi %while3A_16, %while3A_18 : i32
    %while3A_20 = arith.muli %while3A_19, %while3A_18 : i32
    %while3A_21 = arith.addi %while3A, %while3A_20 : i32
    %while3A_22 = arith.constant 1 : i32
    %while3A_23 = scf.for %while3A_142 = %while3A to %while3A_21 step %while3A_22 iter_args(%while3A_143 = %while3A_15) -> (i32)  : i32 {
      %mul3A_144 = arith.constant 32 : i32
      %mul3A_145 = arith.muli %while3A_142, %mul3A_144 : i32
      %add3A_146 = arith.addi %mul3A_14, %mul3A_145 : i32
      %scan3A_147 = arith.constant 0 : i32
      %scan3A_148 = arith.constant 0 : i32
      %scan3A_149 = arith.constant 2 : i32
      %scan3A_150 = arith.addi %scan3A_148, %scan3A_149 : i32
      %scan3A_151 = arith.constant 1 : i32
      %scan3A_152 = scf.for %scan3A_157 = %scan3A_148 to %scan3A_150 step %scan3A_151 iter_args(%scan3A_158 = %scan3A_147) -> (i32)  : i32 {
        %iota3A = tpu.iota {dimensions = array<i32: 0>} : vector<16xi32>
        %add3A_159 = vector.broadcast %add3A_146 : i32 to vector<16xi32>
        %add3A_160 = arith.addi %iota3A, %add3A_159 : vector<16xi32>
        %mul3A_161 = arith.constant 16 : i32
        %mul3A_162 = arith.muli %scan3A_157, %mul3A_161 : i32
        %add3A_163 = vector.broadcast %mul3A_162 : i32 to vector<16xi32>
        %add3A_164 = arith.addi %add3A_160, %add3A_163 : vector<16xi32>
        %mul3A_165 = arith.constant 16 : i32
        %mul3A_166 = arith.muli %scan3A_157, %mul3A_165 : i32
        %swap3A = arith.constant 0 : i32
        %swap3A_167 = arith.index_cast %swap3A : i32 to index
        %swap3A_168 = arith.index_cast %mul3A_166 : i32 to index
        %swap3A_169 = tpu.vector_load %arg9[%swap3A_167, %swap3A_168] {strides = array<i32>} : memref<2x32xi32, #tpu.memory_space<vmem>>, vector<1x16xi32>,
        %swap3A_170 = vector.shape_cast %swap3A_169 : vector<1x16xi32> to vector<16xi32>
        %swap3A_171 = vector.shape_cast %add3A_164 : vector<16xi32> to vector<1x16xi32>
        tpu.vector_store %arg9[%swap3A_167, %swap3A_168], %swap3A_171 {strides = array<i32>} : memref<2x32xi32, #tpu.memory_space<vmem>>, vector<1x16xi32>,
        %scan3A_172 = arith.constant 0 : i32
        scf.yield %scan3A_172 : i32
      }
      %scan3A_153 = arith.constant 2 : i32
      %run_scoped3A_154 = arith.constant 0 : i32
      %run_scoped3A_155 = arith.constant 0 : i32
      "tpu.region"() ({
        %run_scoped3A_157 = tpu.sem_alloc : memref<!tpu.dma_semaphore, #tpu.memory_space<semaphore_mem>>
        %dma_start3A_158 = arith.constant 0 : i32
        %dma_start3A_159 = arith.constant 0 : i32
        %dma_start3A_160 = tpu.memref_slice %arg13[%run_scoped3A_154, %dma_start3A_158, %dma_start3A_159] : memref<2x32x128xf32, #tpu.memory_space<vmem>> -> memref<1x32x128xf32, #tpu.memory_space<vmem>>
        %dma_start3A_161 = tpu.memref_squeeze %dma_start3A_160 : memref<1x32x128xf32, #tpu.memory_space<vmem>> -> memref<32x128xf32, #tpu.memory_space<vmem>>
        %dma_start3A_162 = arith.constant 0 : i32
        %dma_start3A_163 = tpu.memref_slice %arg9[%run_scoped3A_155, %dma_start3A_162] : memref<2x32xi32, #tpu.memory_space<vmem>> -> memref<1x32xi32, #tpu.memory_space<vmem>>
        %dma_start3A_164 = tpu.memref_squeeze %dma_start3A_163 : memref<1x32xi32, #tpu.memory_space<vmem>> -> memref<32xi32, #tpu.memory_space<vmem>>
        %dma_start3A_165 = arith.constant 0 : i32
        %dma_start3A_166 = arith.constant 0 : i32
        %dma_start3A_167 = tpu.memref_slice %arg14[%dma_start3A_165, %dma_start3A_166] : memref<10112x128xf32, #tpu.memory_space<vmem_shared>> -> memref<10112x128xf32, #tpu.memory_space<vmem_shared>>
        tpu.enqueue_indirect_dma source(%dma_start3A_161 : memref<32x128xf32, #tpu.memory_space<vmem>>) target(%dma_start3A_167 : memref<10112x128xf32, #tpu.memory_space<vmem_shared>>) offsets(%dma_start3A_164 : memref<32xi32, #tpu.memory_space<vmem>>) semaphore(%run_scoped3A_157 : memref<!tpu.dma_semaphore, #tpu.memory_space<semaphore_mem>>)
        %dma_wait3A = arith.constant 0 : i32
        %dma_wait3A_168 = arith.constant 0 : i32
        %dma_wait3A_169 = tpu.memref_slice %arg13[%run_scoped3A_154, %dma_wait3A, %dma_wait3A_168] : memref<2x32x128xf32, #tpu.memory_space<vmem>> -> memref<1x32x128xf32, #tpu.memory_space<vmem>>
        %dma_wait3A_170 = tpu.memref_squeeze %dma_wait3A_169 : memref<1x32x128xf32, #tpu.memory_space<vmem>> -> memref<32x128xf32, #tpu.memory_space<vmem>>
        %dma_wait3A_171 = arith.constant 0 : i32
        %dma_wait3A_172 = tpu.memref_slice %arg9[%run_scoped3A_155, %dma_wait3A_171] : memref<2x32xi32, #tpu.memory_space<vmem>> -> memref<1x32xi32, #tpu.memory_space<vmem>>
        %dma_wait3A_173 = tpu.memref_squeeze %dma_wait3A_172 : memref<1x32xi32, #tpu.memory_space<vmem>> -> memref<32xi32, #tpu.memory_space<vmem>>
        %dma_wait3A_174 = arith.constant 0 : i32
        %dma_wait3A_175 = arith.constant 0 : i32
        %dma_wait3A_176 = tpu.memref_slice %arg14[%dma_wait3A_174, %dma_wait3A_175] : memref<10112x128xf32, #tpu.memory_space<vmem_shared>> -> memref<10112x128xf32, #tpu.memory_space<vmem_shared>>
        tpu.wait_indirect_dma semaphore(%run_scoped3A_157 : memref<!tpu.dma_semaphore, #tpu.memory_space<semaphore_mem>>) src(%dma_wait3A_170 : memref<32x128xf32, #tpu.memory_space<vmem>>) dst(%dma_wait3A_176 : memref<10112x128xf32, #tpu.memory_space<vmem_shared>>)
        tpu.yield
      }) : () -> ()
      %while3A_156 = arith.constant 0 : i32
      scf.yield %while3A_156 : i32
    }
    %while3A_24 = arith.constant 1 : i32
    %while3A_25 = scf.for %while3A_142 = %while3A_21 to %while3A_17 step %while3A_24 iter_args(%while3A_143 = %while3A_23) -> (i32)  : i32 {
      %mul3A_144 = arith.constant 32 : i32
      %mul3A_145 = arith.muli %while3A_142, %mul3A_144 : i32
      %add3A_146 = arith.addi %mul3A_14, %mul3A_145 : i32
      %scan3A_147 = arith.constant 0 : i32
      %scan3A_148 = arith.constant 0 : i32
      %scan3A_149 = arith.constant 2 : i32
      %scan3A_150 = arith.addi %scan3A_148, %scan3A_149 : i32
      %scan3A_151 = arith.constant 1 : i32
      %scan3A_152 = scf.for %scan3A_157 = %scan3A_148 to %scan3A_150 step %scan3A_151 iter_args(%scan3A_158 = %scan3A_147) -> (i32)  : i32 {
        %iota3A = tpu.iota {dimensions = array<i32: 0>} : vector<16xi32>
        %add3A_159 = vector.broadcast %add3A_146 : i32 to vector<16xi32>
        %add3A_160 = arith.addi %iota3A, %add3A_159 : vector<16xi32>
        %mul3A_161 = arith.constant 16 : i32
        %mul3A_162 = arith.muli %scan3A_157, %mul3A_161 : i32
        %add3A_163 = vector.broadcast %mul3A_162 : i32 to vector<16xi32>
        %add3A_164 = arith.addi %add3A_160, %add3A_163 : vector<16xi32>
        %mul3A_165 = arith.constant 16 : i32
        %mul3A_166 = arith.muli %scan3A_157, %mul3A_165 : i32
        %swap3A = arith.constant 0 : i32
        %swap3A_167 = arith.index_cast %swap3A : i32 to index
        %swap3A_168 = arith.index_cast %mul3A_166 : i32 to index
        %swap3A_169 = tpu.vector_load %arg9[%swap3A_167, %swap3A_168] {strides = array<i32>} : memref<2x32xi32, #tpu.memory_space<vmem>>, vector<1x16xi32>,
        %swap3A_170 = vector.shape_cast %swap3A_169 : vector<1x16xi32> to vector<16xi32>
        %swap3A_171 = vector.shape_cast %add3A_164 : vector<16xi32> to vector<1x16xi32>
        tpu.vector_store %arg9[%swap3A_167, %swap3A_168], %swap3A_171 {strides = array<i32>} : memref<2x32xi32, #tpu.memory_space<vmem>>, vector<1x16xi32>,
        %scan3A_172 = arith.constant 0 : i32
        scf.yield %scan3A_172 : i32
      }
      %scan3A_153 = arith.constant 2 : i32
      %run_scoped3A_154 = arith.constant 0 : i32
      %run_scoped3A_155 = arith.constant 0 : i32
      "tpu.region"() ({
        %run_scoped3A_157 = tpu.sem_alloc : memref<!tpu.dma_semaphore, #tpu.memory_space<semaphore_mem>>
        %dma_start3A_158 = arith.constant 0 : i32
        %dma_start3A_159 = arith.constant 0 : i32
        %dma_start3A_160 = tpu.memref_slice %arg13[%run_scoped3A_154, %dma_start3A_158, %dma_start3A_159] : memref<2x32x128xf32, #tpu.memory_space<vmem>> -> memref<1x32x128xf32, #tpu.memory_space<vmem>>
        %dma_start3A_161 = tpu.memref_squeeze %dma_start3A_160 : memref<1x32x128xf32, #tpu.memory_space<vmem>> -> memref<32x128xf32, #tpu.memory_space<vmem>>
        %dma_start3A_162 = arith.constant 0 : i32
        %dma_start3A_163 = tpu.memref_slice %arg9[%run_scoped3A_155, %dma_start3A_162] : memref<2x32xi32, #tpu.memory_space<vmem>> -> memref<1x32xi32, #tpu.memory_space<vmem>>
        %dma_start3A_164 = tpu.memref_squeeze %dma_start3A_163 : memref<1x32xi32, #tpu.memory_space<vmem>> -> memref<32xi32, #tpu.memory_space<vmem>>
        %dma_start3A_165 = arith.constant 0 : i32
        %dma_start3A_166 = arith.constant 0 : i32
        %dma_start3A_167 = tpu.memref_slice %arg14[%dma_start3A_165, %dma_start3A_166] : memref<10112x128xf32, #tpu.memory_space<vmem_shared>> -> memref<10112x128xf32, #tpu.memory_space<vmem_shared>>
        tpu.enqueue_indirect_dma source(%dma_start3A_161 : memref<32x128xf32, #tpu.memory_space<vmem>>) target(%dma_start3A_167 : memref<10112x128xf32, #tpu.memory_space<vmem_shared>>) offsets(%dma_start3A_164 : memref<32xi32, #tpu.memory_space<vmem>>) semaphore(%run_scoped3A_157 : memref<!tpu.dma_semaphore, #tpu.memory_space<semaphore_mem>>)
        %dma_wait3A = arith.constant 0 : i32
        %dma_wait3A_168 = arith.constant 0 : i32
        %dma_wait3A_169 = tpu.memref_slice %arg13[%run_scoped3A_154, %dma_wait3A, %dma_wait3A_168] : memref<2x32x128xf32, #tpu.memory_space<vmem>> -> memref<1x32x128xf32, #tpu.memory_space<vmem>>
        %dma_wait3A_170 = tpu.memref_squeeze %dma_wait3A_169 : memref<1x32x128xf32, #tpu.memory_space<vmem>> -> memref<32x128xf32, #tpu.memory_space<vmem>>
        %dma_wait3A_171 = arith.constant 0 : i32
        %dma_wait3A_172 = tpu.memref_slice %arg9[%run_scoped3A_155, %dma_wait3A_171] : memref<2x32xi32, #tpu.memory_space<vmem>> -> memref<1x32xi32, #tpu.memory_space<vmem>>
        %dma_wait3A_173 = tpu.memref_squeeze %dma_wait3A_172 : memref<1x32xi32, #tpu.memory_space<vmem>> -> memref<32xi32, #tpu.memory_space<vmem>>
        %dma_wait3A_174 = arith.constant 0 : i32
        %dma_wait3A_175 = arith.constant 0 : i32
        %dma_wait3A_176 = tpu.memref_slice %arg14[%dma_wait3A_174, %dma_wait3A_175] : memref<10112x128xf32, #tpu.memory_space<vmem_shared>> -> memref<10112x128xf32, #tpu.memory_space<vmem_shared>>
        tpu.wait_indirect_dma semaphore(%run_scoped3A_157 : memref<!tpu.dma_semaphore, #tpu.memory_space<semaphore_mem>>) src(%dma_wait3A_170 : memref<32x128xf32, #tpu.memory_space<vmem>>) dst(%dma_wait3A_176 : memref<10112x128xf32, #tpu.memory_space<vmem_shared>>)
        tpu.yield
      }) : () -> ()
      %while3A_156 = arith.constant 0 : i32
      scf.yield %while3A_156 : i32
    }
    %barrier3A = arith.constant 0 : index
    tpu.barrier barrier_id(%barrier3A)
    %mul3A_26 = arith.constant 316 : i32
    %mul3A_27 = arith.muli %add3A, %mul3A_26 : i32
    %add3A_28 = arith.constant 0 : i32
    %add3A_29 = arith.addi %mul3A_27, %add3A_28 : i32
    %mul3A_30 = arith.constant 32 : i32
    %mul3A_31 = arith.muli %add3A_29, %mul3A_30 : i32
    %run_scoped3A = arith.constant 0 : i32
    "tpu.region"() ({
      %run_scoped3A_142 = tpu.sem_alloc : memref<!tpu.dma_semaphore, #tpu.memory_space<semaphore_mem>>
      %dma_start3A_143 = arith.constant 0 : i32
      %dma_start3A_144 = tpu.memref_slice %arg9[%run_scoped3A, %dma_start3A_143] : memref<2x32xi32, #tpu.memory_space<vmem>> -> memref<1x32xi32, #tpu.memory_space<vmem>>
      %dma_start3A_145 = tpu.memref_squeeze %dma_start3A_144 : memref<1x32xi32, #tpu.memory_space<vmem>> -> memref<32xi32, #tpu.memory_space<vmem>>
      %dma_start3A_146 = tpu.memref_slice %arg2[%mul3A_31] : memref<323584xi32, #tpu.memory_space<hbm>> -> memref<32xi32, #tpu.memory_space<hbm>>
      %dma_start3A_147 = arith.constant 0 : i32
      %dma_start3A_148 = tpu.memref_slice %arg9[%run_scoped3A, %dma_start3A_147] : memref<2x32xi32, #tpu.memory_space<vmem>> -> memref<1x32xi32, #tpu.memory_space<vmem>>
      %dma_start3A_149 = tpu.memref_squeeze %dma_start3A_148 : memref<1x32xi32, #tpu.memory_space<vmem>> -> memref<32xi32, #tpu.memory_space<vmem>>
      %dma_start3A_150 = tpu.memref_slice %arg2[%mul3A_31] : memref<323584xi32, #tpu.memory_space<hbm>> -> memref<32xi32, #tpu.memory_space<hbm>>
      tpu.enqueue_dma source(%dma_start3A_150 : memref<32xi32, #tpu.memory_space<hbm>>) target(%dma_start3A_149 : memref<32xi32, #tpu.memory_space<vmem>>) target_semaphore(%run_scoped3A_142 : memref<!tpu.dma_semaphore, #tpu.memory_space<semaphore_mem>>)
      %dma_wait3A = arith.constant 0 : i32
      %dma_wait3A_151 = tpu.memref_slice %arg9[%run_scoped3A, %dma_wait3A] : memref<2x32xi32, #tpu.memory_space<vmem>> -> memref<1x32xi32, #tpu.memory_space<vmem>>
      %dma_wait3A_152 = tpu.memref_squeeze %dma_wait3A_151 : memref<1x32xi32, #tpu.memory_space<vmem>> -> memref<32xi32, #tpu.memory_space<vmem>>
      %dma_wait3A_153 = tpu.memref_slice %arg2[%mul3A_31] : memref<323584xi32, #tpu.memory_space<hbm>> -> memref<32xi32, #tpu.memory_space<hbm>>
      %dma_wait3A_154 = arith.constant 0 : i32
      %dma_wait3A_155 = tpu.memref_slice %arg9[%run_scoped3A, %dma_wait3A_154] : memref<2x32xi32, #tpu.memory_space<vmem>> -> memref<1x32xi32, #tpu.memory_space<vmem>>
      %dma_wait3A_156 = tpu.memref_squeeze %dma_wait3A_155 : memref<1x32xi32, #tpu.memory_space<vmem>> -> memref<32xi32, #tpu.memory_space<vmem>>
      %dma_wait3A_157 = tpu.memref_slice %arg2[%mul3A_31] : memref<323584xi32, #tpu.memory_space<hbm>> -> memref<32xi32, #tpu.memory_space<hbm>>
      tpu.wait_dma2 semaphore(%run_scoped3A_142 : memref<!tpu.dma_semaphore, #tpu.memory_space<semaphore_mem>>) src(%dma_wait3A_157 : memref<32xi32, #tpu.memory_space<hbm>>) dst(%dma_wait3A_156 : memref<32xi32, #tpu.memory_space<vmem>>)
      tpu.yield
    }) : () -> ()
    %run_scoped3A_32 = arith.constant 0 : i32
    "tpu.region"() ({
      %run_scoped3A_142 = tpu.sem_alloc : memref<!tpu.dma_semaphore, #tpu.memory_space<semaphore_mem>>
      %dma_start3A_143 = arith.constant 0 : i32
      %dma_start3A_144 = tpu.memref_slice %arg10[%run_scoped3A_32, %dma_start3A_143] : memref<2x32xi32, #tpu.memory_space<vmem>> -> memref<1x32xi32, #tpu.memory_space<vmem>>
      %dma_start3A_145 = tpu.memref_squeeze %dma_start3A_144 : memref<1x32xi32, #tpu.memory_space<vmem>> -> memref<32xi32, #tpu.memory_space<vmem>>
      %dma_start3A_146 = tpu.memref_slice %arg3[%mul3A_31] : memref<323584xi32, #tpu.memory_space<hbm>> -> memref<32xi32, #tpu.memory_space<hbm>>
      %dma_start3A_147 = arith.constant 0 : i32
      %dma_start3A_148 = tpu.memref_slice %arg10[%run_scoped3A_32, %dma_start3A_147] : memref<2x32xi32, #tpu.memory_space<vmem>> -> memref<1x32xi32, #tpu.memory_space<vmem>>
      %dma_start3A_149 = tpu.memref_squeeze %dma_start3A_148 : memref<1x32xi32, #tpu.memory_space<vmem>> -> memref<32xi32, #tpu.memory_space<vmem>>
      %dma_start3A_150 = tpu.memref_slice %arg3[%mul3A_31] : memref<323584xi32, #tpu.memory_space<hbm>> -> memref<32xi32, #tpu.memory_space<hbm>>
      tpu.enqueue_dma source(%dma_start3A_150 : memref<32xi32, #tpu.memory_space<hbm>>) target(%dma_start3A_149 : memref<32xi32, #tpu.memory_space<vmem>>) target_semaphore(%run_scoped3A_142 : memref<!tpu.dma_semaphore, #tpu.memory_space<semaphore_mem>>)
      %dma_wait3A = arith.constant 0 : i32
      %dma_wait3A_151 = tpu.memref_slice %arg10[%run_scoped3A_32, %dma_wait3A] : memref<2x32xi32, #tpu.memory_space<vmem>> -> memref<1x32xi32, #tpu.memory_space<vmem>>
      %dma_wait3A_152 = tpu.memref_squeeze %dma_wait3A_151 : memref<1x32xi32, #tpu.memory_space<vmem>> -> memref<32xi32, #tpu.memory_space<vmem>>
      %dma_wait3A_153 = tpu.memref_slice %arg3[%mul3A_31] : memref<323584xi32, #tpu.memory_space<hbm>> -> memref<32xi32, #tpu.memory_space<hbm>>
      %dma_wait3A_154 = arith.constant 0 : i32
      %dma_wait3A_155 = tpu.memref_slice %arg10[%run_scoped3A_32, %dma_wait3A_154] : memref<2x32xi32, #tpu.memory_space<vmem>> -> memref<1x32xi32, #tpu.memory_space<vmem>>
      %dma_wait3A_156 = tpu.memref_squeeze %dma_wait3A_155 : memref<1x32xi32, #tpu.memory_space<vmem>> -> memref<32xi32, #tpu.memory_space<vmem>>
      %dma_wait3A_157 = tpu.memref_slice %arg3[%mul3A_31] : memref<323584xi32, #tpu.memory_space<hbm>> -> memref<32xi32, #tpu.memory_space<hbm>>
      tpu.wait_dma2 semaphore(%run_scoped3A_142 : memref<!tpu.dma_semaphore, #tpu.memory_space<semaphore_mem>>) src(%dma_wait3A_157 : memref<32xi32, #tpu.memory_space<hbm>>) dst(%dma_wait3A_156 : memref<32xi32, #tpu.memory_space<vmem>>)
      tpu.yield
    }) : () -> ()
    %dma_start3A = arith.constant 0 : i32
    %dma_start3A_33 = arith.constant 0 : i32
    %dma_start3A_34 = arith.constant 0 : i32
    %dma_start3A_35 = arith.constant 0 : i32
    %dma_start3A_36 = tpu.memref_slice %arg11[%dma_start3A_33, %dma_start3A_34, %dma_start3A_35] : memref<2x32x128xf32, #tpu.memory_space<vmem>> -> memref<1x32x128xf32, #tpu.memory_space<vmem>>
    %dma_start3A_37 = tpu.memref_squeeze %dma_start3A_36 : memref<1x32x128xf32, #tpu.memory_space<vmem>> -> memref<32x128xf32, #tpu.memory_space<vmem>>
    %dma_start3A_38 = arith.constant 0 : i32
    %dma_start3A_39 = tpu.memref_slice %arg9[%dma_start3A, %dma_start3A_38] : memref<2x32xi32, #tpu.memory_space<vmem>> -> memref<1x32xi32, #tpu.memory_space<vmem>>
    %dma_start3A_40 = tpu.memref_squeeze %dma_start3A_39 : memref<1x32xi32, #tpu.memory_space<vmem>> -> memref<32xi32, #tpu.memory_space<vmem>>
    %dma_start3A_41 = arith.constant 0 : i32
    %dma_start3A_42 = arith.constant 0 : i32
    %dma_start3A_43 = tpu.memref_slice %arg4[%dma_start3A_41, %dma_start3A_42] : memref<10112x128xf32, #tpu.memory_space<hbm>> -> memref<10112x128xf32, #tpu.memory_space<hbm>>
    tpu.enqueue_indirect_dma source(%dma_start3A_43 : memref<10112x128xf32, #tpu.memory_space<hbm>>) target(%dma_start3A_37 : memref<32x128xf32, #tpu.memory_space<vmem>>) offsets(%dma_start3A_40 : memref<32xi32, #tpu.memory_space<vmem>>) semaphore(%arg15 : memref<!tpu.dma_semaphore, #tpu.memory_space<semaphore_mem>>)
    %dma_start3A_44 = arith.constant 0 : i32
    %dma_start3A_45 = arith.constant 0 : i32
    %dma_start3A_46 = arith.constant 0 : i32
    %dma_start3A_47 = arith.constant 0 : i32
    %dma_start3A_48 = tpu.memref_slice %arg12[%dma_start3A_45, %dma_start3A_46, %dma_start3A_47] : memref<2x32x128xf32, #tpu.memory_space<vmem>> -> memref<1x32x128xf32, #tpu.memory_space<vmem>>
    %dma_start3A_49 = tpu.memref_squeeze %dma_start3A_48 : memref<1x32x128xf32, #tpu.memory_space<vmem>> -> memref<32x128xf32, #tpu.memory_space<vmem>>
    %dma_start3A_50 = arith.constant 0 : i32
    %dma_start3A_51 = tpu.memref_slice %arg10[%dma_start3A_44, %dma_start3A_50] : memref<2x32xi32, #tpu.memory_space<vmem>> -> memref<1x32xi32, #tpu.memory_space<vmem>>
    %dma_start3A_52 = tpu.memref_squeeze %dma_start3A_51 : memref<1x32xi32, #tpu.memory_space<vmem>> -> memref<32xi32, #tpu.memory_space<vmem>>
    %dma_start3A_53 = arith.constant 0 : i32
    %dma_start3A_54 = arith.constant 0 : i32
    %dma_start3A_55 = tpu.memref_slice %arg5[%dma_start3A_53, %dma_start3A_54] : memref<10112x128xf32, #tpu.memory_space<hbm>> -> memref<10112x128xf32, #tpu.memory_space<hbm>>
    tpu.enqueue_indirect_dma source(%dma_start3A_55 : memref<10112x128xf32, #tpu.memory_space<hbm>>) target(%dma_start3A_49 : memref<32x128xf32, #tpu.memory_space<vmem>>) offsets(%dma_start3A_52 : memref<32xi32, #tpu.memory_space<vmem>>) semaphore(%arg16 : memref<!tpu.dma_semaphore, #tpu.memory_space<semaphore_mem>>)
    %dma_start3A_56 = arith.constant 0 : i32
    %dma_start3A_57 = arith.constant 0 : i32
    %dma_start3A_58 = arith.constant 0 : i32
    %dma_start3A_59 = tpu.memref_slice %arg13[%dma_start3A_56, %dma_start3A_57, %dma_start3A_58] : memref<2x32x128xf32, #tpu.memory_space<vmem>> -> memref<1x32x128xf32, #tpu.memory_space<vmem>>
    %dma_start3A_60 = tpu.memref_squeeze %dma_start3A_59 : memref<1x32x128xf32, #tpu.memory_space<vmem>> -> memref<32x128xf32, #tpu.memory_space<vmem>>
    %dma_start3A_61 = arith.constant 0 : i32
    %dma_start3A_62 = tpu.memref_slice %arg6[%mul3A_31, %dma_start3A_61] : memref<323584x128xf32, #tpu.memory_space<hbm>> -> memref<32x128xf32, #tpu.memory_space<hbm>>
    %dma_start3A_63 = arith.constant 0 : i32
    %dma_start3A_64 = arith.constant 0 : i32
    %dma_start3A_65 = tpu.memref_slice %arg13[%dma_start3A_56, %dma_start3A_63, %dma_start3A_64] : memref<2x32x128xf32, #tpu.memory_space<vmem>> -> memref<1x32x128xf32, #tpu.memory_space<vmem>>
    %dma_start3A_66 = tpu.memref_squeeze %dma_start3A_65 : memref<1x32x128xf32, #tpu.memory_space<vmem>> -> memref<32x128xf32, #tpu.memory_space<vmem>>
    %dma_start3A_67 = arith.constant 0 : i32
    %dma_start3A_68 = tpu.memref_slice %arg6[%mul3A_31, %dma_start3A_67] : memref<323584x128xf32, #tpu.memory_space<hbm>> -> memref<32x128xf32, #tpu.memory_space<hbm>>
    tpu.enqueue_dma source(%dma_start3A_68 : memref<32x128xf32, #tpu.memory_space<hbm>>) target(%dma_start3A_66 : memref<32x128xf32, #tpu.memory_space<vmem>>) target_semaphore(%arg17 : memref<!tpu.dma_semaphore, #tpu.memory_space<semaphore_mem>>)
    %scan3A_69 = arith.constant 0 : i32
    %scan3A_70 = arith.constant 0 : i32
    %scan3A_71 = arith.constant 158 : i32
    %scan3A_72 = arith.addi %scan3A_70, %scan3A_71 : i32
    %scan3A_73 = arith.constant 1 : i32
    %scan3A_74 = scf.for %scan3A_142 = %scan3A_70 to %scan3A_72 step %scan3A_73 iter_args(%scan3A_143 = %scan3A_69) -> (i32)  : i32 {
      %mul3A_144 = arith.constant 2 : i32
      %mul3A_145 = arith.muli %scan3A_142, %mul3A_144 : i32
      %add3A_146 = arith.constant 1 : i32
      %add3A_147 = arith.addi %mul3A_145, %add3A_146 : i32
      %mul3A_148 = arith.constant 316 : i32
      %mul3A_149 = arith.muli %add3A, %mul3A_148 : i32
      %add3A_150 = arith.addi %mul3A_149, %add3A_147 : i32
      %mul3A_151 = arith.constant 32 : i32
      %mul3A_152 = arith.muli %add3A_150, %mul3A_151 : i32
      %run_scoped3A_153 = arith.constant 1 : i32
      "tpu.region"() ({
        %run_scoped3A_284 = tpu.sem_alloc : memref<!tpu.dma_semaphore, #tpu.memory_space<semaphore_mem>>
        %dma_start3A_285 = arith.constant 0 : i32
        %dma_start3A_286 = tpu.memref_slice %arg9[%run_scoped3A_153, %dma_start3A_285] : memref<2x32xi32, #tpu.memory_space<vmem>> -> memref<1x32xi32, #tpu.memory_space<vmem>>
        %dma_start3A_287 = tpu.memref_squeeze %dma_start3A_286 : memref<1x32xi32, #tpu.memory_space<vmem>> -> memref<32xi32, #tpu.memory_space<vmem>>
        %dma_start3A_288 = tpu.memref_slice %arg2[%mul3A_152] : memref<323584xi32, #tpu.memory_space<hbm>> -> memref<32xi32, #tpu.memory_space<hbm>>
        %dma_start3A_289 = arith.constant 0 : i32
        %dma_start3A_290 = tpu.memref_slice %arg9[%run_scoped3A_153, %dma_start3A_289] : memref<2x32xi32, #tpu.memory_space<vmem>> -> memref<1x32xi32, #tpu.memory_space<vmem>>
        %dma_start3A_291 = tpu.memref_squeeze %dma_start3A_290 : memref<1x32xi32, #tpu.memory_space<vmem>> -> memref<32xi32, #tpu.memory_space<vmem>>
        %dma_start3A_292 = tpu.memref_slice %arg2[%mul3A_152] : memref<323584xi32, #tpu.memory_space<hbm>> -> memref<32xi32, #tpu.memory_space<hbm>>
        tpu.enqueue_dma source(%dma_start3A_292 : memref<32xi32, #tpu.memory_space<hbm>>) target(%dma_start3A_291 : memref<32xi32, #tpu.memory_space<vmem>>) target_semaphore(%run_scoped3A_284 : memref<!tpu.dma_semaphore, #tpu.memory_space<semaphore_mem>>)
        %dma_wait3A_293 = arith.constant 0 : i32
        %dma_wait3A_294 = tpu.memref_slice %arg9[%run_scoped3A_153, %dma_wait3A_293] : memref<2x32xi32, #tpu.memory_space<vmem>> -> memref<1x32xi32, #tpu.memory_space<vmem>>
        %dma_wait3A_295 = tpu.memref_squeeze %dma_wait3A_294 : memref<1x32xi32, #tpu.memory_space<vmem>> -> memref<32xi32, #tpu.memory_space<vmem>>
        %dma_wait3A_296 = tpu.memref_slice %arg2[%mul3A_152] : memref<323584xi32, #tpu.memory_space<hbm>> -> memref<32xi32, #tpu.memory_space<hbm>>
        %dma_wait3A_297 = arith.constant 0 : i32
        %dma_wait3A_298 = tpu.memref_slice %arg9[%run_scoped3A_153, %dma_wait3A_297] : memref<2x32xi32, #tpu.memory_space<vmem>> -> memref<1x32xi32, #tpu.memory_space<vmem>>
        %dma_wait3A_299 = tpu.memref_squeeze %dma_wait3A_298 : memref<1x32xi32, #tpu.memory_space<vmem>> -> memref<32xi32, #tpu.memory_space<vmem>>
        %dma_wait3A_300 = tpu.memref_slice %arg2[%mul3A_152] : memref<323584xi32, #tpu.memory_space<hbm>> -> memref<32xi32, #tpu.memory_space<hbm>>
        tpu.wait_dma2 semaphore(%run_scoped3A_284 : memref<!tpu.dma_semaphore, #tpu.memory_space<semaphore_mem>>) src(%dma_wait3A_300 : memref<32xi32, #tpu.memory_space<hbm>>) dst(%dma_wait3A_299 : memref<32xi32, #tpu.memory_space<vmem>>)
        tpu.yield
      }) : () -> ()
      %run_scoped3A_154 = arith.constant 1 : i32
      "tpu.region"() ({
        %run_scoped3A_284 = tpu.sem_alloc : memref<!tpu.dma_semaphore, #tpu.memory_space<semaphore_mem>>
        %dma_start3A_285 = arith.constant 0 : i32
        %dma_start3A_286 = tpu.memref_slice %arg10[%run_scoped3A_154, %dma_start3A_285] : memref<2x32xi32, #tpu.memory_space<vmem>> -> memref<1x32xi32, #tpu.memory_space<vmem>>
        %dma_start3A_287 = tpu.memref_squeeze %dma_start3A_286 : memref<1x32xi32, #tpu.memory_space<vmem>> -> memref<32xi32, #tpu.memory_space<vmem>>
        %dma_start3A_288 = tpu.memref_slice %arg3[%mul3A_152] : memref<323584xi32, #tpu.memory_space<hbm>> -> memref<32xi32, #tpu.memory_space<hbm>>
        %dma_start3A_289 = arith.constant 0 : i32
        %dma_start3A_290 = tpu.memref_slice %arg10[%run_scoped3A_154, %dma_start3A_289] : memref<2x32xi32, #tpu.memory_space<vmem>> -> memref<1x32xi32, #tpu.memory_space<vmem>>
        %dma_start3A_291 = tpu.memref_squeeze %dma_start3A_290 : memref<1x32xi32, #tpu.memory_space<vmem>> -> memref<32xi32, #tpu.memory_space<vmem>>
        %dma_start3A_292 = tpu.memref_slice %arg3[%mul3A_152] : memref<323584xi32, #tpu.memory_space<hbm>> -> memref<32xi32, #tpu.memory_space<hbm>>
        tpu.enqueue_dma source(%dma_start3A_292 : memref<32xi32, #tpu.memory_space<hbm>>) target(%dma_start3A_291 : memref<32xi32, #tpu.memory_space<vmem>>) target_semaphore(%run_scoped3A_284 : memref<!tpu.dma_semaphore, #tpu.memory_space<semaphore_mem>>)
        %dma_wait3A_293 = arith.constant 0 : i32
        %dma_wait3A_294 = tpu.memref_slice %arg10[%run_scoped3A_154, %dma_wait3A_293] : memref<2x32xi32, #tpu.memory_space<vmem>> -> memref<1x32xi32, #tpu.memory_space<vmem>>
        %dma_wait3A_295 = tpu.memref_squeeze %dma_wait3A_294 : memref<1x32xi32, #tpu.memory_space<vmem>> -> memref<32xi32, #tpu.memory_space<vmem>>
        %dma_wait3A_296 = tpu.memref_slice %arg3[%mul3A_152] : memref<323584xi32, #tpu.memory_space<hbm>> -> memref<32xi32, #tpu.memory_space<hbm>>
        %dma_wait3A_297 = arith.constant 0 : i32
        %dma_wait3A_298 = tpu.memref_slice %arg10[%run_scoped3A_154, %dma_wait3A_297] : memref<2x32xi32, #tpu.memory_space<vmem>> -> memref<1x32xi32, #tpu.memory_space<vmem>>
        %dma_wait3A_299 = tpu.memref_squeeze %dma_wait3A_298 : memref<1x32xi32, #tpu.memory_space<vmem>> -> memref<32xi32, #tpu.memory_space<vmem>>
        %dma_wait3A_300 = tpu.memref_slice %arg3[%mul3A_152] : memref<323584xi32, #tpu.memory_space<hbm>> -> memref<32xi32, #tpu.memory_space<hbm>>
        tpu.wait_dma2 semaphore(%run_scoped3A_284 : memref<!tpu.dma_semaphore, #tpu.memory_space<semaphore_mem>>) src(%dma_wait3A_300 : memref<32xi32, #tpu.memory_space<hbm>>) dst(%dma_wait3A_299 : memref<32xi32, #tpu.memory_space<vmem>>)
        tpu.yield
      }) : () -> ()
      %dma_start3A_155 = arith.constant 1 : i32
      %dma_start3A_156 = arith.constant 1 : i32
      %dma_start3A_157 = arith.constant 0 : i32
      %dma_start3A_158 = arith.constant 0 : i32
      %dma_start3A_159 = tpu.memref_slice %arg11[%dma_start3A_156, %dma_start3A_157, %dma_start3A_158] : memref<2x32x128xf32, #tpu.memory_space<vmem>> -> memref<1x32x128xf32, #tpu.memory_space<vmem>>
      %dma_start3A_160 = tpu.memref_squeeze %dma_start3A_159 : memref<1x32x128xf32, #tpu.memory_space<vmem>> -> memref<32x128xf32, #tpu.memory_space<vmem>>
      %dma_start3A_161 = arith.constant 0 : i32
      %dma_start3A_162 = tpu.memref_slice %arg9[%dma_start3A_155, %dma_start3A_161] : memref<2x32xi32, #tpu.memory_space<vmem>> -> memref<1x32xi32, #tpu.memory_space<vmem>>
      %dma_start3A_163 = tpu.memref_squeeze %dma_start3A_162 : memref<1x32xi32, #tpu.memory_space<vmem>> -> memref<32xi32, #tpu.memory_space<vmem>>
      %dma_start3A_164 = arith.constant 0 : i32
      %dma_start3A_165 = arith.constant 0 : i32
      %dma_start3A_166 = tpu.memref_slice %arg4[%dma_start3A_164, %dma_start3A_165] : memref<10112x128xf32, #tpu.memory_space<hbm>> -> memref<10112x128xf32, #tpu.memory_space<hbm>>
      tpu.enqueue_indirect_dma source(%dma_start3A_166 : memref<10112x128xf32, #tpu.memory_space<hbm>>) target(%dma_start3A_160 : memref<32x128xf32, #tpu.memory_space<vmem>>) offsets(%dma_start3A_163 : memref<32xi32, #tpu.memory_space<vmem>>) semaphore(%arg18 : memref<!tpu.dma_semaphore, #tpu.memory_space<semaphore_mem>>)
      %dma_start3A_167 = arith.constant 1 : i32
      %dma_start3A_168 = arith.constant 1 : i32
      %dma_start3A_169 = arith.constant 0 : i32
      %dma_start3A_170 = arith.constant 0 : i32
      %dma_start3A_171 = tpu.memref_slice %arg12[%dma_start3A_168, %dma_start3A_169, %dma_start3A_170] : memref<2x32x128xf32, #tpu.memory_space<vmem>> -> memref<1x32x128xf32, #tpu.memory_space<vmem>>
      %dma_start3A_172 = tpu.memref_squeeze %dma_start3A_171 : memref<1x32x128xf32, #tpu.memory_space<vmem>> -> memref<32x128xf32, #tpu.memory_space<vmem>>
      %dma_start3A_173 = arith.constant 0 : i32
      %dma_start3A_174 = tpu.memref_slice %arg10[%dma_start3A_167, %dma_start3A_173] : memref<2x32xi32, #tpu.memory_space<vmem>> -> memref<1x32xi32, #tpu.memory_space<vmem>>
      %dma_start3A_175 = tpu.memref_squeeze %dma_start3A_174 : memref<1x32xi32, #tpu.memory_space<vmem>> -> memref<32xi32, #tpu.memory_space<vmem>>
      %dma_start3A_176 = arith.constant 0 : i32
      %dma_start3A_177 = arith.constant 0 : i32
      %dma_start3A_178 = tpu.memref_slice %arg5[%dma_start3A_176, %dma_start3A_177] : memref<10112x128xf32, #tpu.memory_space<hbm>> -> memref<10112x128xf32, #tpu.memory_space<hbm>>
      tpu.enqueue_indirect_dma source(%dma_start3A_178 : memref<10112x128xf32, #tpu.memory_space<hbm>>) target(%dma_start3A_172 : memref<32x128xf32, #tpu.memory_space<vmem>>) offsets(%dma_start3A_175 : memref<32xi32, #tpu.memory_space<vmem>>) semaphore(%arg19 : memref<!tpu.dma_semaphore, #tpu.memory_space<semaphore_mem>>)
      %dma_start3A_179 = arith.constant 1 : i32
      %dma_start3A_180 = arith.constant 0 : i32
      %dma_start3A_181 = arith.constant 0 : i32
      %dma_start3A_182 = tpu.memref_slice %arg13[%dma_start3A_179, %dma_start3A_180, %dma_start3A_181] : memref<2x32x128xf32, #tpu.memory_space<vmem>> -> memref<1x32x128xf32, #tpu.memory_space<vmem>>
      %dma_start3A_183 = tpu.memref_squeeze %dma_start3A_182 : memref<1x32x128xf32, #tpu.memory_space<vmem>> -> memref<32x128xf32, #tpu.memory_space<vmem>>
      %dma_start3A_184 = arith.constant 0 : i32
      %dma_start3A_185 = tpu.memref_slice %arg6[%mul3A_152, %dma_start3A_184] : memref<323584x128xf32, #tpu.memory_space<hbm>> -> memref<32x128xf32, #tpu.memory_space<hbm>>
      %dma_start3A_186 = arith.constant 0 : i32
      %dma_start3A_187 = arith.constant 0 : i32
      %dma_start3A_188 = tpu.memref_slice %arg13[%dma_start3A_179, %dma_start3A_186, %dma_start3A_187] : memref<2x32x128xf32, #tpu.memory_space<vmem>> -> memref<1x32x128xf32, #tpu.memory_space<vmem>>
      %dma_start3A_189 = tpu.memref_squeeze %dma_start3A_188 : memref<1x32x128xf32, #tpu.memory_space<vmem>> -> memref<32x128xf32, #tpu.memory_space<vmem>>
      %dma_start3A_190 = arith.constant 0 : i32
      %dma_start3A_191 = tpu.memref_slice %arg6[%mul3A_152, %dma_start3A_190] : memref<323584x128xf32, #tpu.memory_space<hbm>> -> memref<32x128xf32, #tpu.memory_space<hbm>>
      tpu.enqueue_dma source(%dma_start3A_191 : memref<32x128xf32, #tpu.memory_space<hbm>>) target(%dma_start3A_189 : memref<32x128xf32, #tpu.memory_space<vmem>>) target_semaphore(%arg20 : memref<!tpu.dma_semaphore, #tpu.memory_space<semaphore_mem>>)
      %dma_wait3A = arith.constant 0 : i32
      %dma_wait3A_192 = arith.constant 0 : i32
      %dma_wait3A_193 = arith.constant 0 : i32
      %dma_wait3A_194 = arith.constant 0 : i32
      %dma_wait3A_195 = tpu.memref_slice %arg11[%dma_wait3A_192, %dma_wait3A_193, %dma_wait3A_194] : memref<2x32x128xf32, #tpu.memory_space<vmem>> -> memref<1x32x128xf32, #tpu.memory_space<vmem>>
      %dma_wait3A_196 = tpu.memref_squeeze %dma_wait3A_195 : memref<1x32x128xf32, #tpu.memory_space<vmem>> -> memref<32x128xf32, #tpu.memory_space<vmem>>
      %dma_wait3A_197 = arith.constant 0 : i32
      %dma_wait3A_198 = tpu.memref_slice %arg9[%dma_wait3A, %dma_wait3A_197] : memref<2x32xi32, #tpu.memory_space<vmem>> -> memref<1x32xi32, #tpu.memory_space<vmem>>
      %dma_wait3A_199 = tpu.memref_squeeze %dma_wait3A_198 : memref<1x32xi32, #tpu.memory_space<vmem>> -> memref<32xi32, #tpu.memory_space<vmem>>
      %dma_wait3A_200 = arith.constant 0 : i32
      %dma_wait3A_201 = arith.constant 0 : i32
      %dma_wait3A_202 = tpu.memref_slice %arg4[%dma_wait3A_200, %dma_wait3A_201] : memref<10112x128xf32, #tpu.memory_space<hbm>> -> memref<10112x128xf32, #tpu.memory_space<hbm>>
      tpu.wait_indirect_dma semaphore(%arg15 : memref<!tpu.dma_semaphore, #tpu.memory_space<semaphore_mem>>) src(%dma_wait3A_202 : memref<10112x128xf32, #tpu.memory_space<hbm>>) dst(%dma_wait3A_196 : memref<32x128xf32, #tpu.memory_space<vmem>>)
      %dma_wait3A_203 = arith.constant 0 : i32
      %dma_wait3A_204 = arith.constant 0 : i32
      %dma_wait3A_205 = arith.constant 0 : i32
      %dma_wait3A_206 = arith.constant 0 : i32
      %dma_wait3A_207 = tpu.memref_slice %arg12[%dma_wait3A_204, %dma_wait3A_205, %dma_wait3A_206] : memref<2x32x128xf32, #tpu.memory_space<vmem>> -> memref<1x32x128xf32, #tpu.memory_space<vmem>>
      %dma_wait3A_208 = tpu.memref_squeeze %dma_wait3A_207 : memref<1x32x128xf32, #tpu.memory_space<vmem>> -> memref<32x128xf32, #tpu.memory_space<vmem>>
      %dma_wait3A_209 = arith.constant 0 : i32
      %dma_wait3A_210 = tpu.memref_slice %arg10[%dma_wait3A_203, %dma_wait3A_209] : memref<2x32xi32, #tpu.memory_space<vmem>> -> memref<1x32xi32, #tpu.memory_space<vmem>>
      %dma_wait3A_211 = tpu.memref_squeeze %dma_wait3A_210 : memref<1x32xi32, #tpu.memory_space<vmem>> -> memref<32xi32, #tpu.memory_space<vmem>>
      %dma_wait3A_212 = arith.constant 0 : i32
      %dma_wait3A_213 = arith.constant 0 : i32
      %dma_wait3A_214 = tpu.memref_slice %arg5[%dma_wait3A_212, %dma_wait3A_213] : memref<10112x128xf32, #tpu.memory_space<hbm>> -> memref<10112x128xf32, #tpu.memory_space<hbm>>
      tpu.wait_indirect_dma semaphore(%arg16 : memref<!tpu.dma_semaphore, #tpu.memory_space<semaphore_mem>>) src(%dma_wait3A_214 : memref<10112x128xf32, #tpu.memory_space<hbm>>) dst(%dma_wait3A_208 : memref<32x128xf32, #tpu.memory_space<vmem>>)
      %dma_wait3A_215 = arith.constant 0 : i32
      %dma_wait3A_216 = arith.constant 0 : i32
      %dma_wait3A_217 = arith.constant 0 : i32
      %dma_wait3A_218 = tpu.memref_slice %arg13[%dma_wait3A_215, %dma_wait3A_216, %dma_wait3A_217] : memref<2x32x128xf32, #tpu.memory_space<vmem>> -> memref<1x32x128xf32, #tpu.memory_space<vmem>>
      %dma_wait3A_219 = tpu.memref_squeeze %dma_wait3A_218 : memref<1x32x128xf32, #tpu.memory_space<vmem>> -> memref<32x128xf32, #tpu.memory_space<vmem>>
      %dma_wait3A_220 = arith.constant 0 : i32
      %dma_wait3A_221 = arith.constant 0 : i32
      %dma_wait3A_222 = tpu.memref_slice %arg6[%dma_wait3A_220, %dma_wait3A_221] : memref<323584x128xf32, #tpu.memory_space<hbm>> -> memref<32x128xf32, #tpu.memory_space<hbm>>
      %dma_wait3A_223 = arith.constant 0 : i32
      %dma_wait3A_224 = arith.constant 0 : i32
      %dma_wait3A_225 = tpu.memref_slice %arg13[%dma_wait3A_215, %dma_wait3A_223, %dma_wait3A_224] : memref<2x32x128xf32, #tpu.memory_space<vmem>> -> memref<1x32x128xf32, #tpu.memory_space<vmem>>
      %dma_wait3A_226 = tpu.memref_squeeze %dma_wait3A_225 : memref<1x32x128xf32, #tpu.memory_space<vmem>> -> memref<32x128xf32, #tpu.memory_space<vmem>>
      %dma_wait3A_227 = arith.constant 0 : i32
      %dma_wait3A_228 = arith.constant 0 : i32
      %dma_wait3A_229 = tpu.memref_slice %arg6[%dma_wait3A_227, %dma_wait3A_228] : memref<323584x128xf32, #tpu.memory_space<hbm>> -> memref<32x128xf32, #tpu.memory_space<hbm>>
      tpu.wait_dma2 semaphore(%arg17 : memref<!tpu.dma_semaphore, #tpu.memory_space<semaphore_mem>>) src(%dma_wait3A_229 : memref<32x128xf32, #tpu.memory_space<hbm>>) dst(%dma_wait3A_226 : memref<32x128xf32, #tpu.memory_space<vmem>>)
      %parallel_loop3A = arith.constant 0 : i32
      %parallel_loop3A_230 = arith.constant 32 : i32
      %parallel_loop3A_231 = arith.constant 1 : i32
      scf.for %parallel_loop3A_284 = %parallel_loop3A to %parallel_loop3A_230 step %parallel_loop3A_231  : i32 {
        %parallel_loop3A_285 = arith.constant 0 : i32
        %parallel_loop3A_286 = arith.index_cast %parallel_loop3A_285 : i32 to index
        %parallel_loop3A_287 = arith.index_cast %parallel_loop3A_284 : i32 to index
        %parallel_loop3A_288 = arith.constant 0 : index
        %parallel_loop3A_289 = tpu.vector_load %arg11[%parallel_loop3A_286, %parallel_loop3A_287, %parallel_loop3A_288] {strides = array<i32>} : memref<2x32x128xf32, #tpu.memory_space<vmem>>, vector<1x1x16xf32>,
        %parallel_loop3A_290 = vector.shape_cast %parallel_loop3A_289 : vector<1x1x16xf32> to vector<16xf32>
        %parallel_loop3A_291 = arith.constant 0 : i32
        %parallel_loop3A_292 = arith.index_cast %parallel_loop3A_291 : i32 to index
        %parallel_loop3A_293 = arith.index_cast %parallel_loop3A_284 : i32 to index
        %parallel_loop3A_294 = arith.constant 0 : index
        %parallel_loop3A_295 = tpu.vector_load %arg12[%parallel_loop3A_292, %parallel_loop3A_293, %parallel_loop3A_294] {strides = array<i32>} : memref<2x32x128xf32, #tpu.memory_space<vmem>>, vector<1x1x16xf32>,
        %parallel_loop3A_296 = vector.shape_cast %parallel_loop3A_295 : vector<1x1x16xf32> to vector<16xf32>
        %parallel_loop3A_297 = arith.addf %parallel_loop3A_290, %parallel_loop3A_296 : vector<16xf32>
        %parallel_loop3A_298 = arith.constant 0 : i32
        %parallel_loop3A_299 = arith.index_cast %parallel_loop3A_298 : i32 to index
        %parallel_loop3A_300 = arith.index_cast %parallel_loop3A_284 : i32 to index
        %parallel_loop3A_301 = arith.constant 0 : index
        %parallel_loop3A_302 = tpu.vector_load %arg13[%parallel_loop3A_299, %parallel_loop3A_300, %parallel_loop3A_301] {strides = array<i32>} : memref<2x32x128xf32, #tpu.memory_space<vmem>>, vector<1x1x16xf32>,
        %parallel_loop3A_303 = vector.shape_cast %parallel_loop3A_302 : vector<1x1x16xf32> to vector<16xf32>
        %parallel_loop3A_304 = arith.addf %parallel_loop3A_297, %parallel_loop3A_303 : vector<16xf32>
        %parallel_loop3A_305 = arith.constant 0.000000e+00 : f32
        %parallel_loop3A_306 = vector.broadcast %parallel_loop3A_305 : f32 to vector<16xf32>
        %parallel_loop3A_307 = arith.subf %parallel_loop3A_306, %parallel_loop3A_304 : vector<16xf32>
        %parallel_loop3A_308 = math.exp %parallel_loop3A_307 : vector<16xf32>
        %parallel_loop3A_309 = arith.constant 1.000000e+00 : f32
        %parallel_loop3A_310 = vector.broadcast %parallel_loop3A_309 : f32 to vector<16xf32>
        %parallel_loop3A_311 = arith.addf %parallel_loop3A_310, %parallel_loop3A_308 : vector<16xf32>
        %parallel_loop3A_312 = arith.divf %parallel_loop3A_304, %parallel_loop3A_311 : vector<16xf32>
        %parallel_loop3A_313 = arith.constant 0 : i32
        %parallel_loop3A_314 = arith.index_cast %parallel_loop3A_313 : i32 to index
        %parallel_loop3A_315 = arith.index_cast %parallel_loop3A_284 : i32 to index
        %parallel_loop3A_316 = arith.constant 0 : index
        %parallel_loop3A_317 = tpu.vector_load %arg13[%parallel_loop3A_314, %parallel_loop3A_315, %parallel_loop3A_316] {strides = array<i32>} : memref<2x32x128xf32, #tpu.memory_space<vmem>>, vector<1x1x16xf32>,
        %parallel_loop3A_318 = vector.shape_cast %parallel_loop3A_317 : vector<1x1x16xf32> to vector<16xf32>
        %parallel_loop3A_319 = vector.shape_cast %parallel_loop3A_312 : vector<16xf32> to vector<1x1x16xf32>
        tpu.vector_store %arg13[%parallel_loop3A_314, %parallel_loop3A_315, %parallel_loop3A_316], %parallel_loop3A_319 {strides = array<i32>} : memref<2x32x128xf32, #tpu.memory_space<vmem>>, vector<1x1x16xf32>,
        %parallel_loop3A_320 = arith.constant 0 : i32
        %parallel_loop3A_321 = arith.index_cast %parallel_loop3A_320 : i32 to index
        %parallel_loop3A_322 = arith.index_cast %parallel_loop3A_284 : i32 to index
        %parallel_loop3A_323 = arith.constant 16 : index
        %parallel_loop3A_324 = tpu.vector_load %arg11[%parallel_loop3A_321, %parallel_loop3A_322, %parallel_loop3A_323] {strides = array<i32>} : memref<2x32x128xf32, #tpu.memory_space<vmem>>, vector<1x1x16xf32>,
        %parallel_loop3A_325 = vector.shape_cast %parallel_loop3A_324 : vector<1x1x16xf32> to vector<16xf32>
        %parallel_loop3A_326 = arith.constant 0 : i32
        %parallel_loop3A_327 = arith.index_cast %parallel_loop3A_326 : i32 to index
        %parallel_loop3A_328 = arith.index_cast %parallel_loop3A_284 : i32 to index
        %parallel_loop3A_329 = arith.constant 16 : index
        %parallel_loop3A_330 = tpu.vector_load %arg12[%parallel_loop3A_327, %parallel_loop3A_328, %parallel_loop3A_329] {strides = array<i32>} : memref<2x32x128xf32, #tpu.memory_space<vmem>>, vector<1x1x16xf32>,
        %parallel_loop3A_331 = vector.shape_cast %parallel_loop3A_330 : vector<1x1x16xf32> to vector<16xf32>
        %parallel_loop3A_332 = arith.addf %parallel_loop3A_325, %parallel_loop3A_331 : vector<16xf32>
        %parallel_loop3A_333 = arith.constant 0 : i32
        %parallel_loop3A_334 = arith.index_cast %parallel_loop3A_333 : i32 to index
        %parallel_loop3A_335 = arith.index_cast %parallel_loop3A_284 : i32 to index
        %parallel_loop3A_336 = arith.constant 16 : index
        %parallel_loop3A_337 = tpu.vector_load %arg13[%parallel_loop3A_334, %parallel_loop3A_335, %parallel_loop3A_336] {strides = array<i32>} : memref<2x32x128xf32, #tpu.memory_space<vmem>>, vector<1x1x16xf32>,
        %parallel_loop3A_338 = vector.shape_cast %parallel_loop3A_337 : vector<1x1x16xf32> to vector<16xf32>
        %parallel_loop3A_339 = arith.addf %parallel_loop3A_332, %parallel_loop3A_338 : vector<16xf32>
        %parallel_loop3A_340 = arith.constant 0.000000e+00 : f32
        %parallel_loop3A_341 = vector.broadcast %parallel_loop3A_340 : f32 to vector<16xf32>
        %parallel_loop3A_342 = arith.subf %parallel_loop3A_341, %parallel_loop3A_339 : vector<16xf32>
        %parallel_loop3A_343 = math.exp %parallel_loop3A_342 : vector<16xf32>
        %parallel_loop3A_344 = arith.constant 1.000000e+00 : f32
        %parallel_loop3A_345 = vector.broadcast %parallel_loop3A_344 : f32 to vector<16xf32>
        %parallel_loop3A_346 = arith.addf %parallel_loop3A_345, %parallel_loop3A_343 : vector<16xf32>
        %parallel_loop3A_347 = arith.divf %parallel_loop3A_339, %parallel_loop3A_346 : vector<16xf32>
        %parallel_loop3A_348 = arith.constant 0 : i32
        %parallel_loop3A_349 = arith.index_cast %parallel_loop3A_348 : i32 to index
        %parallel_loop3A_350 = arith.index_cast %parallel_loop3A_284 : i32 to index
        %parallel_loop3A_351 = arith.constant 16 : index
        %parallel_loop3A_352 = tpu.vector_load %arg13[%parallel_loop3A_349, %parallel_loop3A_350, %parallel_loop3A_351] {strides = array<i32>} : memref<2x32x128xf32, #tpu.memory_space<vmem>>, vector<1x1x16xf32>,
        %parallel_loop3A_353 = vector.shape_cast %parallel_loop3A_352 : vector<1x1x16xf32> to vector<16xf32>
        %parallel_loop3A_354 = vector.shape_cast %parallel_loop3A_347 : vector<16xf32> to vector<1x1x16xf32>
        tpu.vector_store %arg13[%parallel_loop3A_349, %parallel_loop3A_350, %parallel_loop3A_351], %parallel_loop3A_354 {strides = array<i32>} : memref<2x32x128xf32, #tpu.memory_space<vmem>>, vector<1x1x16xf32>,
        %parallel_loop3A_355 = arith.constant 0 : i32
        %parallel_loop3A_356 = arith.index_cast %parallel_loop3A_355 : i32 to index
        %parallel_loop3A_357 = arith.index_cast %parallel_loop3A_284 : i32 to index
        %parallel_loop3A_358 = arith.constant 32 : index
        %parallel_loop3A_359 = tpu.vector_load %arg11[%parallel_loop3A_356, %parallel_loop3A_357, %parallel_loop3A_358] {strides = array<i32>} : memref<2x32x128xf32, #tpu.memory_space<vmem>>, vector<1x1x16xf32>,
        %parallel_loop3A_360 = vector.shape_cast %parallel_loop3A_359 : vector<1x1x16xf32> to vector<16xf32>
        %parallel_loop3A_361 = arith.constant 0 : i32
        %parallel_loop3A_362 = arith.index_cast %parallel_loop3A_361 : i32 to index
        %parallel_loop3A_363 = arith.index_cast %parallel_loop3A_284 : i32 to index
        %parallel_loop3A_364 = arith.constant 32 : index
        %parallel_loop3A_365 = tpu.vector_load %arg12[%parallel_loop3A_362, %parallel_loop3A_363, %parallel_loop3A_364] {strides = array<i32>} : memref<2x32x128xf32, #tpu.memory_space<vmem>>, vector<1x1x16xf32>,
        %parallel_loop3A_366 = vector.shape_cast %parallel_loop3A_365 : vector<1x1x16xf32> to vector<16xf32>
        %parallel_loop3A_367 = arith.addf %parallel_loop3A_360, %parallel_loop3A_366 : vector<16xf32>
        %parallel_loop3A_368 = arith.constant 0 : i32
        %parallel_loop3A_369 = arith.index_cast %parallel_loop3A_368 : i32 to index
        %parallel_loop3A_370 = arith.index_cast %parallel_loop3A_284 : i32 to index
        %parallel_loop3A_371 = arith.constant 32 : index
        %parallel_loop3A_372 = tpu.vector_load %arg13[%parallel_loop3A_369, %parallel_loop3A_370, %parallel_loop3A_371] {strides = array<i32>} : memref<2x32x128xf32, #tpu.memory_space<vmem>>, vector<1x1x16xf32>,
        %parallel_loop3A_373 = vector.shape_cast %parallel_loop3A_372 : vector<1x1x16xf32> to vector<16xf32>
        %parallel_loop3A_374 = arith.addf %parallel_loop3A_367, %parallel_loop3A_373 : vector<16xf32>
        %parallel_loop3A_375 = arith.constant 0.000000e+00 : f32
        %parallel_loop3A_376 = vector.broadcast %parallel_loop3A_375 : f32 to vector<16xf32>
        %parallel_loop3A_377 = arith.subf %parallel_loop3A_376, %parallel_loop3A_374 : vector<16xf32>
        %parallel_loop3A_378 = math.exp %parallel_loop3A_377 : vector<16xf32>
        %parallel_loop3A_379 = arith.constant 1.000000e+00 : f32
        %parallel_loop3A_380 = vector.broadcast %parallel_loop3A_379 : f32 to vector<16xf32>
        %parallel_loop3A_381 = arith.addf %parallel_loop3A_380, %parallel_loop3A_378 : vector<16xf32>
        %parallel_loop3A_382 = arith.divf %parallel_loop3A_374, %parallel_loop3A_381 : vector<16xf32>
        %parallel_loop3A_383 = arith.constant 0 : i32
        %parallel_loop3A_384 = arith.index_cast %parallel_loop3A_383 : i32 to index
        %parallel_loop3A_385 = arith.index_cast %parallel_loop3A_284 : i32 to index
        %parallel_loop3A_386 = arith.constant 32 : index
        %parallel_loop3A_387 = tpu.vector_load %arg13[%parallel_loop3A_384, %parallel_loop3A_385, %parallel_loop3A_386] {strides = array<i32>} : memref<2x32x128xf32, #tpu.memory_space<vmem>>, vector<1x1x16xf32>,
        %parallel_loop3A_388 = vector.shape_cast %parallel_loop3A_387 : vector<1x1x16xf32> to vector<16xf32>
        %parallel_loop3A_389 = vector.shape_cast %parallel_loop3A_382 : vector<16xf32> to vector<1x1x16xf32>
        tpu.vector_store %arg13[%parallel_loop3A_384, %parallel_loop3A_385, %parallel_loop3A_386], %parallel_loop3A_389 {strides = array<i32>} : memref<2x32x128xf32, #tpu.memory_space<vmem>>, vector<1x1x16xf32>,
        %parallel_loop3A_390 = arith.constant 0 : i32
        %parallel_loop3A_391 = arith.index_cast %parallel_loop3A_390 : i32 to index
        %parallel_loop3A_392 = arith.index_cast %parallel_loop3A_284 : i32 to index
        %parallel_loop3A_393 = arith.constant 48 : index
        %parallel_loop3A_394 = tpu.vector_load %arg11[%parallel_loop3A_391, %parallel_loop3A_392, %parallel_loop3A_393] {strides = array<i32>} : memref<2x32x128xf32, #tpu.memory_space<vmem>>, vector<1x1x16xf32>,
        %parallel_loop3A_395 = vector.shape_cast %parallel_loop3A_394 : vector<1x1x16xf32> to vector<16xf32>
        %parallel_loop3A_396 = arith.constant 0 : i32
        %parallel_loop3A_397 = arith.index_cast %parallel_loop3A_396 : i32 to index
        %parallel_loop3A_398 = arith.index_cast %parallel_loop3A_284 : i32 to index
        %parallel_loop3A_399 = arith.constant 48 : index
        %parallel_loop3A_400 = tpu.vector_load %arg12[%parallel_loop3A_397, %parallel_loop3A_398, %parallel_loop3A_399] {strides = array<i32>} : memref<2x32x128xf32, #tpu.memory_space<vmem>>, vector<1x1x16xf32>,
        %parallel_loop3A_401 = vector.shape_cast %parallel_loop3A_400 : vector<1x1x16xf32> to vector<16xf32>
        %parallel_loop3A_402 = arith.addf %parallel_loop3A_395, %parallel_loop3A_401 : vector<16xf32>
        %parallel_loop3A_403 = arith.constant 0 : i32
        %parallel_loop3A_404 = arith.index_cast %parallel_loop3A_403 : i32 to index
        %parallel_loop3A_405 = arith.index_cast %parallel_loop3A_284 : i32 to index
        %parallel_loop3A_406 = arith.constant 48 : index
        %parallel_loop3A_407 = tpu.vector_load %arg13[%parallel_loop3A_404, %parallel_loop3A_405, %parallel_loop3A_406] {strides = array<i32>} : memref<2x32x128xf32, #tpu.memory_space<vmem>>, vector<1x1x16xf32>,
        %parallel_loop3A_408 = vector.shape_cast %parallel_loop3A_407 : vector<1x1x16xf32> to vector<16xf32>
        %parallel_loop3A_409 = arith.addf %parallel_loop3A_402, %parallel_loop3A_408 : vector<16xf32>
        %parallel_loop3A_410 = arith.constant 0.000000e+00 : f32
        %parallel_loop3A_411 = vector.broadcast %parallel_loop3A_410 : f32 to vector<16xf32>
        %parallel_loop3A_412 = arith.subf %parallel_loop3A_411, %parallel_loop3A_409 : vector<16xf32>
        %parallel_loop3A_413 = math.exp %parallel_loop3A_412 : vector<16xf32>
        %parallel_loop3A_414 = arith.constant 1.000000e+00 : f32
        %parallel_loop3A_415 = vector.broadcast %parallel_loop3A_414 : f32 to vector<16xf32>
        %parallel_loop3A_416 = arith.addf %parallel_loop3A_415, %parallel_loop3A_413 : vector<16xf32>
        %parallel_loop3A_417 = arith.divf %parallel_loop3A_409, %parallel_loop3A_416 : vector<16xf32>
        %parallel_loop3A_418 = arith.constant 0 : i32
        %parallel_loop3A_419 = arith.index_cast %parallel_loop3A_418 : i32 to index
        %parallel_loop3A_420 = arith.index_cast %parallel_loop3A_284 : i32 to index
        %parallel_loop3A_421 = arith.constant 48 : index
        %parallel_loop3A_422 = tpu.vector_load %arg13[%parallel_loop3A_419, %parallel_loop3A_420, %parallel_loop3A_421] {strides = array<i32>} : memref<2x32x128xf32, #tpu.memory_space<vmem>>, vector<1x1x16xf32>,
        %parallel_loop3A_423 = vector.shape_cast %parallel_loop3A_422 : vector<1x1x16xf32> to vector<16xf32>
        %parallel_loop3A_424 = vector.shape_cast %parallel_loop3A_417 : vector<16xf32> to vector<1x1x16xf32>
        tpu.vector_store %arg13[%parallel_loop3A_419, %parallel_loop3A_420, %parallel_loop3A_421], %parallel_loop3A_424 {strides = array<i32>} : memref<2x32x128xf32, #tpu.memory_space<vmem>>, vector<1x1x16xf32>,
        %parallel_loop3A_425 = arith.constant 0 : i32
        %parallel_loop3A_426 = arith.index_cast %parallel_loop3A_425 : i32 to index
        %parallel_loop3A_427 = arith.index_cast %parallel_loop3A_284 : i32 to index
        %parallel_loop3A_428 = arith.constant 64 : index
        %parallel_loop3A_429 = tpu.vector_load %arg11[%parallel_loop3A_426, %parallel_loop3A_427, %parallel_loop3A_428] {strides = array<i32>} : memref<2x32x128xf32, #tpu.memory_space<vmem>>, vector<1x1x16xf32>,
        %parallel_loop3A_430 = vector.shape_cast %parallel_loop3A_429 : vector<1x1x16xf32> to vector<16xf32>
        %parallel_loop3A_431 = arith.constant 0 : i32
        %parallel_loop3A_432 = arith.index_cast %parallel_loop3A_431 : i32 to index
        %parallel_loop3A_433 = arith.index_cast %parallel_loop3A_284 : i32 to index
        %parallel_loop3A_434 = arith.constant 64 : index
        %parallel_loop3A_435 = tpu.vector_load %arg12[%parallel_loop3A_432, %parallel_loop3A_433, %parallel_loop3A_434] {strides = array<i32>} : memref<2x32x128xf32, #tpu.memory_space<vmem>>, vector<1x1x16xf32>,
        %parallel_loop3A_436 = vector.shape_cast %parallel_loop3A_435 : vector<1x1x16xf32> to vector<16xf32>
        %parallel_loop3A_437 = arith.addf %parallel_loop3A_430, %parallel_loop3A_436 : vector<16xf32>
        %parallel_loop3A_438 = arith.constant 0 : i32
        %parallel_loop3A_439 = arith.index_cast %parallel_loop3A_438 : i32 to index
        %parallel_loop3A_440 = arith.index_cast %parallel_loop3A_284 : i32 to index
        %parallel_loop3A_441 = arith.constant 64 : index
        %parallel_loop3A_442 = tpu.vector_load %arg13[%parallel_loop3A_439, %parallel_loop3A_440, %parallel_loop3A_441] {strides = array<i32>} : memref<2x32x128xf32, #tpu.memory_space<vmem>>, vector<1x1x16xf32>,
        %parallel_loop3A_443 = vector.shape_cast %parallel_loop3A_442 : vector<1x1x16xf32> to vector<16xf32>
        %parallel_loop3A_444 = arith.addf %parallel_loop3A_437, %parallel_loop3A_443 : vector<16xf32>
        %parallel_loop3A_445 = arith.constant 0.000000e+00 : f32
        %parallel_loop3A_446 = vector.broadcast %parallel_loop3A_445 : f32 to vector<16xf32>
        %parallel_loop3A_447 = arith.subf %parallel_loop3A_446, %parallel_loop3A_444 : vector<16xf32>
        %parallel_loop3A_448 = math.exp %parallel_loop3A_447 : vector<16xf32>
        %parallel_loop3A_449 = arith.constant 1.000000e+00 : f32
        %parallel_loop3A_450 = vector.broadcast %parallel_loop3A_449 : f32 to vector<16xf32>
        %parallel_loop3A_451 = arith.addf %parallel_loop3A_450, %parallel_loop3A_448 : vector<16xf32>
        %parallel_loop3A_452 = arith.divf %parallel_loop3A_444, %parallel_loop3A_451 : vector<16xf32>
        %parallel_loop3A_453 = arith.constant 0 : i32
        %parallel_loop3A_454 = arith.index_cast %parallel_loop3A_453 : i32 to index
        %parallel_loop3A_455 = arith.index_cast %parallel_loop3A_284 : i32 to index
        %parallel_loop3A_456 = arith.constant 64 : index
        %parallel_loop3A_457 = tpu.vector_load %arg13[%parallel_loop3A_454, %parallel_loop3A_455, %parallel_loop3A_456] {strides = array<i32>} : memref<2x32x128xf32, #tpu.memory_space<vmem>>, vector<1x1x16xf32>,
        %parallel_loop3A_458 = vector.shape_cast %parallel_loop3A_457 : vector<1x1x16xf32> to vector<16xf32>
        %parallel_loop3A_459 = vector.shape_cast %parallel_loop3A_452 : vector<16xf32> to vector<1x1x16xf32>
        tpu.vector_store %arg13[%parallel_loop3A_454, %parallel_loop3A_455, %parallel_loop3A_456], %parallel_loop3A_459 {strides = array<i32>} : memref<2x32x128xf32, #tpu.memory_space<vmem>>, vector<1x1x16xf32>,
        %parallel_loop3A_460 = arith.constant 0 : i32
        %parallel_loop3A_461 = arith.index_cast %parallel_loop3A_460 : i32 to index
        %parallel_loop3A_462 = arith.index_cast %parallel_loop3A_284 : i32 to index
        %parallel_loop3A_463 = arith.constant 80 : index
        %parallel_loop3A_464 = tpu.vector_load %arg11[%parallel_loop3A_461, %parallel_loop3A_462, %parallel_loop3A_463] {strides = array<i32>} : memref<2x32x128xf32, #tpu.memory_space<vmem>>, vector<1x1x16xf32>,
        %parallel_loop3A_465 = vector.shape_cast %parallel_loop3A_464 : vector<1x1x16xf32> to vector<16xf32>
        %parallel_loop3A_466 = arith.constant 0 : i32
        %parallel_loop3A_467 = arith.index_cast %parallel_loop3A_466 : i32 to index
        %parallel_loop3A_468 = arith.index_cast %parallel_loop3A_284 : i32 to index
        %parallel_loop3A_469 = arith.constant 80 : index
        %parallel_loop3A_470 = tpu.vector_load %arg12[%parallel_loop3A_467, %parallel_loop3A_468, %parallel_loop3A_469] {strides = array<i32>} : memref<2x32x128xf32, #tpu.memory_space<vmem>>, vector<1x1x16xf32>,
        %parallel_loop3A_471 = vector.shape_cast %parallel_loop3A_470 : vector<1x1x16xf32> to vector<16xf32>
        %parallel_loop3A_472 = arith.addf %parallel_loop3A_465, %parallel_loop3A_471 : vector<16xf32>
        %parallel_loop3A_473 = arith.constant 0 : i32
        %parallel_loop3A_474 = arith.index_cast %parallel_loop3A_473 : i32 to index
        %parallel_loop3A_475 = arith.index_cast %parallel_loop3A_284 : i32 to index
        %parallel_loop3A_476 = arith.constant 80 : index
        %parallel_loop3A_477 = tpu.vector_load %arg13[%parallel_loop3A_474, %parallel_loop3A_475, %parallel_loop3A_476] {strides = array<i32>} : memref<2x32x128xf32, #tpu.memory_space<vmem>>, vector<1x1x16xf32>,
        %parallel_loop3A_478 = vector.shape_cast %parallel_loop3A_477 : vector<1x1x16xf32> to vector<16xf32>
        %parallel_loop3A_479 = arith.addf %parallel_loop3A_472, %parallel_loop3A_478 : vector<16xf32>
        %parallel_loop3A_480 = arith.constant 0.000000e+00 : f32
        %parallel_loop3A_481 = vector.broadcast %parallel_loop3A_480 : f32 to vector<16xf32>
        %parallel_loop3A_482 = arith.subf %parallel_loop3A_481, %parallel_loop3A_479 : vector<16xf32>
        %parallel_loop3A_483 = math.exp %parallel_loop3A_482 : vector<16xf32>
        %parallel_loop3A_484 = arith.constant 1.000000e+00 : f32
        %parallel_loop3A_485 = vector.broadcast %parallel_loop3A_484 : f32 to vector<16xf32>
        %parallel_loop3A_486 = arith.addf %parallel_loop3A_485, %parallel_loop3A_483 : vector<16xf32>
        %parallel_loop3A_487 = arith.divf %parallel_loop3A_479, %parallel_loop3A_486 : vector<16xf32>
        %parallel_loop3A_488 = arith.constant 0 : i32
        %parallel_loop3A_489 = arith.index_cast %parallel_loop3A_488 : i32 to index
        %parallel_loop3A_490 = arith.index_cast %parallel_loop3A_284 : i32 to index
        %parallel_loop3A_491 = arith.constant 80 : index
        %parallel_loop3A_492 = tpu.vector_load %arg13[%parallel_loop3A_489, %parallel_loop3A_490, %parallel_loop3A_491] {strides = array<i32>} : memref<2x32x128xf32, #tpu.memory_space<vmem>>, vector<1x1x16xf32>,
        %parallel_loop3A_493 = vector.shape_cast %parallel_loop3A_492 : vector<1x1x16xf32> to vector<16xf32>
        %parallel_loop3A_494 = vector.shape_cast %parallel_loop3A_487 : vector<16xf32> to vector<1x1x16xf32>
        tpu.vector_store %arg13[%parallel_loop3A_489, %parallel_loop3A_490, %parallel_loop3A_491], %parallel_loop3A_494 {strides = array<i32>} : memref<2x32x128xf32, #tpu.memory_space<vmem>>, vector<1x1x16xf32>,
        %parallel_loop3A_495 = arith.constant 0 : i32
        %parallel_loop3A_496 = arith.index_cast %parallel_loop3A_495 : i32 to index
        %parallel_loop3A_497 = arith.index_cast %parallel_loop3A_284 : i32 to index
        %parallel_loop3A_498 = arith.constant 96 : index
        %parallel_loop3A_499 = tpu.vector_load %arg11[%parallel_loop3A_496, %parallel_loop3A_497, %parallel_loop3A_498] {strides = array<i32>} : memref<2x32x128xf32, #tpu.memory_space<vmem>>, vector<1x1x16xf32>,
        %parallel_loop3A_500 = vector.shape_cast %parallel_loop3A_499 : vector<1x1x16xf32> to vector<16xf32>
        %parallel_loop3A_501 = arith.constant 0 : i32
        %parallel_loop3A_502 = arith.index_cast %parallel_loop3A_501 : i32 to index
        %parallel_loop3A_503 = arith.index_cast %parallel_loop3A_284 : i32 to index
        %parallel_loop3A_504 = arith.constant 96 : index
        %parallel_loop3A_505 = tpu.vector_load %arg12[%parallel_loop3A_502, %parallel_loop3A_503, %parallel_loop3A_504] {strides = array<i32>} : memref<2x32x128xf32, #tpu.memory_space<vmem>>, vector<1x1x16xf32>,
        %parallel_loop3A_506 = vector.shape_cast %parallel_loop3A_505 : vector<1x1x16xf32> to vector<16xf32>
        %parallel_loop3A_507 = arith.addf %parallel_loop3A_500, %parallel_loop3A_506 : vector<16xf32>
        %parallel_loop3A_508 = arith.constant 0 : i32
        %parallel_loop3A_509 = arith.index_cast %parallel_loop3A_508 : i32 to index
        %parallel_loop3A_510 = arith.index_cast %parallel_loop3A_284 : i32 to index
        %parallel_loop3A_511 = arith.constant 96 : index
        %parallel_loop3A_512 = tpu.vector_load %arg13[%parallel_loop3A_509, %parallel_loop3A_510, %parallel_loop3A_511] {strides = array<i32>} : memref<2x32x128xf32, #tpu.memory_space<vmem>>, vector<1x1x16xf32>,
        %parallel_loop3A_513 = vector.shape_cast %parallel_loop3A_512 : vector<1x1x16xf32> to vector<16xf32>
        %parallel_loop3A_514 = arith.addf %parallel_loop3A_507, %parallel_loop3A_513 : vector<16xf32>
        %parallel_loop3A_515 = arith.constant 0.000000e+00 : f32
        %parallel_loop3A_516 = vector.broadcast %parallel_loop3A_515 : f32 to vector<16xf32>
        %parallel_loop3A_517 = arith.subf %parallel_loop3A_516, %parallel_loop3A_514 : vector<16xf32>
        %parallel_loop3A_518 = math.exp %parallel_loop3A_517 : vector<16xf32>
        %parallel_loop3A_519 = arith.constant 1.000000e+00 : f32
        %parallel_loop3A_520 = vector.broadcast %parallel_loop3A_519 : f32 to vector<16xf32>
        %parallel_loop3A_521 = arith.addf %parallel_loop3A_520, %parallel_loop3A_518 : vector<16xf32>
        %parallel_loop3A_522 = arith.divf %parallel_loop3A_514, %parallel_loop3A_521 : vector<16xf32>
        %parallel_loop3A_523 = arith.constant 0 : i32
        %parallel_loop3A_524 = arith.index_cast %parallel_loop3A_523 : i32 to index
        %parallel_loop3A_525 = arith.index_cast %parallel_loop3A_284 : i32 to index
        %parallel_loop3A_526 = arith.constant 96 : index
        %parallel_loop3A_527 = tpu.vector_load %arg13[%parallel_loop3A_524, %parallel_loop3A_525, %parallel_loop3A_526] {strides = array<i32>} : memref<2x32x128xf32, #tpu.memory_space<vmem>>, vector<1x1x16xf32>,
        %parallel_loop3A_528 = vector.shape_cast %parallel_loop3A_527 : vector<1x1x16xf32> to vector<16xf32>
        %parallel_loop3A_529 = vector.shape_cast %parallel_loop3A_522 : vector<16xf32> to vector<1x1x16xf32>
        tpu.vector_store %arg13[%parallel_loop3A_524, %parallel_loop3A_525, %parallel_loop3A_526], %parallel_loop3A_529 {strides = array<i32>} : memref<2x32x128xf32, #tpu.memory_space<vmem>>, vector<1x1x16xf32>,
        %parallel_loop3A_530 = arith.constant 0 : i32
        %parallel_loop3A_531 = arith.index_cast %parallel_loop3A_530 : i32 to index
        %parallel_loop3A_532 = arith.index_cast %parallel_loop3A_284 : i32 to index
        %parallel_loop3A_533 = arith.constant 112 : index
        %parallel_loop3A_534 = tpu.vector_load %arg11[%parallel_loop3A_531, %parallel_loop3A_532, %parallel_loop3A_533] {strides = array<i32>} : memref<2x32x128xf32, #tpu.memory_space<vmem>>, vector<1x1x16xf32>,
        %parallel_loop3A_535 = vector.shape_cast %parallel_loop3A_534 : vector<1x1x16xf32> to vector<16xf32>
        %parallel_loop3A_536 = arith.constant 0 : i32
        %parallel_loop3A_537 = arith.index_cast %parallel_loop3A_536 : i32 to index
        %parallel_loop3A_538 = arith.index_cast %parallel_loop3A_284 : i32 to index
        %parallel_loop3A_539 = arith.constant 112 : index
        %parallel_loop3A_540 = tpu.vector_load %arg12[%parallel_loop3A_537, %parallel_loop3A_538, %parallel_loop3A_539] {strides = array<i32>} : memref<2x32x128xf32, #tpu.memory_space<vmem>>, vector<1x1x16xf32>,
        %parallel_loop3A_541 = vector.shape_cast %parallel_loop3A_540 : vector<1x1x16xf32> to vector<16xf32>
        %parallel_loop3A_542 = arith.addf %parallel_loop3A_535, %parallel_loop3A_541 : vector<16xf32>
        %parallel_loop3A_543 = arith.constant 0 : i32
        %parallel_loop3A_544 = arith.index_cast %parallel_loop3A_543 : i32 to index
        %parallel_loop3A_545 = arith.index_cast %parallel_loop3A_284 : i32 to index
        %parallel_loop3A_546 = arith.constant 112 : index
        %parallel_loop3A_547 = tpu.vector_load %arg13[%parallel_loop3A_544, %parallel_loop3A_545, %parallel_loop3A_546] {strides = array<i32>} : memref<2x32x128xf32, #tpu.memory_space<vmem>>, vector<1x1x16xf32>,
        %parallel_loop3A_548 = vector.shape_cast %parallel_loop3A_547 : vector<1x1x16xf32> to vector<16xf32>
        %parallel_loop3A_549 = arith.addf %parallel_loop3A_542, %parallel_loop3A_548 : vector<16xf32>
        %parallel_loop3A_550 = arith.constant 0.000000e+00 : f32
        %parallel_loop3A_551 = vector.broadcast %parallel_loop3A_550 : f32 to vector<16xf32>
        %parallel_loop3A_552 = arith.subf %parallel_loop3A_551, %parallel_loop3A_549 : vector<16xf32>
        %parallel_loop3A_553 = math.exp %parallel_loop3A_552 : vector<16xf32>
        %parallel_loop3A_554 = arith.constant 1.000000e+00 : f32
        %parallel_loop3A_555 = vector.broadcast %parallel_loop3A_554 : f32 to vector<16xf32>
        %parallel_loop3A_556 = arith.addf %parallel_loop3A_555, %parallel_loop3A_553 : vector<16xf32>
        %parallel_loop3A_557 = arith.divf %parallel_loop3A_549, %parallel_loop3A_556 : vector<16xf32>
        %parallel_loop3A_558 = arith.constant 0 : i32
        %parallel_loop3A_559 = arith.index_cast %parallel_loop3A_558 : i32 to index
        %parallel_loop3A_560 = arith.index_cast %parallel_loop3A_284 : i32 to index
        %parallel_loop3A_561 = arith.constant 112 : index
        %parallel_loop3A_562 = tpu.vector_load %arg13[%parallel_loop3A_559, %parallel_loop3A_560, %parallel_loop3A_561] {strides = array<i32>} : memref<2x32x128xf32, #tpu.memory_space<vmem>>, vector<1x1x16xf32>,
        %parallel_loop3A_563 = vector.shape_cast %parallel_loop3A_562 : vector<1x1x16xf32> to vector<16xf32>
        %parallel_loop3A_564 = vector.shape_cast %parallel_loop3A_557 : vector<16xf32> to vector<1x1x16xf32>
        tpu.vector_store %arg13[%parallel_loop3A_559, %parallel_loop3A_560, %parallel_loop3A_561], %parallel_loop3A_564 {strides = array<i32>} : memref<2x32x128xf32, #tpu.memory_space<vmem>>, vector<1x1x16xf32>,
      } {sc.loop_unroll_factor = 2 : i64, sc.parallel_access}
      %run_scoped3A_232 = arith.constant 0 : i32
      %run_scoped3A_233 = arith.constant 0 : i32
      "tpu.region"() ({
        %run_scoped3A_284 = tpu.sem_alloc : memref<!tpu.dma_semaphore, #tpu.memory_space<semaphore_mem>>
        %dma_start3A_285 = arith.constant 0 : i32
        %dma_start3A_286 = arith.constant 0 : i32
        %dma_start3A_287 = tpu.memref_slice %arg13[%run_scoped3A_232, %dma_start3A_285, %dma_start3A_286] : memref<2x32x128xf32, #tpu.memory_space<vmem>> -> memref<1x32x128xf32, #tpu.memory_space<vmem>>
        %dma_start3A_288 = tpu.memref_squeeze %dma_start3A_287 : memref<1x32x128xf32, #tpu.memory_space<vmem>> -> memref<32x128xf32, #tpu.memory_space<vmem>>
        %dma_start3A_289 = arith.constant 0 : i32
        %dma_start3A_290 = tpu.memref_slice %arg9[%run_scoped3A_233, %dma_start3A_289] : memref<2x32xi32, #tpu.memory_space<vmem>> -> memref<1x32xi32, #tpu.memory_space<vmem>>
        %dma_start3A_291 = tpu.memref_squeeze %dma_start3A_290 : memref<1x32xi32, #tpu.memory_space<vmem>> -> memref<32xi32, #tpu.memory_space<vmem>>
        %dma_start3A_292 = arith.constant 0 : i32
        %dma_start3A_293 = arith.constant 0 : i32
        %dma_start3A_294 = tpu.memref_slice %arg14[%dma_start3A_292, %dma_start3A_293] : memref<10112x128xf32, #tpu.memory_space<vmem_shared>> -> memref<10112x128xf32, #tpu.memory_space<vmem_shared>>
        tpu.enqueue_indirect_dma source(%dma_start3A_288 : memref<32x128xf32, #tpu.memory_space<vmem>>) target(%dma_start3A_294 : memref<10112x128xf32, #tpu.memory_space<vmem_shared>>) offsets(%dma_start3A_291 : memref<32xi32, #tpu.memory_space<vmem>>) semaphore(%run_scoped3A_284 : memref<!tpu.dma_semaphore, #tpu.memory_space<semaphore_mem>>) {add = true}
        %dma_wait3A_295 = arith.constant 0 : i32
        %dma_wait3A_296 = arith.constant 0 : i32
        %dma_wait3A_297 = tpu.memref_slice %arg13[%run_scoped3A_232, %dma_wait3A_295, %dma_wait3A_296] : memref<2x32x128xf32, #tpu.memory_space<vmem>> -> memref<1x32x128xf32, #tpu.memory_space<vmem>>
        %dma_wait3A_298 = tpu.memref_squeeze %dma_wait3A_297 : memref<1x32x128xf32, #tpu.memory_space<vmem>> -> memref<32x128xf32, #tpu.memory_space<vmem>>
        %dma_wait3A_299 = arith.constant 0 : i32
        %dma_wait3A_300 = tpu.memref_slice %arg9[%run_scoped3A_233, %dma_wait3A_299] : memref<2x32xi32, #tpu.memory_space<vmem>> -> memref<1x32xi32, #tpu.memory_space<vmem>>
        %dma_wait3A_301 = tpu.memref_squeeze %dma_wait3A_300 : memref<1x32xi32, #tpu.memory_space<vmem>> -> memref<32xi32, #tpu.memory_space<vmem>>
        %dma_wait3A_302 = arith.constant 0 : i32
        %dma_wait3A_303 = arith.constant 0 : i32
        %dma_wait3A_304 = tpu.memref_slice %arg14[%dma_wait3A_302, %dma_wait3A_303] : memref<10112x128xf32, #tpu.memory_space<vmem_shared>> -> memref<10112x128xf32, #tpu.memory_space<vmem_shared>>
        tpu.wait_indirect_dma semaphore(%run_scoped3A_284 : memref<!tpu.dma_semaphore, #tpu.memory_space<semaphore_mem>>) src(%dma_wait3A_298 : memref<32x128xf32, #tpu.memory_space<vmem>>) dst(%dma_wait3A_304 : memref<10112x128xf32, #tpu.memory_space<vmem_shared>>)
        tpu.yield
      }) : () -> ()
      %add3A_234 = arith.constant 2 : i32
      %add3A_235 = arith.addi %mul3A_145, %add3A_234 : i32
      %lt3A_236 = arith.constant 316 : i32
      %lt3A_237 = arith.cmpi slt, %add3A_235, %lt3A_236 : i32
      %convert_element_type3A = arith.extui %lt3A_237 : i1 to i32
      %cond3A = arith.constant 0 : i32
      %cond3A_238 = arith.cmpi ne, %convert_element_type3A, %cond3A : i32
      scf.if %cond3A_238 {
        %add3A_284 = arith.constant 2 : i32
        %add3A_285 = arith.addi %mul3A_145, %add3A_284 : i32
        %mul3A_286 = arith.constant 316 : i32
        %mul3A_287 = arith.muli %add3A, %mul3A_286 : i32
        %add3A_288 = arith.addi %mul3A_287, %add3A_285 : i32
        %mul3A_289 = arith.constant 32 : i32
        %mul3A_290 = arith.muli %add3A_288, %mul3A_289 : i32
        %run_scoped3A_291 = arith.constant 0 : i32
        "tpu.region"() ({
          %run_scoped3A_330 = tpu.sem_alloc : memref<!tpu.dma_semaphore, #tpu.memory_space<semaphore_mem>>
          %dma_start3A_331 = arith.constant 0 : i32
          %dma_start3A_332 = tpu.memref_slice %arg9[%run_scoped3A_291, %dma_start3A_331] : memref<2x32xi32, #tpu.memory_space<vmem>> -> memref<1x32xi32, #tpu.memory_space<vmem>>
          %dma_start3A_333 = tpu.memref_squeeze %dma_start3A_332 : memref<1x32xi32, #tpu.memory_space<vmem>> -> memref<32xi32, #tpu.memory_space<vmem>>
          %dma_start3A_334 = tpu.memref_slice %arg2[%mul3A_290] : memref<323584xi32, #tpu.memory_space<hbm>> -> memref<32xi32, #tpu.memory_space<hbm>>
          %dma_start3A_335 = arith.constant 0 : i32
          %dma_start3A_336 = tpu.memref_slice %arg9[%run_scoped3A_291, %dma_start3A_335] : memref<2x32xi32, #tpu.memory_space<vmem>> -> memref<1x32xi32, #tpu.memory_space<vmem>>
          %dma_start3A_337 = tpu.memref_squeeze %dma_start3A_336 : memref<1x32xi32, #tpu.memory_space<vmem>> -> memref<32xi32, #tpu.memory_space<vmem>>
          %dma_start3A_338 = tpu.memref_slice %arg2[%mul3A_290] : memref<323584xi32, #tpu.memory_space<hbm>> -> memref<32xi32, #tpu.memory_space<hbm>>
          tpu.enqueue_dma source(%dma_start3A_338 : memref<32xi32, #tpu.memory_space<hbm>>) target(%dma_start3A_337 : memref<32xi32, #tpu.memory_space<vmem>>) target_semaphore(%run_scoped3A_330 : memref<!tpu.dma_semaphore, #tpu.memory_space<semaphore_mem>>)
          %dma_wait3A_339 = arith.constant 0 : i32
          %dma_wait3A_340 = tpu.memref_slice %arg9[%run_scoped3A_291, %dma_wait3A_339] : memref<2x32xi32, #tpu.memory_space<vmem>> -> memref<1x32xi32, #tpu.memory_space<vmem>>
          %dma_wait3A_341 = tpu.memref_squeeze %dma_wait3A_340 : memref<1x32xi32, #tpu.memory_space<vmem>> -> memref<32xi32, #tpu.memory_space<vmem>>
          %dma_wait3A_342 = tpu.memref_slice %arg2[%mul3A_290] : memref<323584xi32, #tpu.memory_space<hbm>> -> memref<32xi32, #tpu.memory_space<hbm>>
          %dma_wait3A_343 = arith.constant 0 : i32
          %dma_wait3A_344 = tpu.memref_slice %arg9[%run_scoped3A_291, %dma_wait3A_343] : memref<2x32xi32, #tpu.memory_space<vmem>> -> memref<1x32xi32, #tpu.memory_space<vmem>>
          %dma_wait3A_345 = tpu.memref_squeeze %dma_wait3A_344 : memref<1x32xi32, #tpu.memory_space<vmem>> -> memref<32xi32, #tpu.memory_space<vmem>>
          %dma_wait3A_346 = tpu.memref_slice %arg2[%mul3A_290] : memref<323584xi32, #tpu.memory_space<hbm>> -> memref<32xi32, #tpu.memory_space<hbm>>
          tpu.wait_dma2 semaphore(%run_scoped3A_330 : memref<!tpu.dma_semaphore, #tpu.memory_space<semaphore_mem>>) src(%dma_wait3A_346 : memref<32xi32, #tpu.memory_space<hbm>>) dst(%dma_wait3A_345 : memref<32xi32, #tpu.memory_space<vmem>>)
          tpu.yield
        }) : () -> ()
        %run_scoped3A_292 = arith.constant 0 : i32
        "tpu.region"() ({
          %run_scoped3A_330 = tpu.sem_alloc : memref<!tpu.dma_semaphore, #tpu.memory_space<semaphore_mem>>
          %dma_start3A_331 = arith.constant 0 : i32
          %dma_start3A_332 = tpu.memref_slice %arg10[%run_scoped3A_292, %dma_start3A_331] : memref<2x32xi32, #tpu.memory_space<vmem>> -> memref<1x32xi32, #tpu.memory_space<vmem>>
          %dma_start3A_333 = tpu.memref_squeeze %dma_start3A_332 : memref<1x32xi32, #tpu.memory_space<vmem>> -> memref<32xi32, #tpu.memory_space<vmem>>
          %dma_start3A_334 = tpu.memref_slice %arg3[%mul3A_290] : memref<323584xi32, #tpu.memory_space<hbm>> -> memref<32xi32, #tpu.memory_space<hbm>>
          %dma_start3A_335 = arith.constant 0 : i32
          %dma_start3A_336 = tpu.memref_slice %arg10[%run_scoped3A_292, %dma_start3A_335] : memref<2x32xi32, #tpu.memory_space<vmem>> -> memref<1x32xi32, #tpu.memory_space<vmem>>
          %dma_start3A_337 = tpu.memref_squeeze %dma_start3A_336 : memref<1x32xi32, #tpu.memory_space<vmem>> -> memref<32xi32, #tpu.memory_space<vmem>>
          %dma_start3A_338 = tpu.memref_slice %arg3[%mul3A_290] : memref<323584xi32, #tpu.memory_space<hbm>> -> memref<32xi32, #tpu.memory_space<hbm>>
          tpu.enqueue_dma source(%dma_start3A_338 : memref<32xi32, #tpu.memory_space<hbm>>) target(%dma_start3A_337 : memref<32xi32, #tpu.memory_space<vmem>>) target_semaphore(%run_scoped3A_330 : memref<!tpu.dma_semaphore, #tpu.memory_space<semaphore_mem>>)
          %dma_wait3A_339 = arith.constant 0 : i32
          %dma_wait3A_340 = tpu.memref_slice %arg10[%run_scoped3A_292, %dma_wait3A_339] : memref<2x32xi32, #tpu.memory_space<vmem>> -> memref<1x32xi32, #tpu.memory_space<vmem>>
          %dma_wait3A_341 = tpu.memref_squeeze %dma_wait3A_340 : memref<1x32xi32, #tpu.memory_space<vmem>> -> memref<32xi32, #tpu.memory_space<vmem>>
          %dma_wait3A_342 = tpu.memref_slice %arg3[%mul3A_290] : memref<323584xi32, #tpu.memory_space<hbm>> -> memref<32xi32, #tpu.memory_space<hbm>>
          %dma_wait3A_343 = arith.constant 0 : i32
          %dma_wait3A_344 = tpu.memref_slice %arg10[%run_scoped3A_292, %dma_wait3A_343] : memref<2x32xi32, #tpu.memory_space<vmem>> -> memref<1x32xi32, #tpu.memory_space<vmem>>
          %dma_wait3A_345 = tpu.memref_squeeze %dma_wait3A_344 : memref<1x32xi32, #tpu.memory_space<vmem>> -> memref<32xi32, #tpu.memory_space<vmem>>
          %dma_wait3A_346 = tpu.memref_slice %arg3[%mul3A_290] : memref<323584xi32, #tpu.memory_space<hbm>> -> memref<32xi32, #tpu.memory_space<hbm>>
          tpu.wait_dma2 semaphore(%run_scoped3A_330 : memref<!tpu.dma_semaphore, #tpu.memory_space<semaphore_mem>>) src(%dma_wait3A_346 : memref<32xi32, #tpu.memory_space<hbm>>) dst(%dma_wait3A_345 : memref<32xi32, #tpu.memory_space<vmem>>)
          tpu.yield
        }) : () -> ()
        %dma_start3A_293 = arith.constant 0 : i32
        %dma_start3A_294 = arith.constant 0 : i32
        %dma_start3A_295 = arith.constant 0 : i32
        %dma_start3A_296 = arith.constant 0 : i32
        %dma_start3A_297 = tpu.memref_slice %arg11[%dma_start3A_294, %dma_start3A_295, %dma_start3A_296] : memref<2x32x128xf32, #tpu.memory_space<vmem>> -> memref<1x32x128xf32, #tpu.memory_space<vmem>>
        %dma_start3A_298 = tpu.memref_squeeze %dma_start3A_297 : memref<1x32x128xf32, #tpu.memory_space<vmem>> -> memref<32x128xf32, #tpu.memory_space<vmem>>
        %dma_start3A_299 = arith.constant 0 : i32
        %dma_start3A_300 = tpu.memref_slice %arg9[%dma_start3A_293, %dma_start3A_299] : memref<2x32xi32, #tpu.memory_space<vmem>> -> memref<1x32xi32, #tpu.memory_space<vmem>>
        %dma_start3A_301 = tpu.memref_squeeze %dma_start3A_300 : memref<1x32xi32, #tpu.memory_space<vmem>> -> memref<32xi32, #tpu.memory_space<vmem>>
        %dma_start3A_302 = arith.constant 0 : i32
        %dma_start3A_303 = arith.constant 0 : i32
        %dma_start3A_304 = tpu.memref_slice %arg4[%dma_start3A_302, %dma_start3A_303] : memref<10112x128xf32, #tpu.memory_space<hbm>> -> memref<10112x128xf32, #tpu.memory_space<hbm>>
        tpu.enqueue_indirect_dma source(%dma_start3A_304 : memref<10112x128xf32, #tpu.memory_space<hbm>>) target(%dma_start3A_298 : memref<32x128xf32, #tpu.memory_space<vmem>>) offsets(%dma_start3A_301 : memref<32xi32, #tpu.memory_space<vmem>>) semaphore(%arg15 : memref<!tpu.dma_semaphore, #tpu.memory_space<semaphore_mem>>)
        %dma_start3A_305 = arith.constant 0 : i32
        %dma_start3A_306 = arith.constant 0 : i32
        %dma_start3A_307 = arith.constant 0 : i32
        %dma_start3A_308 = arith.constant 0 : i32
        %dma_start3A_309 = tpu.memref_slice %arg12[%dma_start3A_306, %dma_start3A_307, %dma_start3A_308] : memref<2x32x128xf32, #tpu.memory_space<vmem>> -> memref<1x32x128xf32, #tpu.memory_space<vmem>>
        %dma_start3A_310 = tpu.memref_squeeze %dma_start3A_309 : memref<1x32x128xf32, #tpu.memory_space<vmem>> -> memref<32x128xf32, #tpu.memory_space<vmem>>
        %dma_start3A_311 = arith.constant 0 : i32
        %dma_start3A_312 = tpu.memref_slice %arg10[%dma_start3A_305, %dma_start3A_311] : memref<2x32xi32, #tpu.memory_space<vmem>> -> memref<1x32xi32, #tpu.memory_space<vmem>>
        %dma_start3A_313 = tpu.memref_squeeze %dma_start3A_312 : memref<1x32xi32, #tpu.memory_space<vmem>> -> memref<32xi32, #tpu.memory_space<vmem>>
        %dma_start3A_314 = arith.constant 0 : i32
        %dma_start3A_315 = arith.constant 0 : i32
        %dma_start3A_316 = tpu.memref_slice %arg5[%dma_start3A_314, %dma_start3A_315] : memref<10112x128xf32, #tpu.memory_space<hbm>> -> memref<10112x128xf32, #tpu.memory_space<hbm>>
        tpu.enqueue_indirect_dma source(%dma_start3A_316 : memref<10112x128xf32, #tpu.memory_space<hbm>>) target(%dma_start3A_310 : memref<32x128xf32, #tpu.memory_space<vmem>>) offsets(%dma_start3A_313 : memref<32xi32, #tpu.memory_space<vmem>>) semaphore(%arg16 : memref<!tpu.dma_semaphore, #tpu.memory_space<semaphore_mem>>)
        %dma_start3A_317 = arith.constant 0 : i32
        %dma_start3A_318 = arith.constant 0 : i32
        %dma_start3A_319 = arith.constant 0 : i32
        %dma_start3A_320 = tpu.memref_slice %arg13[%dma_start3A_317, %dma_start3A_318, %dma_start3A_319] : memref<2x32x128xf32, #tpu.memory_space<vmem>> -> memref<1x32x128xf32, #tpu.memory_space<vmem>>
        %dma_start3A_321 = tpu.memref_squeeze %dma_start3A_320 : memref<1x32x128xf32, #tpu.memory_space<vmem>> -> memref<32x128xf32, #tpu.memory_space<vmem>>
        %dma_start3A_322 = arith.constant 0 : i32
        %dma_start3A_323 = tpu.memref_slice %arg6[%mul3A_290, %dma_start3A_322] : memref<323584x128xf32, #tpu.memory_space<hbm>> -> memref<32x128xf32, #tpu.memory_space<hbm>>
        %dma_start3A_324 = arith.constant 0 : i32
        %dma_start3A_325 = arith.constant 0 : i32
        %dma_start3A_326 = tpu.memref_slice %arg13[%dma_start3A_317, %dma_start3A_324, %dma_start3A_325] : memref<2x32x128xf32, #tpu.memory_space<vmem>> -> memref<1x32x128xf32, #tpu.memory_space<vmem>>
        %dma_start3A_327 = tpu.memref_squeeze %dma_start3A_326 : memref<1x32x128xf32, #tpu.memory_space<vmem>> -> memref<32x128xf32, #tpu.memory_space<vmem>>
        %dma_start3A_328 = arith.constant 0 : i32
        %dma_start3A_329 = tpu.memref_slice %arg6[%mul3A_290, %dma_start3A_328] : memref<323584x128xf32, #tpu.memory_space<hbm>> -> memref<32x128xf32, #tpu.memory_space<hbm>>
        tpu.enqueue_dma source(%dma_start3A_329 : memref<32x128xf32, #tpu.memory_space<hbm>>) target(%dma_start3A_327 : memref<32x128xf32, #tpu.memory_space<vmem>>) target_semaphore(%arg17 : memref<!tpu.dma_semaphore, #tpu.memory_space<semaphore_mem>>)
      } else {
      }
      %dma_wait3A_239 = arith.constant 1 : i32
      %dma_wait3A_240 = arith.constant 1 : i32
      %dma_wait3A_241 = arith.constant 0 : i32
      %dma_wait3A_242 = arith.constant 0 : i32
      %dma_wait3A_243 = tpu.memref_slice %arg11[%dma_wait3A_240, %dma_wait3A_241, %dma_wait3A_242] : memref<2x32x128xf32, #tpu.memory_space<vmem>> -> memref<1x32x128xf32, #tpu.memory_space<vmem>>
      %dma_wait3A_244 = tpu.memref_squeeze %dma_wait3A_243 : memref<1x32x128xf32, #tpu.memory_space<vmem>> -> memref<32x128xf32, #tpu.memory_space<vmem>>
      %dma_wait3A_245 = arith.constant 0 : i32
      %dma_wait3A_246 = tpu.memref_slice %arg9[%dma_wait3A_239, %dma_wait3A_245] : memref<2x32xi32, #tpu.memory_space<vmem>> -> memref<1x32xi32, #tpu.memory_space<vmem>>
      %dma_wait3A_247 = tpu.memref_squeeze %dma_wait3A_246 : memref<1x32xi32, #tpu.memory_space<vmem>> -> memref<32xi32, #tpu.memory_space<vmem>>
      %dma_wait3A_248 = arith.constant 0 : i32
      %dma_wait3A_249 = arith.constant 0 : i32
      %dma_wait3A_250 = tpu.memref_slice %arg4[%dma_wait3A_248, %dma_wait3A_249] : memref<10112x128xf32, #tpu.memory_space<hbm>> -> memref<10112x128xf32, #tpu.memory_space<hbm>>
      tpu.wait_indirect_dma semaphore(%arg18 : memref<!tpu.dma_semaphore, #tpu.memory_space<semaphore_mem>>) src(%dma_wait3A_250 : memref<10112x128xf32, #tpu.memory_space<hbm>>) dst(%dma_wait3A_244 : memref<32x128xf32, #tpu.memory_space<vmem>>)
      %dma_wait3A_251 = arith.constant 1 : i32
      %dma_wait3A_252 = arith.constant 1 : i32
      %dma_wait3A_253 = arith.constant 0 : i32
      %dma_wait3A_254 = arith.constant 0 : i32
      %dma_wait3A_255 = tpu.memref_slice %arg12[%dma_wait3A_252, %dma_wait3A_253, %dma_wait3A_254] : memref<2x32x128xf32, #tpu.memory_space<vmem>> -> memref<1x32x128xf32, #tpu.memory_space<vmem>>
      %dma_wait3A_256 = tpu.memref_squeeze %dma_wait3A_255 : memref<1x32x128xf32, #tpu.memory_space<vmem>> -> memref<32x128xf32, #tpu.memory_space<vmem>>
      %dma_wait3A_257 = arith.constant 0 : i32
      %dma_wait3A_258 = tpu.memref_slice %arg10[%dma_wait3A_251, %dma_wait3A_257] : memref<2x32xi32, #tpu.memory_space<vmem>> -> memref<1x32xi32, #tpu.memory_space<vmem>>
      %dma_wait3A_259 = tpu.memref_squeeze %dma_wait3A_258 : memref<1x32xi32, #tpu.memory_space<vmem>> -> memref<32xi32, #tpu.memory_space<vmem>>
      %dma_wait3A_260 = arith.constant 0 : i32
      %dma_wait3A_261 = arith.constant 0 : i32
      %dma_wait3A_262 = tpu.memref_slice %arg5[%dma_wait3A_260, %dma_wait3A_261] : memref<10112x128xf32, #tpu.memory_space<hbm>> -> memref<10112x128xf32, #tpu.memory_space<hbm>>
      tpu.wait_indirect_dma semaphore(%arg19 : memref<!tpu.dma_semaphore, #tpu.memory_space<semaphore_mem>>) src(%dma_wait3A_262 : memref<10112x128xf32, #tpu.memory_space<hbm>>) dst(%dma_wait3A_256 : memref<32x128xf32, #tpu.memory_space<vmem>>)
      %dma_wait3A_263 = arith.constant 1 : i32
      %dma_wait3A_264 = arith.constant 0 : i32
      %dma_wait3A_265 = arith.constant 0 : i32
      %dma_wait3A_266 = tpu.memref_slice %arg13[%dma_wait3A_263, %dma_wait3A_264, %dma_wait3A_265] : memref<2x32x128xf32, #tpu.memory_space<vmem>> -> memref<1x32x128xf32, #tpu.memory_space<vmem>>
      %dma_wait3A_267 = tpu.memref_squeeze %dma_wait3A_266 : memref<1x32x128xf32, #tpu.memory_space<vmem>> -> memref<32x128xf32, #tpu.memory_space<vmem>>
      %dma_wait3A_268 = arith.constant 0 : i32
      %dma_wait3A_269 = arith.constant 0 : i32
      %dma_wait3A_270 = tpu.memref_slice %arg6[%dma_wait3A_268, %dma_wait3A_269] : memref<323584x128xf32, #tpu.memory_space<hbm>> -> memref<32x128xf32, #tpu.memory_space<hbm>>
      %dma_wait3A_271 = arith.constant 0 : i32
      %dma_wait3A_272 = arith.constant 0 : i32
      %dma_wait3A_273 = tpu.memref_slice %arg13[%dma_wait3A_263, %dma_wait3A_271, %dma_wait3A_272] : memref<2x32x128xf32, #tpu.memory_space<vmem>> -> memref<1x32x128xf32, #tpu.memory_space<vmem>>
      %dma_wait3A_274 = tpu.memref_squeeze %dma_wait3A_273 : memref<1x32x128xf32, #tpu.memory_space<vmem>> -> memref<32x128xf32, #tpu.memory_space<vmem>>
      %dma_wait3A_275 = arith.constant 0 : i32
      %dma_wait3A_276 = arith.constant 0 : i32
      %dma_wait3A_277 = tpu.memref_slice %arg6[%dma_wait3A_275, %dma_wait3A_276] : memref<323584x128xf32, #tpu.memory_space<hbm>> -> memref<32x128xf32, #tpu.memory_space<hbm>>
      tpu.wait_dma2 semaphore(%arg20 : memref<!tpu.dma_semaphore, #tpu.memory_space<semaphore_mem>>) src(%dma_wait3A_277 : memref<32x128xf32, #tpu.memory_space<hbm>>) dst(%dma_wait3A_274 : memref<32x128xf32, #tpu.memory_space<vmem>>)
      %parallel_loop3A_278 = arith.constant 0 : i32
      %parallel_loop3A_279 = arith.constant 32 : i32
      %parallel_loop3A_280 = arith.constant 1 : i32
      scf.for %parallel_loop3A_284 = %parallel_loop3A_278 to %parallel_loop3A_279 step %parallel_loop3A_280  : i32 {
        %parallel_loop3A_285 = arith.constant 1 : i32
        %parallel_loop3A_286 = arith.index_cast %parallel_loop3A_285 : i32 to index
        %parallel_loop3A_287 = arith.index_cast %parallel_loop3A_284 : i32 to index
        %parallel_loop3A_288 = arith.constant 0 : index
        %parallel_loop3A_289 = tpu.vector_load %arg11[%parallel_loop3A_286, %parallel_loop3A_287, %parallel_loop3A_288] {strides = array<i32>} : memref<2x32x128xf32, #tpu.memory_space<vmem>>, vector<1x1x16xf32>,
        %parallel_loop3A_290 = vector.shape_cast %parallel_loop3A_289 : vector<1x1x16xf32> to vector<16xf32>
        %parallel_loop3A_291 = arith.constant 1 : i32
        %parallel_loop3A_292 = arith.index_cast %parallel_loop3A_291 : i32 to index
        %parallel_loop3A_293 = arith.index_cast %parallel_loop3A_284 : i32 to index
        %parallel_loop3A_294 = arith.constant 0 : index
        %parallel_loop3A_295 = tpu.vector_load %arg12[%parallel_loop3A_292, %parallel_loop3A_293, %parallel_loop3A_294] {strides = array<i32>} : memref<2x32x128xf32, #tpu.memory_space<vmem>>, vector<1x1x16xf32>,
        %parallel_loop3A_296 = vector.shape_cast %parallel_loop3A_295 : vector<1x1x16xf32> to vector<16xf32>
        %parallel_loop3A_297 = arith.addf %parallel_loop3A_290, %parallel_loop3A_296 : vector<16xf32>
        %parallel_loop3A_298 = arith.constant 1 : i32
        %parallel_loop3A_299 = arith.index_cast %parallel_loop3A_298 : i32 to index
        %parallel_loop3A_300 = arith.index_cast %parallel_loop3A_284 : i32 to index
        %parallel_loop3A_301 = arith.constant 0 : index
        %parallel_loop3A_302 = tpu.vector_load %arg13[%parallel_loop3A_299, %parallel_loop3A_300, %parallel_loop3A_301] {strides = array<i32>} : memref<2x32x128xf32, #tpu.memory_space<vmem>>, vector<1x1x16xf32>,
        %parallel_loop3A_303 = vector.shape_cast %parallel_loop3A_302 : vector<1x1x16xf32> to vector<16xf32>
        %parallel_loop3A_304 = arith.addf %parallel_loop3A_297, %parallel_loop3A_303 : vector<16xf32>
        %parallel_loop3A_305 = arith.constant 0.000000e+00 : f32
        %parallel_loop3A_306 = vector.broadcast %parallel_loop3A_305 : f32 to vector<16xf32>
        %parallel_loop3A_307 = arith.subf %parallel_loop3A_306, %parallel_loop3A_304 : vector<16xf32>
        %parallel_loop3A_308 = math.exp %parallel_loop3A_307 : vector<16xf32>
        %parallel_loop3A_309 = arith.constant 1.000000e+00 : f32
        %parallel_loop3A_310 = vector.broadcast %parallel_loop3A_309 : f32 to vector<16xf32>
        %parallel_loop3A_311 = arith.addf %parallel_loop3A_310, %parallel_loop3A_308 : vector<16xf32>
        %parallel_loop3A_312 = arith.divf %parallel_loop3A_304, %parallel_loop3A_311 : vector<16xf32>
        %parallel_loop3A_313 = arith.constant 1 : i32
        %parallel_loop3A_314 = arith.index_cast %parallel_loop3A_313 : i32 to index
        %parallel_loop3A_315 = arith.index_cast %parallel_loop3A_284 : i32 to index
        %parallel_loop3A_316 = arith.constant 0 : index
        %parallel_loop3A_317 = tpu.vector_load %arg13[%parallel_loop3A_314, %parallel_loop3A_315, %parallel_loop3A_316] {strides = array<i32>} : memref<2x32x128xf32, #tpu.memory_space<vmem>>, vector<1x1x16xf32>,
        %parallel_loop3A_318 = vector.shape_cast %parallel_loop3A_317 : vector<1x1x16xf32> to vector<16xf32>
        %parallel_loop3A_319 = vector.shape_cast %parallel_loop3A_312 : vector<16xf32> to vector<1x1x16xf32>
        tpu.vector_store %arg13[%parallel_loop3A_314, %parallel_loop3A_315, %parallel_loop3A_316], %parallel_loop3A_319 {strides = array<i32>} : memref<2x32x128xf32, #tpu.memory_space<vmem>>, vector<1x1x16xf32>,
        %parallel_loop3A_320 = arith.constant 1 : i32
        %parallel_loop3A_321 = arith.index_cast %parallel_loop3A_320 : i32 to index
        %parallel_loop3A_322 = arith.index_cast %parallel_loop3A_284 : i32 to index
        %parallel_loop3A_323 = arith.constant 16 : index
        %parallel_loop3A_324 = tpu.vector_load %arg11[%parallel_loop3A_321, %parallel_loop3A_322, %parallel_loop3A_323] {strides = array<i32>} : memref<2x32x128xf32, #tpu.memory_space<vmem>>, vector<1x1x16xf32>,
        %parallel_loop3A_325 = vector.shape_cast %parallel_loop3A_324 : vector<1x1x16xf32> to vector<16xf32>
        %parallel_loop3A_326 = arith.constant 1 : i32
        %parallel_loop3A_327 = arith.index_cast %parallel_loop3A_326 : i32 to index
        %parallel_loop3A_328 = arith.index_cast %parallel_loop3A_284 : i32 to index
        %parallel_loop3A_329 = arith.constant 16 : index
        %parallel_loop3A_330 = tpu.vector_load %arg12[%parallel_loop3A_327, %parallel_loop3A_328, %parallel_loop3A_329] {strides = array<i32>} : memref<2x32x128xf32, #tpu.memory_space<vmem>>, vector<1x1x16xf32>,
        %parallel_loop3A_331 = vector.shape_cast %parallel_loop3A_330 : vector<1x1x16xf32> to vector<16xf32>
        %parallel_loop3A_332 = arith.addf %parallel_loop3A_325, %parallel_loop3A_331 : vector<16xf32>
        %parallel_loop3A_333 = arith.constant 1 : i32
        %parallel_loop3A_334 = arith.index_cast %parallel_loop3A_333 : i32 to index
        %parallel_loop3A_335 = arith.index_cast %parallel_loop3A_284 : i32 to index
        %parallel_loop3A_336 = arith.constant 16 : index
        %parallel_loop3A_337 = tpu.vector_load %arg13[%parallel_loop3A_334, %parallel_loop3A_335, %parallel_loop3A_336] {strides = array<i32>} : memref<2x32x128xf32, #tpu.memory_space<vmem>>, vector<1x1x16xf32>,
        %parallel_loop3A_338 = vector.shape_cast %parallel_loop3A_337 : vector<1x1x16xf32> to vector<16xf32>
        %parallel_loop3A_339 = arith.addf %parallel_loop3A_332, %parallel_loop3A_338 : vector<16xf32>
        %parallel_loop3A_340 = arith.constant 0.000000e+00 : f32
        %parallel_loop3A_341 = vector.broadcast %parallel_loop3A_340 : f32 to vector<16xf32>
        %parallel_loop3A_342 = arith.subf %parallel_loop3A_341, %parallel_loop3A_339 : vector<16xf32>
        %parallel_loop3A_343 = math.exp %parallel_loop3A_342 : vector<16xf32>
        %parallel_loop3A_344 = arith.constant 1.000000e+00 : f32
        %parallel_loop3A_345 = vector.broadcast %parallel_loop3A_344 : f32 to vector<16xf32>
        %parallel_loop3A_346 = arith.addf %parallel_loop3A_345, %parallel_loop3A_343 : vector<16xf32>
        %parallel_loop3A_347 = arith.divf %parallel_loop3A_339, %parallel_loop3A_346 : vector<16xf32>
        %parallel_loop3A_348 = arith.constant 1 : i32
        %parallel_loop3A_349 = arith.index_cast %parallel_loop3A_348 : i32 to index
        %parallel_loop3A_350 = arith.index_cast %parallel_loop3A_284 : i32 to index
        %parallel_loop3A_351 = arith.constant 16 : index
        %parallel_loop3A_352 = tpu.vector_load %arg13[%parallel_loop3A_349, %parallel_loop3A_350, %parallel_loop3A_351] {strides = array<i32>} : memref<2x32x128xf32, #tpu.memory_space<vmem>>, vector<1x1x16xf32>,
        %parallel_loop3A_353 = vector.shape_cast %parallel_loop3A_352 : vector<1x1x16xf32> to vector<16xf32>
        %parallel_loop3A_354 = vector.shape_cast %parallel_loop3A_347 : vector<16xf32> to vector<1x1x16xf32>
        tpu.vector_store %arg13[%parallel_loop3A_349, %parallel_loop3A_350, %parallel_loop3A_351], %parallel_loop3A_354 {strides = array<i32>} : memref<2x32x128xf32, #tpu.memory_space<vmem>>, vector<1x1x16xf32>,
        %parallel_loop3A_355 = arith.constant 1 : i32
        %parallel_loop3A_356 = arith.index_cast %parallel_loop3A_355 : i32 to index
        %parallel_loop3A_357 = arith.index_cast %parallel_loop3A_284 : i32 to index
        %parallel_loop3A_358 = arith.constant 32 : index
        %parallel_loop3A_359 = tpu.vector_load %arg11[%parallel_loop3A_356, %parallel_loop3A_357, %parallel_loop3A_358] {strides = array<i32>} : memref<2x32x128xf32, #tpu.memory_space<vmem>>, vector<1x1x16xf32>,
        %parallel_loop3A_360 = vector.shape_cast %parallel_loop3A_359 : vector<1x1x16xf32> to vector<16xf32>
        %parallel_loop3A_361 = arith.constant 1 : i32
        %parallel_loop3A_362 = arith.index_cast %parallel_loop3A_361 : i32 to index
        %parallel_loop3A_363 = arith.index_cast %parallel_loop3A_284 : i32 to index
        %parallel_loop3A_364 = arith.constant 32 : index
        %parallel_loop3A_365 = tpu.vector_load %arg12[%parallel_loop3A_362, %parallel_loop3A_363, %parallel_loop3A_364] {strides = array<i32>} : memref<2x32x128xf32, #tpu.memory_space<vmem>>, vector<1x1x16xf32>,
        %parallel_loop3A_366 = vector.shape_cast %parallel_loop3A_365 : vector<1x1x16xf32> to vector<16xf32>
        %parallel_loop3A_367 = arith.addf %parallel_loop3A_360, %parallel_loop3A_366 : vector<16xf32>
        %parallel_loop3A_368 = arith.constant 1 : i32
        %parallel_loop3A_369 = arith.index_cast %parallel_loop3A_368 : i32 to index
        %parallel_loop3A_370 = arith.index_cast %parallel_loop3A_284 : i32 to index
        %parallel_loop3A_371 = arith.constant 32 : index
        %parallel_loop3A_372 = tpu.vector_load %arg13[%parallel_loop3A_369, %parallel_loop3A_370, %parallel_loop3A_371] {strides = array<i32>} : memref<2x32x128xf32, #tpu.memory_space<vmem>>, vector<1x1x16xf32>,
        %parallel_loop3A_373 = vector.shape_cast %parallel_loop3A_372 : vector<1x1x16xf32> to vector<16xf32>
        %parallel_loop3A_374 = arith.addf %parallel_loop3A_367, %parallel_loop3A_373 : vector<16xf32>
        %parallel_loop3A_375 = arith.constant 0.000000e+00 : f32
        %parallel_loop3A_376 = vector.broadcast %parallel_loop3A_375 : f32 to vector<16xf32>
        %parallel_loop3A_377 = arith.subf %parallel_loop3A_376, %parallel_loop3A_374 : vector<16xf32>
        %parallel_loop3A_378 = math.exp %parallel_loop3A_377 : vector<16xf32>
        %parallel_loop3A_379 = arith.constant 1.000000e+00 : f32
        %parallel_loop3A_380 = vector.broadcast %parallel_loop3A_379 : f32 to vector<16xf32>
        %parallel_loop3A_381 = arith.addf %parallel_loop3A_380, %parallel_loop3A_378 : vector<16xf32>
        %parallel_loop3A_382 = arith.divf %parallel_loop3A_374, %parallel_loop3A_381 : vector<16xf32>
        %parallel_loop3A_383 = arith.constant 1 : i32
        %parallel_loop3A_384 = arith.index_cast %parallel_loop3A_383 : i32 to index
        %parallel_loop3A_385 = arith.index_cast %parallel_loop3A_284 : i32 to index
        %parallel_loop3A_386 = arith.constant 32 : index
        %parallel_loop3A_387 = tpu.vector_load %arg13[%parallel_loop3A_384, %parallel_loop3A_385, %parallel_loop3A_386] {strides = array<i32>} : memref<2x32x128xf32, #tpu.memory_space<vmem>>, vector<1x1x16xf32>,
        %parallel_loop3A_388 = vector.shape_cast %parallel_loop3A_387 : vector<1x1x16xf32> to vector<16xf32>
        %parallel_loop3A_389 = vector.shape_cast %parallel_loop3A_382 : vector<16xf32> to vector<1x1x16xf32>
        tpu.vector_store %arg13[%parallel_loop3A_384, %parallel_loop3A_385, %parallel_loop3A_386], %parallel_loop3A_389 {strides = array<i32>} : memref<2x32x128xf32, #tpu.memory_space<vmem>>, vector<1x1x16xf32>,
        %parallel_loop3A_390 = arith.constant 1 : i32
        %parallel_loop3A_391 = arith.index_cast %parallel_loop3A_390 : i32 to index
        %parallel_loop3A_392 = arith.index_cast %parallel_loop3A_284 : i32 to index
        %parallel_loop3A_393 = arith.constant 48 : index
        %parallel_loop3A_394 = tpu.vector_load %arg11[%parallel_loop3A_391, %parallel_loop3A_392, %parallel_loop3A_393] {strides = array<i32>} : memref<2x32x128xf32, #tpu.memory_space<vmem>>, vector<1x1x16xf32>,
        %parallel_loop3A_395 = vector.shape_cast %parallel_loop3A_394 : vector<1x1x16xf32> to vector<16xf32>
        %parallel_loop3A_396 = arith.constant 1 : i32
        %parallel_loop3A_397 = arith.index_cast %parallel_loop3A_396 : i32 to index
        %parallel_loop3A_398 = arith.index_cast %parallel_loop3A_284 : i32 to index
        %parallel_loop3A_399 = arith.constant 48 : index
        %parallel_loop3A_400 = tpu.vector_load %arg12[%parallel_loop3A_397, %parallel_loop3A_398, %parallel_loop3A_399] {strides = array<i32>} : memref<2x32x128xf32, #tpu.memory_space<vmem>>, vector<1x1x16xf32>,
        %parallel_loop3A_401 = vector.shape_cast %parallel_loop3A_400 : vector<1x1x16xf32> to vector<16xf32>
        %parallel_loop3A_402 = arith.addf %parallel_loop3A_395, %parallel_loop3A_401 : vector<16xf32>
        %parallel_loop3A_403 = arith.constant 1 : i32
        %parallel_loop3A_404 = arith.index_cast %parallel_loop3A_403 : i32 to index
        %parallel_loop3A_405 = arith.index_cast %parallel_loop3A_284 : i32 to index
        %parallel_loop3A_406 = arith.constant 48 : index
        %parallel_loop3A_407 = tpu.vector_load %arg13[%parallel_loop3A_404, %parallel_loop3A_405, %parallel_loop3A_406] {strides = array<i32>} : memref<2x32x128xf32, #tpu.memory_space<vmem>>, vector<1x1x16xf32>,
        %parallel_loop3A_408 = vector.shape_cast %parallel_loop3A_407 : vector<1x1x16xf32> to vector<16xf32>
        %parallel_loop3A_409 = arith.addf %parallel_loop3A_402, %parallel_loop3A_408 : vector<16xf32>
        %parallel_loop3A_410 = arith.constant 0.000000e+00 : f32
        %parallel_loop3A_411 = vector.broadcast %parallel_loop3A_410 : f32 to vector<16xf32>
        %parallel_loop3A_412 = arith.subf %parallel_loop3A_411, %parallel_loop3A_409 : vector<16xf32>
        %parallel_loop3A_413 = math.exp %parallel_loop3A_412 : vector<16xf32>
        %parallel_loop3A_414 = arith.constant 1.000000e+00 : f32
        %parallel_loop3A_415 = vector.broadcast %parallel_loop3A_414 : f32 to vector<16xf32>
        %parallel_loop3A_416 = arith.addf %parallel_loop3A_415, %parallel_loop3A_413 : vector<16xf32>
        %parallel_loop3A_417 = arith.divf %parallel_loop3A_409, %parallel_loop3A_416 : vector<16xf32>
        %parallel_loop3A_418 = arith.constant 1 : i32
        %parallel_loop3A_419 = arith.index_cast %parallel_loop3A_418 : i32 to index
        %parallel_loop3A_420 = arith.index_cast %parallel_loop3A_284 : i32 to index
        %parallel_loop3A_421 = arith.constant 48 : index
        %parallel_loop3A_422 = tpu.vector_load %arg13[%parallel_loop3A_419, %parallel_loop3A_420, %parallel_loop3A_421] {strides = array<i32>} : memref<2x32x128xf32, #tpu.memory_space<vmem>>, vector<1x1x16xf32>,
        %parallel_loop3A_423 = vector.shape_cast %parallel_loop3A_422 : vector<1x1x16xf32> to vector<16xf32>
        %parallel_loop3A_424 = vector.shape_cast %parallel_loop3A_417 : vector<16xf32> to vector<1x1x16xf32>
        tpu.vector_store %arg13[%parallel_loop3A_419, %parallel_loop3A_420, %parallel_loop3A_421], %parallel_loop3A_424 {strides = array<i32>} : memref<2x32x128xf32, #tpu.memory_space<vmem>>, vector<1x1x16xf32>,
        %parallel_loop3A_425 = arith.constant 1 : i32
        %parallel_loop3A_426 = arith.index_cast %parallel_loop3A_425 : i32 to index
        %parallel_loop3A_427 = arith.index_cast %parallel_loop3A_284 : i32 to index
        %parallel_loop3A_428 = arith.constant 64 : index
        %parallel_loop3A_429 = tpu.vector_load %arg11[%parallel_loop3A_426, %parallel_loop3A_427, %parallel_loop3A_428] {strides = array<i32>} : memref<2x32x128xf32, #tpu.memory_space<vmem>>, vector<1x1x16xf32>,
        %parallel_loop3A_430 = vector.shape_cast %parallel_loop3A_429 : vector<1x1x16xf32> to vector<16xf32>
        %parallel_loop3A_431 = arith.constant 1 : i32
        %parallel_loop3A_432 = arith.index_cast %parallel_loop3A_431 : i32 to index
        %parallel_loop3A_433 = arith.index_cast %parallel_loop3A_284 : i32 to index
        %parallel_loop3A_434 = arith.constant 64 : index
        %parallel_loop3A_435 = tpu.vector_load %arg12[%parallel_loop3A_432, %parallel_loop3A_433, %parallel_loop3A_434] {strides = array<i32>} : memref<2x32x128xf32, #tpu.memory_space<vmem>>, vector<1x1x16xf32>,
        %parallel_loop3A_436 = vector.shape_cast %parallel_loop3A_435 : vector<1x1x16xf32> to vector<16xf32>
        %parallel_loop3A_437 = arith.addf %parallel_loop3A_430, %parallel_loop3A_436 : vector<16xf32>
        %parallel_loop3A_438 = arith.constant 1 : i32
        %parallel_loop3A_439 = arith.index_cast %parallel_loop3A_438 : i32 to index
        %parallel_loop3A_440 = arith.index_cast %parallel_loop3A_284 : i32 to index
        %parallel_loop3A_441 = arith.constant 64 : index
        %parallel_loop3A_442 = tpu.vector_load %arg13[%parallel_loop3A_439, %parallel_loop3A_440, %parallel_loop3A_441] {strides = array<i32>} : memref<2x32x128xf32, #tpu.memory_space<vmem>>, vector<1x1x16xf32>,
        %parallel_loop3A_443 = vector.shape_cast %parallel_loop3A_442 : vector<1x1x16xf32> to vector<16xf32>
        %parallel_loop3A_444 = arith.addf %parallel_loop3A_437, %parallel_loop3A_443 : vector<16xf32>
        %parallel_loop3A_445 = arith.constant 0.000000e+00 : f32
        %parallel_loop3A_446 = vector.broadcast %parallel_loop3A_445 : f32 to vector<16xf32>
        %parallel_loop3A_447 = arith.subf %parallel_loop3A_446, %parallel_loop3A_444 : vector<16xf32>
        %parallel_loop3A_448 = math.exp %parallel_loop3A_447 : vector<16xf32>
        %parallel_loop3A_449 = arith.constant 1.000000e+00 : f32
        %parallel_loop3A_450 = vector.broadcast %parallel_loop3A_449 : f32 to vector<16xf32>
        %parallel_loop3A_451 = arith.addf %parallel_loop3A_450, %parallel_loop3A_448 : vector<16xf32>
        %parallel_loop3A_452 = arith.divf %parallel_loop3A_444, %parallel_loop3A_451 : vector<16xf32>
        %parallel_loop3A_453 = arith.constant 1 : i32
        %parallel_loop3A_454 = arith.index_cast %parallel_loop3A_453 : i32 to index
        %parallel_loop3A_455 = arith.index_cast %parallel_loop3A_284 : i32 to index
        %parallel_loop3A_456 = arith.constant 64 : index
        %parallel_loop3A_457 = tpu.vector_load %arg13[%parallel_loop3A_454, %parallel_loop3A_455, %parallel_loop3A_456] {strides = array<i32>} : memref<2x32x128xf32, #tpu.memory_space<vmem>>, vector<1x1x16xf32>,
        %parallel_loop3A_458 = vector.shape_cast %parallel_loop3A_457 : vector<1x1x16xf32> to vector<16xf32>
        %parallel_loop3A_459 = vector.shape_cast %parallel_loop3A_452 : vector<16xf32> to vector<1x1x16xf32>
        tpu.vector_store %arg13[%parallel_loop3A_454, %parallel_loop3A_455, %parallel_loop3A_456], %parallel_loop3A_459 {strides = array<i32>} : memref<2x32x128xf32, #tpu.memory_space<vmem>>, vector<1x1x16xf32>,
        %parallel_loop3A_460 = arith.constant 1 : i32
        %parallel_loop3A_461 = arith.index_cast %parallel_loop3A_460 : i32 to index
        %parallel_loop3A_462 = arith.index_cast %parallel_loop3A_284 : i32 to index
        %parallel_loop3A_463 = arith.constant 80 : index
        %parallel_loop3A_464 = tpu.vector_load %arg11[%parallel_loop3A_461, %parallel_loop3A_462, %parallel_loop3A_463] {strides = array<i32>} : memref<2x32x128xf32, #tpu.memory_space<vmem>>, vector<1x1x16xf32>,
        %parallel_loop3A_465 = vector.shape_cast %parallel_loop3A_464 : vector<1x1x16xf32> to vector<16xf32>
        %parallel_loop3A_466 = arith.constant 1 : i32
        %parallel_loop3A_467 = arith.index_cast %parallel_loop3A_466 : i32 to index
        %parallel_loop3A_468 = arith.index_cast %parallel_loop3A_284 : i32 to index
        %parallel_loop3A_469 = arith.constant 80 : index
        %parallel_loop3A_470 = tpu.vector_load %arg12[%parallel_loop3A_467, %parallel_loop3A_468, %parallel_loop3A_469] {strides = array<i32>} : memref<2x32x128xf32, #tpu.memory_space<vmem>>, vector<1x1x16xf32>,
        %parallel_loop3A_471 = vector.shape_cast %parallel_loop3A_470 : vector<1x1x16xf32> to vector<16xf32>
        %parallel_loop3A_472 = arith.addf %parallel_loop3A_465, %parallel_loop3A_471 : vector<16xf32>
        %parallel_loop3A_473 = arith.constant 1 : i32
        %parallel_loop3A_474 = arith.index_cast %parallel_loop3A_473 : i32 to index
        %parallel_loop3A_475 = arith.index_cast %parallel_loop3A_284 : i32 to index
        %parallel_loop3A_476 = arith.constant 80 : index
        %parallel_loop3A_477 = tpu.vector_load %arg13[%parallel_loop3A_474, %parallel_loop3A_475, %parallel_loop3A_476] {strides = array<i32>} : memref<2x32x128xf32, #tpu.memory_space<vmem>>, vector<1x1x16xf32>,
        %parallel_loop3A_478 = vector.shape_cast %parallel_loop3A_477 : vector<1x1x16xf32> to vector<16xf32>
        %parallel_loop3A_479 = arith.addf %parallel_loop3A_472, %parallel_loop3A_478 : vector<16xf32>
        %parallel_loop3A_480 = arith.constant 0.000000e+00 : f32
        %parallel_loop3A_481 = vector.broadcast %parallel_loop3A_480 : f32 to vector<16xf32>
        %parallel_loop3A_482 = arith.subf %parallel_loop3A_481, %parallel_loop3A_479 : vector<16xf32>
        %parallel_loop3A_483 = math.exp %parallel_loop3A_482 : vector<16xf32>
        %parallel_loop3A_484 = arith.constant 1.000000e+00 : f32
        %parallel_loop3A_485 = vector.broadcast %parallel_loop3A_484 : f32 to vector<16xf32>
        %parallel_loop3A_486 = arith.addf %parallel_loop3A_485, %parallel_loop3A_483 : vector<16xf32>
        %parallel_loop3A_487 = arith.divf %parallel_loop3A_479, %parallel_loop3A_486 : vector<16xf32>
        %parallel_loop3A_488 = arith.constant 1 : i32
        %parallel_loop3A_489 = arith.index_cast %parallel_loop3A_488 : i32 to index
        %parallel_loop3A_490 = arith.index_cast %parallel_loop3A_284 : i32 to index
        %parallel_loop3A_491 = arith.constant 80 : index
        %parallel_loop3A_492 = tpu.vector_load %arg13[%parallel_loop3A_489, %parallel_loop3A_490, %parallel_loop3A_491] {strides = array<i32>} : memref<2x32x128xf32, #tpu.memory_space<vmem>>, vector<1x1x16xf32>,
        %parallel_loop3A_493 = vector.shape_cast %parallel_loop3A_492 : vector<1x1x16xf32> to vector<16xf32>
        %parallel_loop3A_494 = vector.shape_cast %parallel_loop3A_487 : vector<16xf32> to vector<1x1x16xf32>
        tpu.vector_store %arg13[%parallel_loop3A_489, %parallel_loop3A_490, %parallel_loop3A_491], %parallel_loop3A_494 {strides = array<i32>} : memref<2x32x128xf32, #tpu.memory_space<vmem>>, vector<1x1x16xf32>,
        %parallel_loop3A_495 = arith.constant 1 : i32
        %parallel_loop3A_496 = arith.index_cast %parallel_loop3A_495 : i32 to index
        %parallel_loop3A_497 = arith.index_cast %parallel_loop3A_284 : i32 to index
        %parallel_loop3A_498 = arith.constant 96 : index
        %parallel_loop3A_499 = tpu.vector_load %arg11[%parallel_loop3A_496, %parallel_loop3A_497, %parallel_loop3A_498] {strides = array<i32>} : memref<2x32x128xf32, #tpu.memory_space<vmem>>, vector<1x1x16xf32>,
        %parallel_loop3A_500 = vector.shape_cast %parallel_loop3A_499 : vector<1x1x16xf32> to vector<16xf32>
        %parallel_loop3A_501 = arith.constant 1 : i32
        %parallel_loop3A_502 = arith.index_cast %parallel_loop3A_501 : i32 to index
        %parallel_loop3A_503 = arith.index_cast %parallel_loop3A_284 : i32 to index
        %parallel_loop3A_504 = arith.constant 96 : index
        %parallel_loop3A_505 = tpu.vector_load %arg12[%parallel_loop3A_502, %parallel_loop3A_503, %parallel_loop3A_504] {strides = array<i32>} : memref<2x32x128xf32, #tpu.memory_space<vmem>>, vector<1x1x16xf32>,
        %parallel_loop3A_506 = vector.shape_cast %parallel_loop3A_505 : vector<1x1x16xf32> to vector<16xf32>
        %parallel_loop3A_507 = arith.addf %parallel_loop3A_500, %parallel_loop3A_506 : vector<16xf32>
        %parallel_loop3A_508 = arith.constant 1 : i32
        %parallel_loop3A_509 = arith.index_cast %parallel_loop3A_508 : i32 to index
        %parallel_loop3A_510 = arith.index_cast %parallel_loop3A_284 : i32 to index
        %parallel_loop3A_511 = arith.constant 96 : index
        %parallel_loop3A_512 = tpu.vector_load %arg13[%parallel_loop3A_509, %parallel_loop3A_510, %parallel_loop3A_511] {strides = array<i32>} : memref<2x32x128xf32, #tpu.memory_space<vmem>>, vector<1x1x16xf32>,
        %parallel_loop3A_513 = vector.shape_cast %parallel_loop3A_512 : vector<1x1x16xf32> to vector<16xf32>
        %parallel_loop3A_514 = arith.addf %parallel_loop3A_507, %parallel_loop3A_513 : vector<16xf32>
        %parallel_loop3A_515 = arith.constant 0.000000e+00 : f32
        %parallel_loop3A_516 = vector.broadcast %parallel_loop3A_515 : f32 to vector<16xf32>
        %parallel_loop3A_517 = arith.subf %parallel_loop3A_516, %parallel_loop3A_514 : vector<16xf32>
        %parallel_loop3A_518 = math.exp %parallel_loop3A_517 : vector<16xf32>
        %parallel_loop3A_519 = arith.constant 1.000000e+00 : f32
        %parallel_loop3A_520 = vector.broadcast %parallel_loop3A_519 : f32 to vector<16xf32>
        %parallel_loop3A_521 = arith.addf %parallel_loop3A_520, %parallel_loop3A_518 : vector<16xf32>
        %parallel_loop3A_522 = arith.divf %parallel_loop3A_514, %parallel_loop3A_521 : vector<16xf32>
        %parallel_loop3A_523 = arith.constant 1 : i32
        %parallel_loop3A_524 = arith.index_cast %parallel_loop3A_523 : i32 to index
        %parallel_loop3A_525 = arith.index_cast %parallel_loop3A_284 : i32 to index
        %parallel_loop3A_526 = arith.constant 96 : index
        %parallel_loop3A_527 = tpu.vector_load %arg13[%parallel_loop3A_524, %parallel_loop3A_525, %parallel_loop3A_526] {strides = array<i32>} : memref<2x32x128xf32, #tpu.memory_space<vmem>>, vector<1x1x16xf32>,
        %parallel_loop3A_528 = vector.shape_cast %parallel_loop3A_527 : vector<1x1x16xf32> to vector<16xf32>
        %parallel_loop3A_529 = vector.shape_cast %parallel_loop3A_522 : vector<16xf32> to vector<1x1x16xf32>
        tpu.vector_store %arg13[%parallel_loop3A_524, %parallel_loop3A_525, %parallel_loop3A_526], %parallel_loop3A_529 {strides = array<i32>} : memref<2x32x128xf32, #tpu.memory_space<vmem>>, vector<1x1x16xf32>,
        %parallel_loop3A_530 = arith.constant 1 : i32
        %parallel_loop3A_531 = arith.index_cast %parallel_loop3A_530 : i32 to index
        %parallel_loop3A_532 = arith.index_cast %parallel_loop3A_284 : i32 to index
        %parallel_loop3A_533 = arith.constant 112 : index
        %parallel_loop3A_534 = tpu.vector_load %arg11[%parallel_loop3A_531, %parallel_loop3A_532, %parallel_loop3A_533] {strides = array<i32>} : memref<2x32x128xf32, #tpu.memory_space<vmem>>, vector<1x1x16xf32>,
        %parallel_loop3A_535 = vector.shape_cast %parallel_loop3A_534 : vector<1x1x16xf32> to vector<16xf32>
        %parallel_loop3A_536 = arith.constant 1 : i32
        %parallel_loop3A_537 = arith.index_cast %parallel_loop3A_536 : i32 to index
        %parallel_loop3A_538 = arith.index_cast %parallel_loop3A_284 : i32 to index
        %parallel_loop3A_539 = arith.constant 112 : index
        %parallel_loop3A_540 = tpu.vector_load %arg12[%parallel_loop3A_537, %parallel_loop3A_538, %parallel_loop3A_539] {strides = array<i32>} : memref<2x32x128xf32, #tpu.memory_space<vmem>>, vector<1x1x16xf32>,
        %parallel_loop3A_541 = vector.shape_cast %parallel_loop3A_540 : vector<1x1x16xf32> to vector<16xf32>
        %parallel_loop3A_542 = arith.addf %parallel_loop3A_535, %parallel_loop3A_541 : vector<16xf32>
        %parallel_loop3A_543 = arith.constant 1 : i32
        %parallel_loop3A_544 = arith.index_cast %parallel_loop3A_543 : i32 to index
        %parallel_loop3A_545 = arith.index_cast %parallel_loop3A_284 : i32 to index
        %parallel_loop3A_546 = arith.constant 112 : index
        %parallel_loop3A_547 = tpu.vector_load %arg13[%parallel_loop3A_544, %parallel_loop3A_545, %parallel_loop3A_546] {strides = array<i32>} : memref<2x32x128xf32, #tpu.memory_space<vmem>>, vector<1x1x16xf32>,
        %parallel_loop3A_548 = vector.shape_cast %parallel_loop3A_547 : vector<1x1x16xf32> to vector<16xf32>
        %parallel_loop3A_549 = arith.addf %parallel_loop3A_542, %parallel_loop3A_548 : vector<16xf32>
        %parallel_loop3A_550 = arith.constant 0.000000e+00 : f32
        %parallel_loop3A_551 = vector.broadcast %parallel_loop3A_550 : f32 to vector<16xf32>
        %parallel_loop3A_552 = arith.subf %parallel_loop3A_551, %parallel_loop3A_549 : vector<16xf32>
        %parallel_loop3A_553 = math.exp %parallel_loop3A_552 : vector<16xf32>
        %parallel_loop3A_554 = arith.constant 1.000000e+00 : f32
        %parallel_loop3A_555 = vector.broadcast %parallel_loop3A_554 : f32 to vector<16xf32>
        %parallel_loop3A_556 = arith.addf %parallel_loop3A_555, %parallel_loop3A_553 : vector<16xf32>
        %parallel_loop3A_557 = arith.divf %parallel_loop3A_549, %parallel_loop3A_556 : vector<16xf32>
        %parallel_loop3A_558 = arith.constant 1 : i32
        %parallel_loop3A_559 = arith.index_cast %parallel_loop3A_558 : i32 to index
        %parallel_loop3A_560 = arith.index_cast %parallel_loop3A_284 : i32 to index
        %parallel_loop3A_561 = arith.constant 112 : index
        %parallel_loop3A_562 = tpu.vector_load %arg13[%parallel_loop3A_559, %parallel_loop3A_560, %parallel_loop3A_561] {strides = array<i32>} : memref<2x32x128xf32, #tpu.memory_space<vmem>>, vector<1x1x16xf32>,
        %parallel_loop3A_563 = vector.shape_cast %parallel_loop3A_562 : vector<1x1x16xf32> to vector<16xf32>
        %parallel_loop3A_564 = vector.shape_cast %parallel_loop3A_557 : vector<16xf32> to vector<1x1x16xf32>
        tpu.vector_store %arg13[%parallel_loop3A_559, %parallel_loop3A_560, %parallel_loop3A_561], %parallel_loop3A_564 {strides = array<i32>} : memref<2x32x128xf32, #tpu.memory_space<vmem>>, vector<1x1x16xf32>,
      } {sc.loop_unroll_factor = 2 : i64, sc.parallel_access}
      %run_scoped3A_281 = arith.constant 1 : i32
      %run_scoped3A_282 = arith.constant 1 : i32
      "tpu.region"() ({
        %run_scoped3A_284 = tpu.sem_alloc : memref<!tpu.dma_semaphore, #tpu.memory_space<semaphore_mem>>
        %dma_start3A_285 = arith.constant 0 : i32
        %dma_start3A_286 = arith.constant 0 : i32
        %dma_start3A_287 = tpu.memref_slice %arg13[%run_scoped3A_281, %dma_start3A_285, %dma_start3A_286] : memref<2x32x128xf32, #tpu.memory_space<vmem>> -> memref<1x32x128xf32, #tpu.memory_space<vmem>>
        %dma_start3A_288 = tpu.memref_squeeze %dma_start3A_287 : memref<1x32x128xf32, #tpu.memory_space<vmem>> -> memref<32x128xf32, #tpu.memory_space<vmem>>
        %dma_start3A_289 = arith.constant 0 : i32
        %dma_start3A_290 = tpu.memref_slice %arg9[%run_scoped3A_282, %dma_start3A_289] : memref<2x32xi32, #tpu.memory_space<vmem>> -> memref<1x32xi32, #tpu.memory_space<vmem>>
        %dma_start3A_291 = tpu.memref_squeeze %dma_start3A_290 : memref<1x32xi32, #tpu.memory_space<vmem>> -> memref<32xi32, #tpu.memory_space<vmem>>
        %dma_start3A_292 = arith.constant 0 : i32
        %dma_start3A_293 = arith.constant 0 : i32
        %dma_start3A_294 = tpu.memref_slice %arg14[%dma_start3A_292, %dma_start3A_293] : memref<10112x128xf32, #tpu.memory_space<vmem_shared>> -> memref<10112x128xf32, #tpu.memory_space<vmem_shared>>
        tpu.enqueue_indirect_dma source(%dma_start3A_288 : memref<32x128xf32, #tpu.memory_space<vmem>>) target(%dma_start3A_294 : memref<10112x128xf32, #tpu.memory_space<vmem_shared>>) offsets(%dma_start3A_291 : memref<32xi32, #tpu.memory_space<vmem>>) semaphore(%run_scoped3A_284 : memref<!tpu.dma_semaphore, #tpu.memory_space<semaphore_mem>>) {add = true}
        %dma_wait3A_295 = arith.constant 0 : i32
        %dma_wait3A_296 = arith.constant 0 : i32
        %dma_wait3A_297 = tpu.memref_slice %arg13[%run_scoped3A_281, %dma_wait3A_295, %dma_wait3A_296] : memref<2x32x128xf32, #tpu.memory_space<vmem>> -> memref<1x32x128xf32, #tpu.memory_space<vmem>>
        %dma_wait3A_298 = tpu.memref_squeeze %dma_wait3A_297 : memref<1x32x128xf32, #tpu.memory_space<vmem>> -> memref<32x128xf32, #tpu.memory_space<vmem>>
        %dma_wait3A_299 = arith.constant 0 : i32
        %dma_wait3A_300 = tpu.memref_slice %arg9[%run_scoped3A_282, %dma_wait3A_299] : memref<2x32xi32, #tpu.memory_space<vmem>> -> memref<1x32xi32, #tpu.memory_space<vmem>>
        %dma_wait3A_301 = tpu.memref_squeeze %dma_wait3A_300 : memref<1x32xi32, #tpu.memory_space<vmem>> -> memref<32xi32, #tpu.memory_space<vmem>>
        %dma_wait3A_302 = arith.constant 0 : i32
        %dma_wait3A_303 = arith.constant 0 : i32
        %dma_wait3A_304 = tpu.memref_slice %arg14[%dma_wait3A_302, %dma_wait3A_303] : memref<10112x128xf32, #tpu.memory_space<vmem_shared>> -> memref<10112x128xf32, #tpu.memory_space<vmem_shared>>
        tpu.wait_indirect_dma semaphore(%run_scoped3A_284 : memref<!tpu.dma_semaphore, #tpu.memory_space<semaphore_mem>>) src(%dma_wait3A_298 : memref<32x128xf32, #tpu.memory_space<vmem>>) dst(%dma_wait3A_304 : memref<10112x128xf32, #tpu.memory_space<vmem_shared>>)
        tpu.yield
      }) : () -> ()
      %scan3A_283 = arith.constant 0 : i32
      scf.yield %scan3A_283 : i32
    }
    %scan3A_75 = arith.constant 158 : i32
    %barrier3A_76 = arith.constant 0 : index
    tpu.barrier barrier_id(%barrier3A_76)
    %while3A_77 = arith.constant 0 : i32
    %while3A_78 = arith.constant 0 : i32
    %while3A_79 = arith.subi %select_n3A, %while3A_77 : i32
    %while3A_80 = arith.addi %while3A_77, %while3A_79 : i32
    %while3A_81 = arith.constant 1 : i32
    %while3A_82 = arith.divsi %while3A_79, %while3A_81 : i32
    %while3A_83 = arith.muli %while3A_82, %while3A_81 : i32
    %while3A_84 = arith.addi %while3A_77, %while3A_83 : i32
    %while3A_85 = arith.constant 1 : i32
    %while3A_86 = scf.for %while3A_142 = %while3A_77 to %while3A_84 step %while3A_85 iter_args(%while3A_143 = %while3A_78) -> (i32)  : i32 {
      %mul3A_144 = arith.constant 32 : i32
      %mul3A_145 = arith.muli %while3A_142, %mul3A_144 : i32
      %add3A_146 = arith.addi %mul3A_14, %mul3A_145 : i32
      %scan3A_147 = arith.constant 0 : i32
      %scan3A_148 = arith.constant 0 : i32
      %scan3A_149 = arith.constant 2 : i32
      %scan3A_150 = arith.addi %scan3A_148, %scan3A_149 : i32
      %scan3A_151 = arith.constant 1 : i32
      %scan3A_152 = scf.for %scan3A_179 = %scan3A_148 to %scan3A_150 step %scan3A_151 iter_args(%scan3A_180 = %scan3A_147) -> (i32)  : i32 {
        %iota3A = tpu.iota {dimensions = array<i32: 0>} : vector<16xi32>
        %add3A_181 = vector.broadcast %add3A_146 : i32 to vector<16xi32>
        %add3A_182 = arith.addi %iota3A, %add3A_181 : vector<16xi32>
        %mul3A_183 = arith.constant 16 : i32
        %mul3A_184 = arith.muli %scan3A_179, %mul3A_183 : i32
        %add3A_185 = vector.broadcast %mul3A_184 : i32 to vector<16xi32>
        %add3A_186 = arith.addi %add3A_182, %add3A_185 : vector<16xi32>
        %mul3A_187 = arith.constant 16 : i32
        %mul3A_188 = arith.muli %scan3A_179, %mul3A_187 : i32
        %swap3A = arith.constant 0 : i32
        %swap3A_189 = arith.index_cast %swap3A : i32 to index
        %swap3A_190 = arith.index_cast %mul3A_188 : i32 to index
        %swap3A_191 = tpu.vector_load %arg9[%swap3A_189, %swap3A_190] {strides = array<i32>} : memref<2x32xi32, #tpu.memory_space<vmem>>, vector<1x16xi32>,
        %swap3A_192 = vector.shape_cast %swap3A_191 : vector<1x16xi32> to vector<16xi32>
        %swap3A_193 = vector.shape_cast %add3A_186 : vector<16xi32> to vector<1x16xi32>
        tpu.vector_store %arg9[%swap3A_189, %swap3A_190], %swap3A_193 {strides = array<i32>} : memref<2x32xi32, #tpu.memory_space<vmem>>, vector<1x16xi32>,
        %scan3A_194 = arith.constant 0 : i32
        scf.yield %scan3A_194 : i32
      }
      %scan3A_153 = arith.constant 2 : i32
      %dma_start3A_154 = arith.constant 0 : i32
      %dma_start3A_155 = arith.constant 0 : i32
      %dma_start3A_156 = arith.constant 0 : i32
      %dma_start3A_157 = arith.constant 0 : i32
      %dma_start3A_158 = tpu.memref_slice %arg11[%dma_start3A_155, %dma_start3A_156, %dma_start3A_157] : memref<2x32x128xf32, #tpu.memory_space<vmem>> -> memref<1x32x128xf32, #tpu.memory_space<vmem>>
      %dma_start3A_159 = tpu.memref_squeeze %dma_start3A_158 : memref<1x32x128xf32, #tpu.memory_space<vmem>> -> memref<32x128xf32, #tpu.memory_space<vmem>>
      %dma_start3A_160 = arith.constant 0 : i32
      %dma_start3A_161 = tpu.memref_slice %arg9[%dma_start3A_154, %dma_start3A_160] : memref<2x32xi32, #tpu.memory_space<vmem>> -> memref<1x32xi32, #tpu.memory_space<vmem>>
      %dma_start3A_162 = tpu.memref_squeeze %dma_start3A_161 : memref<1x32xi32, #tpu.memory_space<vmem>> -> memref<32xi32, #tpu.memory_space<vmem>>
      %dma_start3A_163 = arith.constant 0 : i32
      %dma_start3A_164 = arith.constant 0 : i32
      %dma_start3A_165 = tpu.memref_slice %arg14[%dma_start3A_163, %dma_start3A_164] : memref<10112x128xf32, #tpu.memory_space<vmem_shared>> -> memref<10112x128xf32, #tpu.memory_space<vmem_shared>>
      tpu.enqueue_indirect_dma source(%dma_start3A_165 : memref<10112x128xf32, #tpu.memory_space<vmem_shared>>) target(%dma_start3A_159 : memref<32x128xf32, #tpu.memory_space<vmem>>) offsets(%dma_start3A_162 : memref<32xi32, #tpu.memory_space<vmem>>) semaphore(%arg15 : memref<!tpu.dma_semaphore, #tpu.memory_space<semaphore_mem>>)
      %dma_wait3A = arith.constant 0 : i32
      %dma_wait3A_166 = arith.constant 0 : i32
      %dma_wait3A_167 = arith.constant 0 : i32
      %dma_wait3A_168 = arith.constant 0 : i32
      %dma_wait3A_169 = tpu.memref_slice %arg11[%dma_wait3A_166, %dma_wait3A_167, %dma_wait3A_168] : memref<2x32x128xf32, #tpu.memory_space<vmem>> -> memref<1x32x128xf32, #tpu.memory_space<vmem>>
      %dma_wait3A_170 = tpu.memref_squeeze %dma_wait3A_169 : memref<1x32x128xf32, #tpu.memory_space<vmem>> -> memref<32x128xf32, #tpu.memory_space<vmem>>
      %dma_wait3A_171 = arith.constant 0 : i32
      %dma_wait3A_172 = tpu.memref_slice %arg9[%dma_wait3A, %dma_wait3A_171] : memref<2x32xi32, #tpu.memory_space<vmem>> -> memref<1x32xi32, #tpu.memory_space<vmem>>
      %dma_wait3A_173 = tpu.memref_squeeze %dma_wait3A_172 : memref<1x32xi32, #tpu.memory_space<vmem>> -> memref<32xi32, #tpu.memory_space<vmem>>
      %dma_wait3A_174 = arith.constant 0 : i32
      %dma_wait3A_175 = arith.constant 0 : i32
      %dma_wait3A_176 = tpu.memref_slice %arg14[%dma_wait3A_174, %dma_wait3A_175] : memref<10112x128xf32, #tpu.memory_space<vmem_shared>> -> memref<10112x128xf32, #tpu.memory_space<vmem_shared>>
      tpu.wait_indirect_dma semaphore(%arg15 : memref<!tpu.dma_semaphore, #tpu.memory_space<semaphore_mem>>) src(%dma_wait3A_176 : memref<10112x128xf32, #tpu.memory_space<vmem_shared>>) dst(%dma_wait3A_170 : memref<32x128xf32, #tpu.memory_space<vmem>>)
      %run_scoped3A_177 = arith.constant 0 : i32
      "tpu.region"() ({
        %run_scoped3A_179 = tpu.sem_alloc : memref<!tpu.dma_semaphore, #tpu.memory_space<semaphore_mem>>
        %dma_start3A_180 = arith.constant 0 : i32
        %dma_start3A_181 = arith.constant 0 : i32
        %dma_start3A_182 = tpu.memref_slice %arg11[%run_scoped3A_177, %dma_start3A_180, %dma_start3A_181] : memref<2x32x128xf32, #tpu.memory_space<vmem>> -> memref<1x32x128xf32, #tpu.memory_space<vmem>>
        %dma_start3A_183 = tpu.memref_squeeze %dma_start3A_182 : memref<1x32x128xf32, #tpu.memory_space<vmem>> -> memref<32x128xf32, #tpu.memory_space<vmem>>
        %dma_start3A_184 = arith.constant 0 : i32
        %dma_start3A_185 = tpu.memref_slice %arg7[%arg0, %add3A_146, %dma_start3A_184] : memref<2x10112x128xf32, #tpu.memory_space<hbm>> -> memref<1x32x128xf32, #tpu.memory_space<hbm>>
        %dma_start3A_186 = tpu.memref_squeeze %dma_start3A_185 : memref<1x32x128xf32, #tpu.memory_space<hbm>> -> memref<32x128xf32, #tpu.memory_space<hbm>>
        %dma_start3A_187 = arith.constant 0 : i32
        %dma_start3A_188 = tpu.memref_slice %arg7[%arg0, %add3A_146, %dma_start3A_187] : memref<2x10112x128xf32, #tpu.memory_space<hbm>> -> memref<1x32x128xf32, #tpu.memory_space<hbm>>
        %dma_start3A_189 = tpu.memref_squeeze %dma_start3A_188 : memref<1x32x128xf32, #tpu.memory_space<hbm>> -> memref<32x128xf32, #tpu.memory_space<hbm>>
        %dma_start3A_190 = arith.constant 0 : i32
        %dma_start3A_191 = arith.constant 0 : i32
        %dma_start3A_192 = tpu.memref_slice %arg11[%run_scoped3A_177, %dma_start3A_190, %dma_start3A_191] : memref<2x32x128xf32, #tpu.memory_space<vmem>> -> memref<1x32x128xf32, #tpu.memory_space<vmem>>
        %dma_start3A_193 = tpu.memref_squeeze %dma_start3A_192 : memref<1x32x128xf32, #tpu.memory_space<vmem>> -> memref<32x128xf32, #tpu.memory_space<vmem>>
        tpu.enqueue_dma source(%dma_start3A_193 : memref<32x128xf32, #tpu.memory_space<vmem>>) target(%dma_start3A_189 : memref<32x128xf32, #tpu.memory_space<hbm>>) target_semaphore(%run_scoped3A_179 : memref<!tpu.dma_semaphore, #tpu.memory_space<semaphore_mem>>)
        %dma_wait3A_194 = arith.constant 0 : i32
        %dma_wait3A_195 = arith.constant 0 : i32
        %dma_wait3A_196 = tpu.memref_slice %arg11[%run_scoped3A_177, %dma_wait3A_194, %dma_wait3A_195] : memref<2x32x128xf32, #tpu.memory_space<vmem>> -> memref<1x32x128xf32, #tpu.memory_space<vmem>>
        %dma_wait3A_197 = tpu.memref_squeeze %dma_wait3A_196 : memref<1x32x128xf32, #tpu.memory_space<vmem>> -> memref<32x128xf32, #tpu.memory_space<vmem>>
        %dma_wait3A_198 = arith.constant 0 : i32
        %dma_wait3A_199 = tpu.memref_slice %arg7[%arg0, %add3A_146, %dma_wait3A_198] : memref<2x10112x128xf32, #tpu.memory_space<hbm>> -> memref<1x32x128xf32, #tpu.memory_space<hbm>>
        %dma_wait3A_200 = tpu.memref_squeeze %dma_wait3A_199 : memref<1x32x128xf32, #tpu.memory_space<hbm>> -> memref<32x128xf32, #tpu.memory_space<hbm>>
        %dma_wait3A_201 = arith.constant 0 : i32
        %dma_wait3A_202 = tpu.memref_slice %arg7[%arg0, %add3A_146, %dma_wait3A_201] : memref<2x10112x128xf32, #tpu.memory_space<hbm>> -> memref<1x32x128xf32, #tpu.memory_space<hbm>>
        %dma_wait3A_203 = tpu.memref_squeeze %dma_wait3A_202 : memref<1x32x128xf32, #tpu.memory_space<hbm>> -> memref<32x128xf32, #tpu.memory_space<hbm>>
        %dma_wait3A_204 = arith.constant 0 : i32
        %dma_wait3A_205 = arith.constant 0 : i32
        %dma_wait3A_206 = tpu.memref_slice %arg11[%run_scoped3A_177, %dma_wait3A_204, %dma_wait3A_205] : memref<2x32x128xf32, #tpu.memory_space<vmem>> -> memref<1x32x128xf32, #tpu.memory_space<vmem>>
        %dma_wait3A_207 = tpu.memref_squeeze %dma_wait3A_206 : memref<1x32x128xf32, #tpu.memory_space<vmem>> -> memref<32x128xf32, #tpu.memory_space<vmem>>
        tpu.wait_dma2 semaphore(%run_scoped3A_179 : memref<!tpu.dma_semaphore, #tpu.memory_space<semaphore_mem>>) src(%dma_wait3A_207 : memref<32x128xf32, #tpu.memory_space<vmem>>) dst(%dma_wait3A_203 : memref<32x128xf32, #tpu.memory_space<hbm>>)
        tpu.yield
      }) : () -> ()
      %while3A_178 = arith.constant 0 : i32
      scf.yield %while3A_178 : i32
    }
    %while3A_87 = arith.constant 1 : i32
    %while3A_88 = scf.for %while3A_142 = %while3A_84 to %while3A_80 step %while3A_87 iter_args(%while3A_143 = %while3A_86) -> (i32)  : i32 {
      %mul3A_144 = arith.constant 32 : i32
      %mul3A_145 = arith.muli %while3A_142, %mul3A_144 : i32
      %add3A_146 = arith.addi %mul3A_14, %mul3A_145 : i32
      %scan3A_147 = arith.constant 0 : i32
      %scan3A_148 = arith.constant 0 : i32
      %scan3A_149 = arith.constant 2 : i32
      %scan3A_150 = arith.addi %scan3A_148, %scan3A_149 : i32
      %scan3A_151 = arith.constant 1 : i32
      %scan3A_152 = scf.for %scan3A_179 = %scan3A_148 to %scan3A_150 step %scan3A_151 iter_args(%scan3A_180 = %scan3A_147) -> (i32)  : i32 {
        %iota3A = tpu.iota {dimensions = array<i32: 0>} : vector<16xi32>
        %add3A_181 = vector.broadcast %add3A_146 : i32 to vector<16xi32>
        %add3A_182 = arith.addi %iota3A, %add3A_181 : vector<16xi32>
        %mul3A_183 = arith.constant 16 : i32
        %mul3A_184 = arith.muli %scan3A_179, %mul3A_183 : i32
        %add3A_185 = vector.broadcast %mul3A_184 : i32 to vector<16xi32>
        %add3A_186 = arith.addi %add3A_182, %add3A_185 : vector<16xi32>
        %mul3A_187 = arith.constant 16 : i32
        %mul3A_188 = arith.muli %scan3A_179, %mul3A_187 : i32
        %swap3A = arith.constant 0 : i32
        %swap3A_189 = arith.index_cast %swap3A : i32 to index
        %swap3A_190 = arith.index_cast %mul3A_188 : i32 to index
        %swap3A_191 = tpu.vector_load %arg9[%swap3A_189, %swap3A_190] {strides = array<i32>} : memref<2x32xi32, #tpu.memory_space<vmem>>, vector<1x16xi32>,
        %swap3A_192 = vector.shape_cast %swap3A_191 : vector<1x16xi32> to vector<16xi32>
        %swap3A_193 = vector.shape_cast %add3A_186 : vector<16xi32> to vector<1x16xi32>
        tpu.vector_store %arg9[%swap3A_189, %swap3A_190], %swap3A_193 {strides = array<i32>} : memref<2x32xi32, #tpu.memory_space<vmem>>, vector<1x16xi32>,
        %scan3A_194 = arith.constant 0 : i32
        scf.yield %scan3A_194 : i32
      }
      %scan3A_153 = arith.constant 2 : i32
      %dma_start3A_154 = arith.constant 0 : i32
      %dma_start3A_155 = arith.constant 0 : i32
      %dma_start3A_156 = arith.constant 0 : i32
      %dma_start3A_157 = arith.constant 0 : i32
      %dma_start3A_158 = tpu.memref_slice %arg11[%dma_start3A_155, %dma_start3A_156, %dma_start3A_157] : memref<2x32x128xf32, #tpu.memory_space<vmem>> -> memref<1x32x128xf32, #tpu.memory_space<vmem>>
      %dma_start3A_159 = tpu.memref_squeeze %dma_start3A_158 : memref<1x32x128xf32, #tpu.memory_space<vmem>> -> memref<32x128xf32, #tpu.memory_space<vmem>>
      %dma_start3A_160 = arith.constant 0 : i32
      %dma_start3A_161 = tpu.memref_slice %arg9[%dma_start3A_154, %dma_start3A_160] : memref<2x32xi32, #tpu.memory_space<vmem>> -> memref<1x32xi32, #tpu.memory_space<vmem>>
      %dma_start3A_162 = tpu.memref_squeeze %dma_start3A_161 : memref<1x32xi32, #tpu.memory_space<vmem>> -> memref<32xi32, #tpu.memory_space<vmem>>
      %dma_start3A_163 = arith.constant 0 : i32
      %dma_start3A_164 = arith.constant 0 : i32
      %dma_start3A_165 = tpu.memref_slice %arg14[%dma_start3A_163, %dma_start3A_164] : memref<10112x128xf32, #tpu.memory_space<vmem_shared>> -> memref<10112x128xf32, #tpu.memory_space<vmem_shared>>
      tpu.enqueue_indirect_dma source(%dma_start3A_165 : memref<10112x128xf32, #tpu.memory_space<vmem_shared>>) target(%dma_start3A_159 : memref<32x128xf32, #tpu.memory_space<vmem>>) offsets(%dma_start3A_162 : memref<32xi32, #tpu.memory_space<vmem>>) semaphore(%arg15 : memref<!tpu.dma_semaphore, #tpu.memory_space<semaphore_mem>>)
      %dma_wait3A = arith.constant 0 : i32
      %dma_wait3A_166 = arith.constant 0 : i32
      %dma_wait3A_167 = arith.constant 0 : i32
      %dma_wait3A_168 = arith.constant 0 : i32
      %dma_wait3A_169 = tpu.memref_slice %arg11[%dma_wait3A_166, %dma_wait3A_167, %dma_wait3A_168] : memref<2x32x128xf32, #tpu.memory_space<vmem>> -> memref<1x32x128xf32, #tpu.memory_space<vmem>>
      %dma_wait3A_170 = tpu.memref_squeeze %dma_wait3A_169 : memref<1x32x128xf32, #tpu.memory_space<vmem>> -> memref<32x128xf32, #tpu.memory_space<vmem>>
      %dma_wait3A_171 = arith.constant 0 : i32
      %dma_wait3A_172 = tpu.memref_slice %arg9[%dma_wait3A, %dma_wait3A_171] : memref<2x32xi32, #tpu.memory_space<vmem>> -> memref<1x32xi32, #tpu.memory_space<vmem>>
      %dma_wait3A_173 = tpu.memref_squeeze %dma_wait3A_172 : memref<1x32xi32, #tpu.memory_space<vmem>> -> memref<32xi32, #tpu.memory_space<vmem>>
      %dma_wait3A_174 = arith.constant 0 : i32
      %dma_wait3A_175 = arith.constant 0 : i32
      %dma_wait3A_176 = tpu.memref_slice %arg14[%dma_wait3A_174, %dma_wait3A_175] : memref<10112x128xf32, #tpu.memory_space<vmem_shared>> -> memref<10112x128xf32, #tpu.memory_space<vmem_shared>>
      tpu.wait_indirect_dma semaphore(%arg15 : memref<!tpu.dma_semaphore, #tpu.memory_space<semaphore_mem>>) src(%dma_wait3A_176 : memref<10112x128xf32, #tpu.memory_space<vmem_shared>>) dst(%dma_wait3A_170 : memref<32x128xf32, #tpu.memory_space<vmem>>)
      %run_scoped3A_177 = arith.constant 0 : i32
      "tpu.region"() ({
        %run_scoped3A_179 = tpu.sem_alloc : memref<!tpu.dma_semaphore, #tpu.memory_space<semaphore_mem>>
        %dma_start3A_180 = arith.constant 0 : i32
        %dma_start3A_181 = arith.constant 0 : i32
        %dma_start3A_182 = tpu.memref_slice %arg11[%run_scoped3A_177, %dma_start3A_180, %dma_start3A_181] : memref<2x32x128xf32, #tpu.memory_space<vmem>> -> memref<1x32x128xf32, #tpu.memory_space<vmem>>
        %dma_start3A_183 = tpu.memref_squeeze %dma_start3A_182 : memref<1x32x128xf32, #tpu.memory_space<vmem>> -> memref<32x128xf32, #tpu.memory_space<vmem>>
        %dma_start3A_184 = arith.constant 0 : i32
        %dma_start3A_185 = tpu.memref_slice %arg7[%arg0, %add3A_146, %dma_start3A_184] : memref<2x10112x128xf32, #tpu.memory_space<hbm>> -> memref<1x32x128xf32, #tpu.memory_space<hbm>>
        %dma_start3A_186 = tpu.memref_squeeze %dma_start3A_185 : memref<1x32x128xf32, #tpu.memory_space<hbm>> -> memref<32x128xf32, #tpu.memory_space<hbm>>
        %dma_start3A_187 = arith.constant 0 : i32
        %dma_start3A_188 = tpu.memref_slice %arg7[%arg0, %add3A_146, %dma_start3A_187] : memref<2x10112x128xf32, #tpu.memory_space<hbm>> -> memref<1x32x128xf32, #tpu.memory_space<hbm>>
        %dma_start3A_189 = tpu.memref_squeeze %dma_start3A_188 : memref<1x32x128xf32, #tpu.memory_space<hbm>> -> memref<32x128xf32, #tpu.memory_space<hbm>>
        %dma_start3A_190 = arith.constant 0 : i32
        %dma_start3A_191 = arith.constant 0 : i32
        %dma_start3A_192 = tpu.memref_slice %arg11[%run_scoped3A_177, %dma_start3A_190, %dma_start3A_191] : memref<2x32x128xf32, #tpu.memory_space<vmem>> -> memref<1x32x128xf32, #tpu.memory_space<vmem>>
        %dma_start3A_193 = tpu.memref_squeeze %dma_start3A_192 : memref<1x32x128xf32, #tpu.memory_space<vmem>> -> memref<32x128xf32, #tpu.memory_space<vmem>>
        tpu.enqueue_dma source(%dma_start3A_193 : memref<32x128xf32, #tpu.memory_space<vmem>>) target(%dma_start3A_189 : memref<32x128xf32, #tpu.memory_space<hbm>>) target_semaphore(%run_scoped3A_179 : memref<!tpu.dma_semaphore, #tpu.memory_space<semaphore_mem>>)
        %dma_wait3A_194 = arith.constant 0 : i32
        %dma_wait3A_195 = arith.constant 0 : i32
        %dma_wait3A_196 = tpu.memref_slice %arg11[%run_scoped3A_177, %dma_wait3A_194, %dma_wait3A_195] : memref<2x32x128xf32, #tpu.memory_space<vmem>> -> memref<1x32x128xf32, #tpu.memory_space<vmem>>
        %dma_wait3A_197 = tpu.memref_squeeze %dma_wait3A_196 : memref<1x32x128xf32, #tpu.memory_space<vmem>> -> memref<32x128xf32, #tpu.memory_space<vmem>>
        %dma_wait3A_198 = arith.constant 0 : i32
        %dma_wait3A_199 = tpu.memref_slice %arg7[%arg0, %add3A_146, %dma_wait3A_198] : memref<2x10112x128xf32, #tpu.memory_space<hbm>> -> memref<1x32x128xf32, #tpu.memory_space<hbm>>
        %dma_wait3A_200 = tpu.memref_squeeze %dma_wait3A_199 : memref<1x32x128xf32, #tpu.memory_space<hbm>> -> memref<32x128xf32, #tpu.memory_space<hbm>>
        %dma_wait3A_201 = arith.constant 0 : i32
        %dma_wait3A_202 = tpu.memref_slice %arg7[%arg0, %add3A_146, %dma_wait3A_201] : memref<2x10112x128xf32, #tpu.memory_space<hbm>> -> memref<1x32x128xf32, #tpu.memory_space<hbm>>
        %dma_wait3A_203 = tpu.memref_squeeze %dma_wait3A_202 : memref<1x32x128xf32, #tpu.memory_space<hbm>> -> memref<32x128xf32, #tpu.memory_space<hbm>>
        %dma_wait3A_204 = arith.constant 0 : i32
        %dma_wait3A_205 = arith.constant 0 : i32
        %dma_wait3A_206 = tpu.memref_slice %arg11[%run_scoped3A_177, %dma_wait3A_204, %dma_wait3A_205] : memref<2x32x128xf32, #tpu.memory_space<vmem>> -> memref<1x32x128xf32, #tpu.memory_space<vmem>>
        %dma_wait3A_207 = tpu.memref_squeeze %dma_wait3A_206 : memref<1x32x128xf32, #tpu.memory_space<vmem>> -> memref<32x128xf32, #tpu.memory_space<vmem>>
        tpu.wait_dma2 semaphore(%run_scoped3A_179 : memref<!tpu.dma_semaphore, #tpu.memory_space<semaphore_mem>>) src(%dma_wait3A_207 : memref<32x128xf32, #tpu.memory_space<vmem>>) dst(%dma_wait3A_203 : memref<32x128xf32, #tpu.memory_space<hbm>>)
        tpu.yield
      }) : () -> ()
      %while3A_178 = arith.constant 0 : i32
      scf.yield %while3A_178 : i32
    }
    %barrier3A_89 = arith.constant 0 : index
    tpu.barrier barrier_id(%barrier3A_89)
    %scan3A_90 = arith.constant 0 : i32
    %scan3A_91 = arith.constant 0 : i32
    %scan3A_92 = arith.constant 32 : i32
    %scan3A_93 = arith.addi %scan3A_91, %scan3A_92 : i32
    %scan3A_94 = arith.constant 1 : i32
    %scan3A_95 = scf.for %scan3A_142 = %scan3A_91 to %scan3A_93 step %scan3A_94 iter_args(%scan3A_143 = %scan3A_90) -> (i32)  : i32 {
      %broadcast_in_dim3A = arith.constant 1.000000e+00 : f32
      %broadcast_in_dim3A_144 = vector.broadcast %broadcast_in_dim3A : f32 to vector<16xf32>
      %swap3A = arith.constant 0 : i32
      %swap3A_145 = arith.index_cast %swap3A : i32 to index
      %swap3A_146 = arith.index_cast %scan3A_142 : i32 to index
      %swap3A_147 = arith.constant 0 : index
      %swap3A_148 = tpu.vector_load %arg13[%swap3A_145, %swap3A_146, %swap3A_147] {strides = array<i32>} : memref<2x32x128xf32, #tpu.memory_space<vmem>>, vector<1x1x16xf32>,
      %swap3A_149 = vector.shape_cast %swap3A_148 : vector<1x1x16xf32> to vector<16xf32>
      %swap3A_150 = vector.shape_cast %broadcast_in_dim3A_144 : vector<16xf32> to vector<1x1x16xf32>
      tpu.vector_store %arg13[%swap3A_145, %swap3A_146, %swap3A_147], %swap3A_150 {strides = array<i32>} : memref<2x32x128xf32, #tpu.memory_space<vmem>>, vector<1x1x16xf32>,
      %broadcast_in_dim3A_151 = arith.constant 1.000000e+00 : f32
      %broadcast_in_dim3A_152 = vector.broadcast %broadcast_in_dim3A_151 : f32 to vector<16xf32>
      %swap3A_153 = arith.constant 0 : i32
      %swap3A_154 = arith.index_cast %swap3A_153 : i32 to index
      %swap3A_155 = arith.index_cast %scan3A_142 : i32 to index
      %swap3A_156 = arith.constant 16 : index
      %swap3A_157 = tpu.vector_load %arg13[%swap3A_154, %swap3A_155, %swap3A_156] {strides = array<i32>} : memref<2x32x128xf32, #tpu.memory_space<vmem>>, vector<1x1x16xf32>,
      %swap3A_158 = vector.shape_cast %swap3A_157 : vector<1x1x16xf32> to vector<16xf32>
      %swap3A_159 = vector.shape_cast %broadcast_in_dim3A_152 : vector<16xf32> to vector<1x1x16xf32>
      tpu.vector_store %arg13[%swap3A_154, %swap3A_155, %swap3A_156], %swap3A_159 {strides = array<i32>} : memref<2x32x128xf32, #tpu.memory_space<vmem>>, vector<1x1x16xf32>,
      %broadcast_in_dim3A_160 = arith.constant 1.000000e+00 : f32
      %broadcast_in_dim3A_161 = vector.broadcast %broadcast_in_dim3A_160 : f32 to vector<16xf32>
      %swap3A_162 = arith.constant 0 : i32
      %swap3A_163 = arith.index_cast %swap3A_162 : i32 to index
      %swap3A_164 = arith.index_cast %scan3A_142 : i32 to index
      %swap3A_165 = arith.constant 32 : index
      %swap3A_166 = tpu.vector_load %arg13[%swap3A_163, %swap3A_164, %swap3A_165] {strides = array<i32>} : memref<2x32x128xf32, #tpu.memory_space<vmem>>, vector<1x1x16xf32>,
      %swap3A_167 = vector.shape_cast %swap3A_166 : vector<1x1x16xf32> to vector<16xf32>
      %swap3A_168 = vector.shape_cast %broadcast_in_dim3A_161 : vector<16xf32> to vector<1x1x16xf32>
      tpu.vector_store %arg13[%swap3A_163, %swap3A_164, %swap3A_165], %swap3A_168 {strides = array<i32>} : memref<2x32x128xf32, #tpu.memory_space<vmem>>, vector<1x1x16xf32>,
      %broadcast_in_dim3A_169 = arith.constant 1.000000e+00 : f32
      %broadcast_in_dim3A_170 = vector.broadcast %broadcast_in_dim3A_169 : f32 to vector<16xf32>
      %swap3A_171 = arith.constant 0 : i32
      %swap3A_172 = arith.index_cast %swap3A_171 : i32 to index
      %swap3A_173 = arith.index_cast %scan3A_142 : i32 to index
      %swap3A_174 = arith.constant 48 : index
      %swap3A_175 = tpu.vector_load %arg13[%swap3A_172, %swap3A_173, %swap3A_174] {strides = array<i32>} : memref<2x32x128xf32, #tpu.memory_space<vmem>>, vector<1x1x16xf32>,
      %swap3A_176 = vector.shape_cast %swap3A_175 : vector<1x1x16xf32> to vector<16xf32>
      %swap3A_177 = vector.shape_cast %broadcast_in_dim3A_170 : vector<16xf32> to vector<1x1x16xf32>
      tpu.vector_store %arg13[%swap3A_172, %swap3A_173, %swap3A_174], %swap3A_177 {strides = array<i32>} : memref<2x32x128xf32, #tpu.memory_space<vmem>>, vector<1x1x16xf32>,
      %broadcast_in_dim3A_178 = arith.constant 1.000000e+00 : f32
      %broadcast_in_dim3A_179 = vector.broadcast %broadcast_in_dim3A_178 : f32 to vector<16xf32>
      %swap3A_180 = arith.constant 0 : i32
      %swap3A_181 = arith.index_cast %swap3A_180 : i32 to index
      %swap3A_182 = arith.index_cast %scan3A_142 : i32 to index
      %swap3A_183 = arith.constant 64 : index
      %swap3A_184 = tpu.vector_load %arg13[%swap3A_181, %swap3A_182, %swap3A_183] {strides = array<i32>} : memref<2x32x128xf32, #tpu.memory_space<vmem>>, vector<1x1x16xf32>,
      %swap3A_185 = vector.shape_cast %swap3A_184 : vector<1x1x16xf32> to vector<16xf32>
      %swap3A_186 = vector.shape_cast %broadcast_in_dim3A_179 : vector<16xf32> to vector<1x1x16xf32>
      tpu.vector_store %arg13[%swap3A_181, %swap3A_182, %swap3A_183], %swap3A_186 {strides = array<i32>} : memref<2x32x128xf32, #tpu.memory_space<vmem>>, vector<1x1x16xf32>,
      %broadcast_in_dim3A_187 = arith.constant 1.000000e+00 : f32
      %broadcast_in_dim3A_188 = vector.broadcast %broadcast_in_dim3A_187 : f32 to vector<16xf32>
      %swap3A_189 = arith.constant 0 : i32
      %swap3A_190 = arith.index_cast %swap3A_189 : i32 to index
      %swap3A_191 = arith.index_cast %scan3A_142 : i32 to index
      %swap3A_192 = arith.constant 80 : index
      %swap3A_193 = tpu.vector_load %arg13[%swap3A_190, %swap3A_191, %swap3A_192] {strides = array<i32>} : memref<2x32x128xf32, #tpu.memory_space<vmem>>, vector<1x1x16xf32>,
      %swap3A_194 = vector.shape_cast %swap3A_193 : vector<1x1x16xf32> to vector<16xf32>
      %swap3A_195 = vector.shape_cast %broadcast_in_dim3A_188 : vector<16xf32> to vector<1x1x16xf32>
      tpu.vector_store %arg13[%swap3A_190, %swap3A_191, %swap3A_192], %swap3A_195 {strides = array<i32>} : memref<2x32x128xf32, #tpu.memory_space<vmem>>, vector<1x1x16xf32>,
      %broadcast_in_dim3A_196 = arith.constant 1.000000e+00 : f32
      %broadcast_in_dim3A_197 = vector.broadcast %broadcast_in_dim3A_196 : f32 to vector<16xf32>
      %swap3A_198 = arith.constant 0 : i32
      %swap3A_199 = arith.index_cast %swap3A_198 : i32 to index
      %swap3A_200 = arith.index_cast %scan3A_142 : i32 to index
      %swap3A_201 = arith.constant 96 : index
      %swap3A_202 = tpu.vector_load %arg13[%swap3A_199, %swap3A_200, %swap3A_201] {strides = array<i32>} : memref<2x32x128xf32, #tpu.memory_space<vmem>>, vector<1x1x16xf32>,
      %swap3A_203 = vector.shape_cast %swap3A_202 : vector<1x1x16xf32> to vector<16xf32>
      %swap3A_204 = vector.shape_cast %broadcast_in_dim3A_197 : vector<16xf32> to vector<1x1x16xf32>
      tpu.vector_store %arg13[%swap3A_199, %swap3A_200, %swap3A_201], %swap3A_204 {strides = array<i32>} : memref<2x32x128xf32, #tpu.memory_space<vmem>>, vector<1x1x16xf32>,
      %broadcast_in_dim3A_205 = arith.constant 1.000000e+00 : f32
      %broadcast_in_dim3A_206 = vector.broadcast %broadcast_in_dim3A_205 : f32 to vector<16xf32>
      %swap3A_207 = arith.constant 0 : i32
      %swap3A_208 = arith.index_cast %swap3A_207 : i32 to index
      %swap3A_209 = arith.index_cast %scan3A_142 : i32 to index
      %swap3A_210 = arith.constant 112 : index
      %swap3A_211 = tpu.vector_load %arg13[%swap3A_208, %swap3A_209, %swap3A_210] {strides = array<i32>} : memref<2x32x128xf32, #tpu.memory_space<vmem>>, vector<1x1x16xf32>,
      %swap3A_212 = vector.shape_cast %swap3A_211 : vector<1x1x16xf32> to vector<16xf32>
      %swap3A_213 = vector.shape_cast %broadcast_in_dim3A_206 : vector<16xf32> to vector<1x1x16xf32>
      tpu.vector_store %arg13[%swap3A_208, %swap3A_209, %swap3A_210], %swap3A_213 {strides = array<i32>} : memref<2x32x128xf32, #tpu.memory_space<vmem>>, vector<1x1x16xf32>,
      %scan3A_214 = arith.constant 0 : i32
      scf.yield %scan3A_214 : i32
    }
    %scan3A_96 = arith.constant 32 : i32
    %scan3A_97 = arith.constant 0 : i32
    %scan3A_98 = arith.constant 0 : i32
    %scan3A_99 = arith.constant 32 : i32
    %scan3A_100 = arith.addi %scan3A_98, %scan3A_99 : i32
    %scan3A_101 = arith.constant 1 : i32
    %scan3A_102 = scf.for %scan3A_142 = %scan3A_98 to %scan3A_100 step %scan3A_101 iter_args(%scan3A_143 = %scan3A_97) -> (i32)  : i32 {
      %broadcast_in_dim3A = arith.constant 0.000000e+00 : f32
      %broadcast_in_dim3A_144 = vector.broadcast %broadcast_in_dim3A : f32 to vector<16xf32>
      %swap3A = arith.constant 0 : i32
      %swap3A_145 = arith.index_cast %swap3A : i32 to index
      %swap3A_146 = arith.index_cast %scan3A_142 : i32 to index
      %swap3A_147 = arith.constant 0 : index
      %swap3A_148 = tpu.vector_load %arg12[%swap3A_145, %swap3A_146, %swap3A_147] {strides = array<i32>} : memref<2x32x128xf32, #tpu.memory_space<vmem>>, vector<1x1x16xf32>,
      %swap3A_149 = vector.shape_cast %swap3A_148 : vector<1x1x16xf32> to vector<16xf32>
      %swap3A_150 = vector.shape_cast %broadcast_in_dim3A_144 : vector<16xf32> to vector<1x1x16xf32>
      tpu.vector_store %arg12[%swap3A_145, %swap3A_146, %swap3A_147], %swap3A_150 {strides = array<i32>} : memref<2x32x128xf32, #tpu.memory_space<vmem>>, vector<1x1x16xf32>,
      %broadcast_in_dim3A_151 = arith.constant 0.000000e+00 : f32
      %broadcast_in_dim3A_152 = vector.broadcast %broadcast_in_dim3A_151 : f32 to vector<16xf32>
      %swap3A_153 = arith.constant 0 : i32
      %swap3A_154 = arith.index_cast %swap3A_153 : i32 to index
      %swap3A_155 = arith.index_cast %scan3A_142 : i32 to index
      %swap3A_156 = arith.constant 16 : index
      %swap3A_157 = tpu.vector_load %arg12[%swap3A_154, %swap3A_155, %swap3A_156] {strides = array<i32>} : memref<2x32x128xf32, #tpu.memory_space<vmem>>, vector<1x1x16xf32>,
      %swap3A_158 = vector.shape_cast %swap3A_157 : vector<1x1x16xf32> to vector<16xf32>
      %swap3A_159 = vector.shape_cast %broadcast_in_dim3A_152 : vector<16xf32> to vector<1x1x16xf32>
      tpu.vector_store %arg12[%swap3A_154, %swap3A_155, %swap3A_156], %swap3A_159 {strides = array<i32>} : memref<2x32x128xf32, #tpu.memory_space<vmem>>, vector<1x1x16xf32>,
      %broadcast_in_dim3A_160 = arith.constant 0.000000e+00 : f32
      %broadcast_in_dim3A_161 = vector.broadcast %broadcast_in_dim3A_160 : f32 to vector<16xf32>
      %swap3A_162 = arith.constant 0 : i32
      %swap3A_163 = arith.index_cast %swap3A_162 : i32 to index
      %swap3A_164 = arith.index_cast %scan3A_142 : i32 to index
      %swap3A_165 = arith.constant 32 : index
      %swap3A_166 = tpu.vector_load %arg12[%swap3A_163, %swap3A_164, %swap3A_165] {strides = array<i32>} : memref<2x32x128xf32, #tpu.memory_space<vmem>>, vector<1x1x16xf32>,
      %swap3A_167 = vector.shape_cast %swap3A_166 : vector<1x1x16xf32> to vector<16xf32>
      %swap3A_168 = vector.shape_cast %broadcast_in_dim3A_161 : vector<16xf32> to vector<1x1x16xf32>
      tpu.vector_store %arg12[%swap3A_163, %swap3A_164, %swap3A_165], %swap3A_168 {strides = array<i32>} : memref<2x32x128xf32, #tpu.memory_space<vmem>>, vector<1x1x16xf32>,
      %broadcast_in_dim3A_169 = arith.constant 0.000000e+00 : f32
      %broadcast_in_dim3A_170 = vector.broadcast %broadcast_in_dim3A_169 : f32 to vector<16xf32>
      %swap3A_171 = arith.constant 0 : i32
      %swap3A_172 = arith.index_cast %swap3A_171 : i32 to index
      %swap3A_173 = arith.index_cast %scan3A_142 : i32 to index
      %swap3A_174 = arith.constant 48 : index
      %swap3A_175 = tpu.vector_load %arg12[%swap3A_172, %swap3A_173, %swap3A_174] {strides = array<i32>} : memref<2x32x128xf32, #tpu.memory_space<vmem>>, vector<1x1x16xf32>,
      %swap3A_176 = vector.shape_cast %swap3A_175 : vector<1x1x16xf32> to vector<16xf32>
      %swap3A_177 = vector.shape_cast %broadcast_in_dim3A_170 : vector<16xf32> to vector<1x1x16xf32>
      tpu.vector_store %arg12[%swap3A_172, %swap3A_173, %swap3A_174], %swap3A_177 {strides = array<i32>} : memref<2x32x128xf32, #tpu.memory_space<vmem>>, vector<1x1x16xf32>,
      %broadcast_in_dim3A_178 = arith.constant 0.000000e+00 : f32
      %broadcast_in_dim3A_179 = vector.broadcast %broadcast_in_dim3A_178 : f32 to vector<16xf32>
      %swap3A_180 = arith.constant 0 : i32
      %swap3A_181 = arith.index_cast %swap3A_180 : i32 to index
      %swap3A_182 = arith.index_cast %scan3A_142 : i32 to index
      %swap3A_183 = arith.constant 64 : index
      %swap3A_184 = tpu.vector_load %arg12[%swap3A_181, %swap3A_182, %swap3A_183] {strides = array<i32>} : memref<2x32x128xf32, #tpu.memory_space<vmem>>, vector<1x1x16xf32>,
      %swap3A_185 = vector.shape_cast %swap3A_184 : vector<1x1x16xf32> to vector<16xf32>
      %swap3A_186 = vector.shape_cast %broadcast_in_dim3A_179 : vector<16xf32> to vector<1x1x16xf32>
      tpu.vector_store %arg12[%swap3A_181, %swap3A_182, %swap3A_183], %swap3A_186 {strides = array<i32>} : memref<2x32x128xf32, #tpu.memory_space<vmem>>, vector<1x1x16xf32>,
      %broadcast_in_dim3A_187 = arith.constant 0.000000e+00 : f32
      %broadcast_in_dim3A_188 = vector.broadcast %broadcast_in_dim3A_187 : f32 to vector<16xf32>
      %swap3A_189 = arith.constant 0 : i32
      %swap3A_190 = arith.index_cast %swap3A_189 : i32 to index
      %swap3A_191 = arith.index_cast %scan3A_142 : i32 to index
      %swap3A_192 = arith.constant 80 : index
      %swap3A_193 = tpu.vector_load %arg12[%swap3A_190, %swap3A_191, %swap3A_192] {strides = array<i32>} : memref<2x32x128xf32, #tpu.memory_space<vmem>>, vector<1x1x16xf32>,
      %swap3A_194 = vector.shape_cast %swap3A_193 : vector<1x1x16xf32> to vector<16xf32>
      %swap3A_195 = vector.shape_cast %broadcast_in_dim3A_188 : vector<16xf32> to vector<1x1x16xf32>
      tpu.vector_store %arg12[%swap3A_190, %swap3A_191, %swap3A_192], %swap3A_195 {strides = array<i32>} : memref<2x32x128xf32, #tpu.memory_space<vmem>>, vector<1x1x16xf32>,
      %broadcast_in_dim3A_196 = arith.constant 0.000000e+00 : f32
      %broadcast_in_dim3A_197 = vector.broadcast %broadcast_in_dim3A_196 : f32 to vector<16xf32>
      %swap3A_198 = arith.constant 0 : i32
      %swap3A_199 = arith.index_cast %swap3A_198 : i32 to index
      %swap3A_200 = arith.index_cast %scan3A_142 : i32 to index
      %swap3A_201 = arith.constant 96 : index
      %swap3A_202 = tpu.vector_load %arg12[%swap3A_199, %swap3A_200, %swap3A_201] {strides = array<i32>} : memref<2x32x128xf32, #tpu.memory_space<vmem>>, vector<1x1x16xf32>,
      %swap3A_203 = vector.shape_cast %swap3A_202 : vector<1x1x16xf32> to vector<16xf32>
      %swap3A_204 = vector.shape_cast %broadcast_in_dim3A_197 : vector<16xf32> to vector<1x1x16xf32>
      tpu.vector_store %arg12[%swap3A_199, %swap3A_200, %swap3A_201], %swap3A_204 {strides = array<i32>} : memref<2x32x128xf32, #tpu.memory_space<vmem>>, vector<1x1x16xf32>,
      %broadcast_in_dim3A_205 = arith.constant 0.000000e+00 : f32
      %broadcast_in_dim3A_206 = vector.broadcast %broadcast_in_dim3A_205 : f32 to vector<16xf32>
      %swap3A_207 = arith.constant 0 : i32
      %swap3A_208 = arith.index_cast %swap3A_207 : i32 to index
      %swap3A_209 = arith.index_cast %scan3A_142 : i32 to index
      %swap3A_210 = arith.constant 112 : index
      %swap3A_211 = tpu.vector_load %arg12[%swap3A_208, %swap3A_209, %swap3A_210] {strides = array<i32>} : memref<2x32x128xf32, #tpu.memory_space<vmem>>, vector<1x1x16xf32>,
      %swap3A_212 = vector.shape_cast %swap3A_211 : vector<1x1x16xf32> to vector<16xf32>
      %swap3A_213 = vector.shape_cast %broadcast_in_dim3A_206 : vector<16xf32> to vector<1x1x16xf32>
      tpu.vector_store %arg12[%swap3A_208, %swap3A_209, %swap3A_210], %swap3A_213 {strides = array<i32>} : memref<2x32x128xf32, #tpu.memory_space<vmem>>, vector<1x1x16xf32>,
      %scan3A_214 = arith.constant 0 : i32
      scf.yield %scan3A_214 : i32
    }
    %scan3A_103 = arith.constant 32 : i32
    %while3A_104 = arith.constant 0 : i32
    %while3A_105 = arith.constant 0 : i32
    %while3A_106 = arith.subi %select_n3A, %while3A_104 : i32
    %while3A_107 = arith.addi %while3A_104, %while3A_106 : i32
    %while3A_108 = arith.constant 1 : i32
    %while3A_109 = arith.divsi %while3A_106, %while3A_108 : i32
    %while3A_110 = arith.muli %while3A_109, %while3A_108 : i32
    %while3A_111 = arith.addi %while3A_104, %while3A_110 : i32
    %while3A_112 = arith.constant 1 : i32
    %while3A_113 = scf.for %while3A_142 = %while3A_104 to %while3A_111 step %while3A_112 iter_args(%while3A_143 = %while3A_105) -> (i32)  : i32 {
      %mul3A_144 = arith.constant 32 : i32
      %mul3A_145 = arith.muli %while3A_142, %mul3A_144 : i32
      %add3A_146 = arith.addi %mul3A_14, %mul3A_145 : i32
      %scan3A_147 = arith.constant 0 : i32
      %scan3A_148 = arith.constant 0 : i32
      %scan3A_149 = arith.constant 2 : i32
      %scan3A_150 = arith.addi %scan3A_148, %scan3A_149 : i32
      %scan3A_151 = arith.constant 1 : i32
      %scan3A_152 = scf.for %scan3A_157 = %scan3A_148 to %scan3A_150 step %scan3A_151 iter_args(%scan3A_158 = %scan3A_147) -> (i32)  : i32 {
        %iota3A = tpu.iota {dimensions = array<i32: 0>} : vector<16xi32>
        %add3A_159 = vector.broadcast %add3A_146 : i32 to vector<16xi32>
        %add3A_160 = arith.addi %iota3A, %add3A_159 : vector<16xi32>
        %mul3A_161 = arith.constant 16 : i32
        %mul3A_162 = arith.muli %scan3A_157, %mul3A_161 : i32
        %add3A_163 = vector.broadcast %mul3A_162 : i32 to vector<16xi32>
        %add3A_164 = arith.addi %add3A_160, %add3A_163 : vector<16xi32>
        %mul3A_165 = arith.constant 16 : i32
        %mul3A_166 = arith.muli %scan3A_157, %mul3A_165 : i32
        %swap3A = arith.constant 0 : i32
        %swap3A_167 = arith.index_cast %swap3A : i32 to index
        %swap3A_168 = arith.index_cast %mul3A_166 : i32 to index
        %swap3A_169 = tpu.vector_load %arg9[%swap3A_167, %swap3A_168] {strides = array<i32>} : memref<2x32xi32, #tpu.memory_space<vmem>>, vector<1x16xi32>,
        %swap3A_170 = vector.shape_cast %swap3A_169 : vector<1x16xi32> to vector<16xi32>
        %swap3A_171 = vector.shape_cast %add3A_164 : vector<16xi32> to vector<1x16xi32>
        tpu.vector_store %arg9[%swap3A_167, %swap3A_168], %swap3A_171 {strides = array<i32>} : memref<2x32xi32, #tpu.memory_space<vmem>>, vector<1x16xi32>,
        %scan3A_172 = arith.constant 0 : i32
        scf.yield %scan3A_172 : i32
      }
      %scan3A_153 = arith.constant 2 : i32
      %run_scoped3A_154 = arith.constant 0 : i32
      %run_scoped3A_155 = arith.constant 0 : i32
      "tpu.region"() ({
        %run_scoped3A_157 = tpu.sem_alloc : memref<!tpu.dma_semaphore, #tpu.memory_space<semaphore_mem>>
        %dma_start3A_158 = arith.constant 0 : i32
        %dma_start3A_159 = arith.constant 0 : i32
        %dma_start3A_160 = tpu.memref_slice %arg12[%run_scoped3A_154, %dma_start3A_158, %dma_start3A_159] : memref<2x32x128xf32, #tpu.memory_space<vmem>> -> memref<1x32x128xf32, #tpu.memory_space<vmem>>
        %dma_start3A_161 = tpu.memref_squeeze %dma_start3A_160 : memref<1x32x128xf32, #tpu.memory_space<vmem>> -> memref<32x128xf32, #tpu.memory_space<vmem>>
        %dma_start3A_162 = arith.constant 0 : i32
        %dma_start3A_163 = tpu.memref_slice %arg9[%run_scoped3A_155, %dma_start3A_162] : memref<2x32xi32, #tpu.memory_space<vmem>> -> memref<1x32xi32, #tpu.memory_space<vmem>>
        %dma_start3A_164 = tpu.memref_squeeze %dma_start3A_163 : memref<1x32xi32, #tpu.memory_space<vmem>> -> memref<32xi32, #tpu.memory_space<vmem>>
        %dma_start3A_165 = arith.constant 0 : i32
        %dma_start3A_166 = arith.constant 0 : i32
        %dma_start3A_167 = tpu.memref_slice %arg14[%dma_start3A_165, %dma_start3A_166] : memref<10112x128xf32, #tpu.memory_space<vmem_shared>> -> memref<10112x128xf32, #tpu.memory_space<vmem_shared>>
        tpu.enqueue_indirect_dma source(%dma_start3A_161 : memref<32x128xf32, #tpu.memory_space<vmem>>) target(%dma_start3A_167 : memref<10112x128xf32, #tpu.memory_space<vmem_shared>>) offsets(%dma_start3A_164 : memref<32xi32, #tpu.memory_space<vmem>>) semaphore(%run_scoped3A_157 : memref<!tpu.dma_semaphore, #tpu.memory_space<semaphore_mem>>)
        %dma_wait3A = arith.constant 0 : i32
        %dma_wait3A_168 = arith.constant 0 : i32
        %dma_wait3A_169 = tpu.memref_slice %arg12[%run_scoped3A_154, %dma_wait3A, %dma_wait3A_168] : memref<2x32x128xf32, #tpu.memory_space<vmem>> -> memref<1x32x128xf32, #tpu.memory_space<vmem>>
        %dma_wait3A_170 = tpu.memref_squeeze %dma_wait3A_169 : memref<1x32x128xf32, #tpu.memory_space<vmem>> -> memref<32x128xf32, #tpu.memory_space<vmem>>
        %dma_wait3A_171 = arith.constant 0 : i32
        %dma_wait3A_172 = tpu.memref_slice %arg9[%run_scoped3A_155, %dma_wait3A_171] : memref<2x32xi32, #tpu.memory_space<vmem>> -> memref<1x32xi32, #tpu.memory_space<vmem>>
        %dma_wait3A_173 = tpu.memref_squeeze %dma_wait3A_172 : memref<1x32xi32, #tpu.memory_space<vmem>> -> memref<32xi32, #tpu.memory_space<vmem>>
        %dma_wait3A_174 = arith.constant 0 : i32
        %dma_wait3A_175 = arith.constant 0 : i32
        %dma_wait3A_176 = tpu.memref_slice %arg14[%dma_wait3A_174, %dma_wait3A_175] : memref<10112x128xf32, #tpu.memory_space<vmem_shared>> -> memref<10112x128xf32, #tpu.memory_space<vmem_shared>>
        tpu.wait_indirect_dma semaphore(%run_scoped3A_157 : memref<!tpu.dma_semaphore, #tpu.memory_space<semaphore_mem>>) src(%dma_wait3A_170 : memref<32x128xf32, #tpu.memory_space<vmem>>) dst(%dma_wait3A_176 : memref<10112x128xf32, #tpu.memory_space<vmem_shared>>)
        tpu.yield
      }) : () -> ()
      %while3A_156 = arith.constant 0 : i32
      scf.yield %while3A_156 : i32
    }
    %while3A_114 = arith.constant 1 : i32
    %while3A_115 = scf.for %while3A_142 = %while3A_111 to %while3A_107 step %while3A_114 iter_args(%while3A_143 = %while3A_113) -> (i32)  : i32 {
      %mul3A_144 = arith.constant 32 : i32
      %mul3A_145 = arith.muli %while3A_142, %mul3A_144 : i32
      %add3A_146 = arith.addi %mul3A_14, %mul3A_145 : i32
      %scan3A_147 = arith.constant 0 : i32
      %scan3A_148 = arith.constant 0 : i32
      %scan3A_149 = arith.constant 2 : i32
      %scan3A_150 = arith.addi %scan3A_148, %scan3A_149 : i32
      %scan3A_151 = arith.constant 1 : i32
      %scan3A_152 = scf.for %scan3A_157 = %scan3A_148 to %scan3A_150 step %scan3A_151 iter_args(%scan3A_158 = %scan3A_147) -> (i32)  : i32 {
        %iota3A = tpu.iota {dimensions = array<i32: 0>} : vector<16xi32>
        %add3A_159 = vector.broadcast %add3A_146 : i32 to vector<16xi32>
        %add3A_160 = arith.addi %iota3A, %add3A_159 : vector<16xi32>
        %mul3A_161 = arith.constant 16 : i32
        %mul3A_162 = arith.muli %scan3A_157, %mul3A_161 : i32
        %add3A_163 = vector.broadcast %mul3A_162 : i32 to vector<16xi32>
        %add3A_164 = arith.addi %add3A_160, %add3A_163 : vector<16xi32>
        %mul3A_165 = arith.constant 16 : i32
        %mul3A_166 = arith.muli %scan3A_157, %mul3A_165 : i32
        %swap3A = arith.constant 0 : i32
        %swap3A_167 = arith.index_cast %swap3A : i32 to index
        %swap3A_168 = arith.index_cast %mul3A_166 : i32 to index
        %swap3A_169 = tpu.vector_load %arg9[%swap3A_167, %swap3A_168] {strides = array<i32>} : memref<2x32xi32, #tpu.memory_space<vmem>>, vector<1x16xi32>,
        %swap3A_170 = vector.shape_cast %swap3A_169 : vector<1x16xi32> to vector<16xi32>
        %swap3A_171 = vector.shape_cast %add3A_164 : vector<16xi32> to vector<1x16xi32>
        tpu.vector_store %arg9[%swap3A_167, %swap3A_168], %swap3A_171 {strides = array<i32>} : memref<2x32xi32, #tpu.memory_space<vmem>>, vector<1x16xi32>,
        %scan3A_172 = arith.constant 0 : i32
        scf.yield %scan3A_172 : i32
      }
      %scan3A_153 = arith.constant 2 : i32
      %run_scoped3A_154 = arith.constant 0 : i32
      %run_scoped3A_155 = arith.constant 0 : i32
      "tpu.region"() ({
        %run_scoped3A_157 = tpu.sem_alloc : memref<!tpu.dma_semaphore, #tpu.memory_space<semaphore_mem>>
        %dma_start3A_158 = arith.constant 0 : i32
        %dma_start3A_159 = arith.constant 0 : i32
        %dma_start3A_160 = tpu.memref_slice %arg12[%run_scoped3A_154, %dma_start3A_158, %dma_start3A_159] : memref<2x32x128xf32, #tpu.memory_space<vmem>> -> memref<1x32x128xf32, #tpu.memory_space<vmem>>
        %dma_start3A_161 = tpu.memref_squeeze %dma_start3A_160 : memref<1x32x128xf32, #tpu.memory_space<vmem>> -> memref<32x128xf32, #tpu.memory_space<vmem>>
        %dma_start3A_162 = arith.constant 0 : i32
        %dma_start3A_163 = tpu.memref_slice %arg9[%run_scoped3A_155, %dma_start3A_162] : memref<2x32xi32, #tpu.memory_space<vmem>> -> memref<1x32xi32, #tpu.memory_space<vmem>>
        %dma_start3A_164 = tpu.memref_squeeze %dma_start3A_163 : memref<1x32xi32, #tpu.memory_space<vmem>> -> memref<32xi32, #tpu.memory_space<vmem>>
        %dma_start3A_165 = arith.constant 0 : i32
        %dma_start3A_166 = arith.constant 0 : i32
        %dma_start3A_167 = tpu.memref_slice %arg14[%dma_start3A_165, %dma_start3A_166] : memref<10112x128xf32, #tpu.memory_space<vmem_shared>> -> memref<10112x128xf32, #tpu.memory_space<vmem_shared>>
        tpu.enqueue_indirect_dma source(%dma_start3A_161 : memref<32x128xf32, #tpu.memory_space<vmem>>) target(%dma_start3A_167 : memref<10112x128xf32, #tpu.memory_space<vmem_shared>>) offsets(%dma_start3A_164 : memref<32xi32, #tpu.memory_space<vmem>>) semaphore(%run_scoped3A_157 : memref<!tpu.dma_semaphore, #tpu.memory_space<semaphore_mem>>)
        %dma_wait3A = arith.constant 0 : i32
        %dma_wait3A_168 = arith.constant 0 : i32
        %dma_wait3A_169 = tpu.memref_slice %arg12[%run_scoped3A_154, %dma_wait3A, %dma_wait3A_168] : memref<2x32x128xf32, #tpu.memory_space<vmem>> -> memref<1x32x128xf32, #tpu.memory_space<vmem>>
        %dma_wait3A_170 = tpu.memref_squeeze %dma_wait3A_169 : memref<1x32x128xf32, #tpu.memory_space<vmem>> -> memref<32x128xf32, #tpu.memory_space<vmem>>
        %dma_wait3A_171 = arith.constant 0 : i32
        %dma_wait3A_172 = tpu.memref_slice %arg9[%run_scoped3A_155, %dma_wait3A_171] : memref<2x32xi32, #tpu.memory_space<vmem>> -> memref<1x32xi32, #tpu.memory_space<vmem>>
        %dma_wait3A_173 = tpu.memref_squeeze %dma_wait3A_172 : memref<1x32xi32, #tpu.memory_space<vmem>> -> memref<32xi32, #tpu.memory_space<vmem>>
        %dma_wait3A_174 = arith.constant 0 : i32
        %dma_wait3A_175 = arith.constant 0 : i32
        %dma_wait3A_176 = tpu.memref_slice %arg14[%dma_wait3A_174, %dma_wait3A_175] : memref<10112x128xf32, #tpu.memory_space<vmem_shared>> -> memref<10112x128xf32, #tpu.memory_space<vmem_shared>>
        tpu.wait_indirect_dma semaphore(%run_scoped3A_157 : memref<!tpu.dma_semaphore, #tpu.memory_space<semaphore_mem>>) src(%dma_wait3A_170 : memref<32x128xf32, #tpu.memory_space<vmem>>) dst(%dma_wait3A_176 : memref<10112x128xf32, #tpu.memory_space<vmem_shared>>)
        tpu.yield
      }) : () -> ()
      %while3A_156 = arith.constant 0 : i32
      scf.yield %while3A_156 : i32
    }
    %barrier3A_116 = arith.constant 0 : index
    tpu.barrier barrier_id(%barrier3A_116)
    %mul3A_117 = arith.constant 316 : i32
    %mul3A_118 = arith.muli %add3A, %mul3A_117 : i32
    %mul3A_119 = arith.constant 32 : i32
    %mul3A_120 = arith.muli %mul3A_118, %mul3A_119 : i32
    %run_scoped3A_121 = arith.constant 0 : i32
    "tpu.region"() ({
      %run_scoped3A_142 = tpu.sem_alloc : memref<!tpu.dma_semaphore, #tpu.memory_space<semaphore_mem>>
      %dma_start3A_143 = arith.constant 0 : i32
      %dma_start3A_144 = tpu.memref_slice %arg9[%run_scoped3A_121, %dma_start3A_143] : memref<2x32xi32, #tpu.memory_space<vmem>> -> memref<1x32xi32, #tpu.memory_space<vmem>>
      %dma_start3A_145 = tpu.memref_squeeze %dma_start3A_144 : memref<1x32xi32, #tpu.memory_space<vmem>> -> memref<32xi32, #tpu.memory_space<vmem>>
      %dma_start3A_146 = tpu.memref_slice %arg2[%mul3A_120] : memref<323584xi32, #tpu.memory_space<hbm>> -> memref<32xi32, #tpu.memory_space<hbm>>
      %dma_start3A_147 = arith.constant 0 : i32
      %dma_start3A_148 = tpu.memref_slice %arg9[%run_scoped3A_121, %dma_start3A_147] : memref<2x32xi32, #tpu.memory_space<vmem>> -> memref<1x32xi32, #tpu.memory_space<vmem>>
      %dma_start3A_149 = tpu.memref_squeeze %dma_start3A_148 : memref<1x32xi32, #tpu.memory_space<vmem>> -> memref<32xi32, #tpu.memory_space<vmem>>
      %dma_start3A_150 = tpu.memref_slice %arg2[%mul3A_120] : memref<323584xi32, #tpu.memory_space<hbm>> -> memref<32xi32, #tpu.memory_space<hbm>>
      tpu.enqueue_dma source(%dma_start3A_150 : memref<32xi32, #tpu.memory_space<hbm>>) target(%dma_start3A_149 : memref<32xi32, #tpu.memory_space<vmem>>) target_semaphore(%run_scoped3A_142 : memref<!tpu.dma_semaphore, #tpu.memory_space<semaphore_mem>>)
      %dma_wait3A = arith.constant 0 : i32
      %dma_wait3A_151 = tpu.memref_slice %arg9[%run_scoped3A_121, %dma_wait3A] : memref<2x32xi32, #tpu.memory_space<vmem>> -> memref<1x32xi32, #tpu.memory_space<vmem>>
      %dma_wait3A_152 = tpu.memref_squeeze %dma_wait3A_151 : memref<1x32xi32, #tpu.memory_space<vmem>> -> memref<32xi32, #tpu.memory_space<vmem>>
      %dma_wait3A_153 = tpu.memref_slice %arg2[%mul3A_120] : memref<323584xi32, #tpu.memory_space<hbm>> -> memref<32xi32, #tpu.memory_space<hbm>>
      %dma_wait3A_154 = arith.constant 0 : i32
      %dma_wait3A_155 = tpu.memref_slice %arg9[%run_scoped3A_121, %dma_wait3A_154] : memref<2x32xi32, #tpu.memory_space<vmem>> -> memref<1x32xi32, #tpu.memory_space<vmem>>
      %dma_wait3A_156 = tpu.memref_squeeze %dma_wait3A_155 : memref<1x32xi32, #tpu.memory_space<vmem>> -> memref<32xi32, #tpu.memory_space<vmem>>
      %dma_wait3A_157 = tpu.memref_slice %arg2[%mul3A_120] : memref<323584xi32, #tpu.memory_space<hbm>> -> memref<32xi32, #tpu.memory_space<hbm>>
      tpu.wait_dma2 semaphore(%run_scoped3A_142 : memref<!tpu.dma_semaphore, #tpu.memory_space<semaphore_mem>>) src(%dma_wait3A_157 : memref<32xi32, #tpu.memory_space<hbm>>) dst(%dma_wait3A_156 : memref<32xi32, #tpu.memory_space<vmem>>)
      tpu.yield
    }) : () -> ()
    %scan3A_122 = arith.constant 0 : i32
    %scan3A_123 = arith.constant 0 : i32
    %scan3A_124 = arith.constant 158 : i32
    %scan3A_125 = arith.addi %scan3A_123, %scan3A_124 : i32
    %scan3A_126 = arith.constant 1 : i32
    %scan3A_127 = scf.for %scan3A_142 = %scan3A_123 to %scan3A_125 step %scan3A_126 iter_args(%scan3A_143 = %scan3A_122) -> (i32)  : i32 {
      %mul3A_144 = arith.constant 2 : i32
      %mul3A_145 = arith.muli %scan3A_142, %mul3A_144 : i32
      %mul3A_146 = arith.constant 316 : i32
      %mul3A_147 = arith.muli %add3A, %mul3A_146 : i32
      %add3A_148 = arith.addi %mul3A_147, %mul3A_145 : i32
      %add3A_149 = arith.constant 1 : i32
      %add3A_150 = arith.addi %add3A_148, %add3A_149 : i32
      %mul3A_151 = arith.constant 32 : i32
      %mul3A_152 = arith.muli %add3A_150, %mul3A_151 : i32
      %run_scoped3A_153 = arith.constant 1 : i32
      "tpu.region"() ({
        %run_scoped3A_164 = tpu.sem_alloc : memref<!tpu.dma_semaphore, #tpu.memory_space<semaphore_mem>>
        %dma_start3A_165 = arith.constant 0 : i32
        %dma_start3A_166 = tpu.memref_slice %arg9[%run_scoped3A_153, %dma_start3A_165] : memref<2x32xi32, #tpu.memory_space<vmem>> -> memref<1x32xi32, #tpu.memory_space<vmem>>
        %dma_start3A_167 = tpu.memref_squeeze %dma_start3A_166 : memref<1x32xi32, #tpu.memory_space<vmem>> -> memref<32xi32, #tpu.memory_space<vmem>>
        %dma_start3A_168 = tpu.memref_slice %arg2[%mul3A_152] : memref<323584xi32, #tpu.memory_space<hbm>> -> memref<32xi32, #tpu.memory_space<hbm>>
        %dma_start3A_169 = arith.constant 0 : i32
        %dma_start3A_170 = tpu.memref_slice %arg9[%run_scoped3A_153, %dma_start3A_169] : memref<2x32xi32, #tpu.memory_space<vmem>> -> memref<1x32xi32, #tpu.memory_space<vmem>>
        %dma_start3A_171 = tpu.memref_squeeze %dma_start3A_170 : memref<1x32xi32, #tpu.memory_space<vmem>> -> memref<32xi32, #tpu.memory_space<vmem>>
        %dma_start3A_172 = tpu.memref_slice %arg2[%mul3A_152] : memref<323584xi32, #tpu.memory_space<hbm>> -> memref<32xi32, #tpu.memory_space<hbm>>
        tpu.enqueue_dma source(%dma_start3A_172 : memref<32xi32, #tpu.memory_space<hbm>>) target(%dma_start3A_171 : memref<32xi32, #tpu.memory_space<vmem>>) target_semaphore(%run_scoped3A_164 : memref<!tpu.dma_semaphore, #tpu.memory_space<semaphore_mem>>)
        %dma_wait3A = arith.constant 0 : i32
        %dma_wait3A_173 = tpu.memref_slice %arg9[%run_scoped3A_153, %dma_wait3A] : memref<2x32xi32, #tpu.memory_space<vmem>> -> memref<1x32xi32, #tpu.memory_space<vmem>>
        %dma_wait3A_174 = tpu.memref_squeeze %dma_wait3A_173 : memref<1x32xi32, #tpu.memory_space<vmem>> -> memref<32xi32, #tpu.memory_space<vmem>>
        %dma_wait3A_175 = tpu.memref_slice %arg2[%mul3A_152] : memref<323584xi32, #tpu.memory_space<hbm>> -> memref<32xi32, #tpu.memory_space<hbm>>
        %dma_wait3A_176 = arith.constant 0 : i32
        %dma_wait3A_177 = tpu.memref_slice %arg9[%run_scoped3A_153, %dma_wait3A_176] : memref<2x32xi32, #tpu.memory_space<vmem>> -> memref<1x32xi32, #tpu.memory_space<vmem>>
        %dma_wait3A_178 = tpu.memref_squeeze %dma_wait3A_177 : memref<1x32xi32, #tpu.memory_space<vmem>> -> memref<32xi32, #tpu.memory_space<vmem>>
        %dma_wait3A_179 = tpu.memref_slice %arg2[%mul3A_152] : memref<323584xi32, #tpu.memory_space<hbm>> -> memref<32xi32, #tpu.memory_space<hbm>>
        tpu.wait_dma2 semaphore(%run_scoped3A_164 : memref<!tpu.dma_semaphore, #tpu.memory_space<semaphore_mem>>) src(%dma_wait3A_179 : memref<32xi32, #tpu.memory_space<hbm>>) dst(%dma_wait3A_178 : memref<32xi32, #tpu.memory_space<vmem>>)
        tpu.yield
      }) : () -> ()
      %run_scoped3A_154 = arith.constant 0 : i32
      %run_scoped3A_155 = arith.constant 0 : i32
      "tpu.region"() ({
        %run_scoped3A_164 = tpu.sem_alloc : memref<!tpu.dma_semaphore, #tpu.memory_space<semaphore_mem>>
        %dma_start3A_165 = arith.constant 0 : i32
        %dma_start3A_166 = arith.constant 0 : i32
        %dma_start3A_167 = tpu.memref_slice %arg13[%run_scoped3A_154, %dma_start3A_165, %dma_start3A_166] : memref<2x32x128xf32, #tpu.memory_space<vmem>> -> memref<1x32x128xf32, #tpu.memory_space<vmem>>
        %dma_start3A_168 = tpu.memref_squeeze %dma_start3A_167 : memref<1x32x128xf32, #tpu.memory_space<vmem>> -> memref<32x128xf32, #tpu.memory_space<vmem>>
        %dma_start3A_169 = arith.constant 0 : i32
        %dma_start3A_170 = tpu.memref_slice %arg9[%run_scoped3A_155, %dma_start3A_169] : memref<2x32xi32, #tpu.memory_space<vmem>> -> memref<1x32xi32, #tpu.memory_space<vmem>>
        %dma_start3A_171 = tpu.memref_squeeze %dma_start3A_170 : memref<1x32xi32, #tpu.memory_space<vmem>> -> memref<32xi32, #tpu.memory_space<vmem>>
        %dma_start3A_172 = arith.constant 0 : i32
        %dma_start3A_173 = arith.constant 0 : i32
        %dma_start3A_174 = tpu.memref_slice %arg14[%dma_start3A_172, %dma_start3A_173] : memref<10112x128xf32, #tpu.memory_space<vmem_shared>> -> memref<10112x128xf32, #tpu.memory_space<vmem_shared>>
        tpu.enqueue_indirect_dma source(%dma_start3A_168 : memref<32x128xf32, #tpu.memory_space<vmem>>) target(%dma_start3A_174 : memref<10112x128xf32, #tpu.memory_space<vmem_shared>>) offsets(%dma_start3A_171 : memref<32xi32, #tpu.memory_space<vmem>>) semaphore(%run_scoped3A_164 : memref<!tpu.dma_semaphore, #tpu.memory_space<semaphore_mem>>) {add = true}
        %dma_wait3A = arith.constant 0 : i32
        %dma_wait3A_175 = arith.constant 0 : i32
        %dma_wait3A_176 = tpu.memref_slice %arg13[%run_scoped3A_154, %dma_wait3A, %dma_wait3A_175] : memref<2x32x128xf32, #tpu.memory_space<vmem>> -> memref<1x32x128xf32, #tpu.memory_space<vmem>>
        %dma_wait3A_177 = tpu.memref_squeeze %dma_wait3A_176 : memref<1x32x128xf32, #tpu.memory_space<vmem>> -> memref<32x128xf32, #tpu.memory_space<vmem>>
        %dma_wait3A_178 = arith.constant 0 : i32
        %dma_wait3A_179 = tpu.memref_slice %arg9[%run_scoped3A_155, %dma_wait3A_178] : memref<2x32xi32, #tpu.memory_space<vmem>> -> memref<1x32xi32, #tpu.memory_space<vmem>>
        %dma_wait3A_180 = tpu.memref_squeeze %dma_wait3A_179 : memref<1x32xi32, #tpu.memory_space<vmem>> -> memref<32xi32, #tpu.memory_space<vmem>>
        %dma_wait3A_181 = arith.constant 0 : i32
        %dma_wait3A_182 = arith.constant 0 : i32
        %dma_wait3A_183 = tpu.memref_slice %arg14[%dma_wait3A_181, %dma_wait3A_182] : memref<10112x128xf32, #tpu.memory_space<vmem_shared>> -> memref<10112x128xf32, #tpu.memory_space<vmem_shared>>
        tpu.wait_indirect_dma semaphore(%run_scoped3A_164 : memref<!tpu.dma_semaphore, #tpu.memory_space<semaphore_mem>>) src(%dma_wait3A_177 : memref<32x128xf32, #tpu.memory_space<vmem>>) dst(%dma_wait3A_183 : memref<10112x128xf32, #tpu.memory_space<vmem_shared>>)
        tpu.yield
      }) : () -> ()
      %add3A_156 = arith.constant 2 : i32
      %add3A_157 = arith.addi %mul3A_145, %add3A_156 : i32
      %lt3A_158 = arith.constant 316 : i32
      %lt3A_159 = arith.cmpi slt, %add3A_157, %lt3A_158 : i32
      %convert_element_type3A = arith.extui %lt3A_159 : i1 to i32
      %cond3A = arith.constant 0 : i32
      %cond3A_160 = arith.cmpi ne, %convert_element_type3A, %cond3A : i32
      scf.if %cond3A_160 {
        %mul3A_164 = arith.constant 316 : i32
        %mul3A_165 = arith.muli %add3A, %mul3A_164 : i32
        %add3A_166 = arith.addi %mul3A_165, %mul3A_145 : i32
        %add3A_167 = arith.constant 2 : i32
        %add3A_168 = arith.addi %add3A_166, %add3A_167 : i32
        %mul3A_169 = arith.constant 32 : i32
        %mul3A_170 = arith.muli %add3A_168, %mul3A_169 : i32
        %run_scoped3A_171 = arith.constant 0 : i32
        "tpu.region"() ({
          %run_scoped3A_172 = tpu.sem_alloc : memref<!tpu.dma_semaphore, #tpu.memory_space<semaphore_mem>>
          %dma_start3A_173 = arith.constant 0 : i32
          %dma_start3A_174 = tpu.memref_slice %arg9[%run_scoped3A_171, %dma_start3A_173] : memref<2x32xi32, #tpu.memory_space<vmem>> -> memref<1x32xi32, #tpu.memory_space<vmem>>
          %dma_start3A_175 = tpu.memref_squeeze %dma_start3A_174 : memref<1x32xi32, #tpu.memory_space<vmem>> -> memref<32xi32, #tpu.memory_space<vmem>>
          %dma_start3A_176 = tpu.memref_slice %arg2[%mul3A_170] : memref<323584xi32, #tpu.memory_space<hbm>> -> memref<32xi32, #tpu.memory_space<hbm>>
          %dma_start3A_177 = arith.constant 0 : i32
          %dma_start3A_178 = tpu.memref_slice %arg9[%run_scoped3A_171, %dma_start3A_177] : memref<2x32xi32, #tpu.memory_space<vmem>> -> memref<1x32xi32, #tpu.memory_space<vmem>>
          %dma_start3A_179 = tpu.memref_squeeze %dma_start3A_178 : memref<1x32xi32, #tpu.memory_space<vmem>> -> memref<32xi32, #tpu.memory_space<vmem>>
          %dma_start3A_180 = tpu.memref_slice %arg2[%mul3A_170] : memref<323584xi32, #tpu.memory_space<hbm>> -> memref<32xi32, #tpu.memory_space<hbm>>
          tpu.enqueue_dma source(%dma_start3A_180 : memref<32xi32, #tpu.memory_space<hbm>>) target(%dma_start3A_179 : memref<32xi32, #tpu.memory_space<vmem>>) target_semaphore(%run_scoped3A_172 : memref<!tpu.dma_semaphore, #tpu.memory_space<semaphore_mem>>)
          %dma_wait3A = arith.constant 0 : i32
          %dma_wait3A_181 = tpu.memref_slice %arg9[%run_scoped3A_171, %dma_wait3A] : memref<2x32xi32, #tpu.memory_space<vmem>> -> memref<1x32xi32, #tpu.memory_space<vmem>>
          %dma_wait3A_182 = tpu.memref_squeeze %dma_wait3A_181 : memref<1x32xi32, #tpu.memory_space<vmem>> -> memref<32xi32, #tpu.memory_space<vmem>>
          %dma_wait3A_183 = tpu.memref_slice %arg2[%mul3A_170] : memref<323584xi32, #tpu.memory_space<hbm>> -> memref<32xi32, #tpu.memory_space<hbm>>
          %dma_wait3A_184 = arith.constant 0 : i32
          %dma_wait3A_185 = tpu.memref_slice %arg9[%run_scoped3A_171, %dma_wait3A_184] : memref<2x32xi32, #tpu.memory_space<vmem>> -> memref<1x32xi32, #tpu.memory_space<vmem>>
          %dma_wait3A_186 = tpu.memref_squeeze %dma_wait3A_185 : memref<1x32xi32, #tpu.memory_space<vmem>> -> memref<32xi32, #tpu.memory_space<vmem>>
          %dma_wait3A_187 = tpu.memref_slice %arg2[%mul3A_170] : memref<323584xi32, #tpu.memory_space<hbm>> -> memref<32xi32, #tpu.memory_space<hbm>>
          tpu.wait_dma2 semaphore(%run_scoped3A_172 : memref<!tpu.dma_semaphore, #tpu.memory_space<semaphore_mem>>) src(%dma_wait3A_187 : memref<32xi32, #tpu.memory_space<hbm>>) dst(%dma_wait3A_186 : memref<32xi32, #tpu.memory_space<vmem>>)
          tpu.yield
        }) : () -> ()
      } else {
      }
      %run_scoped3A_161 = arith.constant 0 : i32
      %run_scoped3A_162 = arith.constant 1 : i32
      "tpu.region"() ({
        %run_scoped3A_164 = tpu.sem_alloc : memref<!tpu.dma_semaphore, #tpu.memory_space<semaphore_mem>>
        %dma_start3A_165 = arith.constant 0 : i32
        %dma_start3A_166 = arith.constant 0 : i32
        %dma_start3A_167 = tpu.memref_slice %arg13[%run_scoped3A_161, %dma_start3A_165, %dma_start3A_166] : memref<2x32x128xf32, #tpu.memory_space<vmem>> -> memref<1x32x128xf32, #tpu.memory_space<vmem>>
        %dma_start3A_168 = tpu.memref_squeeze %dma_start3A_167 : memref<1x32x128xf32, #tpu.memory_space<vmem>> -> memref<32x128xf32, #tpu.memory_space<vmem>>
        %dma_start3A_169 = arith.constant 0 : i32
        %dma_start3A_170 = tpu.memref_slice %arg9[%run_scoped3A_162, %dma_start3A_169] : memref<2x32xi32, #tpu.memory_space<vmem>> -> memref<1x32xi32, #tpu.memory_space<vmem>>
        %dma_start3A_171 = tpu.memref_squeeze %dma_start3A_170 : memref<1x32xi32, #tpu.memory_space<vmem>> -> memref<32xi32, #tpu.memory_space<vmem>>
        %dma_start3A_172 = arith.constant 0 : i32
        %dma_start3A_173 = arith.constant 0 : i32
        %dma_start3A_174 = tpu.memref_slice %arg14[%dma_start3A_172, %dma_start3A_173] : memref<10112x128xf32, #tpu.memory_space<vmem_shared>> -> memref<10112x128xf32, #tpu.memory_space<vmem_shared>>
        tpu.enqueue_indirect_dma source(%dma_start3A_168 : memref<32x128xf32, #tpu.memory_space<vmem>>) target(%dma_start3A_174 : memref<10112x128xf32, #tpu.memory_space<vmem_shared>>) offsets(%dma_start3A_171 : memref<32xi32, #tpu.memory_space<vmem>>) semaphore(%run_scoped3A_164 : memref<!tpu.dma_semaphore, #tpu.memory_space<semaphore_mem>>) {add = true}
        %dma_wait3A = arith.constant 0 : i32
        %dma_wait3A_175 = arith.constant 0 : i32
        %dma_wait3A_176 = tpu.memref_slice %arg13[%run_scoped3A_161, %dma_wait3A, %dma_wait3A_175] : memref<2x32x128xf32, #tpu.memory_space<vmem>> -> memref<1x32x128xf32, #tpu.memory_space<vmem>>
        %dma_wait3A_177 = tpu.memref_squeeze %dma_wait3A_176 : memref<1x32x128xf32, #tpu.memory_space<vmem>> -> memref<32x128xf32, #tpu.memory_space<vmem>>
        %dma_wait3A_178 = arith.constant 0 : i32
        %dma_wait3A_179 = tpu.memref_slice %arg9[%run_scoped3A_162, %dma_wait3A_178] : memref<2x32xi32, #tpu.memory_space<vmem>> -> memref<1x32xi32, #tpu.memory_space<vmem>>
        %dma_wait3A_180 = tpu.memref_squeeze %dma_wait3A_179 : memref<1x32xi32, #tpu.memory_space<vmem>> -> memref<32xi32, #tpu.memory_space<vmem>>
        %dma_wait3A_181 = arith.constant 0 : i32
        %dma_wait3A_182 = arith.constant 0 : i32
        %dma_wait3A_183 = tpu.memref_slice %arg14[%dma_wait3A_181, %dma_wait3A_182] : memref<10112x128xf32, #tpu.memory_space<vmem_shared>> -> memref<10112x128xf32, #tpu.memory_space<vmem_shared>>
        tpu.wait_indirect_dma semaphore(%run_scoped3A_164 : memref<!tpu.dma_semaphore, #tpu.memory_space<semaphore_mem>>) src(%dma_wait3A_177 : memref<32x128xf32, #tpu.memory_space<vmem>>) dst(%dma_wait3A_183 : memref<10112x128xf32, #tpu.memory_space<vmem_shared>>)
        tpu.yield
      }) : () -> ()
      %scan3A_163 = arith.constant 0 : i32
      scf.yield %scan3A_163 : i32
    }
    %scan3A_128 = arith.constant 158 : i32
    %barrier3A_129 = arith.constant 0 : index
    tpu.barrier barrier_id(%barrier3A_129)
    %while3A_130 = arith.constant 0 : i32
    %while3A_131 = arith.constant 0 : i32
    %while3A_132 = arith.subi %select_n3A, %while3A_130 : i32
    %while3A_133 = arith.addi %while3A_130, %while3A_132 : i32
    %while3A_134 = arith.constant 1 : i32
    %while3A_135 = arith.divsi %while3A_132, %while3A_134 : i32
    %while3A_136 = arith.muli %while3A_135, %while3A_134 : i32
    %while3A_137 = arith.addi %while3A_130, %while3A_136 : i32
    %while3A_138 = arith.constant 1 : i32
    %while3A_139 = scf.for %while3A_142 = %while3A_130 to %while3A_137 step %while3A_138 iter_args(%while3A_143 = %while3A_131) -> (i32)  : i32 {
      %mul3A_144 = arith.constant 32 : i32
      %mul3A_145 = arith.muli %while3A_142, %mul3A_144 : i32
      %add3A_146 = arith.addi %mul3A_14, %mul3A_145 : i32
      %scan3A_147 = arith.constant 0 : i32
      %scan3A_148 = arith.constant 0 : i32
      %scan3A_149 = arith.constant 2 : i32
      %scan3A_150 = arith.addi %scan3A_148, %scan3A_149 : i32
      %scan3A_151 = arith.constant 1 : i32
      %scan3A_152 = scf.for %scan3A_179 = %scan3A_148 to %scan3A_150 step %scan3A_151 iter_args(%scan3A_180 = %scan3A_147) -> (i32)  : i32 {
        %iota3A = tpu.iota {dimensions = array<i32: 0>} : vector<16xi32>
        %add3A_181 = vector.broadcast %add3A_146 : i32 to vector<16xi32>
        %add3A_182 = arith.addi %iota3A, %add3A_181 : vector<16xi32>
        %mul3A_183 = arith.constant 16 : i32
        %mul3A_184 = arith.muli %scan3A_179, %mul3A_183 : i32
        %add3A_185 = vector.broadcast %mul3A_184 : i32 to vector<16xi32>
        %add3A_186 = arith.addi %add3A_182, %add3A_185 : vector<16xi32>
        %mul3A_187 = arith.constant 16 : i32
        %mul3A_188 = arith.muli %scan3A_179, %mul3A_187 : i32
        %swap3A = arith.constant 0 : i32
        %swap3A_189 = arith.index_cast %swap3A : i32 to index
        %swap3A_190 = arith.index_cast %mul3A_188 : i32 to index
        %swap3A_191 = tpu.vector_load %arg9[%swap3A_189, %swap3A_190] {strides = array<i32>} : memref<2x32xi32, #tpu.memory_space<vmem>>, vector<1x16xi32>,
        %swap3A_192 = vector.shape_cast %swap3A_191 : vector<1x16xi32> to vector<16xi32>
        %swap3A_193 = vector.shape_cast %add3A_186 : vector<16xi32> to vector<1x16xi32>
        tpu.vector_store %arg9[%swap3A_189, %swap3A_190], %swap3A_193 {strides = array<i32>} : memref<2x32xi32, #tpu.memory_space<vmem>>, vector<1x16xi32>,
        %scan3A_194 = arith.constant 0 : i32
        scf.yield %scan3A_194 : i32
      }
      %scan3A_153 = arith.constant 2 : i32
      %dma_start3A_154 = arith.constant 0 : i32
      %dma_start3A_155 = arith.constant 0 : i32
      %dma_start3A_156 = arith.constant 0 : i32
      %dma_start3A_157 = arith.constant 0 : i32
      %dma_start3A_158 = tpu.memref_slice %arg11[%dma_start3A_155, %dma_start3A_156, %dma_start3A_157] : memref<2x32x128xf32, #tpu.memory_space<vmem>> -> memref<1x32x128xf32, #tpu.memory_space<vmem>>
      %dma_start3A_159 = tpu.memref_squeeze %dma_start3A_158 : memref<1x32x128xf32, #tpu.memory_space<vmem>> -> memref<32x128xf32, #tpu.memory_space<vmem>>
      %dma_start3A_160 = arith.constant 0 : i32
      %dma_start3A_161 = tpu.memref_slice %arg9[%dma_start3A_154, %dma_start3A_160] : memref<2x32xi32, #tpu.memory_space<vmem>> -> memref<1x32xi32, #tpu.memory_space<vmem>>
      %dma_start3A_162 = tpu.memref_squeeze %dma_start3A_161 : memref<1x32xi32, #tpu.memory_space<vmem>> -> memref<32xi32, #tpu.memory_space<vmem>>
      %dma_start3A_163 = arith.constant 0 : i32
      %dma_start3A_164 = arith.constant 0 : i32
      %dma_start3A_165 = tpu.memref_slice %arg14[%dma_start3A_163, %dma_start3A_164] : memref<10112x128xf32, #tpu.memory_space<vmem_shared>> -> memref<10112x128xf32, #tpu.memory_space<vmem_shared>>
      tpu.enqueue_indirect_dma source(%dma_start3A_165 : memref<10112x128xf32, #tpu.memory_space<vmem_shared>>) target(%dma_start3A_159 : memref<32x128xf32, #tpu.memory_space<vmem>>) offsets(%dma_start3A_162 : memref<32xi32, #tpu.memory_space<vmem>>) semaphore(%arg15 : memref<!tpu.dma_semaphore, #tpu.memory_space<semaphore_mem>>)
      %dma_wait3A = arith.constant 0 : i32
      %dma_wait3A_166 = arith.constant 0 : i32
      %dma_wait3A_167 = arith.constant 0 : i32
      %dma_wait3A_168 = arith.constant 0 : i32
      %dma_wait3A_169 = tpu.memref_slice %arg11[%dma_wait3A_166, %dma_wait3A_167, %dma_wait3A_168] : memref<2x32x128xf32, #tpu.memory_space<vmem>> -> memref<1x32x128xf32, #tpu.memory_space<vmem>>
      %dma_wait3A_170 = tpu.memref_squeeze %dma_wait3A_169 : memref<1x32x128xf32, #tpu.memory_space<vmem>> -> memref<32x128xf32, #tpu.memory_space<vmem>>
      %dma_wait3A_171 = arith.constant 0 : i32
      %dma_wait3A_172 = tpu.memref_slice %arg9[%dma_wait3A, %dma_wait3A_171] : memref<2x32xi32, #tpu.memory_space<vmem>> -> memref<1x32xi32, #tpu.memory_space<vmem>>
      %dma_wait3A_173 = tpu.memref_squeeze %dma_wait3A_172 : memref<1x32xi32, #tpu.memory_space<vmem>> -> memref<32xi32, #tpu.memory_space<vmem>>
      %dma_wait3A_174 = arith.constant 0 : i32
      %dma_wait3A_175 = arith.constant 0 : i32
      %dma_wait3A_176 = tpu.memref_slice %arg14[%dma_wait3A_174, %dma_wait3A_175] : memref<10112x128xf32, #tpu.memory_space<vmem_shared>> -> memref<10112x128xf32, #tpu.memory_space<vmem_shared>>
      tpu.wait_indirect_dma semaphore(%arg15 : memref<!tpu.dma_semaphore, #tpu.memory_space<semaphore_mem>>) src(%dma_wait3A_176 : memref<10112x128xf32, #tpu.memory_space<vmem_shared>>) dst(%dma_wait3A_170 : memref<32x128xf32, #tpu.memory_space<vmem>>)
      %run_scoped3A_177 = arith.constant 0 : i32
      "tpu.region"() ({
        %run_scoped3A_179 = tpu.sem_alloc : memref<!tpu.dma_semaphore, #tpu.memory_space<semaphore_mem>>
        %dma_start3A_180 = arith.constant 0 : i32
        %dma_start3A_181 = arith.constant 0 : i32
        %dma_start3A_182 = tpu.memref_slice %arg11[%run_scoped3A_177, %dma_start3A_180, %dma_start3A_181] : memref<2x32x128xf32, #tpu.memory_space<vmem>> -> memref<1x32x128xf32, #tpu.memory_space<vmem>>
        %dma_start3A_183 = tpu.memref_squeeze %dma_start3A_182 : memref<1x32x128xf32, #tpu.memory_space<vmem>> -> memref<32x128xf32, #tpu.memory_space<vmem>>
        %dma_start3A_184 = arith.constant 0 : i32
        %dma_start3A_185 = tpu.memref_slice %arg8[%arg0, %add3A_146, %dma_start3A_184] : memref<2x10112x128xf32, #tpu.memory_space<hbm>> -> memref<1x32x128xf32, #tpu.memory_space<hbm>>
        %dma_start3A_186 = tpu.memref_squeeze %dma_start3A_185 : memref<1x32x128xf32, #tpu.memory_space<hbm>> -> memref<32x128xf32, #tpu.memory_space<hbm>>
        %dma_start3A_187 = arith.constant 0 : i32
        %dma_start3A_188 = tpu.memref_slice %arg8[%arg0, %add3A_146, %dma_start3A_187] : memref<2x10112x128xf32, #tpu.memory_space<hbm>> -> memref<1x32x128xf32, #tpu.memory_space<hbm>>
        %dma_start3A_189 = tpu.memref_squeeze %dma_start3A_188 : memref<1x32x128xf32, #tpu.memory_space<hbm>> -> memref<32x128xf32, #tpu.memory_space<hbm>>
        %dma_start3A_190 = arith.constant 0 : i32
        %dma_start3A_191 = arith.constant 0 : i32
        %dma_start3A_192 = tpu.memref_slice %arg11[%run_scoped3A_177, %dma_start3A_190, %dma_start3A_191] : memref<2x32x128xf32, #tpu.memory_space<vmem>> -> memref<1x32x128xf32, #tpu.memory_space<vmem>>
        %dma_start3A_193 = tpu.memref_squeeze %dma_start3A_192 : memref<1x32x128xf32, #tpu.memory_space<vmem>> -> memref<32x128xf32, #tpu.memory_space<vmem>>
        tpu.enqueue_dma source(%dma_start3A_193 : memref<32x128xf32, #tpu.memory_space<vmem>>) target(%dma_start3A_189 : memref<32x128xf32, #tpu.memory_space<hbm>>) target_semaphore(%run_scoped3A_179 : memref<!tpu.dma_semaphore, #tpu.memory_space<semaphore_mem>>)
        %dma_wait3A_194 = arith.constant 0 : i32
        %dma_wait3A_195 = arith.constant 0 : i32
        %dma_wait3A_196 = tpu.memref_slice %arg11[%run_scoped3A_177, %dma_wait3A_194, %dma_wait3A_195] : memref<2x32x128xf32, #tpu.memory_space<vmem>> -> memref<1x32x128xf32, #tpu.memory_space<vmem>>
        %dma_wait3A_197 = tpu.memref_squeeze %dma_wait3A_196 : memref<1x32x128xf32, #tpu.memory_space<vmem>> -> memref<32x128xf32, #tpu.memory_space<vmem>>
        %dma_wait3A_198 = arith.constant 0 : i32
        %dma_wait3A_199 = tpu.memref_slice %arg8[%arg0, %add3A_146, %dma_wait3A_198] : memref<2x10112x128xf32, #tpu.memory_space<hbm>> -> memref<1x32x128xf32, #tpu.memory_space<hbm>>
        %dma_wait3A_200 = tpu.memref_squeeze %dma_wait3A_199 : memref<1x32x128xf32, #tpu.memory_space<hbm>> -> memref<32x128xf32, #tpu.memory_space<hbm>>
        %dma_wait3A_201 = arith.constant 0 : i32
        %dma_wait3A_202 = tpu.memref_slice %arg8[%arg0, %add3A_146, %dma_wait3A_201] : memref<2x10112x128xf32, #tpu.memory_space<hbm>> -> memref<1x32x128xf32, #tpu.memory_space<hbm>>
        %dma_wait3A_203 = tpu.memref_squeeze %dma_wait3A_202 : memref<1x32x128xf32, #tpu.memory_space<hbm>> -> memref<32x128xf32, #tpu.memory_space<hbm>>
        %dma_wait3A_204 = arith.constant 0 : i32
        %dma_wait3A_205 = arith.constant 0 : i32
        %dma_wait3A_206 = tpu.memref_slice %arg11[%run_scoped3A_177, %dma_wait3A_204, %dma_wait3A_205] : memref<2x32x128xf32, #tpu.memory_space<vmem>> -> memref<1x32x128xf32, #tpu.memory_space<vmem>>
        %dma_wait3A_207 = tpu.memref_squeeze %dma_wait3A_206 : memref<1x32x128xf32, #tpu.memory_space<vmem>> -> memref<32x128xf32, #tpu.memory_space<vmem>>
        tpu.wait_dma2 semaphore(%run_scoped3A_179 : memref<!tpu.dma_semaphore, #tpu.memory_space<semaphore_mem>>) src(%dma_wait3A_207 : memref<32x128xf32, #tpu.memory_space<vmem>>) dst(%dma_wait3A_203 : memref<32x128xf32, #tpu.memory_space<hbm>>)
        tpu.yield
      }) : () -> ()
      %while3A_178 = arith.constant 0 : i32
      scf.yield %while3A_178 : i32
    }
    %while3A_140 = arith.constant 1 : i32
    %while3A_141 = scf.for %while3A_142 = %while3A_137 to %while3A_133 step %while3A_140 iter_args(%while3A_143 = %while3A_139) -> (i32)  : i32 {
      %mul3A_144 = arith.constant 32 : i32
      %mul3A_145 = arith.muli %while3A_142, %mul3A_144 : i32
      %add3A_146 = arith.addi %mul3A_14, %mul3A_145 : i32
      %scan3A_147 = arith.constant 0 : i32
      %scan3A_148 = arith.constant 0 : i32
      %scan3A_149 = arith.constant 2 : i32
      %scan3A_150 = arith.addi %scan3A_148, %scan3A_149 : i32
      %scan3A_151 = arith.constant 1 : i32
      %scan3A_152 = scf.for %scan3A_179 = %scan3A_148 to %scan3A_150 step %scan3A_151 iter_args(%scan3A_180 = %scan3A_147) -> (i32)  : i32 {
        %iota3A = tpu.iota {dimensions = array<i32: 0>} : vector<16xi32>
        %add3A_181 = vector.broadcast %add3A_146 : i32 to vector<16xi32>
        %add3A_182 = arith.addi %iota3A, %add3A_181 : vector<16xi32>
        %mul3A_183 = arith.constant 16 : i32
        %mul3A_184 = arith.muli %scan3A_179, %mul3A_183 : i32
        %add3A_185 = vector.broadcast %mul3A_184 : i32 to vector<16xi32>
        %add3A_186 = arith.addi %add3A_182, %add3A_185 : vector<16xi32>
        %mul3A_187 = arith.constant 16 : i32
        %mul3A_188 = arith.muli %scan3A_179, %mul3A_187 : i32
        %swap3A = arith.constant 0 : i32
        %swap3A_189 = arith.index_cast %swap3A : i32 to index
        %swap3A_190 = arith.index_cast %mul3A_188 : i32 to index
        %swap3A_191 = tpu.vector_load %arg9[%swap3A_189, %swap3A_190] {strides = array<i32>} : memref<2x32xi32, #tpu.memory_space<vmem>>, vector<1x16xi32>,
        %swap3A_192 = vector.shape_cast %swap3A_191 : vector<1x16xi32> to vector<16xi32>
        %swap3A_193 = vector.shape_cast %add3A_186 : vector<16xi32> to vector<1x16xi32>
        tpu.vector_store %arg9[%swap3A_189, %swap3A_190], %swap3A_193 {strides = array<i32>} : memref<2x32xi32, #tpu.memory_space<vmem>>, vector<1x16xi32>,
        %scan3A_194 = arith.constant 0 : i32
        scf.yield %scan3A_194 : i32
      }
      %scan3A_153 = arith.constant 2 : i32
      %dma_start3A_154 = arith.constant 0 : i32
      %dma_start3A_155 = arith.constant 0 : i32
      %dma_start3A_156 = arith.constant 0 : i32
      %dma_start3A_157 = arith.constant 0 : i32
      %dma_start3A_158 = tpu.memref_slice %arg11[%dma_start3A_155, %dma_start3A_156, %dma_start3A_157] : memref<2x32x128xf32, #tpu.memory_space<vmem>> -> memref<1x32x128xf32, #tpu.memory_space<vmem>>
      %dma_start3A_159 = tpu.memref_squeeze %dma_start3A_158 : memref<1x32x128xf32, #tpu.memory_space<vmem>> -> memref<32x128xf32, #tpu.memory_space<vmem>>
      %dma_start3A_160 = arith.constant 0 : i32
      %dma_start3A_161 = tpu.memref_slice %arg9[%dma_start3A_154, %dma_start3A_160] : memref<2x32xi32, #tpu.memory_space<vmem>> -> memref<1x32xi32, #tpu.memory_space<vmem>>
      %dma_start3A_162 = tpu.memref_squeeze %dma_start3A_161 : memref<1x32xi32, #tpu.memory_space<vmem>> -> memref<32xi32, #tpu.memory_space<vmem>>
      %dma_start3A_163 = arith.constant 0 : i32
      %dma_start3A_164 = arith.constant 0 : i32
      %dma_start3A_165 = tpu.memref_slice %arg14[%dma_start3A_163, %dma_start3A_164] : memref<10112x128xf32, #tpu.memory_space<vmem_shared>> -> memref<10112x128xf32, #tpu.memory_space<vmem_shared>>
      tpu.enqueue_indirect_dma source(%dma_start3A_165 : memref<10112x128xf32, #tpu.memory_space<vmem_shared>>) target(%dma_start3A_159 : memref<32x128xf32, #tpu.memory_space<vmem>>) offsets(%dma_start3A_162 : memref<32xi32, #tpu.memory_space<vmem>>) semaphore(%arg15 : memref<!tpu.dma_semaphore, #tpu.memory_space<semaphore_mem>>)
      %dma_wait3A = arith.constant 0 : i32
      %dma_wait3A_166 = arith.constant 0 : i32
      %dma_wait3A_167 = arith.constant 0 : i32
      %dma_wait3A_168 = arith.constant 0 : i32
      %dma_wait3A_169 = tpu.memref_slice %arg11[%dma_wait3A_166, %dma_wait3A_167, %dma_wait3A_168] : memref<2x32x128xf32, #tpu.memory_space<vmem>> -> memref<1x32x128xf32, #tpu.memory_space<vmem>>
      %dma_wait3A_170 = tpu.memref_squeeze %dma_wait3A_169 : memref<1x32x128xf32, #tpu.memory_space<vmem>> -> memref<32x128xf32, #tpu.memory_space<vmem>>
      %dma_wait3A_171 = arith.constant 0 : i32
      %dma_wait3A_172 = tpu.memref_slice %arg9[%dma_wait3A, %dma_wait3A_171] : memref<2x32xi32, #tpu.memory_space<vmem>> -> memref<1x32xi32, #tpu.memory_space<vmem>>
      %dma_wait3A_173 = tpu.memref_squeeze %dma_wait3A_172 : memref<1x32xi32, #tpu.memory_space<vmem>> -> memref<32xi32, #tpu.memory_space<vmem>>
      %dma_wait3A_174 = arith.constant 0 : i32
      %dma_wait3A_175 = arith.constant 0 : i32
      %dma_wait3A_176 = tpu.memref_slice %arg14[%dma_wait3A_174, %dma_wait3A_175] : memref<10112x128xf32, #tpu.memory_space<vmem_shared>> -> memref<10112x128xf32, #tpu.memory_space<vmem_shared>>
      tpu.wait_indirect_dma semaphore(%arg15 : memref<!tpu.dma_semaphore, #tpu.memory_space<semaphore_mem>>) src(%dma_wait3A_176 : memref<10112x128xf32, #tpu.memory_space<vmem_shared>>) dst(%dma_wait3A_170 : memref<32x128xf32, #tpu.memory_space<vmem>>)
      %run_scoped3A_177 = arith.constant 0 : i32
      "tpu.region"() ({
        %run_scoped3A_179 = tpu.sem_alloc : memref<!tpu.dma_semaphore, #tpu.memory_space<semaphore_mem>>
        %dma_start3A_180 = arith.constant 0 : i32
        %dma_start3A_181 = arith.constant 0 : i32
        %dma_start3A_182 = tpu.memref_slice %arg11[%run_scoped3A_177, %dma_start3A_180, %dma_start3A_181] : memref<2x32x128xf32, #tpu.memory_space<vmem>> -> memref<1x32x128xf32, #tpu.memory_space<vmem>>
        %dma_start3A_183 = tpu.memref_squeeze %dma_start3A_182 : memref<1x32x128xf32, #tpu.memory_space<vmem>> -> memref<32x128xf32, #tpu.memory_space<vmem>>
        %dma_start3A_184 = arith.constant 0 : i32
        %dma_start3A_185 = tpu.memref_slice %arg8[%arg0, %add3A_146, %dma_start3A_184] : memref<2x10112x128xf32, #tpu.memory_space<hbm>> -> memref<1x32x128xf32, #tpu.memory_space<hbm>>
        %dma_start3A_186 = tpu.memref_squeeze %dma_start3A_185 : memref<1x32x128xf32, #tpu.memory_space<hbm>> -> memref<32x128xf32, #tpu.memory_space<hbm>>
        %dma_start3A_187 = arith.constant 0 : i32
        %dma_start3A_188 = tpu.memref_slice %arg8[%arg0, %add3A_146, %dma_start3A_187] : memref<2x10112x128xf32, #tpu.memory_space<hbm>> -> memref<1x32x128xf32, #tpu.memory_space<hbm>>
        %dma_start3A_189 = tpu.memref_squeeze %dma_start3A_188 : memref<1x32x128xf32, #tpu.memory_space<hbm>> -> memref<32x128xf32, #tpu.memory_space<hbm>>
        %dma_start3A_190 = arith.constant 0 : i32
        %dma_start3A_191 = arith.constant 0 : i32
        %dma_start3A_192 = tpu.memref_slice %arg11[%run_scoped3A_177, %dma_start3A_190, %dma_start3A_191] : memref<2x32x128xf32, #tpu.memory_space<vmem>> -> memref<1x32x128xf32, #tpu.memory_space<vmem>>
        %dma_start3A_193 = tpu.memref_squeeze %dma_start3A_192 : memref<1x32x128xf32, #tpu.memory_space<vmem>> -> memref<32x128xf32, #tpu.memory_space<vmem>>
        tpu.enqueue_dma source(%dma_start3A_193 : memref<32x128xf32, #tpu.memory_space<vmem>>) target(%dma_start3A_189 : memref<32x128xf32, #tpu.memory_space<hbm>>) target_semaphore(%run_scoped3A_179 : memref<!tpu.dma_semaphore, #tpu.memory_space<semaphore_mem>>)
        %dma_wait3A_194 = arith.constant 0 : i32
        %dma_wait3A_195 = arith.constant 0 : i32
        %dma_wait3A_196 = tpu.memref_slice %arg11[%run_scoped3A_177, %dma_wait3A_194, %dma_wait3A_195] : memref<2x32x128xf32, #tpu.memory_space<vmem>> -> memref<1x32x128xf32, #tpu.memory_space<vmem>>
        %dma_wait3A_197 = tpu.memref_squeeze %dma_wait3A_196 : memref<1x32x128xf32, #tpu.memory_space<vmem>> -> memref<32x128xf32, #tpu.memory_space<vmem>>
        %dma_wait3A_198 = arith.constant 0 : i32
        %dma_wait3A_199 = tpu.memref_slice %arg8[%arg0, %add3A_146, %dma_wait3A_198] : memref<2x10112x128xf32, #tpu.memory_space<hbm>> -> memref<1x32x128xf32, #tpu.memory_space<hbm>>
        %dma_wait3A_200 = tpu.memref_squeeze %dma_wait3A_199 : memref<1x32x128xf32, #tpu.memory_space<hbm>> -> memref<32x128xf32, #tpu.memory_space<hbm>>
        %dma_wait3A_201 = arith.constant 0 : i32
        %dma_wait3A_202 = tpu.memref_slice %arg8[%arg0, %add3A_146, %dma_wait3A_201] : memref<2x10112x128xf32, #tpu.memory_space<hbm>> -> memref<1x32x128xf32, #tpu.memory_space<hbm>>
        %dma_wait3A_203 = tpu.memref_squeeze %dma_wait3A_202 : memref<1x32x128xf32, #tpu.memory_space<hbm>> -> memref<32x128xf32, #tpu.memory_space<hbm>>
        %dma_wait3A_204 = arith.constant 0 : i32
        %dma_wait3A_205 = arith.constant 0 : i32
        %dma_wait3A_206 = tpu.memref_slice %arg11[%run_scoped3A_177, %dma_wait3A_204, %dma_wait3A_205] : memref<2x32x128xf32, #tpu.memory_space<vmem>> -> memref<1x32x128xf32, #tpu.memory_space<vmem>>
        %dma_wait3A_207 = tpu.memref_squeeze %dma_wait3A_206 : memref<1x32x128xf32, #tpu.memory_space<vmem>> -> memref<32x128xf32, #tpu.memory_space<vmem>>
        tpu.wait_dma2 semaphore(%run_scoped3A_179 : memref<!tpu.dma_semaphore, #tpu.memory_space<semaphore_mem>>) src(%dma_wait3A_207 : memref<32x128xf32, #tpu.memory_space<vmem>>) dst(%dma_wait3A_203 : memref<32x128xf32, #tpu.memory_space<hbm>>)
        tpu.yield
      }) : () -> ()
      %while3A_178 = arith.constant 0 : i32
      scf.yield %while3A_178 : i32
    }
    return
  }
}

module attributes {stable_mosaic.version = 14 : i64} {
  func.func @_node_tables_body(%arg0: memref<10112x128xf32, #tpu.memory_space<vmem>>, %arg1: memref<128x128xf32, #tpu.memory_space<vmem>>, %arg2: memref<1x128xf32, #tpu.memory_space<vmem>>, %arg3: memref<128x128xf32, #tpu.memory_space<vmem>>, %arg4: memref<1x128xf32, #tpu.memory_space<vmem>>, %arg5: memref<384x128xf32, #tpu.memory_space<vmem>>, %arg6: memref<1x128xf32, #tpu.memory_space<vmem>>, %arg7: memref<128x128xf32, #tpu.memory_space<vmem>>, %arg8: memref<1x128xf32, #tpu.memory_space<vmem>>, %arg9: memref<10112x128xf32, #tpu.memory_space<vmem>>, %arg10: memref<10112x128xf32, #tpu.memory_space<vmem>>, %arg11: memref<128x128xf32, #tpu.memory_space<vmem>>, %arg12: memref<1x128xf32, #tpu.memory_space<vmem>>) attributes {dimension_semantics = [], scalar_prefetch = 0 : i64, scratch_operands = 0 : i64, tpu.core_type = #tpu.core_type<tc>} {
    %get3A = arith.constant 0 : index
    %get3A_0 = arith.constant 0 : index
    %get3A_1 = vector.load %arg0[%get3A, %get3A_0] : memref<10112x128xf32, #tpu.memory_space<vmem>>, vector<10112x128xf32>
    %get3A_2 = arith.constant 0 : index
    %get3A_3 = arith.constant 0 : index
    %get3A_4 = vector.load %arg1[%get3A_2, %get3A_3] : memref<128x128xf32, #tpu.memory_space<vmem>>, vector<128x128xf32>
    %dot_general3A = arith.constant dense<0.000000e+00> : vector<10112x128xf32>
    %dot_general3A_5 = tpu.matmul %get3A_1, %get3A_4, %dot_general3A {dimension_numbers = #tpu.dot_dimension_numbers<[1], [0], [0], [1], [0, 0, 1, 1], [], []>, transpose_lhs_hint = false} : vector<10112x128xf32>, vector<128x128xf32>, vector<10112x128xf32> -> vector<10112x128xf32>
    %get3A_6 = arith.constant 0 : index
    %get3A_7 = arith.constant 0 : index
    %get3A_8 = vector.load %arg2[%get3A_6, %get3A_7] : memref<1x128xf32, #tpu.memory_space<vmem>>, vector<1x128xf32>
    %add3A = vector.broadcast %get3A_8 : vector<1x128xf32> to vector<10112x128xf32>
    %add3A_9 = arith.addf %dot_general3A_5, %add3A : vector<10112x128xf32>
    %neg3A = arith.constant 0.000000e+00 : f32
    %neg3A_10 = vector.broadcast %neg3A : f32 to vector<10112x128xf32>
    %neg3A_11 = arith.subf %neg3A_10, %add3A_9 : vector<10112x128xf32>
    %exp3A = math.exp %neg3A_11 : vector<10112x128xf32>
    %add3A_12 = arith.constant 1.000000e+00 : f32
    %add3A_13 = vector.broadcast %add3A_12 : f32 to vector<10112x128xf32>
    %add3A_14 = arith.addf %add3A_13, %exp3A : vector<10112x128xf32>
    %div3A = arith.divf %add3A_9, %add3A_14 : vector<10112x128xf32>
    %get3A_15 = arith.constant 0 : index
    %get3A_16 = arith.constant 0 : index
    %get3A_17 = vector.load %arg3[%get3A_15, %get3A_16] : memref<128x128xf32, #tpu.memory_space<vmem>>, vector<128x128xf32>
    %dot_general3A_18 = arith.constant dense<0.000000e+00> : vector<10112x128xf32>
    %dot_general3A_19 = tpu.matmul %div3A, %get3A_17, %dot_general3A_18 {dimension_numbers = #tpu.dot_dimension_numbers<[1], [0], [0], [1], [0, 0, 1, 1], [], []>, transpose_lhs_hint = false} : vector<10112x128xf32>, vector<128x128xf32>, vector<10112x128xf32> -> vector<10112x128xf32>
    %get3A_20 = arith.constant 0 : index
    %get3A_21 = arith.constant 0 : index
    %get3A_22 = vector.load %arg4[%get3A_20, %get3A_21] : memref<1x128xf32, #tpu.memory_space<vmem>>, vector<1x128xf32>
    %add3A_23 = vector.broadcast %get3A_22 : vector<1x128xf32> to vector<10112x128xf32>
    %add3A_24 = arith.addf %dot_general3A_19, %add3A_23 : vector<10112x128xf32>
    %get3A_25 = arith.constant 0 : index
    %get3A_26 = arith.constant 0 : index
    %get3A_27 = vector.load %arg5[%get3A_25, %get3A_26] : memref<384x128xf32, #tpu.memory_space<vmem>>, vector<384x128xf32>
    %slice3A = vector.extract_strided_slice %get3A_27 {offsets = [0, 0], sizes = [128, 128], strides = [1, 1]} : vector<384x128xf32> to vector<128x128xf32>
    %slice3A_28 = vector.extract_strided_slice %get3A_27 {offsets = [128, 0], sizes = [128, 128], strides = [1, 1]} : vector<384x128xf32> to vector<128x128xf32>
    %slice3A_29 = vector.extract_strided_slice %get3A_27 {offsets = [256, 0], sizes = [128, 128], strides = [1, 1]} : vector<384x128xf32> to vector<128x128xf32>
    %dot_general3A_30 = arith.constant dense<0.000000e+00> : vector<10112x128xf32>
    %dot_general3A_31 = tpu.matmul %add3A_24, %slice3A, %dot_general3A_30 {dimension_numbers = #tpu.dot_dimension_numbers<[1], [0], [0], [1], [0, 0, 1, 1], [], []>, transpose_lhs_hint = false} : vector<10112x128xf32>, vector<128x128xf32>, vector<10112x128xf32> -> vector<10112x128xf32>
    %swap3A = arith.constant 0 : index
    %swap3A_32 = arith.constant 0 : index
    %swap3A_33 = vector.load %arg9[%swap3A, %swap3A_32] : memref<10112x128xf32, #tpu.memory_space<vmem>>, vector<10112x128xf32>
    tpu.vector_store %arg9[%swap3A, %swap3A_32], %dot_general3A_31 {strides = array<i32>} : memref<10112x128xf32, #tpu.memory_space<vmem>>, vector<10112x128xf32>,
    %dot_general3A_34 = arith.constant dense<0.000000e+00> : vector<10112x128xf32>
    %dot_general3A_35 = tpu.matmul %add3A_24, %slice3A_28, %dot_general3A_34 {dimension_numbers = #tpu.dot_dimension_numbers<[1], [0], [0], [1], [0, 0, 1, 1], [], []>, transpose_lhs_hint = false} : vector<10112x128xf32>, vector<128x128xf32>, vector<10112x128xf32> -> vector<10112x128xf32>
    %swap3A_36 = arith.constant 0 : index
    %swap3A_37 = arith.constant 0 : index
    %swap3A_38 = vector.load %arg10[%swap3A_36, %swap3A_37] : memref<10112x128xf32, #tpu.memory_space<vmem>>, vector<10112x128xf32>
    tpu.vector_store %arg10[%swap3A_36, %swap3A_37], %dot_general3A_35 {strides = array<i32>} : memref<10112x128xf32, #tpu.memory_space<vmem>>, vector<10112x128xf32>,
    %get3A_39 = arith.constant 0 : index
    %get3A_40 = arith.constant 0 : index
    %get3A_41 = vector.load %arg7[%get3A_39, %get3A_40] : memref<128x128xf32, #tpu.memory_space<vmem>>, vector<128x128xf32>
    %dot_general3A_42 = arith.constant dense<0.000000e+00> : vector<128x128xf32>
    %dot_general3A_43 = tpu.matmul %get3A_41, %slice3A_29, %dot_general3A_42 {dimension_numbers = #tpu.dot_dimension_numbers<[1], [0], [0], [1], [0, 0, 1, 1], [], []>, transpose_lhs_hint = false} : vector<128x128xf32>, vector<128x128xf32>, vector<128x128xf32> -> vector<128x128xf32>
    %swap3A_44 = arith.constant 0 : index
    %swap3A_45 = arith.constant 0 : index
    %swap3A_46 = vector.load %arg11[%swap3A_44, %swap3A_45] : memref<128x128xf32, #tpu.memory_space<vmem>>, vector<128x128xf32>
    tpu.vector_store %arg11[%swap3A_44, %swap3A_45], %dot_general3A_43 {strides = array<i32>} : memref<128x128xf32, #tpu.memory_space<vmem>>, vector<128x128xf32>,
    %get3A_47 = arith.constant 0 : index
    %get3A_48 = arith.constant 0 : index
    %get3A_49 = vector.load %arg8[%get3A_47, %get3A_48] : memref<1x128xf32, #tpu.memory_space<vmem>>, vector<1x128xf32>
    %dot_general3A_50 = arith.constant dense<0.000000e+00> : vector<1x128xf32>
    %dot_general3A_51 = tpu.matmul %get3A_49, %slice3A_29, %dot_general3A_50 {dimension_numbers = #tpu.dot_dimension_numbers<[1], [0], [0], [1], [0, 0, 1, 1], [], []>, transpose_lhs_hint = false} : vector<1x128xf32>, vector<128x128xf32>, vector<1x128xf32> -> vector<1x128xf32>
    %get3A_52 = arith.constant 0 : index
    %get3A_53 = arith.constant 0 : index
    %get3A_54 = vector.load %arg6[%get3A_52, %get3A_53] : memref<1x128xf32, #tpu.memory_space<vmem>>, vector<1x128xf32>
    %add3A_55 = arith.addf %dot_general3A_51, %get3A_54 : vector<1x128xf32>
    %swap3A_56 = arith.constant 0 : index
    %swap3A_57 = arith.constant 0 : index
    %swap3A_58 = vector.load %arg12[%swap3A_56, %swap3A_57] : memref<1x128xf32, #tpu.memory_space<vmem>>, vector<1x128xf32>
    tpu.vector_store %arg12[%swap3A_56, %swap3A_57], %add3A_55 {strides = array<i32>} : memref<1x128xf32, #tpu.memory_space<vmem>>, vector<1x128xf32>,
    return
  }
}

module attributes {stable_mosaic.version = 14 : i64} {
  func.func @_edge_pre_body(%arg0: i32, %arg1: memref<1024x16xf32, #tpu.memory_space<vmem>>, %arg2: memref<16x128xf32, #tpu.memory_space<vmem>>, %arg3: memref<1x128xf32, #tpu.memory_space<vmem>>, %arg4: memref<128x128xf32, #tpu.memory_space<vmem>>, %arg5: memref<1x128xf32, #tpu.memory_space<vmem>>, %arg6: memref<1024x128xf32, #tpu.memory_space<vmem>>) attributes {dimension_semantics = [#tpu.dimension_semantics<arbitrary>], iteration_bounds = array<i64: 316>, scalar_prefetch = 0 : i64, scratch_operands = 0 : i64, tpu.core_type = #tpu.core_type<tc>, window_params = [{transform_indices = @transform_0, window_bounds = array<i64: 1024, 16>}, {pipeline_mode = #tpu.pipeline_mode<synchronous>, transform_indices = @transform_1, window_bounds = array<i64: 16, 128>}, {pipeline_mode = #tpu.pipeline_mode<synchronous>, transform_indices = @transform_2, window_bounds = array<i64: 1, 128>}, {pipeline_mode = #tpu.pipeline_mode<synchronous>, transform_indices = @transform_3, window_bounds = array<i64: 128, 128>}, {pipeline_mode = #tpu.pipeline_mode<synchronous>, transform_indices = @transform_4, window_bounds = array<i64: 1, 128>}, {transform_indices = @transform_5, window_bounds = array<i64: 1024, 128>}]} {
    %get3A = arith.constant 0 : index
    %get3A_0 = arith.constant 0 : index
    %get3A_1 = vector.load %arg1[%get3A, %get3A_0] : memref<1024x16xf32, #tpu.memory_space<vmem>>, vector<1024x16xf32>
    %get3A_2 = arith.constant 0 : index
    %get3A_3 = arith.constant 0 : index
    %get3A_4 = vector.load %arg2[%get3A_2, %get3A_3] : memref<16x128xf32, #tpu.memory_space<vmem>>, vector<16x128xf32>
    %dot_general3A = arith.constant dense<0.000000e+00> : vector<1024x128xf32>
    %dot_general3A_5 = tpu.matmul %get3A_1, %get3A_4, %dot_general3A {dimension_numbers = #tpu.dot_dimension_numbers<[1], [0], [0], [1], [0, 0, 1, 1], [], []>, transpose_lhs_hint = false} : vector<1024x16xf32>, vector<16x128xf32>, vector<1024x128xf32> -> vector<1024x128xf32>
    %get3A_6 = arith.constant 0 : index
    %get3A_7 = arith.constant 0 : index
    %get3A_8 = vector.load %arg3[%get3A_6, %get3A_7] : memref<1x128xf32, #tpu.memory_space<vmem>>, vector<1x128xf32>
    %add3A = vector.broadcast %get3A_8 : vector<1x128xf32> to vector<1024x128xf32>
    %add3A_9 = arith.addf %dot_general3A_5, %add3A : vector<1024x128xf32>
    %neg3A = arith.constant 0.000000e+00 : f32
    %neg3A_10 = vector.broadcast %neg3A : f32 to vector<1024x128xf32>
    %neg3A_11 = arith.subf %neg3A_10, %add3A_9 : vector<1024x128xf32>
    %exp3A = math.exp %neg3A_11 : vector<1024x128xf32>
    %add3A_12 = arith.constant 1.000000e+00 : f32
    %add3A_13 = vector.broadcast %add3A_12 : f32 to vector<1024x128xf32>
    %add3A_14 = arith.addf %add3A_13, %exp3A : vector<1024x128xf32>
    %div3A = arith.divf %add3A_9, %add3A_14 : vector<1024x128xf32>
    %get3A_15 = arith.constant 0 : index
    %get3A_16 = arith.constant 0 : index
    %get3A_17 = vector.load %arg4[%get3A_15, %get3A_16] : memref<128x128xf32, #tpu.memory_space<vmem>>, vector<128x128xf32>
    %dot_general3A_18 = arith.constant dense<0.000000e+00> : vector<1024x128xf32>
    %dot_general3A_19 = tpu.matmul %div3A, %get3A_17, %dot_general3A_18 {dimension_numbers = #tpu.dot_dimension_numbers<[1], [0], [0], [1], [0, 0, 1, 1], [], []>, transpose_lhs_hint = false} : vector<1024x128xf32>, vector<128x128xf32>, vector<1024x128xf32> -> vector<1024x128xf32>
    %get3A_20 = arith.constant 0 : index
    %get3A_21 = arith.constant 0 : index
    %get3A_22 = vector.load %arg5[%get3A_20, %get3A_21] : memref<1x128xf32, #tpu.memory_space<vmem>>, vector<1x128xf32>
    %add3A_23 = vector.broadcast %get3A_22 : vector<1x128xf32> to vector<1024x128xf32>
    %add3A_24 = arith.addf %dot_general3A_19, %add3A_23 : vector<1024x128xf32>
    %swap3A = arith.constant 0 : index
    %swap3A_25 = arith.constant 0 : index
    %swap3A_26 = vector.load %arg6[%swap3A, %swap3A_25] : memref<1024x128xf32, #tpu.memory_space<vmem>>, vector<1024x128xf32>
    tpu.vector_store %arg6[%swap3A, %swap3A_25], %add3A_24 {strides = array<i32>} : memref<1024x128xf32, #tpu.memory_space<vmem>>, vector<1024x128xf32>,
    return
  }
  func.func @transform_0(%arg0: i32) -> (i32, i32) {
    %c0_i32 = arith.constant 0 : i32
    %c0_i32_0 = arith.constant 0 : i32
    return %arg0, %c0_i32 : i32, i32
  }
  func.func @transform_1(%arg0: i32) -> (i32, i32) {
    %c0_i32 = arith.constant 0 : i32
    %c0_i32_0 = arith.constant 0 : i32
    %c0_i32_1 = arith.constant 0 : i32
    return %c0_i32, %c0_i32_0 : i32, i32
  }
  func.func @transform_2(%arg0: i32) -> (i32, i32) {
    %c0_i32 = arith.constant 0 : i32
    %c0_i32_0 = arith.constant 0 : i32
    %c0_i32_1 = arith.constant 0 : i32
    return %c0_i32, %c0_i32_0 : i32, i32
  }
  func.func @transform_3(%arg0: i32) -> (i32, i32) {
    %c0_i32 = arith.constant 0 : i32
    %c0_i32_0 = arith.constant 0 : i32
    %c0_i32_1 = arith.constant 0 : i32
    return %c0_i32, %c0_i32_0 : i32, i32
  }
  func.func @transform_4(%arg0: i32) -> (i32, i32) {
    %c0_i32 = arith.constant 0 : i32
    %c0_i32_0 = arith.constant 0 : i32
    %c0_i32_1 = arith.constant 0 : i32
    return %c0_i32, %c0_i32_0 : i32, i32
  }
  func.func @transform_5(%arg0: i32) -> (i32, i32) {
    %c0_i32 = arith.constant 0 : i32
    %c0_i32_0 = arith.constant 0 : i32
    return %arg0, %c0_i32 : i32, i32
  }
}

module attributes {stable_mosaic.version = 14 : i64} {
  func.func @_finish_body(%arg0: memref<10000x128xf32, #tpu.memory_space<vmem>>, %arg1: memref<2x10112x128xf32, #tpu.memory_space<vmem>>, %arg2: memref<2x10112x128xf32, #tpu.memory_space<vmem>>, %arg3: memref<128x128xf32, #tpu.memory_space<vmem>>, %arg4: memref<1x128xf32, #tpu.memory_space<vmem>>, %arg5: memref<256x128xf32, #tpu.memory_space<vmem>>, %arg6: memref<1x128xf32, #tpu.memory_space<vmem>>, %arg7: memref<128x128xf32, #tpu.memory_space<vmem>>, %arg8: memref<1x128xf32, #tpu.memory_space<vmem>>, %arg9: memref<1x128xf32, #tpu.memory_space<vmem>>, %arg10: memref<1x128xf32, #tpu.memory_space<vmem>>, %arg11: memref<10000x128xf32, #tpu.memory_space<vmem>>) attributes {dimension_semantics = [], scalar_prefetch = 0 : i64, scratch_operands = 0 : i64, tpu.core_type = #tpu.core_type<tc>} {
    %get3A = arith.constant 0 : index
    %get3A_0 = arith.constant 0 : index
    %get3A_1 = vector.load %arg0[%get3A, %get3A_0] : memref<10000x128xf32, #tpu.memory_space<vmem>>, vector<10000x128xf32>
    %get3A_2 = arith.constant 0 : index
    %get3A_3 = arith.constant 0 : index
    %get3A_4 = arith.constant 0 : index
    %get3A_5 = vector.load %arg1[%get3A_2, %get3A_3, %get3A_4] : memref<2x10112x128xf32, #tpu.memory_space<vmem>>, vector<1x10000x128xf32>
    %get3A_6 = vector.shape_cast %get3A_5 : vector<1x10000x128xf32> to vector<10000x128xf32>
    %get3A_7 = arith.constant 1 : index
    %get3A_8 = arith.constant 0 : index
    %get3A_9 = arith.constant 0 : index
    %get3A_10 = vector.load %arg1[%get3A_7, %get3A_8, %get3A_9] : memref<2x10112x128xf32, #tpu.memory_space<vmem>>, vector<1x10000x128xf32>
    %get3A_11 = vector.shape_cast %get3A_10 : vector<1x10000x128xf32> to vector<10000x128xf32>
    %add3A = arith.addf %get3A_6, %get3A_11 : vector<10000x128xf32>
    %get3A_12 = arith.constant 0 : index
    %get3A_13 = arith.constant 0 : index
    %get3A_14 = arith.constant 0 : index
    %get3A_15 = vector.load %arg2[%get3A_12, %get3A_13, %get3A_14] : memref<2x10112x128xf32, #tpu.memory_space<vmem>>, vector<1x10000x128xf32>
    %get3A_16 = vector.shape_cast %get3A_15 : vector<1x10000x128xf32> to vector<10000x128xf32>
    %get3A_17 = arith.constant 1 : index
    %get3A_18 = arith.constant 0 : index
    %get3A_19 = arith.constant 0 : index
    %get3A_20 = vector.load %arg2[%get3A_17, %get3A_18, %get3A_19] : memref<2x10112x128xf32, #tpu.memory_space<vmem>>, vector<1x10000x128xf32>
    %get3A_21 = vector.shape_cast %get3A_20 : vector<1x10000x128xf32> to vector<10000x128xf32>
    %add3A_22 = arith.addf %get3A_16, %get3A_21 : vector<10000x128xf32>
    %slice3A = vector.extract_strided_slice %add3A_22 {offsets = [0, 0], sizes = [10000, 1], strides = [1, 1]} : vector<10000x128xf32> to vector<10000x1xf32>
    %get3A_23 = arith.constant 0 : index
    %get3A_24 = arith.constant 0 : index
    %get3A_25 = vector.load %arg3[%get3A_23, %get3A_24] : memref<128x128xf32, #tpu.memory_space<vmem>>, vector<128x128xf32>
    %dot_general3A = arith.constant dense<0.000000e+00> : vector<10000x128xf32>
    %dot_general3A_26 = tpu.matmul %add3A, %get3A_25, %dot_general3A {dimension_numbers = #tpu.dot_dimension_numbers<[1], [0], [0], [1], [0, 0, 1, 1], [], []>, transpose_lhs_hint = false} : vector<10000x128xf32>, vector<128x128xf32>, vector<10000x128xf32> -> vector<10000x128xf32>
    %get3A_27 = arith.constant 0 : index
    %get3A_28 = arith.constant 0 : index
    %get3A_29 = vector.load %arg4[%get3A_27, %get3A_28] : memref<1x128xf32, #tpu.memory_space<vmem>>, vector<1x128xf32>
    %mul3A = vector.broadcast %slice3A : vector<10000x1xf32> to vector<10000x128xf32>
    %mul3A_30 = vector.broadcast %get3A_29 : vector<1x128xf32> to vector<10000x128xf32>
    %mul3A_31 = arith.mulf %mul3A, %mul3A_30 : vector<10000x128xf32>
    %add3A_32 = arith.addf %dot_general3A_26, %mul3A_31 : vector<10000x128xf32>
    %max3A = arith.constant 1.000000e+00 : f32
    %max3A_33 = vector.broadcast %max3A : f32 to vector<10000x1xf32>
    %max3A_34 = arith.maximumf %slice3A, %max3A_33 : vector<10000x1xf32>
    %div3A = vector.broadcast %max3A_34 : vector<10000x1xf32> to vector<10000x128xf32>
    %div3A_35 = arith.divf %add3A_32, %div3A : vector<10000x128xf32>
    %get3A_36 = arith.constant 0 : index
    %get3A_37 = arith.constant 0 : index
    %get3A_38 = vector.load %arg5[%get3A_36, %get3A_37] : memref<256x128xf32, #tpu.memory_space<vmem>>, vector<256x128xf32>
    %slice3A_39 = vector.extract_strided_slice %get3A_38 {offsets = [0, 0], sizes = [128, 128], strides = [1, 1]} : vector<256x128xf32> to vector<128x128xf32>
    %dot_general3A_40 = arith.constant dense<0.000000e+00> : vector<10000x128xf32>
    %dot_general3A_41 = tpu.matmul %get3A_1, %slice3A_39, %dot_general3A_40 {dimension_numbers = #tpu.dot_dimension_numbers<[1], [0], [0], [1], [0, 0, 1, 1], [], []>, transpose_lhs_hint = false} : vector<10000x128xf32>, vector<128x128xf32>, vector<10000x128xf32> -> vector<10000x128xf32>
    %slice3A_42 = vector.extract_strided_slice %get3A_38 {offsets = [128, 0], sizes = [128, 128], strides = [1, 1]} : vector<256x128xf32> to vector<128x128xf32>
    %dot_general3A_43 = arith.constant dense<0.000000e+00> : vector<10000x128xf32>
    %dot_general3A_44 = tpu.matmul %div3A_35, %slice3A_42, %dot_general3A_43 {dimension_numbers = #tpu.dot_dimension_numbers<[1], [0], [0], [1], [0, 0, 1, 1], [], []>, transpose_lhs_hint = false} : vector<10000x128xf32>, vector<128x128xf32>, vector<10000x128xf32> -> vector<10000x128xf32>
    %add3A_45 = arith.addf %dot_general3A_41, %dot_general3A_44 : vector<10000x128xf32>
    %get3A_46 = arith.constant 0 : index
    %get3A_47 = arith.constant 0 : index
    %get3A_48 = vector.load %arg6[%get3A_46, %get3A_47] : memref<1x128xf32, #tpu.memory_space<vmem>>, vector<1x128xf32>
    %add3A_49 = vector.broadcast %get3A_48 : vector<1x128xf32> to vector<10000x128xf32>
    %add3A_50 = arith.addf %add3A_45, %add3A_49 : vector<10000x128xf32>
    %neg3A = arith.constant 0.000000e+00 : f32
    %neg3A_51 = vector.broadcast %neg3A : f32 to vector<10000x128xf32>
    %neg3A_52 = arith.subf %neg3A_51, %add3A_50 : vector<10000x128xf32>
    %exp3A = math.exp %neg3A_52 : vector<10000x128xf32>
    %add3A_53 = arith.constant 1.000000e+00 : f32
    %add3A_54 = vector.broadcast %add3A_53 : f32 to vector<10000x128xf32>
    %add3A_55 = arith.addf %add3A_54, %exp3A : vector<10000x128xf32>
    %div3A_56 = arith.divf %add3A_50, %add3A_55 : vector<10000x128xf32>
    %get3A_57 = arith.constant 0 : index
    %get3A_58 = arith.constant 0 : index
    %get3A_59 = vector.load %arg7[%get3A_57, %get3A_58] : memref<128x128xf32, #tpu.memory_space<vmem>>, vector<128x128xf32>
    %dot_general3A_60 = arith.constant dense<0.000000e+00> : vector<10000x128xf32>
    %dot_general3A_61 = tpu.matmul %div3A_56, %get3A_59, %dot_general3A_60 {dimension_numbers = #tpu.dot_dimension_numbers<[1], [0], [0], [1], [0, 0, 1, 1], [], []>, transpose_lhs_hint = false} : vector<10000x128xf32>, vector<128x128xf32>, vector<10000x128xf32> -> vector<10000x128xf32>
    %get3A_62 = arith.constant 0 : index
    %get3A_63 = arith.constant 0 : index
    %get3A_64 = vector.load %arg8[%get3A_62, %get3A_63] : memref<1x128xf32, #tpu.memory_space<vmem>>, vector<1x128xf32>
    %add3A_65 = vector.broadcast %get3A_64 : vector<1x128xf32> to vector<10000x128xf32>
    %add3A_66 = arith.addf %dot_general3A_61, %add3A_65 : vector<10000x128xf32>
    %add3A_67 = arith.addf %get3A_1, %add3A_66 : vector<10000x128xf32>
    %reduce_sum3A = arith.constant dense<0.000000e+00> : vector<10000xf32>
    %reduce_sum3A_68 = vector.multi_reduction <add>, %add3A_67, %reduce_sum3A [1] : vector<10000x128xf32> to vector<10000xf32>
    %broadcast_in_dim3A = vector.shape_cast %reduce_sum3A_68 : vector<10000xf32> to vector<10000x1xf32>
    %div3A_69 = arith.constant 1.280000e+02 : f32
    %div3A_70 = vector.broadcast %div3A_69 : f32 to vector<10000x1xf32>
    %div3A_71 = arith.divf %broadcast_in_dim3A, %div3A_70 : vector<10000x1xf32>
    %sub3A = vector.broadcast %div3A_71 : vector<10000x1xf32> to vector<10000x128xf32>
    %sub3A_72 = arith.subf %add3A_67, %sub3A : vector<10000x128xf32>
    %sub3A_73 = vector.broadcast %div3A_71 : vector<10000x1xf32> to vector<10000x128xf32>
    %sub3A_74 = arith.subf %add3A_67, %sub3A_73 : vector<10000x128xf32>
    %mul3A_75 = arith.mulf %sub3A_72, %sub3A_74 : vector<10000x128xf32>
    %reduce_sum3A_76 = arith.constant dense<0.000000e+00> : vector<10000xf32>
    %reduce_sum3A_77 = vector.multi_reduction <add>, %mul3A_75, %reduce_sum3A_76 [1] : vector<10000x128xf32> to vector<10000xf32>
    %broadcast_in_dim3A_78 = vector.shape_cast %reduce_sum3A_77 : vector<10000xf32> to vector<10000x1xf32>
    %div3A_79 = arith.constant 1.280000e+02 : f32
    %div3A_80 = vector.broadcast %div3A_79 : f32 to vector<10000x1xf32>
    %div3A_81 = arith.divf %broadcast_in_dim3A_78, %div3A_80 : vector<10000x1xf32>
    %sub3A_82 = vector.broadcast %div3A_71 : vector<10000x1xf32> to vector<10000x128xf32>
    %sub3A_83 = arith.subf %add3A_67, %sub3A_82 : vector<10000x128xf32>
    %add3A_84 = arith.constant 9.99999974E-6 : f32
    %add3A_85 = vector.broadcast %add3A_84 : f32 to vector<10000x1xf32>
    %add3A_86 = arith.addf %div3A_81, %add3A_85 : vector<10000x1xf32>
    %rsqrt3A = math.rsqrt %add3A_86 : vector<10000x1xf32>
    %mul3A_87 = vector.broadcast %rsqrt3A : vector<10000x1xf32> to vector<10000x128xf32>
    %mul3A_88 = arith.mulf %sub3A_83, %mul3A_87 : vector<10000x128xf32>
    %get3A_89 = arith.constant 0 : index
    %get3A_90 = arith.constant 0 : index
    %get3A_91 = vector.load %arg9[%get3A_89, %get3A_90] : memref<1x128xf32, #tpu.memory_space<vmem>>, vector<1x128xf32>
    %mul3A_92 = vector.broadcast %get3A_91 : vector<1x128xf32> to vector<10000x128xf32>
    %mul3A_93 = arith.mulf %mul3A_88, %mul3A_92 : vector<10000x128xf32>
    %get3A_94 = arith.constant 0 : index
    %get3A_95 = arith.constant 0 : index
    %get3A_96 = vector.load %arg10[%get3A_94, %get3A_95] : memref<1x128xf32, #tpu.memory_space<vmem>>, vector<1x128xf32>
    %add3A_97 = vector.broadcast %get3A_96 : vector<1x128xf32> to vector<10000x128xf32>
    %add3A_98 = arith.addf %mul3A_93, %add3A_97 : vector<10000x128xf32>
    %swap3A = arith.constant 0 : index
    %swap3A_99 = arith.constant 0 : index
    %swap3A_100 = vector.load %arg11[%swap3A, %swap3A_99] : memref<10000x128xf32, #tpu.memory_space<vmem>>, vector<10000x128xf32>
    tpu.vector_store %arg11[%swap3A, %swap3A_99], %add3A_98 {strides = array<i32>} : memref<10000x128xf32, #tpu.memory_space<vmem>>, vector<10000x128xf32>,
    return
  }
}

</mosaic_0001>

<sc_bundles>
// kernel: kernel.6.cloned.1.call-start
scs
__scs_entry_jumppad:
0x0: {  	(pc) =	sbr.rel $0x88, $3  }
0x1: {  	(tag) =	ssettag $0x0;
	lr =	simm.s32 $0x1  }
0x2: {  	[smem:$0x3F8C] =	sst lr;
	_ =	strace $0xD0000000  }
0x3: {  	_ = 	snop  }
0x4: {  	_ = 	snop  }
0x5: {  	_ = 	snop  }
0x6: {  	_ = 	snop  }
0x7: {  	_ = 	snop  }
__scs_overlays_trampoline_lowered:
0x8: {  	[smem:$0x3F9B] =	sst s0  }
0x9: {  	[smem:$0x3F9C] =	sst s1  }
0xa: {  	[smem:$0x3F9D] =	sst s2  }
0xb: {  	[smem:$0x3F9E] =	sst s3  }
0xc: {  	[smem:$0x3F9F] =	sst s4  }
0xd: {  	[smem:$0x3FA0] =	sst s5  }
0xe: {  	[smem:$0x3FA1] =	sst s6  }
0xf: {  	[smem:$0x3FA2] =	sst s7  }
0x10: {  	[smem:$0x3FA3] =	sst s8  }
0x11: {  	[smem:$0x3FA4] =	sst s9;
	s0 =	simm.s32 @!p0 $0x0  }
0x12: {  	s1 =	sld [smem:$0x3F8A];
	s0 =	simm.s32 @p0 $0x1  }
0x13: {  	[smem:$0x3FA5] =	sst s0;
	s0 =	simm.s32 @!p1 $0x0  }
0x14: {  	s2 =	sld [smem:$0x3F89];
	s0 =	simm.s32 @p1 $0x1  }
0x15: {  	[smem:$0x3FA6] =	sst s0;
	s0 =	simm.s32 @!p2 $0x0  }
0x16: {  	s3 =	sld [smem:$0x3FDB];
	s0 =	simm.s32 @p2 $0x1  }
0x17: {  	s4 =	simm.s32 $0x1BF5;
	[smem:$0x3FA8] =	sst s0  }
0x18: {  	s0 =	sld [smem:$0x3F8B];
	_ =	swait.ge [sflag:s4], $0x0  }
0x19: {  	s7 =	sld [smem:$0x3F8C]  }
0x1a: {  	s8 =	sadd.s32 $0xFFFFE003, lr  }
0x1b: {  	s9 =	sadd.s32 $0xFFFFFEF7, lr;
	s5 =	simm.s32 $0xFFFFFFFF;
	p2 =	slt.u32 s8, $0xFFFFF086  }
0x1c: {  	p1 =	slt.u32 s9, $0xF7A;
	s5 =	simm.s32 @!p2 $0x0  }
0x1d: {  	s5 =	simm.s32 @p1 $0x1;
	p0 =	seq.s32 s7, s2  }
0x1e: {  	s7 =	smul.u32 @!p0 $0xF7A, s2;
	p2 =	seq.s32 @!p0 s5, $0x0  }
0x1f: {  	s9 =	smul.u32 $0xF7A, s1;
	s8 =	simm.s32 @!p0 $0x1BF5;
	p2 =	por !p2, p0  }
0x20: {  	[sflag:s8] =	ssyncset.s32 @!p0 $0xFFFFF086;
	s6 =	sadd.s32 @!p0 s3, s7;
	s7 =	simm.s32 @!p0 $0x108  }
0x21: {  	s3 =	sadd.s32 s3, s9;
	s6 =	sadd.s32 @!p0 $0x88, s6;
	s7 =	simm.s32 @p2 $0x1082  }
0x22: {  	[simem:s7], [sflag:s8] =	dma.local @!p0 [hbm:s6], $0xF7A  }
0x23: {  	s9 =	sor.u32 $0xD0000000, s2;
	s6 =	simm.s32 $0x108;
	_ =	swait.ge @!p0 [sflag:s8], $0x0  }
0x24: {  	s3 =	sadd.s32 $0x88, s3;
	s6 =	simm.s32 @!p1 $0x1082;
	[sflag:s4] =	ssyncset.s32 $0xFFFFF086  }
0x25: {  	[simem:s6], [sflag:s4] =	dma.local [hbm:s3], $0xF7A  }
0x26: {  	[smem:$0x3F8C] =	sst s1;
	(tag) =	ssettag s2;
	_ =	strace s9  }
0x27: {  	s1 =	sld [smem:$0x3F9C]  }
0x28: {  	s2 =	sld [smem:$0x3F9D]  }
0x29: {  	s4 =	sld [smem:$0x3F9F]  }
0x2a: {  	p0 =	seq.s32 s5, $0x0;
	s5 =	sld [smem:$0x3FA0]  }
0x2b: {  	s6 =	sld [smem:$0x3FA1]  }
0x2c: {  	s7 =	sld [smem:$0x3FA2]  }
0x2d: {  	s3 =	simm.s32 $0x108;
	s8 =	sld [smem:$0x3FA3]  }
0x2e: {  	s3 =	simm.s32 @!p0 $0x1082;
	s9 =	sld [smem:$0x3FA4]  }
0x2f: {  	lr =	sadd.s32 s0, s3;
	s0 =	sld [smem:$0x3F9B]  }
0x30: {  	s3 =	sld [smem:$0x3F9E]  }
0x31: {  	[smem:$0x3FA7] =	sst s10  }
0x32: {  	s10 =	sld [smem:$0x3FA5];
	_ =	sdelay $0x3  }
0x33: {  	p0 =	seq.s32 s10, $0x1;
	s10 =	sld [smem:$0x3FA7];
	_ =	sdelay $0x3  }
0x34: {  	[smem:$0x3FA7] =	sst s10  }
0x35: {  	s10 =	sld [smem:$0x3FA6];
	_ =	sdelay $0x3  }
0x36: {  	p1 =	seq.s32 s10, $0x1;
	s10 =	sld [smem:$0x3FA7];
	_ =	sdelay $0x3  }
0x37: {  	[smem:$0x3FA7] =	sst s10  }
0x38: {  	s10 =	sld [smem:$0x3FA8]  }
0x39: {  	_ = 	snop;
	(pc) =	sbr.ind lr, $3  }
0x3a: {  	_ = 	snop  }
0x3b: {  	_ = 	snop  }
0x3c: {  	p2 =	seq.s32 s10, $0x1;
	s10 =	sld [smem:$0x3FA7]  }
0x3d: {  	_ =	shalt  }
0x3e: {  	_ =	shalt  }
0x3f: {  	_ =	shalt  }
0x40: {  	_ =	shalt  }
0x41: {  	_ =	shalt  }
0x42: {  	_ =	shalt  }
0x43: {  	_ =	shalt  }
0x44: {  	_ =	shalt  }
0x45: {  	_ =	shalt  }
0x46: {  	_ =	shalt  }
0x47: {  	_ =	shalt  }
0x48: {  	_ =	shalt  }
0x49: {  	_ =	shalt  }
0x4a: {  	_ =	shalt  }
0x4b: {  	_ =	shalt  }
0x4c: {  	_ =	shalt  }
0x4d: {  	_ =	shalt  }
0x4e: {  	_ =	shalt  }
0x4f: {  	_ =	shalt  }
0x50: {  	_ =	shalt  }
0x51: {  	_ =	shalt  }
0x52: {  	_ =	shalt  }
0x53: {  	_ =	shalt  }
0x54: {  	_ =	shalt  }
0x55: {  	_ =	shalt  }
0x56: {  	_ =	shalt  }
0x57: {  	_ =	shalt  }
0x58: {  	_ =	shalt  }
0x59: {  	_ =	shalt  }
0x5a: {  	_ =	shalt  }
0x5b: {  	_ =	shalt  }
0x5c: {  	_ =	shalt  }
0x5d: {  	_ =	shalt  }
0x5e: {  	_ =	shalt  }
0x5f: {  	_ =	shalt  }
0x60: {  	_ =	shalt  }
0x61: {  	_ =	shalt  }
0x62: {  	_ =	shalt  }
0x63: {  	_ =	shalt  }
0x64: {  	_ =	shalt  }
0x65: {  	_ =	shalt  }
0x66: {  	_ =	shalt  }
0x67: {  	_ =	shalt  }
0x68: {  	_ =	shalt  }
0x69: {  	_ =	shalt  }
0x6a: {  	_ =	shalt  }
0x6b: {  	_ =	shalt  }
0x6c: {  	_ =	shalt  }
0x6d: {  	_ =	shalt  }
0x6e: {  	_ =	shalt  }
0x6f: {  	_ =	shalt  }
0x70: {  	_ =	shalt  }
0x71: {  	_ =	shalt  }
0x72: {  	_ =	shalt  }
0x73: {  	_ =	shalt  }
0x74: {  	_ =	shalt  }
0x75: {  	_ =	shalt  }
0x76: {  	_ =	shalt  }
0x77: {  	_ =	shalt  }
0x78: {  	_ =	shalt  }
0x79: {  	_ =	shalt  }
0x7a: {  	_ =	shalt  }
0x7b: {  	_ =	shalt  }
0x7c: {  	_ =	shalt  }
0x7d: {  	_ =	shalt  }
0x7e: {  	_ =	shalt  }
0x7f: {  	_ =	shalt  }
0x80: {  	_ =	shalt  }
0x81: {  	_ =	shalt  }
0x82: {  	_ =	shalt  }
0x83: {  	_ =	shalt  }
0x84: {  	_ =	shalt  }
0x85: {  	_ =	shalt  }
0x86: {  	_ =	shalt  }
0x87: {  	_ =	shalt  }
.Lfunc_end0:
.L_simem_size_0:
called_computation_lowered:
.L_overlay_start_0:
0x88: {  	s2 =	sld [smem:$0x3FD9]  }
0x89: {  	s3 =	sld [smem:$0x3FFE];
	_ =	sdelay $0x1  }
0x8a: {  	s1 =	srdreg.scid  }
0x8b: {  	s0 =	sand.u32 $0x1, s1  }
0x8c: {  	s17 =	sshll.u32 s0, $0xA;
	s2 =	sadd.s32 s3, s2  }
0x8d: {  	s2 =	sadd.s32 s2, s17  }
0x8e: {  	[smem:$0x3FB3] =	sst s2  }
0x8f: {  	_ = 	snop  }
0x90: {  	s2 =	sld [smem:$0x3FD0];
	(tm) =	ssettm $0x1  }
0x91: {  	s18 =	sld [smem:$0x3FFB];
	_ =	sdelay $0x3  }
0x92: {  	_ =	strace s18  }
0x93: {  	s3 =	sld [smem:$0x3FFC];
	_ =	sdelay $0x3  }
0x94: {  	_ =	strace s3  }
0x95: {  	s3 =	sld [smem:$0x3FFD];
	_ =	sdelay $0x3  }
0x96: {  	_ =	strace s3  }
0x97: {  	_ =	strace $0x8FFFFFFF  }
0x98: {  	s19 =	sld [smem:$0x3FDB];
	_ =	sdelay $0x1  }
0x99: {  	s4 =	simm.s32 $_scs_section_size  }
0x9a: {  	s5 =	simm.s32 $_size__tile_overlayer_lowered;
	s6 =	simm.s32 $_tile_overlayer_lowered  }
0x9b: {  	s22 =	simm.s32 $0x1BFF;
	s21 =	sshll.u32 s6, $0x1;
	s3 =	sadd.s32 s4, s19  }
0x9c: {  	s7 =	simm.s32 $0x0;
	s20 =	sshll.u32 s5, $0x1;
	s5 =	sadd.s32 s21, s3  }
0x9d: {  	[timem:s7], [sflag:s22] =	dma.local [hbm:s5], s20  }
0x9e: {  	_ =	swait.ge [sflag:s22], s20  }
0x9f: {  	s4 =	ssub.s32 $0x0, s20;
	[sflag:s22] =	ssyncset.done $0x0  }
0xa0: {  	[sflag:s22] =	ssyncadd.s32 s4;
	_ =	sdelay $0x1  }
0xa1: {  	s23 =	simm.s32 $0x1B8B  }
0xa2: {  	_ =	swait.ge [sflag:s23], $0x1  }
0xa3: {  	[sflag:s23] =	ssyncset.done $0x0  }
0xa4: {  	s25 =	simm.s32 $0x1B8E;
	s24 =	sld [smem:$0x3FFE];
	[sflag:s23] =	ssyncadd.s32 $0xFFFFFFFF  }
0xa5: {  	s26 =	simm.s32 $execute0_lowered;
	[smem:$0x3FD2] =	sst s25  }
0xa6: {  	s5 =	sshll.u32 s26, $0x1;
	_ =	strace $0x80000046;
	[dreg:$0x1] =	wrdreg $0xFFFFFFFF  }
0xa7: {  	s28 =	simm.s32 $_size_execute0_lowered;
	s3 =	sadd.s32 s3, s5;
	[dreg:$0x0] =	wrdreg $0x0  }
0xa8: {  	s5 =	sshll.u32 s28, $0x1;
	[dreg:$0x2] =	wrdreg s3  }
0xa9: {  	[dreg:$0x3] =	wrdreg s5  }
0xaa: {  	[dreg:$0x4] =	wrdreg $0xC0  }
0xab: {  	_ =	task [dreg:s7], $0x5FFFF  }
0xac: {  	[dreg:$0x1] =	wrdreg $0xFFFFFFFF  }
0xad: {  	[dreg:$0x0] =	wrdreg $0x60  }
0xae: {  	[dreg:$0x2] =	wrdreg s2  }
0xaf: {  	[dreg:$0x3] =	wrdreg s24  }
0xb0: {  	[dreg:$0x4] =	wrdreg $0x62000  }
0xb1: {  	[dreg:$0x5] =	wrdreg $0x9  }
0xb2: {  	_ =	task.clear_ibuf [dreg:s7], $0x6FFFF;
	_ =	strace $0x90000046  }
0xb3: {  	s29 =	simm.s32 $0x9;
	_ =	strace $0x80000048  }
0xb4: {  	_ =	swait.ge [sflag:s29], $0x1  }
0xb5: {  	[sflag:s29] =	ssyncadd.s32 $0xFFFFFFFF  }
0xb6: {  	_ =	strace $0x90000048  }
0xb7: {  	_ =	sfence  }
0xb8: {  	s30 =	sld [smem:$0x0];
	_ =	sdelay $0x2  }
0xb9: {  	s31 =	sshll.u32 s1, $0xD;
	s1 =	sshrl.u32 s1, $0x2  }
0xba: {  	s3 =	sand.u32 $0x4000, s31;
	s1 =	sadd.s32 s1, s30  }
0xbb: {  	s0 =	sor.u32 s3, s0;
	s1 =	sshll.u32 s1, $0x11  }
0xbc: {  	s0 =	sor.u32 s1, s0  }
0xbd: {  	s0 =	sadd.s32 $0x8F2B, s0  }
0xbe: {  	[sflag:s0] =	ssyncadd.remote.s32 $0x1  }
0xbf: {  	_ =	sfence.sel $0xFFFF  }
0xc0: {  	[dreg:$0x0] =	wrdreg $0xFFFFFFFF;
	(pc) =	sbr.abs _section_cstart, $3  }
0xc1: {  	[dreg:$0x1] =	wrdreg $0xFFFFFFFF  }
0xc2: {  	_ =	task.clear_ibuf [dreg:s7], $0x2FFFF;
	_ =	strace $0x9FFFFFFF  }
0xc3: {  	(tm) =	ssettm $0x7FFFFFFF  }
tec
execute0_lowered:
.L_overlay_start_1:
0x0: {  	(tag) =	ssettag $0x1  }
0x1: {  	s10 =	rddreg [dreg:$0x0]  }
0x2: {  	s0 =	rddreg [dreg:$0x1]  }
0x3: {  	s2 =	rddreg [dreg:$0x2]  }
0x4: {  	s4 =	simm.s32 $0x0;
	s1 =	srdreg.scid;
	s11 =	stileid.u32  }
0x5: {  	s14 =	simm.s32 $0x14;
	s16 =	simm.s32 $0x80;
	[smem:$0x7FF] =	sst s4  }
0x6: {  	s1 =	sand.u32 $0x1, s1;
	s5 =	smul.u32 $0x13000, s11;
	s12 =	sadd.s32 $0x3200, s0  }
0x7: {  	s6 =	sadd.s32 $0xD000, s0;
	s17 =	smin.u32 s11, $0xC;
	s7 =	sadd.s32 $0x34800, s0  }
0x8: {  	s13 =	sadd.s32 $0x9D5200, s0;
	p0 =	slt.u32 s11, $0xC;
	s24 =	smul.u32 $0x260, s11  }
0x9: {  	s28 =	smul.u32 $0x4F0, s11;
	_ =	strace $0x80000047;
	[dreg:$0x5] =	wrdreg s6  }
0xa: {  	s3 =	smul.u32 $0x13C000, s1;
	[dreg:$0x6] =	wrdreg s7;
	s18 =	sshll.u32 s17, $0xC  }
0xb: {  	s19 =	sshll.u32 s1, $0x4;
	s20 =	ssub.s32 $0x2, s1;
	[dreg:$0x4] =	wrdreg s12  }
0xc: {  	s1 =	smul.u32 $0x4F00, s1;
	s3 =	sadd.s32 s5, s3;
	s5 =	sor.u32 s11, s19  }
0xd: {  	s14 =	simm.s32 @!p0 $0x13;
	[dreg:$0x7] =	wrdreg s13;
	s8 =	smul.u32 $0x4F0, s5  }
0xe: {  	s26 =	sshll.u32 s17, $0x5;
	s17 =	simm.s32 $0x5200;
	s22 =	smul.u32 $0x13C, s5  }
0xf: {  	s21 =	sshrl.u32 s20, $0x1;
	[dreg:$0x8] =	wrdreg s14;
	s9 =	smul.u32 $0x27800, s5  }
0x10: {  	s1 =	sadd.s32 s1, s10;
	s23 =	sadd.s32 s12, s8;
	[dreg:$0x9] =	wrdreg s22  }
0x11: {  	s11 =	simm.s32 $0x4200;
	s25 =	sadd.s32 s13, s9;
	[dreg:$0xb] =	wrdreg s23  }
0x12: {  	s3 =	sadd.s32 s18, s3;
	s7 =	sor.u32 $0x2, s22;
	[dreg:$0xc] =	wrdreg s25  }
0x13: {  	s3 =	sshrl.u32 s3, $0x3;
	s15 =	sadd.s32 s10, s8;
	[dreg:$0xd] =	wrdreg s7  }
0x14: {  	s0 =	sadd.s32 s3, s0;
	s8 =	sadd.s32 s26, s24;
	[dreg:$0xa] =	wrdreg s15  }
0x15: {  	s3 =	ssub.s32 s20, s21;
	s10 =	sadd.s32 s28, s1;
	[dreg:$0x10] =	wrdreg s8  }
0x16: {  	s21 =	simm.s32 $0x20;
	s3 =	smax.u32 s3, $0x1;
	[dreg:$0x12] =	wrdreg s10  }
0x17: {  	s12 =	simm.s32 $0x200;
	s29 =	sadd.s32 $0x4EC, s15;
	[dreg:$0xe] =	wrdreg s3  }
0x18: {  	s13 =	simm.s32 $0x2200;
	s30 =	sadd.s32 $0x5C000, s0;
	[dreg:$0xf] =	wrdreg s29  }
0x19: {  	s31 =	sadd.s32 $0xAB000, s0;
	s23 =	simm.s32 $0x7;
	[dreg:$0x11] =	wrdreg s30  }
0x1a: {  	v0 =	vimm.f32 $0.0e+00;
	v1 =	vlaneseq.u32;
	v2 =	vimm.f32 $1.000000000e+00;
	s7 =	simm.s32 $0x0;
	s3 =	simm.s32 $0x1;
	[dreg:$0x13] =	wrdreg s31  }
.LBB2_1:
0x1b: {  	s0 =	simm.s32 $0x0;
	s1 =	simm.s32 $0x200  }
.LBB2_2:
0x1c: {  	p0 =	sne.s32 s1, $0x3E00;
	[tilespmem:s0+$0x4270] =	vst v0  }
0x1d: {  	[tilespmem:s0+$0x4200] =	vst v0  }
0x1e: {  	[tilespmem:s0+$0x4210] =	vst v0  }
.Ltmp0:
0x1f: {  	[tilespmem:s0+$0x4220] =	vst v0;
	(pc) =	sbr.rel @p0 .LBB2_2-.Ltmp0, $4  }
0x20: {  	[tilespmem:s0+$0x4230] =	vst v0  }
0x21: {  	[tilespmem:s0+$0x4240] =	vst v0  }
0x22: {  	[tilespmem:s0+$0x4250] =	vst v0  }
0x23: {  	[tilespmem:s0+$0x4260] =	vst v0;
	s0 =	sshra.s32 s1, $0x2;
	s1 =	sadd.s32 $0x200, s1  }
0x24: {  	[tilespmem:s0+$0x4270] =	vst v0  }
0x25: {  	[tilespmem:s0+$0x4200] =	vst v0  }
0x26: {  	[tilespmem:s0+$0x4210] =	vst v0  }
0x27: {  	[tilespmem:s0+$0x4220] =	vst v0  }
0x28: {  	[tilespmem:s0+$0x4230] =	vst v0;
	v3 =	vmov s8;
	p0 =	sne.s32 s14, $0x1  }
.Ltmp1:
0x29: {  	[tilespmem:s0+$0x4240] =	vst v0;
	v4 =	vor.u32 $0x10, v3;
	(pc) =	sbr.rel @!p0 .LBB2_5-.Ltmp1, $4  }
0x2a: {  	[tilespmem:s0+$0x4250] =	vst v0;
	v5 =	vbroadcast v4, $0x0  }
0x2b: {  	[tilespmem:s0+$0x4260] =	vst v0;
	v3 =	vor.u32 s8, v1  }
0x2c: {  	[tilespmem:$0x0] =	vst v3;
	v6 =	vor.u32 v1, v5  }
0x2d: {  	[dreg:$0x14] =	wrdreg s7;
	s0 =	sadd.s32 $0xFFFFFFFF, s14;
	s1 =	sadd.s32 $0x20, s8;
	[tilespmem:$0x10] =	vst v6  }
.LBB2_4:
0x2e: {  	[spmem:s2] =	stream.indirect.scatter [tilespmem:s11], [sflag:$0x7], $0x80, s4, s21, $0xb8;
	[tilespmem:$0x19E00] =	vst v63  }
0x2f: {  	v7 =	vmov s1;
	p1 =	sne.s32 s0, $0x1  }
.Ltmp2:
0x30: {  	v7 =	vor.u32 $0x10, v7;
	_ =	swait.ge [sflag:s23], $0x1000;
	(pc) =	sbr.rel @p1 .LBB2_4-.Ltmp2, $4  }
0x31: {  	s0 =	sadd.s32 $0xFFFFFFFF, s0;
	v7 =	vbroadcast v7, $0x0;
	[sflag:s23] =	ssyncset.done $0x0  }
0x32: {  	v8 =	vor.u32 s1, v1;
	[sflag:s23] =	ssyncadd.s32 $0xFFFFF000  }
0x33: {  	[tilespmem:$0x0] =	vst v8;
	v7 =	vor.u32 v1, v7  }
0x34: {  	s1 =	sadd.s32 $0x20, s1;
	[tilespmem:$0x10] =	vst v7  }
.LBB2_5:
0x35: {  	[spmem:s2] =	stream.indirect.scatter [tilespmem:s11], [sflag:$0x7], $0x80, s4, s21, $0xb8;
	[tilespmem:$0x19E00] =	vst v63  }
0x36: {  	_ =	swait.ge [sflag:s23], $0x1000  }
0x37: {  	[sflag:s23] =	ssyncset.done $0x0  }
0x38: {  	[sflag:s23] =	ssyncadd.s32 $0xFFFFF000  }
0x39: {  	s5 =	simm.s32 $0x0;
	[bflag:$0x0] =	sbarrier.arrive $0xFFFF  }
0x3a: {  	[tilespmem:s5], [sflag:$0x7] =	stream.linear.gather [hbm4b:s15+s5], $0x20, $0x38;
	[tilespmem:$0x19E00] =	vst v63  }
0x3b: {  	_ =	swait.ge [sflag:s23], $0x20  }
0x3c: {  	[sflag:s23] =	ssyncset.done $0x0  }
0x3d: {  	s1 =	simm.s32 $0x100;
	s0 =	rddreg [dreg:$0xb];
	[sflag:s23] =	ssyncadd.s32 $0xFFFFFFE0  }
0x3e: {  	[tilespmem:s1], [sflag:$0x7] =	stream.linear.gather [hbm4b:s0+s5], $0x20, $0x38;
	[tilespmem:$0x19E00] =	vst v63  }
0x3f: {  	_ =	swait.ge [sflag:s23], $0x20  }
0x40: {  	[sflag:s23] =	ssyncset.done $0x0  }
0x41: {  	s29 =	rddreg [dreg:$0x5];
	[sflag:s23] =	ssyncadd.s32 $0xFFFFFFE0  }
0x42: {  	[tilespmem:s12], [sflag:$0x1] =	stream.indirect.gather [hbm4b:s29+s21], $0x80, s5, s21, $0xb8;
	[tilespmem:$0x19E00] =	vst v63  }
0x43: {  	s30 =	rddreg [dreg:$0x6]  }
0x44: {  	[tilespmem:s13], [sflag:$0x2] =	stream.indirect.gather [hbm4b:s30+s21], $0x80, s1, s21, $0xb8;
	[tilespmem:$0x19E00] =	vst v63  }
0x45: {  	s31 =	rddreg [dreg:$0xc]  }
0x46: {  	[tilespmem:s11], [sflag:$0x3] =	stream.linear.gather [hbm4b:s31+s5], $0x1000, $0x38;
	[tilespmem:$0x19E00] =	vst v63  }
.LBB2_6:
0x47: {  	s1 =	sshll.u32 s5, $0x1;
	s0 =	rddreg [dreg:$0x9]  }
0x48: {  	s0 =	sadd.s32 s1, s0  }
0x49: {  	s0 =	sadd.s32 $0x1, s0  }
0x4a: {  	s14 =	rddreg [dreg:$0x0];
	s13 =	sshll.u32 s0, $0x2  }
0x4b: {  	[dreg:$0x16] =	wrdreg s1;
	s1 =	sand.u32 $0x1FFFFFFC, s13  }
0x4c: {  	[dreg:$0x15] =	wrdreg s5;
	s5 =	sadd.s32 s14, s1  }
0x4d: {  	[tilespmem:s16], [sflag:$0x7] =	stream.linear.gather [hbm4b:s5+s4], $0x20, $0x38;
	[tilespmem:$0x19E00] =	vst v63  }
0x4e: {  	_ =	swait.ge [sflag:s23], $0x20  }
0x4f: {  	[sflag:s23] =	ssyncset.done $0x0;
	s15 =	rddreg [dreg:$0x4]  }
0x50: {  	s18 =	simm.s32 $0x180;
	[sflag:s23] =	ssyncadd.s32 $0xFFFFFFE0;
	s1 =	sadd.s32 s15, s1  }
0x51: {  	[tilespmem:s18], [sflag:$0x7] =	stream.linear.gather [hbm4b:s1+s4], $0x20, $0x38;
	[tilespmem:$0x19E00] =	vst v63  }
0x52: {  	_ =	swait.ge [sflag:s23], $0x20  }
0x53: {  	s6 =	simm.s32 $0x1200;
	[sflag:s23] =	ssyncset.done $0x0;
	s19 =	rddreg [dreg:$0x5]  }
0x54: {  	s0 =	sshll.u32 s0, $0x9;
	s20 =	rddreg [dreg:$0x6];
	[sflag:s23] =	ssyncadd.s32 $0xFFFFFFE0  }
0x55: {  	[tilespmem:s6], [sflag:$0x4] =	stream.indirect.gather [hbm4b:s19+s21], $0x80, s16, s21, $0xb8;
	[tilespmem:$0x19E00] =	vst v63  }
0x56: {  	s22 =	simm.s32 $0x3200;
	s0 =	sand.u32 $0x1FFFFE00, s0;
	s24 =	rddreg [dreg:$0x7]  }
0x57: {  	[tilespmem:s22], [sflag:$0x5] =	stream.indirect.gather [hbm4b:s20+s21], $0x80, s18, s21, $0xb8;
	[tilespmem:$0x19E00] =	vst v63  }
0x58: {  	s0 =	sadd.s32 s24, s0  }
0x59: {  	[tilespmem:s17], [sflag:$0x6] =	stream.linear.gather [hbm4b:s0+s4], $0x1000, $0x38;
	[tilespmem:$0x19E00] =	vst v63  }
0x5a: {  	_ =	swait.ge [sflag:s3], $0x1000  }
0x5b: {  	[sflag:s3] =	ssyncset.done $0x0  }
0x5c: {  	s25 =	simm.s32 $0x2;
	[sflag:s3] =	ssyncadd.s32 $0xFFFFF000  }
0x5d: {  	_ =	swait.ge [sflag:s25], $0x1000  }
0x5e: {  	[sflag:s25] =	ssyncset.done $0x0  }
0x5f: {  	s26 =	simm.s32 $0x3;
	[sflag:s25] =	ssyncadd.s32 $0xFFFFF000  }
0x60: {  	_ =	swait.ge [sflag:s26], $0x1000  }
0x61: {  	[sflag:s26] =	ssyncset.done $0x0  }
0x62: {  	s19 =	simm.s32 $0x280;
	[sflag:s26] =	ssyncadd.s32 $0xFFFFF000  }
0x63: {  	s26 =	simm.s32 $0x2280;
	v7 =	vld [tilespmem:s19+$0x0]  }
0x64: {  	v8 =	vld [tilespmem:s26+$0x0]  }
0x65: {  	s9 =	simm.s32 $0x4280  }
0x66: {  	v9 =	vld [tilespmem:s9+$0x0];
	_ =	sdelay $0x2  }
0x67: {  	v7 =	vadd.f32 v8, v7;
	_ =	sdelay $0x1  }
0x68: {  	v7 =	vadd.f32 v9, v7;
	_ =	sdelay $0x1  }
0x69: {  	v8 =	vsub.f32 $0.0e+00, v7  }
0x6a: {  	v10 =	vld [tilespmem:s19+$0xFFFFFF80]  }
0x6b: {  	v9 =	vld [tilespmem:s26+$0xFFFFFF80];
	v8 =	vmul.f32 $1.442695020e+00, v8;
	_ =	sdelay $0x1  }
0x6c: {  	v11 =	vld [tilespmem:s9+$0xFFFFFF80];
	(erf) = vpow2.f32 v8;
	_ =	sdelay $0x2  }
0x6d: {  	v8 =	vadd.f32 v9, v10;
	_ =	sdelay $0x1  }
0x6e: {  	v8 =	vadd.f32 v11, v8;
	_ =	sdelay $0x1  }
0x6f: {  	v9 =	vsub.f32 $0.0e+00, v8;
	_ =	sdelay $0x1  }
0x70: {  	v9 =	vmul.f32 $1.442695020e+00, v9;
	v10 =	vpop (erf)  }
0x71: {  	v10 =	vadd.f32 $1.000000000e+00, v10  }
0x72: {  	(erf) = vpow2.f32 v9  }
0x73: {  	(erf) = vrcp.f32 v10;
	_ =	sdelay $0x7  }
0x74: {  	v9 =	vpop (erf)  }
0x75: {  	v10 =	vpop (erf)  }
0x76: {  	v7 =	vmul.f32 v10, v7;
	_ =	sdelay $0x1  }
0x77: {  	[tilespmem:s9+$0x0] =	vst v7  }
0x78: {  	v7 =	vld [tilespmem:s19+$0x10]  }
0x79: {  	v9 =	vadd.f32 $1.000000000e+00, v9;
	v10 =	vld [tilespmem:s26+$0x10];
	_ =	sdelay $0x1  }
0x7a: {  	v11 =	vld [tilespmem:s9+$0x10];
	(erf) = vrcp.f32 v9;
	_ =	sdelay $0x2  }
0x7b: {  	s13 =	simm.s32 $0x2380;
	v7 =	vadd.f32 v10, v7  }
0x7c: {  	s15 =	simm.s32 $0x380;
	v13 =	vld [tilespmem:s13+$0x0]  }
0x7d: {  	v12 =	vadd.f32 v11, v7;
	v11 =	vld [tilespmem:s15+$0x0]  }
0x7e: {  	s17 =	simm.s32 $0x4380  }
0x7f: {  	v16 =	vld [tilespmem:s17+$0x0];
	v10 =	vsub.f32 $0.0e+00, v12;
	_ =	sdelay $0x1  }
0x80: {  	v18 =	vpop (erf);
	v17 =	vmul.f32 $1.442695020e+00, v10  }
0x81: {  	v8 =	vmul.f32 v18, v8;
	v13 =	vadd.f32 v13, v11  }
0x82: {  	(erf) = vpow2.f32 v17  }
0x83: {  	[tilespmem:s9+$0xFFFFFF80] =	vst v8;
	v8 =	vadd.f32 v16, v13;
	_ =	sdelay $0x1  }
0x84: {  	v21 =	vld [tilespmem:s17+$0xFFFFFF80];
	v17 =	vsub.f32 $0.0e+00, v8  }
0x85: {  	v18 =	vld [tilespmem:s15+$0xFFFFFF80]  }
0x86: {  	v16 =	vld [tilespmem:s13+$0xFFFFFF80];
	v17 =	vmul.f32 $1.442695020e+00, v17  }
0x87: {  	v19 =	vld [tilespmem:s26+$0xFFFFFF90]  }
0x88: {  	v13 =	vld [tilespmem:s19+$0xFFFFFF90]  }
0x89: {  	(erf) = vpow2.f32 v17  }
0x8a: {  	v9 =	vld [tilespmem:s9+$0xFFFFFF90];
	v17 =	vpop (erf)  }
0x8b: {  	v16 =	vadd.f32 v16, v18;
	v17 =	vadd.f32 $1.000000000e+00, v17;
	_ =	sdelay $0x1  }
0x8c: {  	v13 =	vadd.f32 v19, v13;
	(erf) = vrcp.f32 v17;
	v17 =	vadd.f32 v21, v16;
	_ =	sdelay $0x1  }
0x8d: {  	v18 =	vadd.f32 v9, v13;
	v9 =	vsub.f32 $0.0e+00, v17;
	_ =	sdelay $0x1  }
0x8e: {  	v13 =	vsub.f32 $0.0e+00, v18;
	v9 =	vmul.f32 $1.442695020e+00, v9  }
0x8f: {  	v16 =	vpop (erf)  }
0x90: {  	v13 =	vmul.f32 $1.442695020e+00, v13;
	(erf) = vpow2.f32 v9;
	v9 =	vadd.f32 $1.000000000e+00, v16;
	_ =	sdelay $0x1  }
0x91: {  	(erf) = vpow2.f32 v13  }
0x92: {  	(erf) = vrcp.f32 v9  }
0x93: {  	v9 =	vpop (erf)  }
0x94: {  	v9 =	vmul.f32 v9, v12;
	_ =	sdelay $0x1  }
0x95: {  	[tilespmem:s9+$0x10] =	vst v9  }
0x96: {  	v9 =	vld [tilespmem:s19+$0x20]  }
0x97: {  	v12 =	vld [tilespmem:s26+$0x20]  }
0x98: {  	v13 =	vpop (erf)  }
0x99: {  	v16 =	vld [tilespmem:s9+$0x20];
	v19 =	vpop (erf)  }
0x9a: {  	v21 =	vpop (erf)  }
0x9b: {  	v8 =	vmul.f32 v21, v8  }
0x9c: {  	v9 =	vadd.f32 v12, v9  }
0x9d: {  	v12 =	vadd.f32 $1.000000000e+00, v13;
	[tilespmem:s17+$0x0] =	vst v8  }
0x9e: {  	v8 =	vadd.f32 v16, v9;
	v9 =	vld [tilespmem:s15+$0x10]  }
0x9f: {  	(erf) = vrcp.f32 v12;
	v21 =	vld [tilespmem:s13+$0x10];
	_ =	sdelay $0x1  }
0xa0: {  	v12 =	vsub.f32 $0.0e+00, v8  }
0xa1: {  	v13 =	vadd.f32 $1.000000000e+00, v19  }
0xa2: {  	v19 =	vld [tilespmem:s17+$0x10];
	v16 =	vmul.f32 $1.442695020e+00, v12  }
0xa3: {  	(erf) = vrcp.f32 v13;
	v9 =	vadd.f32 v21, v9  }
0xa4: {  	(erf) = vpow2.f32 v16  }
0xa5: {  	s29 =	simm.s32 $0x480  }
0xa6: {  	s14 =	simm.s32 $0x2480;
	v23 =	vld [tilespmem:s29+$0x0]  }
0xa7: {  	v24 =	vld [tilespmem:s14+$0x0];
	v19 =	vadd.f32 v19, v9;
	v9 =	vpop (erf)  }
0xa8: {  	s11 =	simm.s32 $0x4480;
	v17 =	vmul.f32 v9, v17  }
0xa9: {  	v26 =	vld [tilespmem:s11+$0x0];
	v25 =	vsub.f32 $0.0e+00, v19;
	_ =	sdelay $0x1  }
0xaa: {  	v25 =	vmul.f32 $1.442695020e+00, v25  }
0xab: {  	v23 =	vadd.f32 v24, v23;
	[tilespmem:s17+$0xFFFFFF80] =	vst v17;
	v17 =	vpop (erf)  }
0xac: {  	(erf) = vpow2.f32 v25;
	v24 =	vpop (erf)  }
0xad: {  	v23 =	vadd.f32 v26, v23;
	v24 =	vadd.f32 $1.000000000e+00, v24  }
0xae: {  	v22 =	vld [tilespmem:s17+$0xFFFFFF90]  }
0xaf: {  	v28 =	vld [tilespmem:s15+$0xFFFFFF90];
	v17 =	vmul.f32 v17, v18;
	(erf) = vrcp.f32 v24;
	v24 =	vsub.f32 $0.0e+00, v23  }
0xb0: {  	v25 =	vld [tilespmem:s14+$0xFFFFFF80]  }
0xb1: {  	[tilespmem:s9+$0xFFFFFF90] =	vst v17;
	v17 =	vld [tilespmem:s13+$0xFFFFFF90];
	v24 =	vmul.f32 $1.442695020e+00, v24  }
0xb2: {  	v18 =	vld [tilespmem:s29+$0xFFFFFF80]  }
0xb3: {  	v26 =	vld [tilespmem:s11+$0xFFFFFF80]  }
0xb4: {  	v29 =	vld [tilespmem:s19+$0xFFFFFFA0]  }
0xb5: {  	v30 =	vld [tilespmem:s26+$0xFFFFFFA0];
	(erf) = vpow2.f32 v24;
	v24 =	vpop (erf)  }
0xb6: {  	v17 =	vadd.f32 v17, v28;
	v24 =	vadd.f32 $1.000000000e+00, v24  }
0xb7: {  	v15 =	vld [tilespmem:s9+$0xFFFFFFA0];
	v18 =	vadd.f32 v25, v18  }
0xb8: {  	v25 =	vadd.f32 v22, v17  }
0xb9: {  	v18 =	vadd.f32 v26, v18  }
0xba: {  	v17 =	vadd.f32 v30, v29;
	v26 =	vsub.f32 $0.0e+00, v25;
	(erf) = vrcp.f32 v24;
	v24 =	vpop (erf)  }
0xbb: {  	v22 =	vsub.f32 $0.0e+00, v18;
	v8 =	vmul.f32 v24, v8  }
0xbc: {  	v28 =	vadd.f32 v15, v17;
	v17 =	vmul.f32 $1.442695020e+00, v26  }
0xbd: {  	v15 =	vmul.f32 $1.442695020e+00, v22;
	[tilespmem:s9+$0x20] =	vst v8  }
0xbe: {  	v8 =	vld [tilespmem:s19+$0x30]  }
0xbf: {  	(erf) = vpow2.f32 v15;
	v15 =	vld [tilespmem:s26+$0x30]  }
0xc0: {  	v22 =	vsub.f32 $0.0e+00, v28;
	(erf) = vpow2.f32 v17;
	v17 =	vpop (erf)  }
0xc1: {  	v17 =	vadd.f32 $1.000000000e+00, v17  }
0xc2: {  	v22 =	vmul.f32 $1.442695020e+00, v22  }
0xc3: {  	v24 =	vld [tilespmem:s9+$0x30]  }
0xc4: {  	v14 =	vld [tilespmem:s9+$0xFFFFFFD0];
	(erf) = vpow2.f32 v22;
	v8 =	vadd.f32 v15, v8  }
0xc5: {  	v20 =	vld [tilespmem:s9+$0xFFFFFFE0];
	(erf) = vrcp.f32 v17;
	v17 =	vpop (erf)  }
0xc6: {  	v27 =	vld [tilespmem:s17+$0xFFFFFFE0];
	v17 =	vmul.f32 v17, v19  }
0xc7: {  	s30 =	simm.s32 $0x4580;
	v33 =	vld [tilespmem:s11+$0xFFFFFFD0]  }
0xc8: {  	v46 =	vld [tilespmem:s30+$0x0];
	[tilespmem:s17+$0x10] =	vst v17;
	v24 =	vadd.f32 v24, v8;
	v8 =	vpop (erf)  }
0xc9: {  	v15 =	vld [tilespmem:s15+$0x20];
	v19 =	vpop (erf)  }
0xca: {  	v17 =	vld [tilespmem:s13+$0x20];
	v8 =	vadd.f32 $1.000000000e+00, v8;
	v19 =	vadd.f32 $1.000000000e+00, v19  }
0xcb: {  	v7 =	vld [tilespmem:s9+$0xFFFFFFB0]  }
0xcc: {  	v22 =	vsub.f32 $0.0e+00, v24;
	(erf) = vrcp.f32 v8;
	v8 =	vld [tilespmem:s17+$0x20]  }
0xcd: {  	v10 =	vld [tilespmem:s9+$0xFFFFFFC0];
	v26 =	vpop (erf)  }
0xce: {  	v11 =	vld [tilespmem:s9+$0xFFFFFFF0];
	v22 =	vmul.f32 $1.442695020e+00, v22;
	(erf) = vrcp.f32 v19;
	v19 =	vpop (erf)  }
0xcf: {  	v13 =	vld [tilespmem:s17+$0xFFFFFFB0];
	v15 =	vadd.f32 v17, v15;
	v19 =	vmul.f32 v19, v23  }
0xd0: {  	v12 =	vld [tilespmem:s17+$0xFFFFFFA0];
	(erf) = vpow2.f32 v22  }
0xd1: {  	v21 =	vld [tilespmem:s17+$0xFFFFFFD0];
	[tilespmem:s11+$0x0] =	vst v19;
	v19 =	vadd.f32 $1.000000000e+00, v26;
	v26 =	vadd.f32 v8, v15  }
0xd2: {  	v8 =	vld [tilespmem:s29+$0x10]  }
0xd3: {  	v15 =	vld [tilespmem:s14+$0x10];
	v22 =	vsub.f32 $0.0e+00, v26  }
0xd4: {  	v16 =	vld [tilespmem:s17+$0xFFFFFFC0];
	(erf) = vrcp.f32 v19  }
0xd5: {  	v29 =	vld [tilespmem:s11+$0x10];
	v31 =	vmul.f32 $1.442695020e+00, v22  }
0xd6: {  	v9 =	vld [tilespmem:s17+$0xFFFFFFF0]  }
0xd7: {  	v17 =	vld [tilespmem:s11+$0xFFFFFFA0];
	v30 =	vpop (erf)  }
0xd8: {  	v23 =	vld [tilespmem:s11+$0xFFFFFF90];
	v32 =	vpop (erf);
	(erf) = vpow2.f32 v31;
	v34 =	vadd.f32 v15, v8  }
0xd9: {  	v19 =	vld [tilespmem:s11+$0xFFFFFFB0];
	v31 =	vpop (erf)  }
0xda: {  	s10 =	simm.s32 $0x580;
	v22 =	vld [tilespmem:s11+$0xFFFFFFC0];
	v18 =	vmul.f32 v30, v18;
	v29 =	vadd.f32 v29, v34;
	v31 =	vadd.f32 $1.000000000e+00, v31  }
0xdb: {  	s1 =	simm.s32 $0x2580;
	v30 =	vld [tilespmem:s10+$0x0]  }
0xdc: {  	[tilespmem:s11+$0xFFFFFF80] =	vst v18;
	v18 =	vld [tilespmem:s1+$0x0];
	(erf) = vrcp.f32 v31;
	v31 =	vsub.f32 $0.0e+00, v29  }
0xdd: {  	v25 =	vmul.f32 v32, v25;
	v15 =	vld [tilespmem:s11+$0xFFFFFFE0];
	v45 =	vpop (erf)  }
0xde: {  	v8 =	vld [tilespmem:s11+$0xFFFFFFF0];
	v28 =	vmul.f32 v45, v28;
	v31 =	vmul.f32 $1.442695020e+00, v31  }
0xdf: {  	v44 =	vld [tilespmem:s29+$0xFFFFFF90];
	[tilespmem:s17+$0xFFFFFF90] =	vst v25  }
0xe0: {  	v25 =	vld [tilespmem:s1+$0xFFFFFF80];
	[tilespmem:s9+$0xFFFFFFA0] =	vst v28;
	(erf) = vpow2.f32 v31  }
0xe1: {  	v18 =	vadd.f32 v18, v30;
	v28 =	vld [tilespmem:s10+$0xFFFFFF80];
	v30 =	vpop (erf)  }
0xe2: {  	v30 =	vadd.f32 $1.000000000e+00, v30  }
0xe3: {  	v31 =	vld [tilespmem:s30+$0xFFFFFF80]  }
0xe4: {  	v47 =	vld [tilespmem:s14+$0xFFFFFF90];
	_ =	sdelay $0x1  }
0xe5: {  	v18 =	vadd.f32 v46, v18;
	(erf) = vrcp.f32 v30;
	v30 =	vpop (erf)  }
0xe6: {  	v25 =	vadd.f32 v25, v28;
	v24 =	vmul.f32 v30, v24  }
0xe7: {  	v35 =	vsub.f32 $0.0e+00, v18;
	v28 =	vld [tilespmem:s15+$0xFFFFFFA0]  }
0xe8: {  	v30 =	vld [tilespmem:s13+$0xFFFFFFA0];
	[tilespmem:s9+$0x30] =	vst v24;
	v24 =	vadd.f32 v31, v25;
	v31 =	vadd.f32 v47, v44  }
0xe9: {  	v50 =	vpop (erf)  }
0xea: {  	v35 =	vmul.f32 $1.442695020e+00, v35;
	v25 =	vld [tilespmem:s19+$0x40];
	v36 =	vadd.f32 v23, v31;
	v23 =	vadd.f32 $1.000000000e+00, v50  }
0xeb: {  	v48 =	vld [tilespmem:s26+$0x40]  }
0xec: {  	(erf) = vpow2.f32 v35;
	v49 =	vsub.f32 $0.0e+00, v24  }
0xed: {  	v28 =	vadd.f32 v30, v28  }
0xee: {  	v31 =	vld [tilespmem:s9+$0x40];
	v30 =	vmul.f32 $1.442695020e+00, v49;
	(erf) = vrcp.f32 v23;
	v23 =	vpop (erf)  }
0xef: {  	v51 =	vsub.f32 $0.0e+00, v36;
	v28 =	vadd.f32 v12, v28;
	v12 =	vmul.f32 v23, v26  }
0xf0: {  	v23 =	vadd.f32 v48, v25;
	v25 =	vld [tilespmem:s19+$0xFFFFFFB0]  }
0xf1: {  	(erf) = vpow2.f32 v30;
	v30 =	vmul.f32 $1.442695020e+00, v51;
	v26 =	vld [tilespmem:s26+$0xFFFFFFB0];
	[tilespmem:s17+$0x20] =	vst v12  }
0xf2: {  	v12 =	vld [tilespmem:s15+$0x30]  }
0xf3: {  	v52 =	vsub.f32 $0.0e+00, v28;
	(erf) = vpow2.f32 v30;
	v53 =	vadd.f32 v31, v23;
	v23 =	vld [tilespmem:s13+$0x30];
	_ =	sdelay $0x1  }
0xf4: {  	v55 =	vld [tilespmem:s17+$0x30];
	v31 =	vmul.f32 $1.442695020e+00, v52;
	v30 =	vpop (erf);
	v54 =	vsub.f32 $0.0e+00, v53  }
0xf5: {  	v30 =	vadd.f32 $1.000000000e+00, v30;
	v25 =	vadd.f32 v26, v25  }
0xf6: {  	(erf) = vpow2.f32 v31  }
0xf7: {  	v31 =	vmul.f32 $1.442695020e+00, v54;
	(erf) = vrcp.f32 v30;
	v26 =	vpop (erf);
	v12 =	vadd.f32 v23, v12  }
0xf8: {  	v30 =	vadd.f32 v7, v25;
	v7 =	vmul.f32 v26, v29  }
0xf9: {  	(erf) = vpow2.f32 v31;
	v25 =	vpop (erf);
	v26 =	vadd.f32 v55, v12  }
0xfa: {  	v23 =	vsub.f32 $0.0e+00, v30;
	[tilespmem:s11+$0x10] =	vst v7;
	v7 =	vadd.f32 $1.000000000e+00, v25  }
0xfb: {  	v29 =	vpop (erf);
	v31 =	vsub.f32 $0.0e+00, v26  }
0xfc: {  	v23 =	vmul.f32 $1.442695020e+00, v23;
	(erf) = vrcp.f32 v7;
	v7 =	vadd.f32 $1.000000000e+00, v29  }
0xfd: {  	v12 =	vld [tilespmem:s29+$0x20]  }
0xfe: {  	v25 =	vld [tilespmem:s14+$0x20];
	(erf) = vpow2.f32 v23;
	v23 =	vmul.f32 $1.442695020e+00, v31  }
0xff: {  	v31 =	vpop (erf);
	(erf) = vrcp.f32 v7  }
0x100: {  	v29 =	vld [tilespmem:s11+$0x20];
	v7 =	vpop (erf);
	(erf) = vpow2.f32 v23;
	_ =	sdelay $0x1  }
0x101: {  	v31 =	vadd.f32 $1.000000000e+00, v31;
	v7 =	vmul.f32 v7, v18;
	v18 =	vpop (erf)  }
0x102: {  	v12 =	vadd.f32 v25, v12;
	v18 =	vadd.f32 $1.000000000e+00, v18  }
0x103: {  	(erf) = vrcp.f32 v31;
	[tilespmem:s30+$0x0] =	vst v7  }
0x104: {  	v29 =	vadd.f32 v29, v12;
	v56 =	vld [tilespmem:s10+$0x10];
	(erf) = vrcp.f32 v18  }
0x105: {  	v37 =	vld [tilespmem:s1+$0x10];
	v38 =	vpop (erf)  }
0x106: {  	v7 =	vsub.f32 $0.0e+00, v29;
	v40 =	vpop (erf)  }
0x107: {  	v39 =	vld [tilespmem:s30+$0x10];
	v24 =	vmul.f32 v38, v24;
	v57 =	vpop (erf)  }
0x108: {  	v41 =	vmul.f32 $1.442695020e+00, v7;
	v58 =	vpop (erf)  }
0x109: {  	[tilespmem:s30+$0xFFFFFF80] =	vst v24;
	v24 =	vadd.f32 $1.000000000e+00, v58  }
0x10a: {  	s0 =	simm.s32 $0x680;
	v40 =	vadd.f32 $1.000000000e+00, v40;
	(erf) = vpow2.f32 v41;
	v35 =	vadd.f32 v37, v56  }
0x10b: {  	s24 =	simm.s32 $0x2680;
	v61 =	vld [tilespmem:s0+$0x0]  }
0x10c: {  	v62 =	vld [tilespmem:s24+$0x0];
	(erf) = vrcp.f32 v40;
	v60 =	vpop (erf);
	v39 =	vadd.f32 v39, v35  }
0x10d: {  	s31 =	simm.s32 $0x4680;
	v32 =	vld [tilespmem:s30+$0xFFFFFF90];
	(erf) = vrcp.f32 v24;
	v24 =	vpop (erf)  }
0x10e: {  	v43 =	vld [tilespmem:s31+$0x0];
	v42 =	vsub.f32 $0.0e+00, v39;
	v24 =	vmul.f32 v24, v53  }
0x10f: {  	v63 =	vld [tilespmem:s24+$0xFFFFFF80]  }
0x110: {  	v45 =	vld [tilespmem:s9+$0x50];
	v42 =	vmul.f32 $1.442695020e+00, v42;
	[tilespmem:s9+$0x40] =	vst v24  }
0x111: {  	v35 =	vadd.f32 v62, v61;
	v24 =	vld [tilespmem:s19+$0x50]  }
0x112: {  	(erf) = vpow2.f32 v42;
	v48 =	vld [tilespmem:s26+$0x50]  }
0x113: {  	v44 =	vld [tilespmem:s0+$0xFFFFFF80];
	v43 =	vadd.f32 v43, v35;
	v49 =	vpop (erf)  }
0x114: {  	v50 =	vld [tilespmem:s31+$0xFFFFFF80];
	v36 =	vmul.f32 v57, v36;
	v41 =	vadd.f32 $1.000000000e+00, v49  }
0x115: {  	v59 =	vld [tilespmem:s10+$0xFFFFFF90];
	v53 =	vsub.f32 $0.0e+00, v43;
	v46 =	vpop (erf)  }
0x116: {  	v51 =	vld [tilespmem:s1+$0xFFFFFF90];
	[tilespmem:s11+$0xFFFFFF90] =	vst v36;
	(erf) = vrcp.f32 v41;
	v52 =	vpop (erf)  }
0x117: {  	v54 =	vld [tilespmem:s29+$0xFFFFFFA0];
	v36 =	vmul.f32 $1.442695020e+00, v53;
	v26 =	vmul.f32 v52, v26;
	v24 =	vadd.f32 v48, v24  }
0x118: {  	v34 =	vadd.f32 v63, v44;
	v55 =	vld [tilespmem:s14+$0xFFFFFFA0]  }
0x119: {  	(erf) = vpow2.f32 v36;
	[tilespmem:s17+$0x30] =	vst v26;
	v44 =	vadd.f32 v45, v24  }
0x11a: {  	v34 =	vadd.f32 v50, v34;
	v24 =	vld [tilespmem:s15+$0x40]  }
0x11b: {  	v26 =	vadd.f32 v51, v59;
	v57 =	vld [tilespmem:s13+$0x40];
	v56 =	vpop (erf);
	v58 =	vsub.f32 $0.0e+00, v44  }
0x11c: {  	v38 =	vsub.f32 $0.0e+00, v34;
	v28 =	vmul.f32 v60, v28;
	v35 =	vadd.f32 $1.000000000e+00, v56  }
0x11d: {  	v59 =	vadd.f32 v55, v54;
	v32 =	vadd.f32 v32, v26;
	v26 =	vld [tilespmem:s17+$0x40];
	v37 =	vmul.f32 $1.442695020e+00, v58  }
0x11e: {  	v60 =	vmul.f32 $1.442695020e+00, v38;
	[tilespmem:s17+$0xFFFFFFA0] =	vst v28;
	(erf) = vrcp.f32 v35  }
0x11f: {  	v63 =	vld [tilespmem:s15+$0xFFFFFFB0];
	v30 =	vmul.f32 v46, v30;
	v28 =	vadd.f32 v17, v59;
	v62 =	vpop (erf);
	(erf) = vpow2.f32 v37  }
0x120: {  	v17 =	vmul.f32 v62, v29;
	v24 =	vadd.f32 v57, v24;
	v29 =	vld [tilespmem:s13+$0xFFFFFFB0];
	(erf) = vpow2.f32 v60  }
0x121: {  	v61 =	vsub.f32 $0.0e+00, v32  }
0x122: {  	[tilespmem:s9+$0xFFFFFFB0] =	vst v30;
	v45 =	vsub.f32 $0.0e+00, v28;
	v38 =	vadd.f32 v26, v24;
	v26 =	vpop (erf)  }
0x123: {  	v30 =	vld [tilespmem:s19+$0xFFFFFFC0];
	v42 =	vmul.f32 $1.442695020e+00, v61;
	[tilespmem:s11+$0x20] =	vst v17;
	v26 =	vadd.f32 $1.000000000e+00, v26  }
0x124: {  	v46 =	vmul.f32 $1.442695020e+00, v45;
	v17 =	vld [tilespmem:s29+$0x30]  }
0x125: {  	(erf) = vpow2.f32 v42;
	v24 =	vld [tilespmem:s14+$0x30];
	v29 =	vadd.f32 v29, v63  }
0x126: {  	v48 =	vld [tilespmem:s26+$0xFFFFFFC0];
	(erf) = vpow2.f32 v46  }
0x127: {  	v49 =	vld [tilespmem:s11+$0x30];
	v47 =	vsub.f32 $0.0e+00, v38;
	(erf) = vrcp.f32 v26;
	v26 =	vpop (erf)  }
0x128: {  	v35 =	vadd.f32 v13, v29;
	v13 =	vmul.f32 v26, v39;
	v26 =	vpop (erf)  }
0x129: {  	v36 =	vmul.f32 $1.442695020e+00, v47;
	v29 =	vpop (erf)  }
0x12a: {  	v17 =	vadd.f32 v24, v17;
	[tilespmem:s30+$0x10] =	vst v13;
	v13 =	vadd.f32 $1.000000000e+00, v29  }
0x12b: {  	(erf) = vpow2.f32 v36;
	v24 =	vadd.f32 $1.000000000e+00, v26;
	v26 =	vadd.f32 v48, v30  }
0x12c: {  	v36 =	vadd.f32 v49, v17;
	v30 =	vsub.f32 $0.0e+00, v35;
	v17 =	vld [tilespmem:s10+$0x20]  }
0x12d: {  	(erf) = vrcp.f32 v24;
	v29 =	vadd.f32 v10, v26;
	v10 =	vld [tilespmem:s1+$0x20]  }
0x12e: {  	v24 =	vmul.f32 $1.442695020e+00, v30;
	(erf) = vrcp.f32 v13;
	v13 =	vpop (erf)  }
0x12f: {  	v13 =	vadd.f32 $1.000000000e+00, v13  }
0x130: {  	v26 =	vsub.f32 $0.0e+00, v36  }
0x131: {  	v51 =	vld [tilespmem:s30+$0x20];
	v50 =	vsub.f32 $0.0e+00, v29;
	(erf) = vpow2.f32 v24  }
0x132: {  	v52 =	vmul.f32 $1.442695020e+00, v26;
	v24 =	vpop (erf);
	v10 =	vadd.f32 v10, v17  }
0x133: {  	v39 =	vmul.f32 $1.442695020e+00, v50;
	(erf) = vrcp.f32 v13;
	v13 =	vpop (erf)  }
0x134: {  	v53 =	vadd.f32 $1.000000000e+00, v24;
	(erf) = vpow2.f32 v52;
	v54 =	vmul.f32 v13, v43;
	v13 =	vpop (erf)  }
0x135: {  	(erf) = vpow2.f32 v39;
	v55 =	vadd.f32 $1.000000000e+00, v13  }
0x136: {  	v40 =	vadd.f32 v51, v10;
	(erf) = vrcp.f32 v53;
	v10 =	vpop (erf)  }
0x137: {  	[tilespmem:s31+$0x0] =	vst v54;
	v59 =	vpop (erf);
	(erf) = vrcp.f32 v55  }
0x138: {  	v41 =	vld [tilespmem:s0+$0x10];
	v34 =	vmul.f32 v59, v34  }
0x139: {  	v57 =	vsub.f32 $0.0e+00, v40;
	v58 =	vmul.f32 v10, v44;
	v56 =	vld [tilespmem:s24+$0x10]  }
0x13a: {  	s16 =	simm.s32 $0x780;
	v60 =	vld [tilespmem:s31+$0x10];
	v61 =	vpop (erf)  }
0x13b: {  	v49 =	vld [tilespmem:s16+$0x0];
	v42 =	vmul.f32 $1.442695020e+00, v57;
	[tilespmem:s9+$0x50] =	vst v58;
	v43 =	vadd.f32 $1.000000000e+00, v61  }
0x13c: {  	v62 =	vld [tilespmem:s19+$0x60];
	[tilespmem:s31+$0xFFFFFF80] =	vst v34;
	v34 =	vpop (erf)  }
0x13d: {  	(erf) = vpow2.f32 v42;
	v63 =	vld [tilespmem:s26+$0x60];
	v52 =	vpop (erf)  }
0x13e: {  	s5 =	simm.s32 $0x2780;
	v48 =	vld [tilespmem:s9+$0x60];
	v39 =	vadd.f32 v56, v41;
	v53 =	vadd.f32 $1.000000000e+00, v52;
	v54 =	vpop (erf)  }
0x13f: {  	v50 =	vld [tilespmem:s5+$0xFFFFFF80];
	(erf) = vrcp.f32 v43;
	v43 =	vpop (erf)  }
0x140: {  	v55 =	vld [tilespmem:s5+$0x0];
	v44 =	vadd.f32 v60, v39;
	(erf) = vrcp.f32 v53;
	v60 =	vpop (erf)  }
0x141: {  	v47 =	vld [tilespmem:s0+$0xFFFFFF90];
	v38 =	vmul.f32 v60, v38  }
0x142: {  	s12 =	simm.s32 $0x4780;
	v56 =	vld [tilespmem:s16+$0xFFFFFF80];
	v61 =	vadd.f32 v63, v62;
	v51 =	vsub.f32 $0.0e+00, v44  }
0x143: {  	v32 =	vmul.f32 v34, v32;
	v62 =	vadd.f32 $1.000000000e+00, v54;
	v63 =	vld [tilespmem:s12+$0x0];
	[tilespmem:s17+$0x40] =	vst v38  }
0x144: {  	v41 =	vadd.f32 v48, v61;
	v51 =	vmul.f32 $1.442695020e+00, v51;
	v38 =	vld [tilespmem:s15+$0x50]  }
0x145: {  	[tilespmem:s30+$0xFFFFFF90] =	vst v32;
	(erf) = vrcp.f32 v62;
	v58 =	vld [tilespmem:s13+$0x50]  }
0x146: {  	v39 =	vadd.f32 v55, v49;
	v55 =	vld [tilespmem:s10+$0xFFFFFFA0];
	v57 =	vpop (erf);
	v59 =	vsub.f32 $0.0e+00, v41;
	(erf) = vpow2.f32 v51  }
0x147: {  	v60 =	vld [tilespmem:s12+$0xFFFFFF80];
	v42 =	vadd.f32 $1.000000000e+00, v57  }
0x148: {  	v61 =	vld [tilespmem:s17+$0x50];
	v52 =	vpop (erf);
	v51 =	vmul.f32 $1.442695020e+00, v59  }
0x149: {  	v62 =	vld [tilespmem:s24+$0xFFFFFF90];
	v45 =	vadd.f32 v63, v39;
	v63 =	vadd.f32 v50, v56;
	(erf) = vrcp.f32 v42;
	v53 =	vpop (erf)  }
0x14a: {  	v56 =	vld [tilespmem:s1+$0xFFFFFFA0];
	(erf) = vpow2.f32 v51;
	v36 =	vmul.f32 v53, v36;
	v38 =	vadd.f32 v58, v38  }
0x14b: {  	v37 =	vld [tilespmem:s31+$0xFFFFFF90]  }
0x14c: {  	v23 =	vld [tilespmem:s30+$0xFFFFFFA0];
	v54 =	vsub.f32 $0.0e+00, v45;
	v48 =	vadd.f32 v60, v63;
	[tilespmem:s11+$0x30] =	vst v36  }
0x14d: {  	v28 =	vmul.f32 v43, v28;
	v36 =	vadd.f32 v61, v38;
	v39 =	vld [tilespmem:s29+$0x40]  }
0x14e: {  	v57 =	vmul.f32 $1.442695020e+00, v54;
	v59 =	vsub.f32 $0.0e+00, v48;
	v58 =	vadd.f32 v62, v47;
	v61 =	vld [tilespmem:s14+$0x40];
	v38 =	vpop (erf)  }
0x14f: {  	v35 =	vmul.f32 v52, v35;
	v63 =	vadd.f32 v56, v55;
	v62 =	vsub.f32 $0.0e+00, v36;
	v60 =	vpop (erf)  }
0x150: {  	v52 =	vld [tilespmem:s11+$0x40];
	v34 =	vadd.f32 v37, v58;
	(erf) = vpow2.f32 v57;
	v32 =	vadd.f32 $1.000000000e+00, v60  }
0x151: {  	[tilespmem:s11+$0xFFFFFFA0] =	vst v28;
	v28 =	vmul.f32 $1.442695020e+00, v59;
	v53 =	vmul.f32 $1.442695020e+00, v62  }
0x152: {  	v54 =	vsub.f32 $0.0e+00, v34;
	v55 =	vpop (erf);
	(erf) = vrcp.f32 v32;
	v32 =	vadd.f32 v23, v63  }
0x153: {  	v25 =	vld [tilespmem:s30+$0xFFFFFFB0];
	v23 =	vmul.f32 v55, v40;
	v57 =	vpop (erf);
	v39 =	vadd.f32 v61, v39;
	(erf) = vpow2.f32 v53  }
0x154: {  	v56 =	vld [tilespmem:s29+$0xFFFFFFB0];
	v37 =	vadd.f32 $1.000000000e+00, v57;
	(erf) = vpow2.f32 v28  }
0x155: {  	v58 =	vld [tilespmem:s14+$0xFFFFFFB0];
	v28 =	vmul.f32 $1.442695020e+00, v54;
	[tilespmem:s30+$0x20] =	vst v23;
	v23 =	vsub.f32 $0.0e+00, v32;
	v42 =	vadd.f32 v52, v39  }
0x156: {  	v12 =	vld [tilespmem:s30+$0xFFFFFFE0];
	[tilespmem:s17+$0xFFFFFFB0] =	vst v35  }
0x157: {  	v59 =	vld [tilespmem:s15+$0xFFFFFFC0];
	(erf) = vrcp.f32 v37;
	v23 =	vmul.f32 $1.442695020e+00, v23;
	v39 =	vsub.f32 $0.0e+00, v42  }
0x158: {  	v29 =	vmul.f32 v38, v29;
	v62 =	vld [tilespmem:s13+$0xFFFFFFC0];
	(erf) = vpow2.f32 v28  }
0x159: {  	v60 =	vld [tilespmem:s10+$0x30];
	v28 =	vpop (erf);
	(erf) = vpow2.f32 v23;
	v23 =	vmul.f32 $1.442695020e+00, v39  }
0x15a: {  	[tilespmem:s9+$0xFFFFFFC0] =	vst v29;
	v63 =	vadd.f32 v58, v56;
	v61 =	vld [tilespmem:s1+$0x30];
	v52 =	vadd.f32 $1.000000000e+00, v28  }
0x15b: {  	v55 =	vld [tilespmem:s26+$0xFFFFFFD0]  }
0x15c: {  	v53 =	vld [tilespmem:s30+$0x30];
	v39 =	vadd.f32 v19, v63;
	(erf) = vrcp.f32 v52;
	v19 =	vpop (erf)  }
0x15d: {  	v54 =	vld [tilespmem:s19+$0xFFFFFFD0];
	v19 =	vmul.f32 v19, v44;
	(erf) = vpow2.f32 v23;
	v23 =	vpop (erf)  }
0x15e: {  	v31 =	vld [tilespmem:s30+$0xFFFFFFC0];
	v40 =	vadd.f32 v62, v59;
	v23 =	vadd.f32 $1.000000000e+00, v23  }
0x15f: {  	v18 =	vld [tilespmem:s30+$0xFFFFFFD0];
	v37 =	vadd.f32 v61, v60;
	v38 =	vsub.f32 $0.0e+00, v39;
	[tilespmem:s31+$0x10] =	vst v19  }
0x160: {  	v58 =	vld [tilespmem:s0+$0x20]  }
0x161: {  	v47 =	vadd.f32 v53, v37;
	v56 =	vpop (erf);
	v19 =	vmul.f32 $1.442695020e+00, v38;
	v38 =	vadd.f32 v16, v40;
	v16 =	vld [tilespmem:s24+$0x20]  }
0x162: {  	v7 =	vld [tilespmem:s30+$0xFFFFFFF0];
	v53 =	vadd.f32 v55, v54;
	v57 =	vadd.f32 $1.000000000e+00, v56;
	(erf) = vrcp.f32 v23;
	v23 =	vpop (erf)  }
0x163: {  	v30 =	vld [tilespmem:s31+$0xFFFFFFA0];
	v59 =	vpop (erf)  }
0x164: {  	v26 =	vld [tilespmem:s31+$0xFFFFFFB0];
	v49 =	vsub.f32 $0.0e+00, v47;
	v40 =	vadd.f32 v14, v53;
	(erf) = vrcp.f32 v57;
	v63 =	vpop (erf)  }
0x165: {  	v24 =	vld [tilespmem:s31+$0xFFFFFFC0];
	v61 =	vsub.f32 $0.0e+00, v38;
	v41 =	vmul.f32 v23, v41;
	v60 =	vadd.f32 $1.000000000e+00, v59;
	v54 =	vpop (erf)  }
0x166: {  	v17 =	vld [tilespmem:s31+$0xFFFFFFD0];
	(erf) = vpow2.f32 v19;
	v19 =	vmul.f32 $1.442695020e+00, v49;
	v56 =	vadd.f32 v16, v58;
	v16 =	vpop (erf)  }
0x167: {  	v62 =	vld [tilespmem:s31+$0x20];
	v52 =	vmul.f32 $1.442695020e+00, v61;
	[tilespmem:s9+$0x60] =	vst v41;
	(erf) = vrcp.f32 v60;
	v14 =	vadd.f32 $1.000000000e+00, v16  }
0x168: {  	v37 =	vadd.f32 $1.000000000e+00, v63;
	v41 =	vld [tilespmem:s19+$0x70];
	(erf) = vpow2.f32 v19  }
0x169: {  	v55 =	vld [tilespmem:s26+$0x70];
	v43 =	vmul.f32 v54, v45;
	(erf) = vpow2.f32 v52  }
0x16a: {  	v13 =	vld [tilespmem:s31+$0xFFFFFFE0];
	(erf) = vrcp.f32 v37  }
0x16b: {  	v57 =	vld [tilespmem:s9+$0x70];
	[tilespmem:s12+$0x0] =	vst v43;
	(erf) = vrcp.f32 v14;
	v14 =	vpop (erf)  }
0x16c: {  	v58 =	vsub.f32 $0.0e+00, v40;
	v45 =	vld [tilespmem:s16+$0x10];
	v36 =	vmul.f32 v14, v36  }
0x16d: {  	v43 =	vadd.f32 v62, v56;
	v49 =	vld [tilespmem:s5+$0x10]  }
0x16e: {  	v59 =	vmul.f32 $1.442695020e+00, v58;
	v62 =	vld [tilespmem:s12+$0x10];
	v41 =	vadd.f32 v55, v41;
	v60 =	vpop (erf);
	[tilespmem:s17+$0x50] =	vst v36  }
0x16f: {  	v50 =	vsub.f32 $0.0e+00, v43;
	v61 =	vpop (erf);
	v63 =	vld [tilespmem:s15+$0x60]  }
0x170: {  	v37 =	vadd.f32 v57, v41;
	v57 =	vld [tilespmem:s13+$0x60];
	v36 =	vpop (erf)  }
0x171: {  	v10 =	vld [tilespmem:s31+$0xFFFFFFF0];
	(erf) = vpow2.f32 v59;
	v50 =	vmul.f32 $1.442695020e+00, v50;
	v55 =	vadd.f32 $1.000000000e+00, v61;
	v56 =	vpop (erf)  }
0x172: {  	v48 =	vmul.f32 v60, v48;
	v60 =	vld [tilespmem:s17+$0x60];
	v45 =	vadd.f32 v49, v45;
	v58 =	vsub.f32 $0.0e+00, v37;
	v59 =	vpop (erf)  }
0x173: {  	s6 =	simm.s32 $0x880;
	v35 =	vld [tilespmem:s12+$0xFFFFFF90];
	(erf) = vpow2.f32 v50;
	v46 =	vadd.f32 $1.000000000e+00, v56;
	v53 =	vpop (erf)  }
0x174: {  	v54 =	vld [tilespmem:s6+$0x0];
	v45 =	vadd.f32 v62, v45;
	(erf) = vrcp.f32 v55;
	v50 =	vmul.f32 $1.442695020e+00, v58;
	v61 =	vpop (erf)  }
0x175: {  	s8 =	simm.s32 $0x4880;
	v52 =	vld [tilespmem:s6+$0xFFFFFF80];
	(erf) = vrcp.f32 v46;
	v41 =	vadd.f32 v57, v63;
	v42 =	vmul.f32 v61, v42  }
0x176: {  	s7 =	simm.s32 $0x2880;
	[tilespmem:s12+$0xFFFFFF80] =	vst v48;
	v48 =	vld [tilespmem:s8+$0x0]  }
0x177: {  	v55 =	vsub.f32 $0.0e+00, v45;
	v46 =	vld [tilespmem:s7+$0x0];
	(erf) = vpow2.f32 v50;
	[tilespmem:s11+$0x40] =	vst v42;
	v42 =	vadd.f32 v60, v41  }
0x178: {  	v51 =	vld [tilespmem:s16+$0xFFFFFF90];
	v44 =	vadd.f32 $1.000000000e+00, v59  }
0x179: {  	v34 =	vmul.f32 v36, v34;
	v36 =	vld [tilespmem:s5+$0xFFFFFF90];
	v55 =	vmul.f32 $1.442695020e+00, v55;
	v56 =	vsub.f32 $0.0e+00, v42  }
0x17a: {  	v50 =	vld [tilespmem:s7+$0xFFFFFF80];
	(erf) = vrcp.f32 v44  }
0x17b: {  	v62 =	vpop (erf);
	(erf) = vpow2.f32 v55;
	v44 =	vld [tilespmem:s29+$0x50]  }
0x17c: {  	v41 =	vadd.f32 $1.000000000e+00, v62;
	v63 =	vpop (erf);
	v60 =	vld [tilespmem:s14+$0x50];
	v61 =	vadd.f32 v46, v54  }
0x17d: {  	v49 =	vadd.f32 $1.000000000e+00, v63;
	v46 =	vld [tilespmem:s8+$0xFFFFFF80];
	v62 =	vmul.f32 $1.442695020e+00, v56;
	v56 =	vpop (erf)  }
0x17e: {  	(erf) = vrcp.f32 v41;
	v54 =	vld [tilespmem:s11+$0x50];
	v48 =	vadd.f32 v48, v61;
	v57 =	vpop (erf)  }
0x17f: {  	v29 =	vld [tilespmem:s12+$0xFFFFFFB0];
	[tilespmem:s31+$0xFFFFFF90] =	vst v34;
	(erf) = vrcp.f32 v49;
	v47 =	vmul.f32 v57, v47  }
0x180: {  	v63 =	vadd.f32 v50, v52;
	v52 =	vld [tilespmem:s0+$0xFFFFFFA0];
	v58 =	vsub.f32 $0.0e+00, v48;
	(erf) = vpow2.f32 v62;
	v59 =	vpop (erf)  }
0x181: {  	v61 =	vld [tilespmem:s24+$0xFFFFFFA0];
	v44 =	vadd.f32 v60, v44;
	v60 =	vadd.f32 $1.000000000e+00, v59  }
0x182: {  	v28 =	vld [tilespmem:s12+$0xFFFFFFA0];
	v36 =	vadd.f32 v36, v51;
	v62 =	vmul.f32 $1.442695020e+00, v58  }
0x183: {  	v23 =	vld [tilespmem:s12+$0xFFFFFFC0];
	v41 =	vadd.f32 v46, v63;
	v46 =	vadd.f32 v54, v44;
	[tilespmem:s30+$0x30] =	vst v47;
	(erf) = vrcp.f32 v60;
	v47 =	vpop (erf)  }
0x184: {  	v36 =	vadd.f32 v35, v36;
	v63 =	vmul.f32 v53, v32;
	v49 =	vld [tilespmem:s10+$0x40];
	(erf) = vpow2.f32 v62;
	v58 =	vpop (erf)  }
0x185: {  	v59 =	vsub.f32 $0.0e+00, v46;
	v51 =	vld [tilespmem:s1+$0x40];
	v60 =	vmul.f32 v56, v39;
	v34 =	vadd.f32 $1.000000000e+00, v58  }
0x186: {  	v57 =	vsub.f32 $0.0e+00, v41;
	[tilespmem:s30+$0xFFFFFFA0] =	vst v63;
	v61 =	vadd.f32 v61, v52;
	v52 =	vld [tilespmem:s30+$0x40]  }
0x187: {  	v54 =	vld [tilespmem:s10+$0xFFFFFFB0];
	v53 =	vmul.f32 $1.442695020e+00, v59;
	v39 =	vpop (erf);
	(erf) = vrcp.f32 v34  }
0x188: {  	v50 =	vmul.f32 $1.442695020e+00, v57;
	v57 =	vld [tilespmem:s1+$0xFFFFFFB0];
	v62 =	vsub.f32 $0.0e+00, v36;
	v63 =	vpop (erf)  }
0x189: {  	v19 =	vld [tilespmem:s12+$0xFFFFFFD0];
	[tilespmem:s11+$0xFFFFFFB0] =	vst v60;
	v34 =	vadd.f32 v30, v61;
	v30 =	vmul.f32 v63, v43;
	v60 =	vpop (erf);
	(erf) = vpow2.f32 v53  }
0x18a: {  	v61 =	vadd.f32 v51, v49;
	v49 =	vld [tilespmem:s29+$0xFFFFFFC0];
	v35 =	vadd.f32 $1.000000000e+00, v60;
	(erf) = vpow2.f32 v50  }
0x18b: {  	v38 =	vmul.f32 v47, v38;
	v62 =	vmul.f32 $1.442695020e+00, v62;
	v51 =	vld [tilespmem:s14+$0xFFFFFFC0];
	[tilespmem:s31+$0x20] =	vst v30;
	v30 =	vsub.f32 $0.0e+00, v34  }
0x18c: {  	v52 =	vadd.f32 v52, v61;
	v53 =	vld [tilespmem:s0+$0x30];
	(erf) = vrcp.f32 v35;
	v44 =	vpop (erf)  }
0x18d: {  	[tilespmem:s17+$0xFFFFFFC0] =	vst v38;
	v60 =	vadd.f32 v57, v54;
	v43 =	vld [tilespmem:s24+$0x30];
	(erf) = vpow2.f32 v62;
	v58 =	vmul.f32 $1.442695020e+00, v30;
	v63 =	vpop (erf)  }
0x18e: {  	v39 =	vmul.f32 v39, v40;
	v40 =	vld [tilespmem:s15+$0xFFFFFFD0];
	v59 =	vsub.f32 $0.0e+00, v52;
	v47 =	vadd.f32 $1.000000000e+00, v63  }
0x18f: {  	v61 =	vld [tilespmem:s31+$0x30];
	v38 =	vadd.f32 v25, v60;
	(erf) = vpow2.f32 v58  }
0x190: {  	v25 =	vadd.f32 v51, v49;
	v49 =	vld [tilespmem:s13+$0xFFFFFFD0];
	v62 =	vmul.f32 $1.442695020e+00, v59;
	(erf) = vrcp.f32 v47;
	v63 =	vpop (erf)  }
0x191: {  	v16 =	vld [tilespmem:s12+$0xFFFFFFE0];
	v55 =	vmul.f32 v63, v45  }
0x192: {  	v14 =	vld [tilespmem:s12+$0xFFFFFFF0];
	[tilespmem:s9+$0xFFFFFFD0] =	vst v39;
	v57 =	vsub.f32 $0.0e+00, v38;
	v43 =	vadd.f32 v43, v53;
	(erf) = vpow2.f32 v62;
	v56 =	vpop (erf)  }
0x193: {  	v51 =	vld [tilespmem:s19+$0xFFFFFFE0];
	v39 =	vadd.f32 v22, v25;
	v58 =	vpop (erf);
	v45 =	vadd.f32 $1.000000000e+00, v56;
	[tilespmem:s12+$0x10] =	vst v55  }
0x194: {  	v53 =	vadd.f32 v61, v43;
	v50 =	vadd.f32 $1.000000000e+00, v58;
	v54 =	vld [tilespmem:s16+$0x20]  }
0x195: {  	v47 =	vmul.f32 $1.442695020e+00, v57;
	v40 =	vadd.f32 v49, v40;
	v22 =	vpop (erf);
	(erf) = vrcp.f32 v45;
	v45 =	vld [tilespmem:s5+$0x20]  }
0x196: {  	v43 =	vld [tilespmem:s26+$0xFFFFFFE0];
	v60 =	vsub.f32 $0.0e+00, v53;
	v59 =	vpop (erf);
	v22 =	vmul.f32 v22, v42;
	(erf) = vrcp.f32 v50  }
0x197: {  	v62 =	vld [tilespmem:s12+$0x20];
	v61 =	vsub.f32 $0.0e+00, v39;
	v50 =	vadd.f32 $1.000000000e+00, v59;
	(erf) = vpow2.f32 v47  }
0x198: {  	v32 =	vld [tilespmem:s8+$0xFFFFFF90];
	v40 =	vadd.f32 v21, v40;
	v55 =	vmul.f32 $1.442695020e+00, v60;
	[tilespmem:s17+$0x60] =	vst v22;
	v63 =	vpop (erf)  }
0x199: {  	v42 =	vmul.f32 $1.442695020e+00, v61;
	(erf) = vrcp.f32 v50;
	v56 =	vld [tilespmem:s15+$0x70];
	v50 =	vadd.f32 $1.000000000e+00, v63;
	v57 =	vpop (erf)  }
0x19a: {  	v58 =	vld [tilespmem:s13+$0x70];
	(erf) = vpow2.f32 v55;
	v48 =	vmul.f32 v57, v48;
	v45 =	vadd.f32 v45, v54  }
0x19b: {  	v35 =	vld [tilespmem:s8+$0xFFFFFFA0];
	v61 =	vsub.f32 $0.0e+00, v40;
	v43 =	vadd.f32 v43, v51;
	v59 =	vpop (erf);
	(erf) = vpow2.f32 v42  }
0x19c: {  	v49 =	vld [tilespmem:s17+$0x70];
	v60 =	vadd.f32 $1.000000000e+00, v59;
	(erf) = vrcp.f32 v50;
	[tilespmem:s8+$0x0] =	vst v48;
	v50 =	vadd.f32 v62, v45  }
0x19d: {  	v47 =	vld [tilespmem:s6+$0x10]  }
0x19e: {  	v43 =	vadd.f32 v20, v43;
	(erf) = vrcp.f32 v60;
	v42 =	vld [tilespmem:s7+$0x10];
	v20 =	vpop (erf);
	v63 =	vsub.f32 $0.0e+00, v50  }
0x19f: {  	v30 =	vld [tilespmem:s8+$0xFFFFFFB0];
	v51 =	vadd.f32 v58, v56;
	v60 =	vmul.f32 $1.442695020e+00, v61;
	v62 =	vpop (erf);
	v46 =	vmul.f32 v20, v46  }
0x1a0: {  	v57 =	vld [tilespmem:s8+$0x10];
	v41 =	vmul.f32 v62, v41;
	v61 =	vpop (erf);
	v62 =	vsub.f32 $0.0e+00, v43;
	v54 =	vmul.f32 $1.442695020e+00, v63  }
0x1a1: {  	v25 =	vld [tilespmem:s8+$0xFFFFFFC0];
	v45 =	vadd.f32 v49, v51;
	(erf) = vpow2.f32 v60;
	[tilespmem:s11+$0x50] =	vst v46;
	v63 =	vadd.f32 $1.000000000e+00, v61  }
0x1a2: {  	v21 =	vld [tilespmem:s8+$0xFFFFFFE0];
	[tilespmem:s8+$0xFFFFFF80] =	vst v41;
	v41 =	vmul.f32 $1.442695020e+00, v62;
	(erf) = vpow2.f32 v54  }
0x1a3: {  	v48 =	vpop (erf);
	v61 =	vsub.f32 $0.0e+00, v45;
	v49 =	vld [tilespmem:s29+$0x60];
	v42 =	vadd.f32 v42, v47  }
0x1a4: {  	s20 =	simm.s32 $0x980;
	v60 =	vpop (erf);
	v54 =	vld [tilespmem:s14+$0x60]  }
0x1a5: {  	v58 =	vld [tilespmem:s20+$0x0];
	v62 =	vadd.f32 $1.000000000e+00, v60;
	(erf) = vrcp.f32 v63;
	v57 =	vadd.f32 v57, v42;
	v63 =	vpop (erf)  }
0x1a6: {  	s28 =	simm.s32 $0x2980;
	v60 =	vld [tilespmem:s11+$0x60];
	v55 =	vmul.f32 $1.442695020e+00, v61;
	(erf) = vpow2.f32 v41;
	v41 =	vpop (erf)  }
0x1a7: {  	v42 =	vld [tilespmem:s28+$0x0];
	(erf) = vrcp.f32 v62;
	v59 =	vsub.f32 $0.0e+00, v57;
	v61 =	vpop (erf)  }
0x1a8: {  	(erf) = vpow2.f32 v55;
	v55 =	vld [tilespmem:s28+$0xFFFFFF80];
	v46 =	vadd.f32 $1.000000000e+00, v63;
	v47 =	vmul.f32 v61, v52  }
0x1a9: {  	s18 =	simm.s32 $0x4980;
	v49 =	vadd.f32 v54, v49;
	v54 =	vld [tilespmem:s20+$0xFFFFFF80];
	v59 =	vmul.f32 $1.442695020e+00, v59  }
0x1aa: {  	v52 =	vld [tilespmem:s18+$0x0];
	(erf) = vrcp.f32 v46;
	v62 =	vpop (erf);
	[tilespmem:s30+$0x40] =	vst v47  }
0x1ab: {  	v49 =	vadd.f32 v60, v49;
	(erf) = vpow2.f32 v59;
	v47 =	vld [tilespmem:s10+$0x50];
	v51 =	vpop (erf)  }
0x1ac: {  	v46 =	vadd.f32 $1.000000000e+00, v62;
	v59 =	vld [tilespmem:s1+$0x50];
	v51 =	vadd.f32 $1.000000000e+00, v51  }
0x1ad: {  	v42 =	vadd.f32 v42, v58;
	v58 =	vld [tilespmem:s18+$0xFFFFFF80];
	v60 =	vsub.f32 $0.0e+00, v49  }
0x1ae: {  	(erf) = vrcp.f32 v46;
	v46 =	vld [tilespmem:s30+$0x50];
	v61 =	vpop (erf)  }
0x1af: {  	v36 =	vmul.f32 v48, v36;
	v56 =	vld [tilespmem:s6+$0xFFFFFF90];
	v54 =	vadd.f32 v55, v54;
	v60 =	vmul.f32 $1.442695020e+00, v60;
	v63 =	vpop (erf)  }
0x1b0: {  	v48 =	vadd.f32 v52, v42;
	v52 =	vld [tilespmem:s7+$0xFFFFFF90];
	(erf) = vrcp.f32 v51;
	v42 =	vadd.f32 $1.000000000e+00, v63;
	v51 =	vpop (erf)  }
0x1b1: {  	v22 =	vld [tilespmem:s8+$0xFFFFFFD0];
	[tilespmem:s12+$0xFFFFFF90] =	vst v36;
	(erf) = vpow2.f32 v60;
	v47 =	vadd.f32 v59, v47;
	v51 =	vmul.f32 v51, v53;
	v62 =	vpop (erf)  }
0x1b2: {  	v41 =	vmul.f32 v41, v34;
	v55 =	vld [tilespmem:s5+$0xFFFFFFA0];
	v60 =	vsub.f32 $0.0e+00, v48;
	v53 =	vadd.f32 $1.000000000e+00, v62  }
0x1b3: {  	v59 =	vld [tilespmem:s16+$0xFFFFFFA0];
	(erf) = vrcp.f32 v42;
	[tilespmem:s31+$0x30] =	vst v51;
	v51 =	vadd.f32 v46, v47;
	v47 =	vadd.f32 v58, v54;
	v54 =	vpop (erf)  }
0x1b4: {  	v63 =	vmul.f32 $1.442695020e+00, v60;
	(erf) = vrcp.f32 v53;
	v53 =	vld [tilespmem:s0+$0x40];
	v62 =	vpop (erf)  }
0x1b5: {  	v46 =	vadd.f32 v52, v56;
	v52 =	vld [tilespmem:s24+$0x40];
	v42 =	vadd.f32 $1.000000000e+00, v62  }
0x1b6: {  	v20 =	vld [tilespmem:s8+$0xFFFFFFF0];
	(erf) = vpow2.f32 v63;
	v56 =	vsub.f32 $0.0e+00, v51  }
0x1b7: {  	[tilespmem:s31+$0xFFFFFFA0] =	vst v41;
	v38 =	vmul.f32 v61, v38;
	v61 =	vld [tilespmem:s31+$0x40];
	v58 =	vsub.f32 $0.0e+00, v47;
	v46 =	vadd.f32 v32, v46  }
0x1b8: {  	v60 =	vld [tilespmem:s0+$0xFFFFFFB0];
	v41 =	vpop (erf);
	v55 =	vadd.f32 v55, v59;
	v56 =	vmul.f32 $1.442695020e+00, v56  }
0x1b9: {  	v59 =	vld [tilespmem:s24+$0xFFFFFFB0];
	v58 =	vmul.f32 $1.442695020e+00, v58;
	(erf) = vrcp.f32 v42;
	v62 =	vsub.f32 $0.0e+00, v46;
	v42 =	vpop (erf)  }
0x1ba: {  	v36 =	vld [tilespmem:s18+$0xFFFFFF90];
	[tilespmem:s30+$0xFFFFFFB0] =	vst v38;
	(erf) = vpow2.f32 v56;
	v42 =	vmul.f32 v42, v50;
	v63 =	vpop (erf);
	v50 =	vadd.f32 v52, v53  }
0x1bb: {  	v38 =	vadd.f32 v28, v55;
	v55 =	vld [tilespmem:s10+$0xFFFFFFC0];
	(erf) = vpow2.f32 v58;
	v28 =	vadd.f32 $1.000000000e+00, v63  }
0x1bc: {  	v52 =	vmul.f32 $1.442695020e+00, v62;
	v53 =	vld [tilespmem:s1+$0xFFFFFFC0];
	[tilespmem:s12+$0x20] =	vst v42;
	v42 =	vadd.f32 v61, v50  }
0x1bd: {  	v39 =	vmul.f32 v54, v39;
	v56 =	vsub.f32 $0.0e+00, v38;
	v58 =	vpop (erf);
	v62 =	vld [tilespmem:s16+$0x30];
	(erf) = vrcp.f32 v28  }
0x1be: {  	v54 =	vadd.f32 v59, v60;
	v50 =	vpop (erf);
	(erf) = vpow2.f32 v52;
	v52 =	vld [tilespmem:s5+$0x30];
	v60 =	vsub.f32 $0.0e+00, v42  }
0x1bf: {  	v34 =	vld [tilespmem:s18+$0xFFFFFFA0];
	v56 =	vmul.f32 $1.442695020e+00, v56;
	v59 =	vpop (erf)  }
0x1c0: {  	v32 =	vld [tilespmem:s18+$0xFFFFFFB0];
	v40 =	vmul.f32 v41, v40;
	v59 =	vadd.f32 $1.000000000e+00, v59  }
0x1c1: {  	[tilespmem:s11+$0xFFFFFFC0] =	vst v39;
	v61 =	vld [tilespmem:s12+$0x30];
	v39 =	vadd.f32 v26, v54;
	(erf) = vpow2.f32 v56  }
0x1c2: {  	[tilespmem:s17+$0xFFFFFFD0] =	vst v40;
	v26 =	vld [tilespmem:s18+$0xFFFFFFD0];
	v40 =	vadd.f32 v53, v55;
	v41 =	vmul.f32 $1.442695020e+00, v60;
	(erf) = vrcp.f32 v59;
	v60 =	vpop (erf)  }
0x1c3: {  	v56 =	vld [tilespmem:s29+$0xFFFFFFD0];
	v55 =	vsub.f32 $0.0e+00, v39;
	v52 =	vadd.f32 v52, v62;
	v62 =	vpop (erf)  }
0x1c4: {  	v40 =	vadd.f32 v31, v40;
	v59 =	vld [tilespmem:s14+$0xFFFFFFD0];
	v53 =	vmul.f32 v60, v57;
	(erf) = vpow2.f32 v41;
	v57 =	vpop (erf)  }
0x1c5: {  	v60 =	vld [tilespmem:s15+$0xFFFFFFE0];
	v54 =	vadd.f32 $1.000000000e+00, v62;
	v57 =	vadd.f32 $1.000000000e+00, v57  }
0x1c6: {  	[tilespmem:s8+$0x10] =	vst v53;
	v41 =	vadd.f32 v61, v52;
	v52 =	vld [tilespmem:s13+$0xFFFFFFE0]  }
0x1c7: {  	v63 =	vsub.f32 $0.0e+00, v40;
	v53 =	vmul.f32 $1.442695020e+00, v55;
	v55 =	vld [tilespmem:s6+$0x20];
	(erf) = vrcp.f32 v54  }
0x1c8: {  	v43 =	vmul.f32 v58, v43;
	v31 =	vpop (erf);
	v54 =	vld [tilespmem:s7+$0x20];
	(erf) = vrcp.f32 v57;
	v61 =	vsub.f32 $0.0e+00, v41  }
0x1c9: {  	v28 =	vld [tilespmem:s18+$0xFFFFFFC0];
	v49 =	vmul.f32 v31, v49;
	(erf) = vpow2.f32 v53;
	v53 =	vadd.f32 v59, v56;
	v57 =	vpop (erf)  }
0x1ca: {  	[tilespmem:s9+$0xFFFFFFE0] =	vst v43;
	v56 =	vld [tilespmem:s8+$0x20];
	v57 =	vadd.f32 $1.000000000e+00, v57;
	v62 =	vpop (erf)  }
0x1cb: {  	v31 =	vld [tilespmem:s18+$0xFFFFFFE0];
	v61 =	vmul.f32 $1.442695020e+00, v61;
	[tilespmem:s11+$0x60] =	vst v49;
	v49 =	vmul.f32 $1.442695020e+00, v63;
	v43 =	vadd.f32 v33, v53;
	v63 =	vpop (erf)  }
0x1cc: {  	v58 =	vld [tilespmem:s29+$0x70];
	(erf) = vrcp.f32 v57;
	v57 =	vadd.f32 $1.000000000e+00, v62;
	v48 =	vmul.f32 v63, v48  }
0x1cd: {  	v33 =	vld [tilespmem:s14+$0x70];
	v62 =	vadd.f32 v52, v60;
	v59 =	vpop (erf);
	(erf) = vpow2.f32 v61;
	v61 =	vadd.f32 v54, v55  }
0x1ce: {  	v63 =	vsub.f32 $0.0e+00, v43;
	v54 =	vld [tilespmem:s19+$0xFFFFFFF0];
	v60 =	vadd.f32 $1.000000000e+00, v59;
	(erf) = vpow2.f32 v49  }
0x1cf: {  	v55 =	vld [tilespmem:s11+$0x70];
	(erf) = vrcp.f32 v57;
	v57 =	vmul.f32 v44, v37;
	v44 =	vadd.f32 v56, v61  }
0x1d0: {  	[tilespmem:s18+$0x0] =	vst v48;
	v48 =	vld [tilespmem:s26+$0xFFFFFFF0];
	v49 =	vmul.f32 $1.442695020e+00, v63  }
0x1d1: {  	v37 =	vadd.f32 v27, v62;
	v53 =	vld [tilespmem:s20+$0x10];
	v27 =	vpop (erf);
	(erf) = vrcp.f32 v60;
	v63 =	vsub.f32 $0.0e+00, v44  }
0x1d2: {  	v52 =	vld [tilespmem:s28+$0x10];
	v62 =	vadd.f32 v33, v58;
	v27 =	vmul.f32 v27, v51  }
0x1d3: {  	v45 =	vmul.f32 v50, v45;
	v33 =	vld [tilespmem:s18+$0xFFFFFFF0];
	v61 =	vpop (erf);
	v60 =	vsub.f32 $0.0e+00, v37;
	(erf) = vpow2.f32 v49  }
0x1d4: {  	v49 =	vld [tilespmem:s18+$0x10];
	v47 =	vmul.f32 v61, v47;
	[tilespmem:s30+$0x50] =	vst v27;
	v61 =	vpop (erf);
	v27 =	vadd.f32 v55, v62;
	v62 =	vmul.f32 $1.442695020e+00, v63  }
0x1d5: {  	[tilespmem:s17+$0x70] =	vst v45;
	v56 =	vadd.f32 $1.000000000e+00, v61;
	v48 =	vadd.f32 v48, v54;
	v50 =	vld [tilespmem:s10+$0x60];
	v60 =	vmul.f32 $1.442695020e+00, v60;
	v63 =	vpop (erf)  }
0x1d6: {  	[tilespmem:s9+$0x70] =	vst v57;
	v51 =	vld [tilespmem:s1+$0x60];
	(erf) = vpow2.f32 v62;
	v62 =	vsub.f32 $0.0e+00, v27;
	v57 =	vmul.f32 v63, v46;
	v61 =	vpop (erf)  }
0x1d7: {  	s22 =	simm.s32 $0xA80;
	[tilespmem:s18+$0xFFFFFF80] =	vst v47;
	v54 =	vadd.f32 v52, v53;
	v52 =	vld [tilespmem:s30+$0x60];
	(erf) = vrcp.f32 v56;
	v46 =	vadd.f32 $1.000000000e+00, v61;
	v63 =	vpop (erf)  }
0x1d8: {  	s19 =	simm.s32 $0x2980;
	s26 =	simm.s32 $0xE;
	v47 =	vld [tilespmem:s20+$0xFFFFFF90];
	v55 =	vmul.f32 $1.442695020e+00, v62;
	(erf) = vpow2.f32 v60;
	[tilespmem:s8+$0xFFFFFF90] =	vst v57;
	v45 =	vpop (erf);
	v53 =	vadd.f32 $1.000000000e+00, v63  }
.LBB2_7:
0x1d9: {  	v56 =	vld [tilespmem:s22+$0x0];
	v49 =	vadd.f32 v49, v54;
	s28 =	sadd.s32 $0x100, s28;
	v38 =	vmul.f32 v45, v38;
	(erf) = vrcp.f32 v46;
	v46 =	vmovc v15;
	v15 =	vmovc v12;
	s25 =	smov.u32 s12;
	s12 =	smov.u32 s8  }
0x1da: {  	v45 =	vadd.f32 v11, v48;
	v12 =	vmov v13;
	s8 =	smov.u32 s18;
	v54 =	vld [tilespmem:s28+$0x0];
	v57 =	vpop (erf);
	(erf) = vpow2.f32 v55  }
0x1db: {  	s18 =	sadd.s32 $0x100, s18;
	v13 =	vmovc v16;
	v48 =	vld [tilespmem:s28+$0xFFFFFF80];
	v59 =	vsub.f32 $0.0e+00, v49;
	[tilespmem:s25+$0xFFFFFFA0] =	vst v38;
	v38 =	vmul.f32 v57, v42;
	v42 =	vadd.f32 v51, v50  }
0x1dc: {  	v16 =	vmov v21;
	v55 =	vsub.f32 $0.0e+00, v45;
	v50 =	vld [tilespmem:s18+$0x0];
	(erf) = vrcp.f32 v53;
	v53 =	vpop (erf)  }
0x1dd: {  	v21 =	vmovc v31;
	v11 =	vmovc v9;
	v57 =	vld [tilespmem:s22+$0xFFFFFF80];
	v59 =	vmul.f32 $1.442695020e+00, v59;
	[tilespmem:s31+$0x40] =	vst v38;
	v51 =	vadd.f32 v52, v42;
	v38 =	vadd.f32 $1.000000000e+00, v53  }
0x1de: {  	v9 =	vmovc v8;
	v8 =	vmovc v7;
	v7 =	vmov v10;
	v10 =	vmov v14;
	v42 =	vmul.f32 $1.442695020e+00, v55;
	v31 =	vld [tilespmem:s0+$0x50]  }
0x1df: {  	v60 =	vadd.f32 v54, v56;
	(erf) = vpow2.f32 v59;
	v14 =	vpop (erf);
	v53 =	vld [tilespmem:s24+$0x50];
	v54 =	vsub.f32 $0.0e+00, v51  }
0x1e0: {  	v55 =	vld [tilespmem:s18+$0xFFFFFF80];
	v59 =	vadd.f32 $1.000000000e+00, v14;
	v58 =	vpop (erf);
	(erf) = vrcp.f32 v38;
	v14 =	vmov v20  }
0x1e1: {  	v50 =	vadd.f32 v50, v60;
	v61 =	vmul.f32 v58, v39;
	v38 =	vld [tilespmem:s31+$0x50];
	v60 =	vmul.f32 $1.442695020e+00, v54;
	v52 =	vpop (erf)  }
0x1e2: {  	v48 =	vadd.f32 v48, v57;
	v54 =	vld [tilespmem:s19+$0xFFFFFF90];
	(erf) = vrcp.f32 v59;
	v56 =	vpop (erf);
	v52 =	vadd.f32 $1.000000000e+00, v52  }
0x1e3: {  	s26 =	sadd.s32 $0x2, s26;
	v20 =	vmov v33;
	v57 =	vld [tilespmem:s18+$0xFFFFFF90];
	v58 =	vsub.f32 $0.0e+00, v50;
	[tilespmem:s31+$0xFFFFFFB0] =	vst v61;
	(erf) = vpow2.f32 v60;
	v39 =	vpop (erf)  }
0x1e4: {  	p1 =	slt.u32 s26, $0x1E;
	v41 =	vmul.f32 v56, v41;
	v59 =	vld [tilespmem:s6+$0xFFFFFFA0];
	v31 =	vadd.f32 v53, v31;
	v39 =	vadd.f32 $1.000000000e+00, v39  }
0x1e5: {  	v33 =	vadd.f32 v55, v48;
	v53 =	vld [tilespmem:s7+$0xFFFFFFA0];
	v55 =	vpop (erf);
	(erf) = vrcp.f32 v52  }
0x1e6: {  	v56 =	vmul.f32 $1.442695020e+00, v58;
	v52 =	vld [tilespmem:s18+$0xFFFFFFA0];
	[tilespmem:s25+$0x30] =	vst v41;
	v48 =	vadd.f32 v38, v31;
	(erf) = vrcp.f32 v39  }
0x1e7: {  	v40 =	vmul.f32 v55, v40;
	v31 =	vsub.f32 $0.0e+00, v33;
	v38 =	vadd.f32 v54, v47;
	v39 =	vld [tilespmem:s16+$0x40]  }
0x1e8: {  	(erf) = vpow2.f32 v56;
	v41 =	vpop (erf);
	v54 =	vld [tilespmem:s5+$0x40];
	v55 =	vsub.f32 $0.0e+00, v48  }
0x1e9: {  	v31 =	vmul.f32 $1.442695020e+00, v31;
	v47 =	vadd.f32 v36, v38;
	v38 =	vadd.f32 $1.000000000e+00, v41;
	v41 =	vld [tilespmem:s16+$0xFFFFFFB0];
	[tilespmem:s30+$0xFFFFFFC0] =	vst v40;
	v36 =	vpop (erf)  }
0x1ea: {  	v40 =	vadd.f32 v53, v59;
	v53 =	vld [tilespmem:s25+$0x40];
	v55 =	vmul.f32 $1.442695020e+00, v55;
	v43 =	vmul.f32 v36, v43;
	v36 =	vmovc v57  }
0x1eb: {  	v56 =	vsub.f32 $0.0e+00, v47;
	(erf) = vrcp.f32 v38;
	v57 =	vpop (erf);
	v58 =	vld [tilespmem:s5+$0xFFFFFFB0]  }
0x1ec: {  	v59 =	vld [tilespmem:s18+$0xFFFFFFB0];
	v38 =	vadd.f32 v35, v40;
	v40 =	vmul.f32 v57, v44;
	(erf) = vpow2.f32 v55;
	v35 =	vpop (erf);
	[tilespmem:s11+$0xFFFFFFD0] =	vst v43  }
0x1ed: {  	(erf) = vpow2.f32 v31;
	v57 =	vadd.f32 v54, v39;
	v43 =	vld [tilespmem:s0+$0xFFFFFFC0];
	v39 =	vadd.f32 $1.000000000e+00, v35;
	v35 =	vmovc v34;
	v34 =	vmovc v52  }
0x1ee: {  	v44 =	vmul.f32 $1.442695020e+00, v56;
	v52 =	vsub.f32 $0.0e+00, v38;
	[tilespmem:s12+$0x20] =	vst v40;
	v40 =	vld [tilespmem:s24+$0xFFFFFFC0];
	v54 =	vpop (erf);
	(erf) = vpow2.f32 v42  }
0x1ef: {  	v55 =	vld [tilespmem:s6+$0x30];
	v42 =	vadd.f32 v53, v57;
	(erf) = vrcp.f32 v39;
	v31 =	vpop (erf);
	v37 =	vmul.f32 v54, v37  }
0x1f0: {  	(erf) = vpow2.f32 v44;
	v44 =	vld [tilespmem:s7+$0x30];
	v39 =	vadd.f32 v58, v41;
	v27 =	vmul.f32 v31, v27  }
0x1f1: {  	v41 =	vmul.f32 $1.442695020e+00, v52;
	v53 =	vld [tilespmem:s18+$0xFFFFFFC0];
	v31 =	vpop (erf);
	v52 =	vsub.f32 $0.0e+00, v42;
	[tilespmem:s17+$0xFFFFFFE0] =	vst v37  }
0x1f2: {  	v54 =	vadd.f32 $1.000000000e+00, v31;
	v37 =	vld [tilespmem:s12+$0x30];
	v39 =	vadd.f32 v29, v39;
	[tilespmem:s11+$0x70] =	vst v27;
	v29 =	vmovc v30;
	v30 =	vmovc v32;
	v32 =	vmov v59  }
0x1f3: {  	(erf) = vpow2.f32 v41;
	v56 =	vmul.f32 $1.442695020e+00, v52;
	v40 =	vadd.f32 v40, v43;
	v43 =	vld [tilespmem:s10+$0xFFFFFFD0]  }
0x1f4: {  	(erf) = vrcp.f32 v54;
	v31 =	vpop (erf);
	v41 =	vsub.f32 $0.0e+00, v39;
	v52 =	vld [tilespmem:s1+$0xFFFFFFD0]  }
0x1f5: {  	v54 =	vld [tilespmem:s18+$0xFFFFFFD0];
	v57 =	vmul.f32 v31, v49;
	v44 =	vadd.f32 v44, v55;
	(erf) = vpow2.f32 v56;
	v27 =	vpop (erf)  }
0x1f6: {  	v40 =	vadd.f32 v24, v40;
	v49 =	vpop (erf);
	v55 =	vmul.f32 $1.442695020e+00, v41;
	v59 =	vadd.f32 $1.000000000e+00, v27;
	v56 =	vld [tilespmem:s29+$0xFFFFFFE0]  }
0x1f7: {  	v24 =	vmov v23;
	v49 =	vadd.f32 $1.000000000e+00, v49;
	[tilespmem:s8+$0x10] =	vst v57;
	v41 =	vadd.f32 v37, v44;
	v37 =	vld [tilespmem:s14+$0xFFFFFFE0];
	v31 =	vpop (erf)  }
0x1f8: {  	v60 =	vsub.f32 $0.0e+00, v40;
	v44 =	vld [tilespmem:s20+$0x20];
	(erf) = vrcp.f32 v59;
	v27 =	vpop (erf);
	v57 =	vadd.f32 $1.000000000e+00, v31  }
0x1f9: {  	(erf) = vrcp.f32 v49;
	v49 =	vld [tilespmem:s19+$0x20];
	v58 =	vpop (erf);
	v59 =	vsub.f32 $0.0e+00, v41;
	v61 =	vmul.f32 v27, v51  }
0x1fa: {  	v23 =	vmovc v25;
	v25 =	vmovc v28;
	v31 =	vld [tilespmem:s18+$0xFFFFFFE0];
	v51 =	vadd.f32 $1.000000000e+00, v58;
	(erf) = vpow2.f32 v55;
	v55 =	vmul.f32 $1.442695020e+00, v60  }
0x1fb: {  	v28 =	vmovc v53;
	v43 =	vadd.f32 v52, v43;
	v58 =	vld [tilespmem:s8+$0x20];
	v59 =	vmul.f32 $1.442695020e+00, v59;
	[tilespmem:s30+$0x60] =	vst v61;
	(erf) = vrcp.f32 v57  }
0x1fc: {  	(erf) = vrcp.f32 v51;
	v27 =	vpop (erf);
	v51 =	vld [tilespmem:s10+$0x70];
	v37 =	vadd.f32 v37, v56  }
0x1fd: {  	v43 =	vadd.f32 v18, v43;
	v52 =	vpop (erf);
	v27 =	vadd.f32 $1.000000000e+00, v27;
	(erf) = vpow2.f32 v59;
	v53 =	vld [tilespmem:s1+$0x70]  }
0x1fe: {  	v50 =	vmul.f32 v52, v50;
	v44 =	vadd.f32 v49, v44;
	v18 =	vpop (erf);
	(erf) = vpow2.f32 v55;
	v52 =	vld [tilespmem:s15+$0xFFFFFFF0];
	s15 =	smov.u32 s29;
	s29 =	smov.u32 s10;
	s10 =	smov.u32 s0  }
0x1ff: {  	v49 =	vsub.f32 $0.0e+00, v43;
	s0 =	smov.u32 s16;
	s16 =	smov.u32 s6;
	s6 =	smov.u32 s20;
	(erf) = vrcp.f32 v27;
	v57 =	vadd.f32 $1.000000000e+00, v18;
	v55 =	vld [tilespmem:s30+$0x70];
	v18 =	vmovc v17;
	v17 =	vmovc v19  }
0x200: {  	v37 =	vadd.f32 v46, v37;
	v19 =	vmovc v22;
	v22 =	vmov v26;
	[tilespmem:s18+$0x0] =	vst v50;
	v44 =	vadd.f32 v58, v44;
	v46 =	vld [tilespmem:s13+$0xFFFFFFF0];
	s13 =	smov.u32 s14;
	s14 =	smov.u32 s1;
	s1 =	smov.u32 s24  }
0x201: {  	v26 =	vmov v54;
	v49 =	vmul.f32 $1.442695020e+00, v49;
	s24 =	smov.u32 s5;
	s5 =	smov.u32 s7;
	s7 =	smov.u32 s19;
	v56 =	vld [tilespmem:s22+$0x10];
	(erf) = vrcp.f32 v57;
	v27 =	vpop (erf)  }
0x202: {  	s20 =	smov.u32 s22;
	s19 =	smov.u32 s28;
	v54 =	vld [tilespmem:s28+$0x10];
	v50 =	vpop (erf);
	v57 =	vsub.f32 $0.0e+00, v44;
	v27 =	vmul.f32 v27, v48;
	v48 =	vadd.f32 v53, v51  }
0x203: {  	v53 =	vsub.f32 $0.0e+00, v37;
	v50 =	vmul.f32 v50, v33;
	v33 =	vld [tilespmem:s18+$0xFFFFFFF0];
	v51 =	vpop (erf);
	(erf) = vpow2.f32 v49  }
.Ltmp3:
0x204: {  	v49 =	vld [tilespmem:s18+$0x10];
	v57 =	vmul.f32 $1.442695020e+00, v57;
	v58 =	vadd.f32 $1.000000000e+00, v51;
	[tilespmem:s31+$0x50] =	vst v27;
	v27 =	vadd.f32 v55, v48;
	v51 =	vpop (erf);
	(pc) =	sbr.rel @p1 .LBB2_7-.Ltmp3, $4  }
0x205: {  	v59 =	vmul.f32 $1.442695020e+00, v53;
	[tilespmem:s18+$0xFFFFFF80] =	vst v50;
	v55 =	vpop (erf);
	v50 =	vld [tilespmem:s10+$0x60];
	v48 =	vadd.f32 v46, v52;
	v60 =	vmul.f32 v51, v45  }
0x206: {  	v52 =	vmul.f32 v55, v47;
	(erf) = vpow2.f32 v57;
	v46 =	vpop (erf);
	v51 =	vld [tilespmem:s1+$0x60];
	v55 =	vsub.f32 $0.0e+00, v27  }
0x207: {  	v47 =	vld [tilespmem:s22+$0xFFFFFF90];
	v54 =	vadd.f32 v54, v56;
	v46 =	vadd.f32 $1.000000000e+00, v46;
	(erf) = vrcp.f32 v58;
	v53 =	vpop (erf);
	[tilespmem:s9+$0xFFFFFFF0] =	vst v60;
	s9 =	smov.u32 s17;
	s17 =	smov.u32 s11;
	s11 =	smov.u32 s30  }
0x208: {  	s22 =	sadd.s32 $0x100, s22;
	s30 =	smov.u32 s31;
	[tilespmem:s8+$0xFFFFFF90] =	vst v52;
	v45 =	vpop (erf);
	v53 =	vadd.f32 $1.000000000e+00, v53;
	v52 =	vld [tilespmem:s31+$0x60];
	v55 =	vmul.f32 $1.442695020e+00, v55;
	(erf) = vpow2.f32 v59;
	s31 =	smov.u32 s25  }
0x209: {  	v49 =	vadd.f32 v49, v54;
	_ =	sdelay $0x1  }
0x20a: {  	(erf) = vrcp.f32 v46;
	v54 =	vsub.f32 $0.0e+00, v49;
	_ =	sdelay $0x1  }
0x20b: {  	v63 =	vpop (erf);
	(erf) = vpow2.f32 v55;
	v54 =	vmul.f32 $1.442695020e+00, v54  }
0x20c: {  	v42 =	vmul.f32 v63, v42;
	v56 =	vadd.f32 v51, v50;
	(erf) = vrcp.f32 v53  }
0x20d: {  	v57 =	vpop (erf);
	(erf) = vpow2.f32 v54  }
0x20e: {  	[tilespmem:s31+$0x40] =	vst v42;
	v42 =	vadd.f32 v52, v56;
	v58 =	vadd.f32 $1.000000000e+00, v57  }
0x20f: {  	v51 =	vld [tilespmem:s0+$0x50];
	v59 =	vpop (erf)  }
0x210: {  	v52 =	vld [tilespmem:s24+$0x50];
	v60 =	vsub.f32 $0.0e+00, v42;
	v50 =	vadd.f32 $1.000000000e+00, v59;
	(erf) = vrcp.f32 v58;
	v46 =	vpop (erf)  }
0x211: {  	v61 =	vpop (erf)  }
0x212: {  	v53 =	vmul.f32 $1.442695020e+00, v60;
	(erf) = vrcp.f32 v50;
	v50 =	vld [tilespmem:s31+$0x50];
	v56 =	vpop (erf)  }
0x213: {  	v62 =	vld [tilespmem:s19+$0xFFFFFF90];
	v41 =	vmul.f32 v56, v41  }
0x214: {  	v11 =	vadd.f32 v11, v48;
	v48 =	vld [tilespmem:s7+$0xFFFFFFA0];
	(erf) = vpow2.f32 v53;
	v63 =	vpop (erf)  }
0x215: {  	v54 =	vadd.f32 $1.000000000e+00, v61;
	v56 =	vld [tilespmem:s6+$0xFFFFFFA0];
	v51 =	vadd.f32 v52, v51;
	v59 =	vpop (erf);
	[tilespmem:s12+$0x30] =	vst v41  }
0x216: {  	v39 =	vmul.f32 v46, v39;
	v60 =	vadd.f32 $1.000000000e+00, v63;
	v46 =	vld [tilespmem:s5+$0x40];
	v61 =	vpop (erf)  }
0x217: {  	(erf) = vrcp.f32 v54;
	v50 =	vadd.f32 v50, v51;
	v51 =	vld [tilespmem:s16+$0x40];
	v41 =	vadd.f32 $1.000000000e+00, v61  }
0x218: {  	(erf) = vrcp.f32 v60  }
0x219: {  	v38 =	vmul.f32 v45, v38;
	v62 =	vadd.f32 v62, v47;
	v57 =	vpop (erf);
	(erf) = vrcp.f32 v41  }
0x21a: {  	v58 =	vsub.f32 $0.0e+00, v11;
	v52 =	vld [tilespmem:s12+$0x40];
	v63 =	vsub.f32 $0.0e+00, v50  }
0x21b: {  	[tilespmem:s12+$0xFFFFFFA0] =	vst v38;
	v38 =	vadd.f32 v36, v62;
	v40 =	vmul.f32 v59, v40;
	v62 =	vadd.f32 v48, v56  }
0x21c: {  	v36 =	vld [tilespmem:s16+$0xFFFFFFB0];
	v59 =	vmul.f32 v57, v43;
	v60 =	vpop (erf);
	v61 =	vmul.f32 $1.442695020e+00, v63;
	v46 =	vadd.f32 v46, v51  }
0x21d: {  	[tilespmem:s31+$0xFFFFFFB0] =	vst v39;
	v54 =	vsub.f32 $0.0e+00, v38;
	v41 =	vmul.f32 $1.442695020e+00, v58;
	v63 =	vld [tilespmem:s5+$0xFFFFFFB0];
	v43 =	vmul.f32 v60, v44;
	v55 =	vpop (erf)  }
0x21e: {  	v48 =	vld [tilespmem:s0+$0xFFFFFFC0];
	v39 =	vadd.f32 v35, v62;
	(erf) = vpow2.f32 v61;
	v56 =	vadd.f32 $1.000000000e+00, v55  }
0x21f: {  	v57 =	vld [tilespmem:s24+$0xFFFFFFC0];
	v58 =	vmul.f32 $1.442695020e+00, v54;
	[tilespmem:s8+$0x20] =	vst v43;
	(erf) = vpow2.f32 v41;
	v41 =	vadd.f32 v52, v46  }
0x220: {  	[tilespmem:s11+$0xFFFFFFD0] =	vst v59;
	v44 =	vsub.f32 $0.0e+00, v39;
	v59 =	vld [tilespmem:s6+$0x30];
	v46 =	vpop (erf);
	(erf) = vrcp.f32 v56  }
0x221: {  	[tilespmem:s30+$0xFFFFFFC0] =	vst v40;
	v60 =	vld [tilespmem:s7+$0x30];
	v61 =	vsub.f32 $0.0e+00, v41;
	v35 =	vpop (erf);
	(erf) = vpow2.f32 v58  }
0x222: {  	v44 =	vmul.f32 $1.442695020e+00, v44;
	v36 =	vadd.f32 v63, v36;
	v62 =	vpop (erf)  }
0x223: {  	v51 =	vmul.f32 $1.442695020e+00, v61;
	v63 =	vld [tilespmem:s8+$0x30];
	v45 =	vmul.f32 v62, v49  }
0x224: {  	v36 =	vadd.f32 v29, v36;
	(erf) = vpow2.f32 v44;
	v29 =	vld [tilespmem:s10+$0xFFFFFFD0]  }
0x225: {  	v40 =	vadd.f32 v57, v48;
	v44 =	vld [tilespmem:s1+$0xFFFFFFD0];
	(erf) = vpow2.f32 v51;
	[tilespmem:s18+$0x10] =	vst v45  }
0x226: {  	v43 =	vadd.f32 v60, v59;
	v48 =	vld [tilespmem:s20+$0x20]  }
0x227: {  	v24 =	vadd.f32 v24, v40;
	v54 =	vsub.f32 $0.0e+00, v36;
	v55 =	vpop (erf);
	v57 =	vld [tilespmem:s19+$0x20]  }
0x228: {  	v56 =	vadd.f32 $1.000000000e+00, v55;
	v58 =	vpop (erf);
	v43 =	vadd.f32 v63, v43  }
0x229: {  	v59 =	vsub.f32 $0.0e+00, v24;
	v61 =	vld [tilespmem:s18+$0x20];
	v45 =	vmul.f32 $1.442695020e+00, v54;
	v49 =	vadd.f32 $1.000000000e+00, v58;
	v60 =	vpop (erf)  }
0x22a: {  	(erf) = vrcp.f32 v56;
	v62 =	vpop (erf);
	v40 =	vmul.f32 v60, v42;
	v63 =	vsub.f32 $0.0e+00, v43  }
0x22b: {  	(erf) = vpow2.f32 v45;
	v29 =	vadd.f32 v44, v29;
	v53 =	vadd.f32 $1.000000000e+00, v62  }
0x22c: {  	v56 =	vld [tilespmem:s14+$0xFFFFFFE0];
	(erf) = vrcp.f32 v49;
	v47 =	vadd.f32 v57, v48;
	v55 =	vmul.f32 $1.442695020e+00, v63  }
0x22d: {  	v44 =	vld [tilespmem:s29+$0xFFFFFFE0];
	v42 =	vadd.f32 v18, v29;
	v57 =	vmul.f32 $1.442695020e+00, v59;
	(erf) = vrcp.f32 v53;
	v58 =	vpop (erf)  }
0x22e: {  	[tilespmem:s30+$0x60] =	vst v40;
	v29 =	vadd.f32 $1.000000000e+00, v58;
	v59 =	vpop (erf);
	v45 =	vadd.f32 v61, v47;
	(erf) = vpow2.f32 v55  }
0x22f: {  	v18 =	vld [tilespmem:s10+$0x70];
	v61 =	vsub.f32 $0.0e+00, v42;
	v40 =	vadd.f32 $1.000000000e+00, v59;
	(erf) = vpow2.f32 v57  }
0x230: {  	v60 =	vld [tilespmem:s1+$0x70];
	(erf) = vrcp.f32 v29;
	v29 =	vsub.f32 $0.0e+00, v45  }
0x231: {  	v63 =	vmul.f32 $1.442695020e+00, v61;
	(erf) = vrcp.f32 v40  }
0x232: {  	v44 =	vadd.f32 v56, v44;
	v52 =	vmul.f32 $1.442695020e+00, v29  }
0x233: {  	v62 =	vld [tilespmem:s30+$0x70];
	v53 =	vpop (erf);
	(erf) = vpow2.f32 v63  }
0x234: {  	v54 =	vpop (erf);
	v29 =	vadd.f32 v15, v44;
	(erf) = vpow2.f32 v52  }
0x235: {  	v15 =	vadd.f32 v60, v18;
	v18 =	vpop (erf);
	v40 =	vadd.f32 $1.000000000e+00, v54  }
0x236: {  	v55 =	vmul.f32 v53, v50;
	v56 =	vsub.f32 $0.0e+00, v29;
	v48 =	vpop (erf)  }
0x237: {  	v57 =	vpop (erf)  }
0x238: {  	[tilespmem:s31+$0x50] =	vst v55;
	v15 =	vadd.f32 v62, v15;
	v58 =	vmul.f32 $1.442695020e+00, v56;
	v60 =	vpop (erf)  }
0x239: {  	v61 =	vld [tilespmem:s0+$0x60];
	(erf) = vrcp.f32 v40;
	v49 =	vadd.f32 $1.000000000e+00, v57;
	v40 =	vpop (erf)  }
0x23a: {  	v37 =	vmul.f32 v46, v37;
	v62 =	vld [tilespmem:s24+$0x60];
	v59 =	vsub.f32 $0.0e+00, v15;
	(erf) = vpow2.f32 v58;
	v63 =	vpop (erf)  }
0x23b: {  	(erf) = vrcp.f32 v49;
	v41 =	vmul.f32 v63, v41  }
0x23c: {  	[tilespmem:s17+$0xFFFFFFE0] =	vst v37;
	v53 =	vld [tilespmem:s31+$0x60];
	v47 =	vmul.f32 $1.442695020e+00, v59;
	v54 =	vpop (erf)  }
0x23d: {  	v50 =	vld [tilespmem:s15+$0xFFFFFFF0];
	v52 =	vadd.f32 $1.000000000e+00, v60;
	[tilespmem:s12+$0x40] =	vst v41;
	v56 =	vpop (erf)  }
0x23e: {  	(erf) = vpow2.f32 v47;
	v55 =	vadd.f32 $1.000000000e+00, v54;
	v57 =	vld [tilespmem:s16+$0x50];
	v47 =	vadd.f32 $1.000000000e+00, v56  }
0x23f: {  	v46 =	vadd.f32 v62, v61;
	(erf) = vrcp.f32 v52;
	v58 =	vld [tilespmem:s5+$0x50]  }
0x240: {  	v59 =	vld [tilespmem:s13+$0xFFFFFFF0];
	(erf) = vrcp.f32 v55  }
0x241: {  	v60 =	vld [tilespmem:s12+$0x50];
	v44 =	vadd.f32 v53, v46;
	(erf) = vrcp.f32 v47  }
0x242: {  	v38 =	vmul.f32 v48, v38;
	v47 =	vpop (erf)  }
0x243: {  	v39 =	vmul.f32 v40, v39;
	v61 =	vsub.f32 $0.0e+00, v44;
	v62 =	vpop (erf)  }
0x244: {  	[tilespmem:s18+$0xFFFFFF90] =	vst v38;
	v37 =	vadd.f32 v58, v57;
	v63 =	vpop (erf)  }
0x245: {  	v49 =	vld [tilespmem:s20+$0xFFFFFFA0];
	[tilespmem:s8+$0xFFFFFFA0] =	vst v39;
	v41 =	vadd.f32 v59, v50;
	v55 =	vmul.f32 $1.442695020e+00, v61;
	v43 =	vmul.f32 v63, v43  }
0x246: {  	v52 =	vld [tilespmem:s6+$0xFFFFFFB0];
	v37 =	vadd.f32 v60, v37  }
0x247: {  	v9 =	vadd.f32 v9, v41;
	v58 =	vld [tilespmem:s19+$0xFFFFFFA0];
	v56 =	vpop (erf);
	(erf) = vpow2.f32 v55;
	[tilespmem:s8+$0x30] =	vst v43  }
0x248: {  	v57 =	vadd.f32 $1.000000000e+00, v62;
	v46 =	vpop (erf);
	v59 =	vsub.f32 $0.0e+00, v37;
	v41 =	vld [tilespmem:s6+$0x40]  }
0x249: {  	v60 =	vadd.f32 $1.000000000e+00, v56;
	v50 =	vpop (erf);
	v61 =	vld [tilespmem:s7+$0x40]  }
0x24a: {  	v55 =	vld [tilespmem:s8+$0x40];
	(erf) = vrcp.f32 v57;
	v62 =	vpop (erf);
	v43 =	vmul.f32 $1.442695020e+00, v59  }
0x24b: {  	v63 =	vsub.f32 $0.0e+00, v9;
	v57 =	vld [tilespmem:s7+$0xFFFFFFB0];
	(erf) = vrcp.f32 v60;
	v45 =	vmul.f32 v62, v45  }
0x24c: {  	(erf) = vpow2.f32 v43  }
0x24d: {  	v56 =	vmul.f32 $1.442695020e+00, v63;
	v38 =	vadd.f32 v58, v49;
	[tilespmem:s18+$0x20] =	vst v45  }
0x24e: {  	v36 =	vmul.f32 v47, v36;
	v58 =	vld [tilespmem:s20+$0x30];
	v59 =	vadd.f32 v61, v41  }
0x24f: {  	v34 =	vadd.f32 v34, v38;
	(erf) = vpow2.f32 v56;
	v60 =	vld [tilespmem:s19+$0x30]  }
0x250: {  	[tilespmem:s12+$0xFFFFFFB0] =	vst v36;
	v63 =	vld [tilespmem:s18+$0x30];
	v52 =	vadd.f32 v57, v52;
	v61 =	vpop (erf);
	v38 =	vadd.f32 v55, v59  }
0x251: {  	v57 =	vld [tilespmem:s5+$0xFFFFFFC0];
	v62 =	vsub.f32 $0.0e+00, v34;
	v41 =	vadd.f32 $1.000000000e+00, v61  }
0x252: {  	v53 =	vmul.f32 v46, v24;
	v55 =	vld [tilespmem:s16+$0xFFFFFFC0];
	v54 =	vsub.f32 $0.0e+00, v38  }
0x253: {  	v45 =	vmul.f32 $1.442695020e+00, v62;
	v49 =	vpop (erf);
	(erf) = vrcp.f32 v41;
	v41 =	vadd.f32 v30, v52  }
0x254: {  	[tilespmem:s31+$0xFFFFFFC0] =	vst v53;
	v56 =	vmul.f32 v50, v42;
	v24 =	vpop (erf);
	v30 =	vadd.f32 v60, v58;
	v58 =	vmul.f32 $1.442695020e+00, v54  }
0x255: {  	v61 =	vld [tilespmem:s24+$0xFFFFFFD0];
	(erf) = vpow2.f32 v45;
	v59 =	vsub.f32 $0.0e+00, v41;
	v60 =	vpop (erf)  }
0x256: {  	[tilespmem:s30+$0xFFFFFFD0] =	vst v56;
	v39 =	vadd.f32 v63, v30;
	v30 =	vld [tilespmem:s0+$0xFFFFFFD0];
	v45 =	vadd.f32 $1.000000000e+00, v60;
	(erf) = vpow2.f32 v58  }
0x257: {  	v51 =	vld [tilespmem:s10+$0xFFFFFFE0];
	v42 =	vadd.f32 v57, v55;
	v62 =	vmul.f32 $1.442695020e+00, v59  }
0x258: {  	v52 =	vld [tilespmem:s1+$0xFFFFFFE0];
	v63 =	vpop (erf);
	v50 =	vsub.f32 $0.0e+00, v39;
	(erf) = vrcp.f32 v45  }
0x259: {  	v43 =	vadd.f32 $1.000000000e+00, v63;
	v42 =	vadd.f32 v23, v42;
	(erf) = vpow2.f32 v62  }
0x25a: {  	v53 =	vmul.f32 $1.442695020e+00, v50  }
0x25b: {  	(erf) = vrcp.f32 v43;
	v23 =	vadd.f32 v61, v30;
	v30 =	vsub.f32 $0.0e+00, v42  }
0x25c: {  	(erf) = vpow2.f32 v53  }
0x25d: {  	v56 =	vadd.f32 v52, v51;
	v54 =	vpop (erf);
	v45 =	vadd.f32 v17, v23;
	v17 =	vmul.f32 $1.442695020e+00, v30  }
0x25e: {  	v55 =	vpop (erf)  }
0x25f: {  	v36 =	vmul.f32 v54, v44;
	v30 =	vadd.f32 v12, v56;
	v23 =	vadd.f32 $1.000000000e+00, v55;
	v57 =	vpop (erf)  }
0x260: {  	v58 =	vsub.f32 $0.0e+00, v45;
	(erf) = vpow2.f32 v17;
	v12 =	vadd.f32 $1.000000000e+00, v57  }
0x261: {  	(erf) = vrcp.f32 v23;
	v17 =	vpop (erf)  }
0x262: {  	[tilespmem:s31+$0x60] =	vst v36;
	v60 =	vsub.f32 $0.0e+00, v30;
	v23 =	vmul.f32 $1.442695020e+00, v58;
	v59 =	vpop (erf);
	v17 =	vmul.f32 v17, v37  }
0x263: {  	v61 =	vld [tilespmem:s0+$0x70];
	(erf) = vrcp.f32 v12;
	v36 =	vadd.f32 $1.000000000e+00, v59  }
0x264: {  	v62 =	vld [tilespmem:s24+$0x70];
	(erf) = vpow2.f32 v23;
	v23 =	vmul.f32 $1.442695020e+00, v60;
	v12 =	vpop (erf);
	[tilespmem:s12+$0x50] =	vst v17  }
0x265: {  	v63 =	vpop (erf);
	(erf) = vrcp.f32 v36;
	v50 =	vld [tilespmem:s16+$0x60]  }
0x266: {  	v17 =	vadd.f32 $1.000000000e+00, v63;
	(erf) = vpow2.f32 v23;
	v23 =	vld [tilespmem:s5+$0x60]  }
0x267: {  	v48 =	vld [tilespmem:s31+$0x70]  }
0x268: {  	(erf) = vrcp.f32 v17;
	_ =	sdelay $0x1  }
0x269: {  	v51 =	vld [tilespmem:s12+$0x60];
	v17 =	vadd.f32 v62, v61  }
0x26a: {  	v52 =	vpop (erf);
	v23 =	vadd.f32 v23, v50  }
0x26b: {  	v43 =	vpop (erf);
	v17 =	vadd.f32 v48, v17  }
0x26c: {  	v29 =	vmul.f32 v49, v29;
	v53 =	vpop (erf)  }
0x26d: {  	v54 =	vsub.f32 $0.0e+00, v17;
	v38 =	vmul.f32 v53, v38;
	v55 =	vpop (erf)  }
0x26e: {  	[tilespmem:s11+$0xFFFFFFE0] =	vst v29;
	v29 =	vadd.f32 v51, v23;
	v23 =	vpop (erf)  }
0x26f: {  	v56 =	vld [tilespmem:s29+$0xFFFFFFF0];
	v36 =	vmul.f32 $1.442695020e+00, v54;
	[tilespmem:s8+$0x40] =	vst v38;
	v57 =	vpop (erf)  }
0x270: {  	v40 =	vadd.f32 $1.000000000e+00, v52;
	v58 =	vld [tilespmem:s6+$0x50];
	v59 =	vsub.f32 $0.0e+00, v29;
	v60 =	vpop (erf)  }
0x271: {  	v61 =	vadd.f32 $1.000000000e+00, v55;
	v62 =	vld [tilespmem:s7+$0x50];
	(erf) = vpow2.f32 v36;
	v39 =	vmul.f32 v60, v39  }
0x272: {  	v63 =	vld [tilespmem:s14+$0xFFFFFFF0];
	(erf) = vrcp.f32 v40;
	v52 =	vmul.f32 $1.442695020e+00, v59  }
0x273: {  	v53 =	vld [tilespmem:s8+$0x50];
	(erf) = vrcp.f32 v61;
	[tilespmem:s18+$0x30] =	vst v39  }
0x274: {  	(erf) = vpow2.f32 v52;
	v39 =	vld [tilespmem:s20+$0x40]  }
0x275: {  	v54 =	vld [tilespmem:s19+$0x40]  }
0x276: {  	v44 =	vadd.f32 v62, v58  }
0x277: {  	v37 =	vadd.f32 v63, v56;
	v55 =	vld [tilespmem:s18+$0x40]  }
0x278: {  	v36 =	vadd.f32 v53, v44  }
0x279: {  	v34 =	vmul.f32 v43, v34;
	v8 =	vadd.f32 v8, v37;
	v56 =	vadd.f32 $1.000000000e+00, v57  }
0x27a: {  	v58 =	vsub.f32 $0.0e+00, v36;
	v57 =	vpop (erf);
	v39 =	vadd.f32 v54, v39  }
0x27b: {  	[tilespmem:s18+$0xFFFFFFA0] =	vst v34;
	v23 =	vmul.f32 v23, v41;
	v59 =	vsub.f32 $0.0e+00, v8;
	v38 =	vadd.f32 $1.000000000e+00, v57;
	v60 =	vpop (erf)  }
0x27c: {  	v63 =	vld [tilespmem:s20+$0xFFFFFFB0];
	(erf) = vrcp.f32 v56;
	v62 =	vmul.f32 $1.442695020e+00, v58;
	v61 =	vpop (erf);
	v39 =	vadd.f32 v55, v39  }
0x27d: {  	[tilespmem:s8+$0xFFFFFFB0] =	vst v23;
	v23 =	vld [tilespmem:s19+$0xFFFFFFB0];
	v40 =	vmul.f32 $1.442695020e+00, v59;
	(erf) = vrcp.f32 v38;
	v47 =	vpop (erf)  }
0x27e: {  	(erf) = vpow2.f32 v62;
	v48 =	vadd.f32 $1.000000000e+00, v47;
	v49 =	vsub.f32 $0.0e+00, v39  }
0x27f: {  	v50 =	vld [tilespmem:s6+$0xFFFFFFC0];
	(erf) = vpow2.f32 v40  }
0x280: {  	v51 =	vld [tilespmem:s7+$0xFFFFFFC0];
	(erf) = vrcp.f32 v48;
	v52 =	vmul.f32 $1.442695020e+00, v49;
	_ =	sdelay $0x1  }
0x281: {  	v23 =	vadd.f32 v23, v63;
	(erf) = vpow2.f32 v52;
	_ =	sdelay $0x2  }
0x282: {  	v53 =	vadd.f32 v51, v50;
	v32 =	vadd.f32 v32, v23;
	v37 =	vpop (erf)  }
0x283: {  	v54 =	vmul.f32 v60, v42;
	v23 =	vpop (erf)  }
0x284: {  	v55 =	vsub.f32 $0.0e+00, v32;
	v38 =	vadd.f32 v25, v53;
	v56 =	vpop (erf)  }
0x285: {  	v34 =	vmul.f32 v61, v45;
	[tilespmem:s12+$0xFFFFFFC0] =	vst v54;
	v25 =	vadd.f32 $1.000000000e+00, v56;
	v57 =	vpop (erf)  }
0x286: {  	v58 =	vmul.f32 $1.442695020e+00, v55;
	v59 =	vsub.f32 $0.0e+00, v38;
	v61 =	vld [tilespmem:s16+$0xFFFFFFD0];
	v60 =	vpop (erf)  }
0x287: {  	[tilespmem:s31+$0xFFFFFFD0] =	vst v34;
	v62 =	vld [tilespmem:s5+$0xFFFFFFD0];
	(erf) = vrcp.f32 v25;
	v25 =	vadd.f32 $1.000000000e+00, v57;
	v29 =	vmul.f32 v60, v29  }
0x288: {  	v46 =	vld [tilespmem:s0+$0xFFFFFFE0];
	v63 =	vmul.f32 $1.442695020e+00, v59;
	(erf) = vpow2.f32 v58;
	v45 =	vpop (erf)  }
0x289: {  	v47 =	vld [tilespmem:s24+$0xFFFFFFE0];
	(erf) = vrcp.f32 v25;
	[tilespmem:s12+$0x60] =	vst v29;
	v25 =	vadd.f32 $1.000000000e+00, v45  }
0x28a: {  	(erf) = vpow2.f32 v63;
	v29 =	vld [tilespmem:s16+$0x70]  }
0x28b: {  	(erf) = vrcp.f32 v25;
	v25 =	vld [tilespmem:s5+$0x70];
	_ =	sdelay $0x1  }
0x28c: {  	v34 =	vadd.f32 v62, v61  }
0x28d: {  	v48 =	vld [tilespmem:s12+$0x70]  }
0x28e: {  	v34 =	vadd.f32 v19, v34  }
0x28f: {  	v41 =	vadd.f32 v47, v46;
	v19 =	vpop (erf);
	v25 =	vadd.f32 v25, v29  }
0x290: {  	v49 =	vsub.f32 $0.0e+00, v34;
	v36 =	vmul.f32 v19, v36  }
0x291: {  	v41 =	vadd.f32 v13, v41;
	v29 =	vpop (erf)  }
0x292: {  	v50 =	vmul.f32 $1.442695020e+00, v49;
	v19 =	vpop (erf);
	v13 =	vadd.f32 v48, v25;
	[tilespmem:s8+$0x50] =	vst v36  }
0x293: {  	v51 =	vsub.f32 $0.0e+00, v41;
	v53 =	vld [tilespmem:s6+$0x60];
	v25 =	vpop (erf)  }
0x294: {  	(erf) = vpow2.f32 v50;
	v29 =	vadd.f32 $1.000000000e+00, v29;
	v56 =	vld [tilespmem:s7+$0x60];
	v54 =	vsub.f32 $0.0e+00, v13;
	v52 =	vpop (erf)  }
0x295: {  	v55 =	vmul.f32 $1.442695020e+00, v51;
	v36 =	vmul.f32 v52, v39  }
0x296: {  	(erf) = vrcp.f32 v29;
	v29 =	vld [tilespmem:s8+$0x60];
	v57 =	vmul.f32 $1.442695020e+00, v54  }
0x297: {  	(erf) = vpow2.f32 v55;
	[tilespmem:s18+$0x40] =	vst v36  }
0x298: {  	(erf) = vpow2.f32 v57;
	v36 =	vld [tilespmem:s20+$0x50]  }
0x299: {  	v30 =	vmul.f32 v37, v30;
	v40 =	vadd.f32 v56, v53;
	v58 =	vld [tilespmem:s19+$0x50];
	_ =	sdelay $0x1  }
0x29a: {  	v59 =	vld [tilespmem:s18+$0x50];
	v29 =	vadd.f32 v29, v40;
	_ =	sdelay $0x1  }
0x29b: {  	[tilespmem:s30+$0xFFFFFFE0] =	vst v30;
	v25 =	vadd.f32 $1.000000000e+00, v25;
	v30 =	vpop (erf);
	v60 =	vsub.f32 $0.0e+00, v29  }
0x29c: {  	v61 =	vld [tilespmem:s10+$0xFFFFFFF0];
	v30 =	vadd.f32 $1.000000000e+00, v30;
	v36 =	vadd.f32 v58, v36  }
0x29d: {  	v63 =	vld [tilespmem:s1+$0xFFFFFFF0];
	(erf) = vrcp.f32 v25;
	v62 =	vpop (erf);
	v25 =	vmul.f32 $1.442695020e+00, v60  }
0x29e: {  	(erf) = vrcp.f32 v30;
	v44 =	vpop (erf);
	v36 =	vadd.f32 v59, v36  }
0x29f: {  	v30 =	vadd.f32 $1.000000000e+00, v44;
	(erf) = vpow2.f32 v25;
	v45 =	vpop (erf)  }
0x2a0: {  	v46 =	vsub.f32 $0.0e+00, v36;
	v25 =	vadd.f32 $1.000000000e+00, v45  }
0x2a1: {  	(erf) = vrcp.f32 v30  }
0x2a2: {  	v30 =	vmul.f32 $1.442695020e+00, v46;
	(erf) = vrcp.f32 v25;
	v25 =	vadd.f32 v63, v61;
	_ =	sdelay $0x1  }
0x2a3: {  	(erf) = vpow2.f32 v30;
	v7 =	vadd.f32 v7, v25;
	_ =	sdelay $0x1  }
0x2a4: {  	v25 =	vsub.f32 $0.0e+00, v7;
	v30 =	vpop (erf)  }
0x2a5: {  	v47 =	vpop (erf)  }
0x2a6: {  	v25 =	vmul.f32 $1.442695020e+00, v25;
	v48 =	vpop (erf)  }
0x2a7: {  	v39 =	vadd.f32 $1.000000000e+00, v48  }
0x2a8: {  	(erf) = vpow2.f32 v25  }
0x2a9: {  	v32 =	vmul.f32 v62, v32;
	v49 =	vpop (erf);
	(erf) = vrcp.f32 v39  }
0x2aa: {  	v25 =	vpop (erf)  }
0x2ab: {  	[tilespmem:s18+$0xFFFFFFB0] =	vst v32;
	v30 =	vmul.f32 v30, v38;
	v50 =	vpop (erf)  }
0x2ac: {  	v51 =	vld [tilespmem:s20+$0xFFFFFFC0];
	v32 =	vadd.f32 $1.000000000e+00, v50  }
0x2ad: {  	[tilespmem:s8+$0xFFFFFFC0] =	vst v30;
	v30 =	vld [tilespmem:s19+$0xFFFFFFC0]  }
0x2ae: {  	v52 =	vld [tilespmem:s6+$0xFFFFFFD0];
	(erf) = vrcp.f32 v32  }
0x2af: {  	v53 =	vld [tilespmem:s7+$0xFFFFFFD0];
	_ =	sdelay $0x1  }
0x2b0: {  	v54 =	vpop (erf)  }
0x2b1: {  	v34 =	vmul.f32 v47, v34;
	v55 =	vpop (erf)  }
0x2b2: {  	v30 =	vadd.f32 v30, v51;
	v29 =	vmul.f32 v55, v29  }
0x2b3: {  	[tilespmem:s12+$0xFFFFFFD0] =	vst v34;
	v32 =	vadd.f32 v53, v52  }
0x2b4: {  	v28 =	vadd.f32 v28, v30;
	v30 =	vld [tilespmem:s16+$0xFFFFFFE0]  }
0x2b5: {  	v32 =	vadd.f32 v22, v32;
	v22 =	vld [tilespmem:s5+$0xFFFFFFE0];
	[tilespmem:s8+$0x60] =	vst v29  }
0x2b6: {  	v56 =	vsub.f32 $0.0e+00, v28;
	v57 =	vld [tilespmem:s6+$0x70];
	v29 =	vpop (erf)  }
0x2b7: {  	v37 =	vadd.f32 $1.000000000e+00, v54;
	v58 =	vsub.f32 $0.0e+00, v32;
	v59 =	vld [tilespmem:s7+$0x70];
	v29 =	vmul.f32 v29, v36  }
0x2b8: {  	v34 =	vmul.f32 $1.442695020e+00, v56  }
0x2b9: {  	v60 =	vld [tilespmem:s8+$0x70];
	(erf) = vrcp.f32 v37;
	v39 =	vmul.f32 $1.442695020e+00, v58;
	[tilespmem:s18+$0x50] =	vst v29  }
0x2ba: {  	(erf) = vpow2.f32 v34;
	v22 =	vadd.f32 v22, v30;
	v29 =	vld [tilespmem:s20+$0x60]  }
0x2bb: {  	(erf) = vpow2.f32 v39;
	v61 =	vld [tilespmem:s19+$0x60]  }
0x2bc: {  	v63 =	vadd.f32 v16, v22;
	v30 =	vadd.f32 v59, v57  }
0x2bd: {  	v62 =	vld [tilespmem:s18+$0x60]  }
0x2be: {  	v16 =	vadd.f32 v60, v30;
	v30 =	vsub.f32 $0.0e+00, v63  }
0x2bf: {  	v43 =	vmul.f32 v49, v41  }
0x2c0: {  	v30 =	vmul.f32 $1.442695020e+00, v30;
	v29 =	vadd.f32 v61, v29  }
0x2c1: {  	[tilespmem:s31+$0xFFFFFFE0] =	vst v43;
	v42 =	vsub.f32 $0.0e+00, v16  }
0x2c2: {  	v46 =	vld [tilespmem:s0+$0xFFFFFFF0];
	v22 =	vpop (erf);
	v29 =	vadd.f32 v62, v29  }
0x2c3: {  	v47 =	vld [tilespmem:s24+$0xFFFFFFF0];
	v44 =	vpop (erf);
	v34 =	vmul.f32 $1.442695020e+00, v42;
	(erf) = vpow2.f32 v30  }
0x2c4: {  	v36 =	vadd.f32 $1.000000000e+00, v44;
	v30 =	vpop (erf);
	v45 =	vsub.f32 $0.0e+00, v29  }
0x2c5: {  	(erf) = vpow2.f32 v34;
	v30 =	vadd.f32 $1.000000000e+00, v30  }
0x2c6: {  	(erf) = vrcp.f32 v36;
	v48 =	vmul.f32 $1.442695020e+00, v45  }
0x2c7: {  	(erf) = vrcp.f32 v30  }
0x2c8: {  	v30 =	vadd.f32 v47, v46;
	(erf) = vpow2.f32 v48;
	_ =	sdelay $0x3  }
0x2c9: {  	v10 =	vadd.f32 v10, v30;
	v30 =	vpop (erf)  }
0x2ca: {  	v30 =	vadd.f32 $1.000000000e+00, v30  }
0x2cb: {  	v49 =	vpop (erf)  }
0x2cc: {  	v50 =	vsub.f32 $0.0e+00, v10;
	v51 =	vpop (erf)  }
0x2cd: {  	v34 =	vadd.f32 $1.000000000e+00, v49;
	v52 =	vpop (erf)  }
0x2ce: {  	v36 =	vmul.f32 $1.442695020e+00, v50;
	(erf) = vrcp.f32 v30;
	v30 =	vpop (erf)  }
0x2cf: {  	(erf) = vrcp.f32 v34;
	v30 =	vadd.f32 $1.000000000e+00, v30  }
0x2d0: {  	v28 =	vmul.f32 v51, v28;
	(erf) = vpow2.f32 v36  }
0x2d1: {  	(erf) = vrcp.f32 v30  }
0x2d2: {  	[tilespmem:s18+$0xFFFFFFC0] =	vst v28  }
0x2d3: {  	v28 =	vld [tilespmem:s20+$0xFFFFFFD0]  }
0x2d4: {  	v30 =	vld [tilespmem:s19+$0xFFFFFFD0];
	_ =	sdelay $0x2  }
0x2d5: {  	v53 =	vpop (erf)  }
0x2d6: {  	v54 =	vpop (erf)  }
0x2d7: {  	v32 =	vmul.f32 v52, v32;
	v55 =	vpop (erf);
	v28 =	vadd.f32 v30, v28  }
0x2d8: {  	v30 =	vpop (erf)  }
0x2d9: {  	[tilespmem:s8+$0xFFFFFFD0] =	vst v32;
	v26 =	vadd.f32 v26, v28;
	v29 =	vmul.f32 v30, v29  }
0x2da: {  	v28 =	vld [tilespmem:s6+$0xFFFFFFE0]  }
0x2db: {  	v30 =	vld [tilespmem:s7+$0xFFFFFFE0];
	[tilespmem:s18+$0x60] =	vst v29;
	v29 =	vsub.f32 $0.0e+00, v26  }
0x2dc: {  	v56 =	vadd.f32 $1.000000000e+00, v55;
	v57 =	vld [tilespmem:s20+$0x70]  }
0x2dd: {  	v58 =	vld [tilespmem:s19+$0x70];
	v29 =	vmul.f32 $1.442695020e+00, v29  }
0x2de: {  	(erf) = vrcp.f32 v56  }
0x2df: {  	v59 =	vld [tilespmem:s18+$0x70];
	(erf) = vpow2.f32 v29;
	_ =	sdelay $0x1  }
0x2e0: {  	v28 =	vadd.f32 v30, v28  }
0x2e1: {  	v29 =	vadd.f32 v58, v57  }
0x2e2: {  	v21 =	vadd.f32 v21, v28  }
0x2e3: {  	v28 =	vadd.f32 v59, v29  }
0x2e4: {  	v29 =	vsub.f32 $0.0e+00, v21  }
0x2e5: {  	v30 =	vsub.f32 $0.0e+00, v28  }
0x2e6: {  	v34 =	vmul.f32 v53, v63;
	v60 =	vpop (erf);
	v29 =	vmul.f32 $1.442695020e+00, v29  }
0x2e7: {  	v30 =	vmul.f32 $1.442695020e+00, v30;
	v61 =	vpop (erf)  }
0x2e8: {  	[tilespmem:s12+$0xFFFFFFE0] =	vst v34;
	(erf) = vpow2.f32 v29;
	v29 =	vadd.f32 $1.000000000e+00, v61  }
0x2e9: {  	(erf) = vpow2.f32 v30;
	v30 =	vld [tilespmem:s16+$0xFFFFFFF0]  }
0x2ea: {  	(erf) = vrcp.f32 v29;
	v29 =	vld [tilespmem:s5+$0xFFFFFFF0];
	_ =	sdelay $0x4  }
0x2eb: {  	v29 =	vadd.f32 v29, v30;
	_ =	sdelay $0x2  }
0x2ec: {  	v30 =	vpop (erf)  }
0x2ed: {  	v14 =	vadd.f32 v14, v29;
	v29 =	vpop (erf)  }
0x2ee: {  	v62 =	vpop (erf)  }
0x2ef: {  	v30 =	vadd.f32 $1.000000000e+00, v30;
	v63 =	vsub.f32 $0.0e+00, v14;
	v26 =	vmul.f32 v62, v26  }
0x2f0: {  	v29 =	vadd.f32 $1.000000000e+00, v29  }
0x2f1: {  	(erf) = vrcp.f32 v30;
	v40 =	vmul.f32 $1.442695020e+00, v63;
	[tilespmem:s18+$0xFFFFFFD0] =	vst v26  }
0x2f2: {  	(erf) = vrcp.f32 v29;
	v26 =	vld [tilespmem:s20+$0xFFFFFFE0]  }
0x2f3: {  	(erf) = vpow2.f32 v40;
	v29 =	vld [tilespmem:s19+$0xFFFFFFE0];
	_ =	sdelay $0x4  }
0x2f4: {  	v26 =	vadd.f32 v29, v26;
	_ =	sdelay $0x1  }
0x2f5: {  	v29 =	vpop (erf);
	v26 =	vadd.f32 v31, v26  }
0x2f6: {  	v30 =	vpop (erf)  }
0x2f7: {  	v31 =	vpop (erf);
	v41 =	vsub.f32 $0.0e+00, v26  }
0x2f8: {  	v31 =	vadd.f32 $1.000000000e+00, v31  }
0x2f9: {  	v34 =	vmul.f32 $1.442695020e+00, v41  }
0x2fa: {  	(erf) = vrcp.f32 v31  }
0x2fb: {  	(erf) = vpow2.f32 v34;
	_ =	sdelay $0x7  }
0x2fc: {  	v21 =	vmul.f32 v29, v21;
	v31 =	vpop (erf)  }
0x2fd: {  	v29 =	vpop (erf)  }
0x2fe: {  	[tilespmem:s8+$0xFFFFFFE0] =	vst v21;
	v29 =	vadd.f32 $1.000000000e+00, v29  }
0x2ff: {  	v21 =	vld [tilespmem:s6+$0xFFFFFFF0]  }
0x300: {  	(erf) = vrcp.f32 v29;
	v29 =	vld [tilespmem:s7+$0xFFFFFFF0];
	_ =	sdelay $0x4  }
0x301: {  	v21 =	vadd.f32 v29, v21;
	_ =	sdelay $0x2  }
0x302: {  	v20 =	vadd.f32 v20, v21  }
0x303: {  	v21 =	vpop (erf)  }
0x304: {  	v29 =	vsub.f32 $0.0e+00, v20;
	v21 =	vmul.f32 v21, v26;
	_ =	sdelay $0x1  }
0x305: {  	v26 =	vmul.f32 $1.442695020e+00, v29;
	[tilespmem:s18+$0xFFFFFFE0] =	vst v21  }
0x306: {  	v21 =	vld [tilespmem:s20+$0xFFFFFFF0]  }
0x307: {  	(erf) = vpow2.f32 v26;
	v26 =	vld [tilespmem:s19+$0xFFFFFFF0];
	_ =	sdelay $0x4  }
0x308: {  	v21 =	vadd.f32 v26, v21;
	_ =	sdelay $0x1  }
0x309: {  	v21 =	vadd.f32 v33, v21;
	_ =	sdelay $0x1  }
0x30a: {  	v26 =	vpop (erf);
	v29 =	vsub.f32 $0.0e+00, v21  }
0x30b: {  	v26 =	vadd.f32 $1.000000000e+00, v26  }
0x30c: {  	v29 =	vmul.f32 $1.442695020e+00, v29  }
0x30d: {  	(erf) = vrcp.f32 v26  }
0x30e: {  	(erf) = vpow2.f32 v29;
	_ =	sdelay $0x7  }
0x30f: {  	v26 =	vpop (erf)  }
0x310: {  	v27 =	vmul.f32 v35, v27;
	v29 =	vpop (erf)  }
0x311: {  	v11 =	vmul.f32 v18, v11;
	v18 =	vadd.f32 $1.000000000e+00, v29  }
0x312: {  	[tilespmem:s11+$0x70] =	vst v27;
	v15 =	vmul.f32 v24, v15  }
0x313: {  	[tilespmem:s9+$0xFFFFFFF0] =	vst v11;
	v9 =	vmul.f32 v12, v9;
	(erf) = vrcp.f32 v18  }
0x314: {  	[tilespmem:s30+$0x70] =	vst v15;
	v11 =	vmul.f32 v23, v17  }
0x315: {  	[tilespmem:s17+$0xFFFFFFF0] =	vst v9;
	v8 =	vmul.f32 v19, v8  }
0x316: {  	[tilespmem:s31+$0x70] =	vst v11;
	v9 =	vmul.f32 v25, v13  }
0x317: {  	[tilespmem:s11+$0xFFFFFFF0] =	vst v8;
	v7 =	vmul.f32 v22, v7  }
0x318: {  	[tilespmem:s12+$0x70] =	vst v9;
	v8 =	vmul.f32 v54, v16  }
0x319: {  	[tilespmem:s30+$0xFFFFFFF0] =	vst v7;
	v7 =	vmul.f32 v60, v10  }
0x31a: {  	[tilespmem:s8+$0x70] =	vst v8;
	v8 =	vmul.f32 v30, v28  }
0x31b: {  	[tilespmem:s31+$0xFFFFFFF0] =	vst v7;
	v7 =	vmul.f32 v31, v14  }
0x31c: {  	[tilespmem:s18+$0x70] =	vst v8;
	v8 =	vmul.f32 v26, v20;
	v9 =	vpop (erf)  }
0x31d: {  	[tilespmem:s12+$0xFFFFFFF0] =	vst v7;
	v7 =	vmul.f32 v9, v21  }
0x31e: {  	[tilespmem:s8+$0xFFFFFFF0] =	vst v8  }
0x31f: {  	[tilespmem:s18+$0xFFFFFFF0] =	vst v7;
	s18 =	simm.s32 $0x4200  }
0x320: {  	[spmem:s2] =	stream.indirect.scatter.add.f32 [tilespmem:s18], [sflag:$0x7], $0x80, s4, s21, $0xb8;
	[tilespmem:$0x19E00] =	vst v63  }
0x321: {  	s19 =	rddreg [dreg:$0x15]  }
0x322: {  	s0 =	rddreg [dreg:$0xd]  }
0x323: {  	s1 =	rddreg [dreg:$0x16];
	p1 =	seq.s32 s19, $0x9D;
	_ =	swait.ge [sflag:s23], $0x1000  }
0x324: {  	s0 =	sadd.s32 @!p1 s1, s0;
	[sflag:s23] =	ssyncset.done $0x0  }
0x325: {  	s1 =	sshll.u32 @!p1 s0, $0x2;
	[sflag:s23] =	ssyncadd.s32 $0xFFFFF000  }
0x326: {  	s1 =	sand.u32 @!p1 $0x1FFFFFF8, s1;
	s5 =	rddreg [dreg:$0x0]  }
0x327: {  	s6 =	simm.s32 @!p1 $0x0;
	s5 =	sadd.s32 @!p1 s5, s1  }
0x328: {  	[tilespmem:s6], [sflag:$0x7] =	stream.linear.gather @!p1 [hbm4b:s5+s6], $0x20, $0x38;
	[tilespmem:$0x19E00] =	vst v63  }
0x329: {  	s5 =	simm.s32 @!p1 $0x7  }
0x32a: {  	_ =	swait.ge @!p1 [sflag:s5], $0x20  }
0x32b: {  	[sflag:s5] =	ssyncset.done @!p1 $0x0;
	s7 =	rddreg [dreg:$0x4]  }
0x32c: {  	[sflag:s5] =	ssyncadd.s32 @!p1 $0xFFFFFFE0;
	s1 =	sadd.s32 @!p1 s7, s1;
	s7 =	simm.s32 @!p1 $0x100  }
0x32d: {  	[tilespmem:s7], [sflag:$0x7] =	stream.linear.gather @!p1 [hbm4b:s1+s6], $0x20, $0x38;
	[tilespmem:$0x19E00] =	vst v63  }
0x32e: {  	_ =	swait.ge @!p1 [sflag:s5], $0x20  }
0x32f: {  	s1 =	simm.s32 @!p1 $0x20;
	[sflag:s5] =	ssyncset.done @!p1 $0x0  }
0x330: {  	s8 =	rddreg [dreg:$0x5];
	[sflag:s5] =	ssyncadd.s32 @!p1 $0xFFFFFFE0;
	s5 =	simm.s32 @!p1 $0x200  }
0x331: {  	[tilespmem:s5], [sflag:$0x1] =	stream.indirect.gather @!p1 [hbm4b:s8+s1], $0x80, s6, s1, $0xb8;
	[tilespmem:$0x19E00] =	vst v63  }
0x332: {  	s0 =	sshll.u32 @!p1 s0, $0x9;
	s5 =	simm.s32 @!p1 $0x2200;
	s8 =	rddreg [dreg:$0x6]  }
0x333: {  	[tilespmem:s5], [sflag:$0x2] =	stream.indirect.gather @!p1 [hbm4b:s8+s1], $0x80, s7, s1, $0xb8;
	[tilespmem:$0x19E00] =	vst v63  }
0x334: {  	s0 =	sand.u32 @!p1 $0x1FFFFC00, s0;
	s1 =	rddreg [dreg:$0x7]  }
0x335: {  	s20 =	simm.s32 $0x4;
	s0 =	sadd.s32 @!p1 s1, s0;
	s1 =	simm.s32 @!p1 $0x4200  }
0x336: {  	[tilespmem:s1], [sflag:$0x3] =	stream.linear.gather @!p1 [hbm4b:s0+s6], $0x1000, $0x38;
	[tilespmem:$0x19E00] =	vst v63  }
0x337: {  	_ =	swait.ge [sflag:s20], $0x1000  }
0x338: {  	[sflag:s20] =	ssyncset.done $0x0  }
0x339: {  	s22 =	simm.s32 $0x5;
	[sflag:s20] =	ssyncadd.s32 $0xFFFFF000  }
0x33a: {  	_ =	swait.ge [sflag:s22], $0x1000  }
0x33b: {  	[sflag:s22] =	ssyncset.done $0x0  }
0x33c: {  	s24 =	simm.s32 $0x6;
	[sflag:s22] =	ssyncadd.s32 $0xFFFFF000  }
0x33d: {  	_ =	swait.ge [sflag:s24], $0x1000  }
0x33e: {  	[sflag:s24] =	ssyncset.done $0x0  }
0x33f: {  	s25 =	simm.s32 $0x12F0;
	[sflag:s24] =	ssyncadd.s32 $0xFFFFF000  }
0x340: {  	s26 =	simm.s32 $0x32F0;
	v7 =	vld [tilespmem:s25+$0xFFFFFF90]  }
0x341: {  	v8 =	vld [tilespmem:s26+$0xFFFFFF90]  }
0x342: {  	s9 =	simm.s32 $0x52F0  }
0x343: {  	v9 =	vld [tilespmem:s9+$0xFFFFFF90];
	_ =	sdelay $0x2  }
0x344: {  	v7 =	vadd.f32 v8, v7;
	_ =	sdelay $0x1  }
0x345: {  	v7 =	vadd.f32 v9, v7;
	_ =	sdelay $0x1  }
0x346: {  	v8 =	vsub.f32 $0.0e+00, v7  }
0x347: {  	v10 =	vld [tilespmem:s25+$0xFFFFFF10]  }
0x348: {  	v9 =	vld [tilespmem:s26+$0xFFFFFF10];
	v8 =	vmul.f32 $1.442695020e+00, v8;
	_ =	sdelay $0x1  }
0x349: {  	v11 =	vld [tilespmem:s9+$0xFFFFFF10];
	(erf) = vpow2.f32 v8;
	_ =	sdelay $0x2  }
0x34a: {  	v8 =	vadd.f32 v9, v10;
	_ =	sdelay $0x1  }
0x34b: {  	v8 =	vadd.f32 v11, v8;
	_ =	sdelay $0x1  }
0x34c: {  	v9 =	vsub.f32 $0.0e+00, v8;
	_ =	sdelay $0x1  }
0x34d: {  	v9 =	vmul.f32 $1.442695020e+00, v9;
	v10 =	vpop (erf)  }
0x34e: {  	v10 =	vadd.f32 $1.000000000e+00, v10  }
0x34f: {  	(erf) = vpow2.f32 v9  }
0x350: {  	(erf) = vrcp.f32 v10;
	_ =	sdelay $0x7  }
0x351: {  	v9 =	vpop (erf)  }
0x352: {  	v10 =	vpop (erf)  }
0x353: {  	v7 =	vmul.f32 v10, v7;
	_ =	sdelay $0x1  }
0x354: {  	[tilespmem:s9+$0xFFFFFF90] =	vst v7  }
0x355: {  	v7 =	vld [tilespmem:s25+$0xFFFFFFA0]  }
0x356: {  	v9 =	vadd.f32 $1.000000000e+00, v9;
	v10 =	vld [tilespmem:s26+$0xFFFFFFA0];
	_ =	sdelay $0x1  }
0x357: {  	v11 =	vld [tilespmem:s9+$0xFFFFFFA0];
	(erf) = vrcp.f32 v9;
	_ =	sdelay $0x2  }
0x358: {  	s13 =	simm.s32 $0x33F0;
	v7 =	vadd.f32 v10, v7  }
0x359: {  	s15 =	simm.s32 $0x13F0;
	v13 =	vld [tilespmem:s13+$0xFFFFFF90]  }
0x35a: {  	v12 =	vadd.f32 v11, v7;
	v11 =	vld [tilespmem:s15+$0xFFFFFF90]  }
0x35b: {  	s17 =	simm.s32 $0x53F0  }
0x35c: {  	v16 =	vld [tilespmem:s17+$0xFFFFFF90];
	v10 =	vsub.f32 $0.0e+00, v12;
	_ =	sdelay $0x1  }
0x35d: {  	v18 =	vpop (erf);
	v17 =	vmul.f32 $1.442695020e+00, v10  }
0x35e: {  	v8 =	vmul.f32 v18, v8;
	v13 =	vadd.f32 v13, v11  }
0x35f: {  	(erf) = vpow2.f32 v17  }
0x360: {  	[tilespmem:s9+$0xFFFFFF10] =	vst v8;
	v8 =	vadd.f32 v16, v13;
	_ =	sdelay $0x1  }
0x361: {  	v21 =	vld [tilespmem:s17+$0xFFFFFF10];
	v17 =	vsub.f32 $0.0e+00, v8  }
0x362: {  	v18 =	vld [tilespmem:s15+$0xFFFFFF10]  }
0x363: {  	v16 =	vld [tilespmem:s13+$0xFFFFFF10];
	v17 =	vmul.f32 $1.442695020e+00, v17  }
0x364: {  	v19 =	vld [tilespmem:s26+$0xFFFFFF20]  }
0x365: {  	v13 =	vld [tilespmem:s25+$0xFFFFFF20]  }
0x366: {  	(erf) = vpow2.f32 v17  }
0x367: {  	v9 =	vld [tilespmem:s9+$0xFFFFFF20];
	v17 =	vpop (erf)  }
0x368: {  	v16 =	vadd.f32 v16, v18;
	v17 =	vadd.f32 $1.000000000e+00, v17;
	_ =	sdelay $0x1  }
0x369: {  	v13 =	vadd.f32 v19, v13;
	(erf) = vrcp.f32 v17;
	v17 =	vadd.f32 v21, v16;
	_ =	sdelay $0x1  }
0x36a: {  	v18 =	vadd.f32 v9, v13;
	v9 =	vsub.f32 $0.0e+00, v17;
	_ =	sdelay $0x1  }
0x36b: {  	v13 =	vsub.f32 $0.0e+00, v18;
	v9 =	vmul.f32 $1.442695020e+00, v9  }
0x36c: {  	v16 =	vpop (erf)  }
0x36d: {  	v13 =	vmul.f32 $1.442695020e+00, v13;
	(erf) = vpow2.f32 v9;
	v9 =	vadd.f32 $1.000000000e+00, v16;
	_ =	sdelay $0x1  }
0x36e: {  	(erf) = vpow2.f32 v13  }
0x36f: {  	(erf) = vrcp.f32 v9  }
0x370: {  	v9 =	vpop (erf)  }
0x371: {  	v9 =	vmul.f32 v9, v12;
	_ =	sdelay $0x1  }
0x372: {  	[tilespmem:s9+$0xFFFFFFA0] =	vst v9  }
0x373: {  	v9 =	vld [tilespmem:s25+$0xFFFFFFB0]  }
0x374: {  	v12 =	vld [tilespmem:s26+$0xFFFFFFB0]  }
0x375: {  	v13 =	vpop (erf)  }
0x376: {  	v16 =	vld [tilespmem:s9+$0xFFFFFFB0];
	v19 =	vpop (erf)  }
0x377: {  	v21 =	vpop (erf)  }
0x378: {  	v8 =	vmul.f32 v21, v8  }
0x379: {  	v9 =	vadd.f32 v12, v9  }
0x37a: {  	v12 =	vadd.f32 $1.000000000e+00, v13;
	[tilespmem:s17+$0xFFFFFF90] =	vst v8  }
0x37b: {  	v8 =	vadd.f32 v16, v9;
	v9 =	vld [tilespmem:s15+$0xFFFFFFA0]  }
0x37c: {  	(erf) = vrcp.f32 v12;
	v21 =	vld [tilespmem:s13+$0xFFFFFFA0];
	_ =	sdelay $0x1  }
0x37d: {  	v12 =	vsub.f32 $0.0e+00, v8  }
0x37e: {  	v13 =	vadd.f32 $1.000000000e+00, v19  }
0x37f: {  	v19 =	vld [tilespmem:s17+$0xFFFFFFA0];
	v16 =	vmul.f32 $1.442695020e+00, v12  }
0x380: {  	(erf) = vrcp.f32 v13;
	v9 =	vadd.f32 v21, v9  }
0x381: {  	(erf) = vpow2.f32 v16  }
0x382: {  	s29 =	simm.s32 $0x14F0  }
0x383: {  	s14 =	simm.s32 $0x34F0;
	v23 =	vld [tilespmem:s29+$0xFFFFFF90]  }
0x384: {  	v24 =	vld [tilespmem:s14+$0xFFFFFF90];
	v19 =	vadd.f32 v19, v9;
	v9 =	vpop (erf)  }
0x385: {  	s11 =	simm.s32 $0x54F0;
	v17 =	vmul.f32 v9, v17  }
0x386: {  	v26 =	vld [tilespmem:s11+$0xFFFFFF90];
	v25 =	vsub.f32 $0.0e+00, v19;
	_ =	sdelay $0x1  }
0x387: {  	v25 =	vmul.f32 $1.442695020e+00, v25  }
0x388: {  	v23 =	vadd.f32 v24, v23;
	[tilespmem:s17+$0xFFFFFF10] =	vst v17;
	v17 =	vpop (erf)  }
0x389: {  	(erf) = vpow2.f32 v25;
	v24 =	vpop (erf)  }
0x38a: {  	v23 =	vadd.f32 v26, v23;
	v24 =	vadd.f32 $1.000000000e+00, v24  }
0x38b: {  	v22 =	vld [tilespmem:s17+$0xFFFFFF20]  }
0x38c: {  	v28 =	vld [tilespmem:s15+$0xFFFFFF20];
	v17 =	vmul.f32 v17, v18;
	(erf) = vrcp.f32 v24;
	v24 =	vsub.f32 $0.0e+00, v23  }
0x38d: {  	v25 =	vld [tilespmem:s14+$0xFFFFFF10]  }
0x38e: {  	[tilespmem:s9+$0xFFFFFF20] =	vst v17;
	v17 =	vld [tilespmem:s13+$0xFFFFFF20];
	v24 =	vmul.f32 $1.442695020e+00, v24  }
0x38f: {  	v18 =	vld [tilespmem:s29+$0xFFFFFF10]  }
0x390: {  	v26 =	vld [tilespmem:s11+$0xFFFFFF10]  }
0x391: {  	v29 =	vld [tilespmem:s25+$0xFFFFFF30]  }
0x392: {  	v30 =	vld [tilespmem:s26+$0xFFFFFF30];
	(erf) = vpow2.f32 v24;
	v24 =	vpop (erf)  }
0x393: {  	v17 =	vadd.f32 v17, v28;
	v24 =	vadd.f32 $1.000000000e+00, v24  }
0x394: {  	v15 =	vld [tilespmem:s9+$0xFFFFFF30];
	v18 =	vadd.f32 v25, v18  }
0x395: {  	v25 =	vadd.f32 v22, v17  }
0x396: {  	v18 =	vadd.f32 v26, v18  }
0x397: {  	v17 =	vadd.f32 v30, v29;
	v26 =	vsub.f32 $0.0e+00, v25;
	(erf) = vrcp.f32 v24;
	v24 =	vpop (erf)  }
0x398: {  	v22 =	vsub.f32 $0.0e+00, v18;
	v8 =	vmul.f32 v24, v8  }
0x399: {  	v28 =	vadd.f32 v15, v17;
	v17 =	vmul.f32 $1.442695020e+00, v26  }
0x39a: {  	v15 =	vmul.f32 $1.442695020e+00, v22;
	[tilespmem:s9+$0xFFFFFFB0] =	vst v8  }
0x39b: {  	v8 =	vld [tilespmem:s25+$0xFFFFFFC0]  }
0x39c: {  	(erf) = vpow2.f32 v15;
	v15 =	vld [tilespmem:s26+$0xFFFFFFC0]  }
0x39d: {  	v22 =	vsub.f32 $0.0e+00, v28;
	(erf) = vpow2.f32 v17;
	v17 =	vpop (erf)  }
0x39e: {  	v17 =	vadd.f32 $1.000000000e+00, v17  }
0x39f: {  	v22 =	vmul.f32 $1.442695020e+00, v22  }
0x3a0: {  	v24 =	vld [tilespmem:s9+$0xFFFFFFC0]  }
0x3a1: {  	v14 =	vld [tilespmem:s9+$0xFFFFFF60];
	(erf) = vpow2.f32 v22;
	v8 =	vadd.f32 v15, v8  }
0x3a2: {  	v20 =	vld [tilespmem:s9+$0xFFFFFF70];
	(erf) = vrcp.f32 v17;
	v17 =	vpop (erf)  }
0x3a3: {  	v27 =	vld [tilespmem:s17+$0xFFFFFF70];
	v17 =	vmul.f32 v17, v19  }
0x3a4: {  	s18 =	simm.s32 $0x55F0;
	v33 =	vld [tilespmem:s11+$0xFFFFFF60]  }
0x3a5: {  	v46 =	vld [tilespmem:s18+$0xFFFFFF90];
	[tilespmem:s17+$0xFFFFFFA0] =	vst v17;
	v24 =	vadd.f32 v24, v8;
	v8 =	vpop (erf)  }
0x3a6: {  	v15 =	vld [tilespmem:s15+$0xFFFFFFB0];
	v19 =	vpop (erf)  }
0x3a7: {  	v17 =	vld [tilespmem:s13+$0xFFFFFFB0];
	v8 =	vadd.f32 $1.000000000e+00, v8;
	v19 =	vadd.f32 $1.000000000e+00, v19  }
0x3a8: {  	v7 =	vld [tilespmem:s9+$0xFFFFFF40]  }
0x3a9: {  	v22 =	vsub.f32 $0.0e+00, v24;
	(erf) = vrcp.f32 v8;
	v8 =	vld [tilespmem:s17+$0xFFFFFFB0]  }
0x3aa: {  	v10 =	vld [tilespmem:s9+$0xFFFFFF50];
	v26 =	vpop (erf)  }
0x3ab: {  	v11 =	vld [tilespmem:s9+$0xFFFFFF80];
	v22 =	vmul.f32 $1.442695020e+00, v22;
	(erf) = vrcp.f32 v19;
	v19 =	vpop (erf)  }
0x3ac: {  	v13 =	vld [tilespmem:s17+$0xFFFFFF40];
	v15 =	vadd.f32 v17, v15;
	v19 =	vmul.f32 v19, v23  }
0x3ad: {  	v12 =	vld [tilespmem:s17+$0xFFFFFF30];
	(erf) = vpow2.f32 v22  }
0x3ae: {  	v21 =	vld [tilespmem:s17+$0xFFFFFF60];
	[tilespmem:s11+$0xFFFFFF90] =	vst v19;
	v19 =	vadd.f32 $1.000000000e+00, v26;
	v26 =	vadd.f32 v8, v15  }
0x3af: {  	v8 =	vld [tilespmem:s29+$0xFFFFFFA0]  }
0x3b0: {  	v15 =	vld [tilespmem:s14+$0xFFFFFFA0];
	v22 =	vsub.f32 $0.0e+00, v26  }
0x3b1: {  	v16 =	vld [tilespmem:s17+$0xFFFFFF50];
	(erf) = vrcp.f32 v19  }
0x3b2: {  	v29 =	vld [tilespmem:s11+$0xFFFFFFA0];
	v31 =	vmul.f32 $1.442695020e+00, v22  }
0x3b3: {  	v9 =	vld [tilespmem:s17+$0xFFFFFF80]  }
0x3b4: {  	v17 =	vld [tilespmem:s11+$0xFFFFFF30];
	v30 =	vpop (erf)  }
0x3b5: {  	v23 =	vld [tilespmem:s11+$0xFFFFFF20];
	v42 =	vpop (erf);
	(erf) = vpow2.f32 v31;
	v43 =	vadd.f32 v15, v8  }
0x3b6: {  	v19 =	vld [tilespmem:s11+$0xFFFFFF40];
	v31 =	vpop (erf)  }
0x3b7: {  	s10 =	simm.s32 $0x15F0;
	v22 =	vld [tilespmem:s11+$0xFFFFFF50];
	v18 =	vmul.f32 v30, v18;
	v29 =	vadd.f32 v29, v43;
	v31 =	vadd.f32 $1.000000000e+00, v31  }
0x3b8: {  	s1 =	simm.s32 $0x35F0;
	v30 =	vld [tilespmem:s10+$0xFFFFFF90]  }
0x3b9: {  	[tilespmem:s11+$0xFFFFFF10] =	vst v18;
	v18 =	vld [tilespmem:s1+$0xFFFFFF90];
	(erf) = vrcp.f32 v31;
	v31 =	vsub.f32 $0.0e+00, v29  }
0x3ba: {  	v25 =	vmul.f32 v42, v25;
	v15 =	vld [tilespmem:s11+$0xFFFFFF70];
	v45 =	vpop (erf)  }
0x3bb: {  	v8 =	vld [tilespmem:s11+$0xFFFFFF80];
	v28 =	vmul.f32 v45, v28;
	v31 =	vmul.f32 $1.442695020e+00, v31  }
0x3bc: {  	v44 =	vld [tilespmem:s29+$0xFFFFFF20];
	[tilespmem:s17+$0xFFFFFF20] =	vst v25  }
0x3bd: {  	v25 =	vld [tilespmem:s1+$0xFFFFFF10];
	[tilespmem:s9+$0xFFFFFF30] =	vst v28;
	(erf) = vpow2.f32 v31  }
0x3be: {  	v18 =	vadd.f32 v18, v30;
	v28 =	vld [tilespmem:s10+$0xFFFFFF10];
	v30 =	vpop (erf)  }
0x3bf: {  	v30 =	vadd.f32 $1.000000000e+00, v30  }
0x3c0: {  	v31 =	vld [tilespmem:s18+$0xFFFFFF10]  }
0x3c1: {  	v47 =	vld [tilespmem:s14+$0xFFFFFF20];
	_ =	sdelay $0x1  }
0x3c2: {  	v18 =	vadd.f32 v46, v18;
	(erf) = vrcp.f32 v30;
	v30 =	vpop (erf)  }
0x3c3: {  	v25 =	vadd.f32 v25, v28;
	v24 =	vmul.f32 v30, v24  }
0x3c4: {  	v48 =	vsub.f32 $0.0e+00, v18;
	v28 =	vld [tilespmem:s15+$0xFFFFFF30]  }
0x3c5: {  	v30 =	vld [tilespmem:s13+$0xFFFFFF30];
	[tilespmem:s9+$0xFFFFFFC0] =	vst v24;
	v24 =	vadd.f32 v31, v25;
	v31 =	vadd.f32 v47, v44  }
0x3c6: {  	v51 =	vpop (erf)  }
0x3c7: {  	v35 =	vmul.f32 $1.442695020e+00, v48;
	v25 =	vld [tilespmem:s25+$0xFFFFFFD0];
	v36 =	vadd.f32 v23, v31;
	v23 =	vadd.f32 $1.000000000e+00, v51  }
0x3c8: {  	v49 =	vld [tilespmem:s26+$0xFFFFFFD0]  }
0x3c9: {  	(erf) = vpow2.f32 v35;
	v50 =	vsub.f32 $0.0e+00, v24  }
0x3ca: {  	v28 =	vadd.f32 v30, v28  }
0x3cb: {  	v31 =	vld [tilespmem:s9+$0xFFFFFFD0];
	v30 =	vmul.f32 $1.442695020e+00, v50;
	(erf) = vrcp.f32 v23;
	v23 =	vpop (erf)  }
0x3cc: {  	v52 =	vsub.f32 $0.0e+00, v36;
	v28 =	vadd.f32 v12, v28;
	v12 =	vmul.f32 v23, v26  }
0x3cd: {  	v23 =	vadd.f32 v49, v25;
	v25 =	vld [tilespmem:s25+$0xFFFFFF40]  }
0x3ce: {  	(erf) = vpow2.f32 v30;
	v30 =	vmul.f32 $1.442695020e+00, v52;
	v26 =	vld [tilespmem:s26+$0xFFFFFF40];
	[tilespmem:s17+$0xFFFFFFB0] =	vst v12  }
0x3cf: {  	v12 =	vld [tilespmem:s15+$0xFFFFFFC0]  }
0x3d0: {  	v53 =	vsub.f32 $0.0e+00, v28;
	(erf) = vpow2.f32 v30;
	v54 =	vadd.f32 v31, v23;
	v23 =	vld [tilespmem:s13+$0xFFFFFFC0];
	_ =	sdelay $0x1  }
0x3d1: {  	v56 =	vld [tilespmem:s17+$0xFFFFFFC0];
	v31 =	vmul.f32 $1.442695020e+00, v53;
	v30 =	vpop (erf);
	v55 =	vsub.f32 $0.0e+00, v54  }
0x3d2: {  	v30 =	vadd.f32 $1.000000000e+00, v30;
	v25 =	vadd.f32 v26, v25  }
0x3d3: {  	(erf) = vpow2.f32 v31  }
0x3d4: {  	v31 =	vmul.f32 $1.442695020e+00, v55;
	(erf) = vrcp.f32 v30;
	v26 =	vpop (erf);
	v12 =	vadd.f32 v23, v12  }
0x3d5: {  	v30 =	vadd.f32 v7, v25;
	v7 =	vmul.f32 v26, v29  }
0x3d6: {  	(erf) = vpow2.f32 v31;
	v25 =	vpop (erf);
	v26 =	vadd.f32 v56, v12  }
0x3d7: {  	v23 =	vsub.f32 $0.0e+00, v30;
	[tilespmem:s11+$0xFFFFFFA0] =	vst v7;
	v7 =	vadd.f32 $1.000000000e+00, v25  }
0x3d8: {  	v29 =	vpop (erf);
	v31 =	vsub.f32 $0.0e+00, v26  }
0x3d9: {  	v23 =	vmul.f32 $1.442695020e+00, v23;
	(erf) = vrcp.f32 v7;
	v7 =	vadd.f32 $1.000000000e+00, v29  }
0x3da: {  	v12 =	vld [tilespmem:s29+$0xFFFFFFB0]  }
0x3db: {  	v25 =	vld [tilespmem:s14+$0xFFFFFFB0];
	(erf) = vpow2.f32 v23;
	v23 =	vmul.f32 $1.442695020e+00, v31  }
0x3dc: {  	v31 =	vpop (erf);
	(erf) = vrcp.f32 v7  }
0x3dd: {  	v29 =	vld [tilespmem:s11+$0xFFFFFFB0];
	v7 =	vpop (erf);
	(erf) = vpow2.f32 v23;
	_ =	sdelay $0x1  }
0x3de: {  	v31 =	vadd.f32 $1.000000000e+00, v31;
	v7 =	vmul.f32 v7, v18;
	v18 =	vpop (erf)  }
0x3df: {  	v12 =	vadd.f32 v25, v12;
	v18 =	vadd.f32 $1.000000000e+00, v18  }
0x3e0: {  	(erf) = vrcp.f32 v31;
	[tilespmem:s18+$0xFFFFFF90] =	vst v7  }
0x3e1: {  	v29 =	vadd.f32 v29, v12;
	v57 =	vld [tilespmem:s10+$0xFFFFFFA0];
	(erf) = vrcp.f32 v18  }
0x3e2: {  	v58 =	vld [tilespmem:s1+$0xFFFFFFA0];
	v59 =	vpop (erf)  }
0x3e3: {  	v7 =	vsub.f32 $0.0e+00, v29;
	v61 =	vpop (erf)  }
0x3e4: {  	v60 =	vld [tilespmem:s18+$0xFFFFFFA0];
	v24 =	vmul.f32 v59, v24;
	v63 =	vpop (erf)  }
0x3e5: {  	v62 =	vmul.f32 $1.442695020e+00, v7;
	v40 =	vadd.f32 $1.000000000e+00, v61;
	v47 =	vpop (erf)  }
0x3e6: {  	[tilespmem:s18+$0xFFFFFF10] =	vst v24;
	v24 =	vadd.f32 $1.000000000e+00, v47  }
0x3e7: {  	s0 =	simm.s32 $0x16F0;
	(erf) = vpow2.f32 v62;
	v35 =	vadd.f32 v58, v57  }
0x3e8: {  	s24 =	simm.s32 $0x36F0;
	v48 =	vld [tilespmem:s0+$0xFFFFFF90]  }
0x3e9: {  	v49 =	vld [tilespmem:s24+$0xFFFFFF90];
	(erf) = vrcp.f32 v40;
	v40 =	vpop (erf);
	v39 =	vadd.f32 v60, v35  }
0x3ea: {  	s30 =	simm.s32 $0x56F0;
	v32 =	vld [tilespmem:s18+$0xFFFFFF20];
	(erf) = vrcp.f32 v24;
	v24 =	vpop (erf)  }
0x3eb: {  	v52 =	vld [tilespmem:s30+$0xFFFFFF90];
	v50 =	vsub.f32 $0.0e+00, v39;
	v24 =	vmul.f32 v24, v54  }
0x3ec: {  	v51 =	vld [tilespmem:s24+$0xFFFFFF10]  }
0x3ed: {  	v56 =	vld [tilespmem:s9+$0xFFFFFFE0];
	v42 =	vmul.f32 $1.442695020e+00, v50;
	[tilespmem:s9+$0xFFFFFFD0] =	vst v24  }
0x3ee: {  	v35 =	vadd.f32 v49, v48;
	v24 =	vld [tilespmem:s25+$0xFFFFFFE0]  }
0x3ef: {  	(erf) = vpow2.f32 v42;
	v53 =	vld [tilespmem:s26+$0xFFFFFFE0]  }
0x3f0: {  	v43 =	vadd.f32 v52, v35;
	v54 =	vld [tilespmem:s0+$0xFFFFFF10];
	v55 =	vpop (erf)  }
0x3f1: {  	v37 =	vld [tilespmem:s10+$0xFFFFFF20];
	v36 =	vmul.f32 v63, v36;
	v41 =	vadd.f32 $1.000000000e+00, v55  }
0x3f2: {  	v57 =	vld [tilespmem:s30+$0xFFFFFF10];
	v61 =	vsub.f32 $0.0e+00, v43;
	v58 =	vpop (erf)  }
0x3f3: {  	v59 =	vld [tilespmem:s1+$0xFFFFFF20];
	[tilespmem:s11+$0xFFFFFF20] =	vst v36;
	(erf) = vrcp.f32 v41;
	v60 =	vpop (erf)  }
0x3f4: {  	v62 =	vld [tilespmem:s29+$0xFFFFFF30];
	v36 =	vmul.f32 $1.442695020e+00, v61;
	v26 =	vmul.f32 v60, v26;
	v24 =	vadd.f32 v53, v24  }
0x3f5: {  	v63 =	vld [tilespmem:s14+$0xFFFFFF30];
	v34 =	vadd.f32 v51, v54  }
0x3f6: {  	(erf) = vpow2.f32 v36;
	[tilespmem:s17+$0xFFFFFFC0] =	vst v26;
	v44 =	vadd.f32 v56, v24  }
0x3f7: {  	v34 =	vadd.f32 v57, v34;
	v24 =	vld [tilespmem:s15+$0xFFFFFFD0]  }
0x3f8: {  	v26 =	vadd.f32 v59, v37;
	v49 =	vld [tilespmem:s13+$0xFFFFFFD0];
	v48 =	vpop (erf);
	v50 =	vsub.f32 $0.0e+00, v44  }
0x3f9: {  	v28 =	vmul.f32 v40, v28;
	v38 =	vsub.f32 $0.0e+00, v34;
	v35 =	vadd.f32 $1.000000000e+00, v48  }
0x3fa: {  	v51 =	vadd.f32 v63, v62;
	v32 =	vadd.f32 v32, v26;
	v26 =	vld [tilespmem:s17+$0xFFFFFFD0];
	v37 =	vmul.f32 $1.442695020e+00, v50  }
0x3fb: {  	[tilespmem:s17+$0xFFFFFF30] =	vst v28;
	v52 =	vmul.f32 $1.442695020e+00, v38;
	(erf) = vrcp.f32 v35  }
0x3fc: {  	v55 =	vld [tilespmem:s15+$0xFFFFFF40];
	v30 =	vmul.f32 v58, v30;
	v28 =	vadd.f32 v17, v51;
	v54 =	vpop (erf);
	(erf) = vpow2.f32 v37  }
0x3fd: {  	v17 =	vmul.f32 v54, v29;
	v24 =	vadd.f32 v49, v24;
	v29 =	vld [tilespmem:s13+$0xFFFFFF40];
	(erf) = vpow2.f32 v52  }
0x3fe: {  	v53 =	vsub.f32 $0.0e+00, v32  }
0x3ff: {  	[tilespmem:s9+$0xFFFFFF40] =	vst v30;
	v57 =	vsub.f32 $0.0e+00, v28;
	v38 =	vadd.f32 v26, v24;
	v26 =	vpop (erf)  }
0x400: {  	v30 =	vld [tilespmem:s25+$0xFFFFFF50];
	v56 =	vmul.f32 $1.442695020e+00, v53;
	[tilespmem:s11+$0xFFFFFFB0] =	vst v17;
	v26 =	vadd.f32 $1.000000000e+00, v26  }
0x401: {  	v58 =	vmul.f32 $1.442695020e+00, v57;
	v17 =	vld [tilespmem:s29+$0xFFFFFFC0]  }
0x402: {  	(erf) = vpow2.f32 v56;
	v24 =	vld [tilespmem:s14+$0xFFFFFFC0];
	v29 =	vadd.f32 v29, v55  }
0x403: {  	v60 =	vld [tilespmem:s26+$0xFFFFFF50];
	(erf) = vpow2.f32 v58  }
0x404: {  	v61 =	vld [tilespmem:s11+$0xFFFFFFC0];
	v59 =	vsub.f32 $0.0e+00, v38;
	(erf) = vrcp.f32 v26;
	v26 =	vpop (erf)  }
0x405: {  	v35 =	vadd.f32 v13, v29;
	v13 =	vmul.f32 v26, v39;
	v26 =	vpop (erf)  }
0x406: {  	v36 =	vmul.f32 $1.442695020e+00, v59;
	v29 =	vpop (erf)  }
0x407: {  	v17 =	vadd.f32 v24, v17;
	[tilespmem:s18+$0xFFFFFFA0] =	vst v13;
	v13 =	vadd.f32 $1.000000000e+00, v29  }
0x408: {  	(erf) = vpow2.f32 v36;
	v24 =	vadd.f32 $1.000000000e+00, v26;
	v26 =	vadd.f32 v60, v30  }
0x409: {  	v36 =	vadd.f32 v61, v17;
	v30 =	vsub.f32 $0.0e+00, v35;
	v17 =	vld [tilespmem:s10+$0xFFFFFFB0]  }
0x40a: {  	(erf) = vrcp.f32 v24;
	v29 =	vadd.f32 v10, v26;
	v10 =	vld [tilespmem:s1+$0xFFFFFFB0]  }
0x40b: {  	v24 =	vmul.f32 $1.442695020e+00, v30;
	(erf) = vrcp.f32 v13;
	v13 =	vpop (erf)  }
0x40c: {  	v13 =	vadd.f32 $1.000000000e+00, v13  }
0x40d: {  	v26 =	vsub.f32 $0.0e+00, v36  }
0x40e: {  	v63 =	vld [tilespmem:s18+$0xFFFFFFB0];
	v62 =	vsub.f32 $0.0e+00, v29;
	(erf) = vpow2.f32 v24  }
0x40f: {  	v45 =	vmul.f32 $1.442695020e+00, v26;
	v24 =	vpop (erf);
	v10 =	vadd.f32 v10, v17  }
0x410: {  	v39 =	vmul.f32 $1.442695020e+00, v62;
	(erf) = vrcp.f32 v13;
	v13 =	vpop (erf)  }
0x411: {  	v46 =	vadd.f32 $1.000000000e+00, v24;
	(erf) = vpow2.f32 v45;
	v47 =	vmul.f32 v13, v43;
	v13 =	vpop (erf)  }
0x412: {  	(erf) = vpow2.f32 v39;
	v48 =	vadd.f32 $1.000000000e+00, v13  }
0x413: {  	v40 =	vadd.f32 v63, v10;
	(erf) = vrcp.f32 v46;
	v10 =	vpop (erf)  }
0x414: {  	[tilespmem:s30+$0xFFFFFF90] =	vst v47;
	v52 =	vpop (erf);
	(erf) = vrcp.f32 v48  }
0x415: {  	v41 =	vld [tilespmem:s0+$0xFFFFFFA0];
	v34 =	vmul.f32 v52, v34  }
0x416: {  	v50 =	vsub.f32 $0.0e+00, v40;
	v51 =	vmul.f32 v10, v44;
	v49 =	vld [tilespmem:s24+$0xFFFFFFA0]  }
0x417: {  	s5 =	simm.s32 $0x37F0;
	v53 =	vld [tilespmem:s30+$0xFFFFFFA0];
	v54 =	vpop (erf)  }
0x418: {  	v61 =	vld [tilespmem:s5+$0xFFFFFF90];
	v42 =	vmul.f32 $1.442695020e+00, v50;
	[tilespmem:s9+$0xFFFFFFE0] =	vst v51;
	v43 =	vadd.f32 $1.000000000e+00, v54  }
0x419: {  	v55 =	vld [tilespmem:s25+$0xFFFFFFF0];
	[tilespmem:s30+$0xFFFFFF10] =	vst v34;
	v34 =	vpop (erf)  }
0x41a: {  	(erf) = vpow2.f32 v42;
	v56 =	vld [tilespmem:s26+$0xFFFFFFF0];
	v57 =	vpop (erf)  }
0x41b: {  	v60 =	vld [tilespmem:s9+$0xFFFFFFF0];
	v39 =	vadd.f32 v49, v41;
	v58 =	vadd.f32 $1.000000000e+00, v57;
	v59 =	vpop (erf)  }
0x41c: {  	v50 =	vld [tilespmem:s5+$0xFFFFFF10];
	(erf) = vrcp.f32 v43;
	v43 =	vpop (erf)  }
0x41d: {  	s16 =	simm.s32 $0x17F0;
	v47 =	vld [tilespmem:s0+$0xFFFFFF20];
	v44 =	vadd.f32 v53, v39;
	(erf) = vrcp.f32 v58;
	v62 =	vpop (erf)  }
0x41e: {  	v49 =	vld [tilespmem:s16+$0xFFFFFF90];
	v38 =	vmul.f32 v62, v38  }
0x41f: {  	s12 =	simm.s32 $0x57F0;
	v57 =	vld [tilespmem:s16+$0xFFFFFF10];
	v54 =	vadd.f32 v56, v55;
	v63 =	vsub.f32 $0.0e+00, v44  }
0x420: {  	v55 =	vadd.f32 $1.000000000e+00, v59;
	v56 =	vld [tilespmem:s12+$0xFFFFFF90];
	[tilespmem:s17+$0xFFFFFFD0] =	vst v38  }
0x421: {  	v41 =	vadd.f32 v60, v54;
	v51 =	vmul.f32 $1.442695020e+00, v63;
	v38 =	vld [tilespmem:s15+$0xFFFFFFE0]  }
0x422: {  	v32 =	vmul.f32 v34, v32;
	(erf) = vrcp.f32 v55;
	v59 =	vld [tilespmem:s13+$0xFFFFFFE0]  }
0x423: {  	v58 =	vpop (erf);
	v39 =	vadd.f32 v61, v49;
	v61 =	vld [tilespmem:s12+$0xFFFFFF10];
	v60 =	vsub.f32 $0.0e+00, v41;
	(erf) = vpow2.f32 v51  }
0x424: {  	v62 =	vld [tilespmem:s17+$0xFFFFFFE0];
	v42 =	vadd.f32 $1.000000000e+00, v58  }
0x425: {  	[tilespmem:s18+$0xFFFFFF20] =	vst v32;
	v63 =	vld [tilespmem:s24+$0xFFFFFF20];
	v52 =	vpop (erf);
	v51 =	vmul.f32 $1.442695020e+00, v60  }
0x426: {  	v53 =	vadd.f32 v50, v57;
	v57 =	vld [tilespmem:s1+$0xFFFFFF30];
	v45 =	vadd.f32 v56, v39;
	(erf) = vrcp.f32 v42;
	v54 =	vpop (erf)  }
0x427: {  	v56 =	vld [tilespmem:s10+$0xFFFFFF30];
	(erf) = vpow2.f32 v51;
	v36 =	vmul.f32 v54, v36;
	v38 =	vadd.f32 v59, v38  }
0x428: {  	v37 =	vld [tilespmem:s30+$0xFFFFFF20]  }
0x429: {  	v23 =	vld [tilespmem:s18+$0xFFFFFF30];
	v55 =	vsub.f32 $0.0e+00, v45;
	v48 =	vadd.f32 v61, v53;
	[tilespmem:s11+$0xFFFFFFC0] =	vst v36  }
0x42a: {  	v36 =	vadd.f32 v62, v38;
	v39 =	vld [tilespmem:s29+$0xFFFFFFD0]  }
0x42b: {  	v58 =	vmul.f32 $1.442695020e+00, v55;
	v60 =	vsub.f32 $0.0e+00, v48;
	v59 =	vadd.f32 v63, v47;
	v62 =	vld [tilespmem:s14+$0xFFFFFFD0];
	v38 =	vpop (erf)  }
0x42c: {  	v28 =	vmul.f32 v43, v28;
	v53 =	vadd.f32 v57, v56;
	v63 =	vsub.f32 $0.0e+00, v36;
	v61 =	vpop (erf)  }
0x42d: {  	v54 =	vld [tilespmem:s11+$0xFFFFFFD0];
	v34 =	vadd.f32 v37, v59;
	(erf) = vpow2.f32 v58;
	v32 =	vadd.f32 $1.000000000e+00, v61  }
0x42e: {  	[tilespmem:s11+$0xFFFFFF30] =	vst v28;
	v28 =	vmul.f32 $1.442695020e+00, v60;
	v55 =	vmul.f32 $1.442695020e+00, v63  }
0x42f: {  	v25 =	vld [tilespmem:s18+$0xFFFFFF40];
	v56 =	vsub.f32 $0.0e+00, v34;
	v57 =	vpop (erf);
	(erf) = vrcp.f32 v32;
	v32 =	vadd.f32 v23, v53  }
0x430: {  	v12 =	vld [tilespmem:s18+$0xFFFFFF70];
	v23 =	vmul.f32 v57, v40;
	v59 =	vpop (erf);
	v39 =	vadd.f32 v62, v39;
	(erf) = vpow2.f32 v55  }
0x431: {  	v35 =	vmul.f32 v52, v35;
	v60 =	vld [tilespmem:s14+$0xFFFFFF40];
	v37 =	vadd.f32 $1.000000000e+00, v59;
	(erf) = vpow2.f32 v28  }
0x432: {  	v58 =	vld [tilespmem:s29+$0xFFFFFF40];
	v28 =	vmul.f32 $1.442695020e+00, v56;
	[tilespmem:s18+$0xFFFFFFB0] =	vst v23;
	v23 =	vsub.f32 $0.0e+00, v32;
	v42 =	vadd.f32 v54, v39  }
0x433: {  	v31 =	vld [tilespmem:s18+$0xFFFFFF50];
	[tilespmem:s17+$0xFFFFFF40] =	vst v35;
	v29 =	vmul.f32 v38, v29  }
0x434: {  	v52 =	vld [tilespmem:s13+$0xFFFFFF50];
	(erf) = vrcp.f32 v37;
	v23 =	vmul.f32 $1.442695020e+00, v23;
	v39 =	vsub.f32 $0.0e+00, v42  }
0x435: {  	v61 =	vld [tilespmem:s15+$0xFFFFFF50];
	[tilespmem:s9+$0xFFFFFF50] =	vst v29;
	(erf) = vpow2.f32 v28  }
0x436: {  	v57 =	vld [tilespmem:s26+$0xFFFFFF60];
	v28 =	vpop (erf);
	(erf) = vpow2.f32 v23;
	v23 =	vmul.f32 $1.442695020e+00, v39  }
0x437: {  	v53 =	vadd.f32 v60, v58;
	v62 =	vld [tilespmem:s10+$0xFFFFFFC0];
	v54 =	vadd.f32 $1.000000000e+00, v28  }
0x438: {  	v63 =	vld [tilespmem:s1+$0xFFFFFFC0]  }
0x439: {  	v55 =	vld [tilespmem:s18+$0xFFFFFFC0];
	v39 =	vadd.f32 v19, v53;
	(erf) = vrcp.f32 v54;
	v19 =	vpop (erf)  }
0x43a: {  	v56 =	vld [tilespmem:s25+$0xFFFFFF60];
	v19 =	vmul.f32 v19, v44;
	(erf) = vpow2.f32 v23;
	v23 =	vpop (erf)  }
0x43b: {  	v18 =	vld [tilespmem:s18+$0xFFFFFF60];
	v23 =	vadd.f32 $1.000000000e+00, v23  }
0x43c: {  	v7 =	vld [tilespmem:s18+$0xFFFFFF80];
	v40 =	vadd.f32 v52, v61;
	v38 =	vsub.f32 $0.0e+00, v39;
	[tilespmem:s30+$0xFFFFFFA0] =	vst v19  }
0x43d: {  	v37 =	vadd.f32 v63, v62;
	v60 =	vld [tilespmem:s0+$0xFFFFFFB0]  }
0x43e: {  	v58 =	vpop (erf);
	v19 =	vmul.f32 $1.442695020e+00, v38;
	v38 =	vadd.f32 v16, v40;
	v16 =	vld [tilespmem:s24+$0xFFFFFFB0]  }
0x43f: {  	v30 =	vld [tilespmem:s30+$0xFFFFFF30];
	v47 =	vadd.f32 v55, v37;
	v55 =	vadd.f32 v57, v56;
	(erf) = vrcp.f32 v23;
	v23 =	vpop (erf)  }
0x440: {  	v26 =	vld [tilespmem:s30+$0xFFFFFF40];
	v59 =	vadd.f32 $1.000000000e+00, v58;
	v61 =	vpop (erf)  }
0x441: {  	v24 =	vld [tilespmem:s30+$0xFFFFFF50];
	v49 =	vsub.f32 $0.0e+00, v47;
	v40 =	vadd.f32 v14, v55;
	v41 =	vmul.f32 v23, v41;
	v53 =	vpop (erf)  }
0x442: {  	v17 =	vld [tilespmem:s30+$0xFFFFFF60];
	(erf) = vrcp.f32 v59;
	v63 =	vsub.f32 $0.0e+00, v38;
	v62 =	vadd.f32 $1.000000000e+00, v61;
	v56 =	vpop (erf)  }
0x443: {  	v52 =	vld [tilespmem:s30+$0xFFFFFFB0];
	(erf) = vpow2.f32 v19;
	v19 =	vmul.f32 $1.442695020e+00, v49;
	[tilespmem:s9+$0xFFFFFFF0] =	vst v41;
	v58 =	vadd.f32 v16, v60;
	v16 =	vpop (erf)  }
0x444: {  	v54 =	vmul.f32 $1.442695020e+00, v63;
	(erf) = vrcp.f32 v62;
	v41 =	vld [tilespmem:s25+$0x0];
	v14 =	vadd.f32 $1.000000000e+00, v16  }
0x445: {  	v37 =	vadd.f32 $1.000000000e+00, v53;
	v57 =	vld [tilespmem:s26+$0x0];
	v43 =	vmul.f32 v56, v45;
	(erf) = vpow2.f32 v19  }
0x446: {  	v13 =	vld [tilespmem:s30+$0xFFFFFF70];
	(erf) = vpow2.f32 v54  }
0x447: {  	v59 =	vld [tilespmem:s9+$0x0];
	[tilespmem:s12+$0xFFFFFF90] =	vst v43;
	(erf) = vrcp.f32 v37  }
0x448: {  	v43 =	vadd.f32 v52, v58;
	v45 =	vld [tilespmem:s16+$0xFFFFFFA0];
	(erf) = vrcp.f32 v14;
	v14 =	vpop (erf)  }
0x449: {  	v55 =	vsub.f32 $0.0e+00, v40;
	v56 =	vld [tilespmem:s5+$0xFFFFFFA0];
	v36 =	vmul.f32 v14, v36  }
0x44a: {  	v10 =	vld [tilespmem:s30+$0xFFFFFF80];
	v50 =	vsub.f32 $0.0e+00, v43;
	v41 =	vadd.f32 v57, v41  }
0x44b: {  	s6 =	simm.s32 $0x18F0;
	v63 =	vld [tilespmem:s12+$0xFFFFFFA0];
	v60 =	vmul.f32 $1.442695020e+00, v55;
	v61 =	vpop (erf)  }
0x44c: {  	v52 =	vld [tilespmem:s6+$0xFFFFFF10];
	v50 =	vmul.f32 $1.442695020e+00, v50;
	v48 =	vmul.f32 v61, v48;
	v62 =	vpop (erf);
	v37 =	vadd.f32 v59, v41;
	[tilespmem:s17+$0xFFFFFFE0] =	vst v36  }
0x44d: {  	(erf) = vpow2.f32 v60;
	v57 =	vadd.f32 $1.000000000e+00, v62;
	v41 =	vld [tilespmem:s15+$0xFFFFFFF0];
	v36 =	vpop (erf)  }
0x44e: {  	(erf) = vpow2.f32 v50;
	v45 =	vadd.f32 v56, v45;
	[tilespmem:s12+$0xFFFFFF10] =	vst v48;
	v48 =	vld [tilespmem:s13+$0xFFFFFFF0];
	v59 =	vsub.f32 $0.0e+00, v37;
	v58 =	vpop (erf)  }
0x44f: {  	v61 =	vld [tilespmem:s17+$0xFFFFFFF0];
	v46 =	vadd.f32 $1.000000000e+00, v58;
	v60 =	vpop (erf)  }
0x450: {  	s7 =	simm.s32 $0x38F0;
	v62 =	vld [tilespmem:s6+$0xFFFFFF90];
	v45 =	vadd.f32 v63, v45;
	(erf) = vrcp.f32 v57;
	v50 =	vmul.f32 $1.442695020e+00, v59;
	v53 =	vpop (erf)  }
0x451: {  	v63 =	vld [tilespmem:s7+$0xFFFFFF90];
	(erf) = vrcp.f32 v46;
	v57 =	vpop (erf)  }
0x452: {  	s8 =	simm.s32 $0x58F0;
	v54 =	vld [tilespmem:s11+$0xFFFFFFE0];
	v58 =	vsub.f32 $0.0e+00, v45;
	(erf) = vpow2.f32 v50;
	v42 =	vmul.f32 v57, v42  }
0x453: {  	v44 =	vadd.f32 $1.000000000e+00, v60;
	v41 =	vadd.f32 v48, v41;
	v48 =	vld [tilespmem:s8+$0xFFFFFF90]  }
0x454: {  	v55 =	vmul.f32 $1.442695020e+00, v58;
	v50 =	vld [tilespmem:s7+$0xFFFFFF10];
	[tilespmem:s11+$0xFFFFFFD0] =	vst v42  }
0x455: {  	v41 =	vadd.f32 v61, v41;
	(erf) = vrcp.f32 v44;
	v44 =	vld [tilespmem:s29+$0xFFFFFFE0]  }
0x456: {  	v59 =	vpop (erf);
	v62 =	vadd.f32 v63, v62;
	(erf) = vpow2.f32 v55;
	v55 =	vld [tilespmem:s14+$0xFFFFFFE0]  }
0x457: {  	v51 =	vld [tilespmem:s16+$0xFFFFFF20];
	v42 =	vadd.f32 $1.000000000e+00, v59;
	v60 =	vpop (erf);
	v61 =	vsub.f32 $0.0e+00, v41  }
0x458: {  	v34 =	vmul.f32 v36, v34;
	v46 =	vld [tilespmem:s8+$0xFFFFFF10];
	v49 =	vadd.f32 $1.000000000e+00, v60;
	v48 =	vadd.f32 v48, v62  }
0x459: {  	v36 =	vld [tilespmem:s5+$0xFFFFFF20];
	(erf) = vrcp.f32 v42;
	v63 =	vmul.f32 $1.442695020e+00, v61;
	v56 =	vpop (erf)  }
0x45a: {  	v35 =	vld [tilespmem:s12+$0xFFFFFF20];
	(erf) = vrcp.f32 v49;
	v58 =	vadd.f32 v50, v52;
	v60 =	vsub.f32 $0.0e+00, v48;
	v59 =	vpop (erf)  }
0x45b: {  	v29 =	vld [tilespmem:s12+$0xFFFFFF40];
	[tilespmem:s30+$0xFFFFFF20] =	vst v34;
	(erf) = vpow2.f32 v63;
	v44 =	vadd.f32 v55, v44;
	v61 =	vpop (erf);
	v47 =	vmul.f32 v59, v47  }
0x45c: {  	v52 =	vld [tilespmem:s0+$0xFFFFFF30];
	v62 =	vadd.f32 $1.000000000e+00, v61  }
0x45d: {  	v63 =	vld [tilespmem:s24+$0xFFFFFF30];
	v42 =	vadd.f32 v46, v58;
	v57 =	vmul.f32 $1.442695020e+00, v60;
	v46 =	vadd.f32 v54, v44  }
0x45e: {  	v28 =	vld [tilespmem:s12+$0xFFFFFF30];
	v36 =	vadd.f32 v36, v51;
	[tilespmem:s18+$0xFFFFFFC0] =	vst v47;
	(erf) = vrcp.f32 v62  }
0x45f: {  	v49 =	vld [tilespmem:s10+$0xFFFFFFD0];
	v61 =	vsub.f32 $0.0e+00, v46;
	v47 =	vpop (erf);
	(erf) = vpow2.f32 v57  }
0x460: {  	v36 =	vadd.f32 v35, v36;
	v58 =	vmul.f32 v53, v32;
	v51 =	vld [tilespmem:s1+$0xFFFFFFD0];
	v62 =	vmul.f32 v56, v39;
	v60 =	vpop (erf)  }
0x461: {  	v23 =	vld [tilespmem:s12+$0xFFFFFF50];
	v59 =	vsub.f32 $0.0e+00, v42;
	v34 =	vadd.f32 $1.000000000e+00, v60  }
0x462: {  	[tilespmem:s18+$0xFFFFFF30] =	vst v58;
	v63 =	vadd.f32 v63, v52;
	v52 =	vld [tilespmem:s18+$0xFFFFFFD0];
	v53 =	vmul.f32 $1.442695020e+00, v61;
	v39 =	vpop (erf)  }
0x463: {  	v54 =	vld [tilespmem:s10+$0xFFFFFF40];
	v50 =	vmul.f32 $1.442695020e+00, v59;
	v60 =	vsub.f32 $0.0e+00, v36;
	v61 =	vpop (erf);
	(erf) = vrcp.f32 v34  }
0x464: {  	v57 =	vld [tilespmem:s1+$0xFFFFFF40];
	[tilespmem:s11+$0xFFFFFF40] =	vst v62;
	v34 =	vadd.f32 v30, v63;
	v30 =	vmul.f32 v61, v43;
	v62 =	vpop (erf);
	(erf) = vpow2.f32 v53  }
0x465: {  	v63 =	vadd.f32 v51, v49;
	v49 =	vld [tilespmem:s29+$0xFFFFFF50];
	v35 =	vadd.f32 $1.000000000e+00, v62;
	(erf) = vpow2.f32 v50  }
0x466: {  	v51 =	vld [tilespmem:s14+$0xFFFFFF50];
	[tilespmem:s30+$0xFFFFFFB0] =	vst v30;
	v30 =	vsub.f32 $0.0e+00, v34  }
0x467: {  	v56 =	vmul.f32 $1.442695020e+00, v60;
	v43 =	vadd.f32 v52, v63;
	v53 =	vld [tilespmem:s0+$0xFFFFFFC0];
	(erf) = vrcp.f32 v35;
	v44 =	vpop (erf)  }
0x468: {  	v38 =	vmul.f32 v47, v38;
	v58 =	vld [tilespmem:s24+$0xFFFFFFC0];
	v60 =	vmul.f32 $1.442695020e+00, v30;
	v59 =	vpop (erf)  }
0x469: {  	v19 =	vld [tilespmem:s12+$0xFFFFFF60];
	(erf) = vpow2.f32 v56;
	v61 =	vsub.f32 $0.0e+00, v43;
	v47 =	vadd.f32 $1.000000000e+00, v59  }
0x46a: {  	v40 =	vmul.f32 v39, v40;
	v62 =	vadd.f32 v57, v54;
	v63 =	vld [tilespmem:s30+$0xFFFFFFC0];
	(erf) = vpow2.f32 v60  }
0x46b: {  	v16 =	vld [tilespmem:s12+$0xFFFFFF70];
	[tilespmem:s17+$0xFFFFFF50] =	vst v38;
	v56 =	vmul.f32 $1.442695020e+00, v61;
	(erf) = vrcp.f32 v47  }
0x46c: {  	[tilespmem:s9+$0xFFFFFF60] =	vst v40;
	v40 =	vld [tilespmem:s13+$0xFFFFFF60];
	v39 =	vadd.f32 v25, v62;
	v25 =	vadd.f32 v51, v49;
	v57 =	vpop (erf)  }
0x46d: {  	v49 =	vld [tilespmem:s15+$0xFFFFFF60];
	v58 =	vadd.f32 v58, v53;
	(erf) = vpow2.f32 v56;
	v45 =	vmul.f32 v57, v45;
	v59 =	vpop (erf)  }
0x46e: {  	v60 =	vsub.f32 $0.0e+00, v39;
	v53 =	vld [tilespmem:s25+$0xFFFFFF70];
	v61 =	vpop (erf);
	v62 =	vadd.f32 $1.000000000e+00, v59  }
0x46f: {  	v47 =	vadd.f32 v63, v58;
	v63 =	vld [tilespmem:s26+$0xFFFFFF70];
	v51 =	vadd.f32 $1.000000000e+00, v61;
	[tilespmem:s12+$0xFFFFFFA0] =	vst v45  }
0x470: {  	v38 =	vadd.f32 v22, v25;
	v50 =	vmul.f32 $1.442695020e+00, v60;
	v22 =	vpop (erf);
	v54 =	vld [tilespmem:s16+$0xFFFFFFB0];
	(erf) = vrcp.f32 v62  }
0x471: {  	v61 =	vld [tilespmem:s5+$0xFFFFFFB0];
	v22 =	vmul.f32 v22, v41;
	(erf) = vrcp.f32 v51  }
0x472: {  	v14 =	vld [tilespmem:s12+$0xFFFFFF80];
	v59 =	vsub.f32 $0.0e+00, v38;
	v58 =	vsub.f32 $0.0e+00, v47;
	v57 =	vpop (erf);
	(erf) = vpow2.f32 v50  }
0x473: {  	v60 =	vld [tilespmem:s12+$0xFFFFFFB0];
	v40 =	vadd.f32 v40, v49;
	v52 =	vadd.f32 $1.000000000e+00, v57;
	[tilespmem:s17+$0xFFFFFFF0] =	vst v22;
	v62 =	vpop (erf)  }
0x474: {  	v41 =	vmul.f32 $1.442695020e+00, v59;
	v55 =	vmul.f32 $1.442695020e+00, v58;
	v45 =	vadd.f32 v63, v53;
	v56 =	vld [tilespmem:s15+$0x0];
	v63 =	vpop (erf)  }
0x475: {  	v40 =	vadd.f32 v21, v40;
	(erf) = vrcp.f32 v52;
	v57 =	vld [tilespmem:s13+$0x0];
	v48 =	vmul.f32 v63, v48  }
0x476: {  	v32 =	vld [tilespmem:s8+$0xFFFFFF20];
	v52 =	vadd.f32 $1.000000000e+00, v62;
	(erf) = vpow2.f32 v55;
	v61 =	vadd.f32 v61, v54;
	v62 =	vpop (erf)  }
0x477: {  	v58 =	vsub.f32 $0.0e+00, v40;
	(erf) = vpow2.f32 v41;
	v63 =	vld [tilespmem:s17+$0x0];
	v51 =	vadd.f32 $1.000000000e+00, v62;
	[tilespmem:s8+$0xFFFFFF90] =	vst v48  }
0x478: {  	(erf) = vrcp.f32 v52;
	v49 =	vadd.f32 v60, v61;
	v50 =	vld [tilespmem:s6+$0xFFFFFFA0]  }
0x479: {  	v41 =	vadd.f32 v20, v45;
	v48 =	vmul.f32 $1.442695020e+00, v58;
	(erf) = vrcp.f32 v51;
	v51 =	vld [tilespmem:s7+$0xFFFFFFA0];
	v20 =	vpop (erf)  }
0x47a: {  	v35 =	vld [tilespmem:s8+$0xFFFFFF30];
	v53 =	vadd.f32 v57, v56;
	v60 =	vsub.f32 $0.0e+00, v49;
	v59 =	vpop (erf);
	v46 =	vmul.f32 v20, v46  }
0x47b: {  	v62 =	vsub.f32 $0.0e+00, v41;
	v57 =	vld [tilespmem:s8+$0xFFFFFFA0];
	v42 =	vmul.f32 v59, v42;
	v61 =	vpop (erf)  }
0x47c: {  	v30 =	vld [tilespmem:s8+$0xFFFFFF40];
	v45 =	vadd.f32 v63, v53;
	v52 =	vmul.f32 $1.442695020e+00, v60;
	[tilespmem:s11+$0xFFFFFFE0] =	vst v46;
	v63 =	vadd.f32 $1.000000000e+00, v61  }
0x47d: {  	(erf) = vpow2.f32 v48;
	v53 =	vld [tilespmem:s29+$0xFFFFFFF0];
	[tilespmem:s8+$0xFFFFFF10] =	vst v42;
	v42 =	vmul.f32 $1.442695020e+00, v62  }
0x47e: {  	v48 =	vpop (erf);
	v61 =	vsub.f32 $0.0e+00, v45;
	(erf) = vpow2.f32 v52;
	v54 =	vld [tilespmem:s14+$0xFFFFFFF0];
	v50 =	vadd.f32 v51, v50  }
0x47f: {  	s20 =	simm.s32 $0x19F0;
	v25 =	vld [tilespmem:s8+$0xFFFFFF50];
	v60 =	vpop (erf)  }
0x480: {  	v58 =	vld [tilespmem:s20+$0xFFFFFF90];
	v62 =	vadd.f32 $1.000000000e+00, v60;
	(erf) = vrcp.f32 v63;
	v50 =	vadd.f32 v57, v50;
	v63 =	vpop (erf)  }
0x481: {  	s28 =	simm.s32 $0x39F0;
	v60 =	vld [tilespmem:s11+$0xFFFFFFF0];
	(erf) = vpow2.f32 v42;
	v42 =	vpop (erf)  }
0x482: {  	v51 =	vld [tilespmem:s28+$0xFFFFFF90];
	v55 =	vmul.f32 $1.442695020e+00, v61;
	(erf) = vrcp.f32 v62;
	v59 =	vsub.f32 $0.0e+00, v50;
	v61 =	vpop (erf)  }
0x483: {  	v56 =	vld [tilespmem:s6+$0xFFFFFF20];
	v46 =	vadd.f32 $1.000000000e+00, v63;
	v53 =	vadd.f32 v54, v53;
	v43 =	vmul.f32 v61, v43  }
0x484: {  	s31 =	simm.s32 $0x59F0;
	v57 =	vld [tilespmem:s20+$0xFFFFFF10];
	(erf) = vpow2.f32 v55;
	v59 =	vmul.f32 $1.442695020e+00, v59  }
0x485: {  	v54 =	vld [tilespmem:s31+$0xFFFFFF90];
	(erf) = vrcp.f32 v46;
	[tilespmem:s18+$0xFFFFFFD0] =	vst v43  }
0x486: {  	v62 =	vpop (erf);
	v52 =	vadd.f32 v60, v53;
	(erf) = vpow2.f32 v59;
	v46 =	vld [tilespmem:s10+$0xFFFFFFE0]  }
0x487: {  	v36 =	vmul.f32 v48, v36;
	v48 =	vadd.f32 v51, v58;
	v43 =	vadd.f32 $1.000000000e+00, v62;
	v53 =	vpop (erf);
	v59 =	vld [tilespmem:s1+$0xFFFFFFE0]  }
0x488: {  	v55 =	vld [tilespmem:s28+$0xFFFFFF10];
	v60 =	vsub.f32 $0.0e+00, v52;
	v53 =	vadd.f32 $1.000000000e+00, v53  }
0x489: {  	v58 =	vpop (erf);
	(erf) = vrcp.f32 v43;
	v43 =	vld [tilespmem:s18+$0xFFFFFFE0]  }
0x48a: {  	v61 =	vld [tilespmem:s7+$0xFFFFFF20];
	v48 =	vadd.f32 v54, v48;
	v60 =	vmul.f32 $1.442695020e+00, v60;
	v54 =	vpop (erf)  }
0x48b: {  	v51 =	vld [tilespmem:s31+$0xFFFFFF10];
	v42 =	vmul.f32 v42, v34;
	(erf) = vrcp.f32 v53;
	v54 =	vadd.f32 $1.000000000e+00, v54  }
0x48c: {  	v21 =	vld [tilespmem:s8+$0xFFFFFF70];
	(erf) = vpow2.f32 v60;
	v60 =	vsub.f32 $0.0e+00, v48;
	v53 =	vpop (erf);
	v46 =	vadd.f32 v59, v46  }
0x48d: {  	v22 =	vld [tilespmem:s8+$0xFFFFFF60];
	[tilespmem:s12+$0xFFFFFF20] =	vst v36;
	v55 =	vadd.f32 v55, v57;
	(erf) = vrcp.f32 v54;
	v47 =	vmul.f32 v53, v47;
	v63 =	vpop (erf)  }
0x48e: {  	[tilespmem:s30+$0xFFFFFF30] =	vst v42;
	v57 =	vld [tilespmem:s5+$0xFFFFFF30];
	v54 =	vmul.f32 $1.442695020e+00, v60;
	v53 =	vadd.f32 $1.000000000e+00, v63;
	v60 =	vadd.f32 v43, v46;
	v43 =	vpop (erf)  }
0x48f: {  	v42 =	vadd.f32 v61, v56;
	v59 =	vld [tilespmem:s16+$0xFFFFFF30];
	[tilespmem:s30+$0xFFFFFFC0] =	vst v47;
	v62 =	vpop (erf)  }
0x490: {  	v47 =	vadd.f32 v51, v55;
	(erf) = vrcp.f32 v53;
	v51 =	vld [tilespmem:s0+$0xFFFFFFD0];
	v56 =	vadd.f32 $1.000000000e+00, v62  }
0x491: {  	v53 =	vld [tilespmem:s24+$0xFFFFFFD0];
	(erf) = vpow2.f32 v54;
	v54 =	vsub.f32 $0.0e+00, v60  }
0x492: {  	v20 =	vld [tilespmem:s8+$0xFFFFFF80];
	v55 =	vsub.f32 $0.0e+00, v47  }
0x493: {  	v36 =	vld [tilespmem:s31+$0xFFFFFF20];
	v39 =	vmul.f32 v58, v39;
	v46 =	vadd.f32 v32, v42;
	v42 =	vpop (erf);
	v54 =	vmul.f32 $1.442695020e+00, v54  }
0x494: {  	v61 =	vld [tilespmem:s0+$0xFFFFFF40];
	(erf) = vrcp.f32 v56;
	v55 =	vmul.f32 $1.442695020e+00, v55;
	v56 =	vpop (erf)  }
0x495: {  	v58 =	vld [tilespmem:s30+$0xFFFFFFD0];
	v49 =	vmul.f32 v56, v49;
	(erf) = vpow2.f32 v54  }
0x496: {  	v57 =	vadd.f32 v57, v59;
	v59 =	vld [tilespmem:s24+$0xFFFFFF40];
	v51 =	vadd.f32 v53, v51;
	(erf) = vpow2.f32 v55  }
0x497: {  	v34 =	vld [tilespmem:s31+$0xFFFFFF30];
	v62 =	vsub.f32 $0.0e+00, v46;
	v63 =	vpop (erf);
	[tilespmem:s12+$0xFFFFFFB0] =	vst v49  }
0x498: {  	[tilespmem:s18+$0xFFFFFF40] =	vst v39;
	v39 =	vadd.f32 v28, v57;
	v28 =	vadd.f32 $1.000000000e+00, v63;
	v57 =	vld [tilespmem:s16+$0xFFFFFFC0]  }
0x499: {  	v38 =	vmul.f32 v43, v38;
	v62 =	vmul.f32 $1.442695020e+00, v62;
	v56 =	vpop (erf);
	v53 =	vld [tilespmem:s5+$0xFFFFFFC0]  }
0x49a: {  	v55 =	vld [tilespmem:s10+$0xFFFFFF50];
	v63 =	vsub.f32 $0.0e+00, v39;
	v43 =	vadd.f32 v58, v51;
	(erf) = vrcp.f32 v28;
	v51 =	vpop (erf)  }
0x49b: {  	v49 =	vld [tilespmem:s1+$0xFFFFFF50];
	v58 =	vadd.f32 v59, v61;
	(erf) = vpow2.f32 v62;
	v61 =	vpop (erf)  }
0x49c: {  	v42 =	vmul.f32 v42, v40;
	v54 =	vmul.f32 $1.442695020e+00, v63;
	v59 =	vadd.f32 $1.000000000e+00, v61;
	v61 =	vld [tilespmem:s12+$0xFFFFFFC0]  }
0x49d: {  	v32 =	vld [tilespmem:s31+$0xFFFFFF40];
	[tilespmem:s11+$0xFFFFFF50] =	vst v38;
	v38 =	vsub.f32 $0.0e+00, v43;
	v62 =	vpop (erf)  }
0x49e: {  	[tilespmem:s17+$0xFFFFFF60] =	vst v42;
	v28 =	vld [tilespmem:s31+$0xFFFFFF50];
	(erf) = vpow2.f32 v54;
	v42 =	vmul.f32 v62, v50;
	v50 =	vadd.f32 v53, v57;
	v53 =	vpop (erf)  }
0x49f: {  	v40 =	vadd.f32 v26, v58;
	v58 =	vld [tilespmem:s15+$0xFFFFFF70];
	v38 =	vmul.f32 $1.442695020e+00, v38;
	v62 =	vpop (erf)  }
0x4a0: {  	v54 =	vld [tilespmem:s29+$0xFFFFFF60];
	v49 =	vadd.f32 v49, v55;
	(erf) = vrcp.f32 v59;
	v57 =	vadd.f32 $1.000000000e+00, v62  }
0x4a1: {  	v59 =	vld [tilespmem:s14+$0xFFFFFF60];
	(erf) = vpow2.f32 v38;
	[tilespmem:s8+$0xFFFFFFA0] =	vst v42;
	v53 =	vadd.f32 $1.000000000e+00, v53;
	v42 =	vadd.f32 v61, v50  }
0x4a2: {  	v63 =	vsub.f32 $0.0e+00, v40;
	v38 =	vadd.f32 v31, v49;
	v49 =	vld [tilespmem:s6+$0xFFFFFFB0]  }
0x4a3: {  	v50 =	vld [tilespmem:s13+$0xFFFFFF70];
	(erf) = vrcp.f32 v53;
	v31 =	vpop (erf);
	v61 =	vsub.f32 $0.0e+00, v42  }
0x4a4: {  	v55 =	vmul.f32 $1.442695020e+00, v63;
	v63 =	vsub.f32 $0.0e+00, v38;
	v53 =	vld [tilespmem:s7+$0xFFFFFFB0];
	(erf) = vrcp.f32 v57;
	v57 =	vpop (erf)  }
0x4a5: {  	v26 =	vld [tilespmem:s31+$0xFFFFFF60];
	v52 =	vmul.f32 v31, v52;
	v62 =	vmul.f32 $1.442695020e+00, v61;
	v57 =	vadd.f32 $1.000000000e+00, v57  }
0x4a6: {  	v41 =	vmul.f32 v56, v41;
	v54 =	vadd.f32 v59, v54;
	(erf) = vpow2.f32 v55;
	v55 =	vld [tilespmem:s8+$0xFFFFFFB0]  }
0x4a7: {  	v31 =	vld [tilespmem:s31+$0xFFFFFF70];
	v63 =	vmul.f32 $1.442695020e+00, v63;
	[tilespmem:s11+$0xFFFFFFF0] =	vst v52;
	v61 =	vpop (erf);
	(erf) = vrcp.f32 v57  }
0x4a8: {  	[tilespmem:s9+$0xFFFFFF70] =	vst v41;
	v41 =	vadd.f32 v33, v54;
	v33 =	vld [tilespmem:s14+$0x0];
	v56 =	vadd.f32 $1.000000000e+00, v61;
	(erf) = vpow2.f32 v62  }
0x4a9: {  	v50 =	vadd.f32 v50, v58;
	v49 =	vadd.f32 v53, v49;
	v57 =	vld [tilespmem:s29+$0x0];
	v62 =	vpop (erf);
	(erf) = vpow2.f32 v63  }
0x4aa: {  	v52 =	vld [tilespmem:s25+$0xFFFFFF80];
	v48 =	vmul.f32 v62, v48;
	v63 =	vsub.f32 $0.0e+00, v41;
	v59 =	vpop (erf);
	(erf) = vrcp.f32 v56  }
0x4ab: {  	v54 =	vld [tilespmem:s11+$0x0];
	v56 =	vmul.f32 v44, v37;
	v44 =	vadd.f32 v55, v49;
	v49 =	vadd.f32 $1.000000000e+00, v59  }
0x4ac: {  	[tilespmem:s31+$0xFFFFFF90] =	vst v48;
	v48 =	vld [tilespmem:s26+$0xFFFFFF80];
	v61 =	vmul.f32 $1.442695020e+00, v63  }
0x4ad: {  	v37 =	vadd.f32 v27, v50;
	v27 =	vpop (erf);
	v55 =	vld [tilespmem:s20+$0xFFFFFFA0];
	v63 =	vsub.f32 $0.0e+00, v44;
	(erf) = vrcp.f32 v49  }
0x4ae: {  	v27 =	vmul.f32 v27, v60;
	v53 =	vld [tilespmem:s28+$0xFFFFFFA0];
	v57 =	vadd.f32 v33, v57  }
0x4af: {  	v45 =	vmul.f32 v51, v45;
	v62 =	vpop (erf);
	v33 =	vld [tilespmem:s31+$0xFFFFFF80];
	v60 =	vsub.f32 $0.0e+00, v37;
	(erf) = vpow2.f32 v61  }
0x4b0: {  	v47 =	vmul.f32 v62, v47;
	v49 =	vld [tilespmem:s31+$0xFFFFFFA0];
	[tilespmem:s18+$0xFFFFFFE0] =	vst v27;
	v27 =	vadd.f32 v54, v57;
	v62 =	vmul.f32 $1.442695020e+00, v63;
	v61 =	vpop (erf)  }
0x4b1: {  	[tilespmem:s9+$0x0] =	vst v56;
	v50 =	vld [tilespmem:s10+$0xFFFFFFF0];
	v58 =	vmul.f32 $1.442695020e+00, v60;
	v56 =	vadd.f32 $1.000000000e+00, v61;
	v63 =	vpop (erf);
	v48 =	vadd.f32 v48, v52  }
0x4b2: {  	[tilespmem:s31+$0xFFFFFF10] =	vst v47;
	v51 =	vld [tilespmem:s1+$0xFFFFFFF0];
	(erf) = vpow2.f32 v62;
	v62 =	vsub.f32 $0.0e+00, v27;
	v60 =	vmul.f32 v63, v46;
	v61 =	vpop (erf)  }
0x4b3: {  	s19 =	simm.s32 $0x39F0;
	[tilespmem:s17+$0x0] =	vst v45;
	v47 =	vld [tilespmem:s20+$0xFFFFFF20];
	v54 =	vadd.f32 v53, v55;
	v46 =	vadd.f32 $1.000000000e+00, v61;
	(erf) = vrcp.f32 v56;
	v63 =	vpop (erf)  }
0x4b4: {  	s22 =	simm.s32 $0x1AF0;
	s26 =	simm.s32 $0xE;
	v52 =	vld [tilespmem:s18+$0xFFFFFFF0];
	v55 =	vmul.f32 $1.442695020e+00, v62;
	[tilespmem:s8+$0xFFFFFF20] =	vst v60;
	v45 =	vpop (erf);
	v53 =	vadd.f32 $1.000000000e+00, v63;
	(erf) = vpow2.f32 v58  }
.LBB2_9:
0x4b5: {  	v56 =	vld [tilespmem:s22+$0xFFFFFF90];
	v49 =	vadd.f32 v49, v54;
	s28 =	sadd.s32 $0x100, s28;
	v39 =	vmul.f32 v45, v39;
	(erf) = vrcp.f32 v46;
	v46 =	vmovc v15;
	v15 =	vmovc v12;
	s25 =	smov.u32 s12;
	s12 =	smov.u32 s8  }
0x4b6: {  	v45 =	vadd.f32 v11, v48;
	v12 =	vmov v13;
	s8 =	smov.u32 s31;
	v54 =	vld [tilespmem:s28+$0xFFFFFF90];
	v57 =	vpop (erf);
	(erf) = vpow2.f32 v55  }
0x4b7: {  	s31 =	sadd.s32 $0x100, s31;
	v13 =	vmovc v16;
	v48 =	vld [tilespmem:s28+$0xFFFFFF10];
	v59 =	vsub.f32 $0.0e+00, v49;
	[tilespmem:s25+$0xFFFFFF30] =	vst v39;
	v39 =	vmul.f32 v57, v43;
	v43 =	vadd.f32 v51, v50  }
0x4b8: {  	v16 =	vmov v21;
	v55 =	vsub.f32 $0.0e+00, v45;
	v50 =	vld [tilespmem:s31+$0xFFFFFF90];
	(erf) = vrcp.f32 v53;
	v53 =	vpop (erf)  }
0x4b9: {  	v21 =	vmovc v31;
	v11 =	vmovc v9;
	v57 =	vld [tilespmem:s22+$0xFFFFFF10];
	v59 =	vmul.f32 $1.442695020e+00, v59;
	[tilespmem:s30+$0xFFFFFFD0] =	vst v39;
	v51 =	vadd.f32 v52, v43;
	v39 =	vadd.f32 $1.000000000e+00, v53  }
0x4ba: {  	v9 =	vmovc v8;
	v8 =	vmovc v7;
	v7 =	vmov v10;
	v10 =	vmov v14;
	v43 =	vmul.f32 $1.442695020e+00, v55;
	v31 =	vld [tilespmem:s0+$0xFFFFFFE0]  }
0x4bb: {  	v60 =	vadd.f32 v54, v56;
	(erf) = vpow2.f32 v59;
	v14 =	vpop (erf);
	v53 =	vld [tilespmem:s24+$0xFFFFFFE0];
	v54 =	vsub.f32 $0.0e+00, v51  }
0x4bc: {  	v55 =	vld [tilespmem:s31+$0xFFFFFF10];
	v59 =	vadd.f32 $1.000000000e+00, v14;
	v58 =	vpop (erf);
	(erf) = vrcp.f32 v39;
	v14 =	vmov v20  }
0x4bd: {  	v50 =	vadd.f32 v50, v60;
	v61 =	vmul.f32 v58, v40;
	v39 =	vld [tilespmem:s30+$0xFFFFFFE0];
	v60 =	vmul.f32 $1.442695020e+00, v54;
	v52 =	vpop (erf)  }
0x4be: {  	v48 =	vadd.f32 v48, v57;
	v54 =	vld [tilespmem:s19+$0xFFFFFF20];
	(erf) = vrcp.f32 v59;
	v56 =	vpop (erf);
	v52 =	vadd.f32 $1.000000000e+00, v52  }
0x4bf: {  	s26 =	sadd.s32 $0x2, s26;
	v20 =	vmov v33;
	v57 =	vld [tilespmem:s31+$0xFFFFFF20];
	v58 =	vsub.f32 $0.0e+00, v50;
	[tilespmem:s30+$0xFFFFFF40] =	vst v61;
	(erf) = vpow2.f32 v60;
	v40 =	vpop (erf)  }
0x4c0: {  	p1 =	slt.u32 s26, $0x1E;
	v42 =	vmul.f32 v56, v42;
	v59 =	vld [tilespmem:s6+$0xFFFFFF30];
	v31 =	vadd.f32 v53, v31;
	v40 =	vadd.f32 $1.000000000e+00, v40  }
0x4c1: {  	v33 =	vadd.f32 v55, v48;
	v53 =	vld [tilespmem:s7+$0xFFFFFF30];
	v55 =	vpop (erf);
	(erf) = vrcp.f32 v52  }
0x4c2: {  	v56 =	vmul.f32 $1.442695020e+00, v58;
	v52 =	vld [tilespmem:s31+$0xFFFFFF30];
	[tilespmem:s25+$0xFFFFFFC0] =	vst v42;
	v48 =	vadd.f32 v39, v31;
	(erf) = vrcp.f32 v40  }
0x4c3: {  	v38 =	vmul.f32 v55, v38;
	v31 =	vsub.f32 $0.0e+00, v33;
	v39 =	vadd.f32 v54, v47;
	v40 =	vld [tilespmem:s16+$0xFFFFFFD0]  }
0x4c4: {  	(erf) = vpow2.f32 v56;
	v42 =	vpop (erf);
	v54 =	vld [tilespmem:s5+$0xFFFFFFD0];
	v55 =	vsub.f32 $0.0e+00, v48  }
0x4c5: {  	v31 =	vmul.f32 $1.442695020e+00, v31;
	v47 =	vadd.f32 v36, v39;
	v39 =	vadd.f32 $1.000000000e+00, v42;
	v42 =	vld [tilespmem:s16+$0xFFFFFF40];
	[tilespmem:s18+$0xFFFFFF50] =	vst v38;
	v36 =	vpop (erf)  }
0x4c6: {  	v38 =	vadd.f32 v53, v59;
	v53 =	vld [tilespmem:s25+$0xFFFFFFD0];
	v55 =	vmul.f32 $1.442695020e+00, v55;
	v41 =	vmul.f32 v36, v41;
	v36 =	vmovc v57  }
0x4c7: {  	v56 =	vsub.f32 $0.0e+00, v47;
	(erf) = vrcp.f32 v39;
	v57 =	vpop (erf);
	v58 =	vld [tilespmem:s5+$0xFFFFFF40]  }
0x4c8: {  	v59 =	vld [tilespmem:s31+$0xFFFFFF40];
	v39 =	vadd.f32 v35, v38;
	v38 =	vmul.f32 v57, v44;
	(erf) = vpow2.f32 v55;
	v35 =	vpop (erf);
	[tilespmem:s11+$0xFFFFFF60] =	vst v41  }
0x4c9: {  	(erf) = vpow2.f32 v31;
	v57 =	vadd.f32 v54, v40;
	v41 =	vld [tilespmem:s0+$0xFFFFFF50];
	v40 =	vadd.f32 $1.000000000e+00, v35;
	v35 =	vmovc v34;
	v34 =	vmovc v52  }
0x4ca: {  	v44 =	vmul.f32 $1.442695020e+00, v56;
	v52 =	vsub.f32 $0.0e+00, v39;
	[tilespmem:s12+$0xFFFFFFB0] =	vst v38;
	v38 =	vld [tilespmem:s24+$0xFFFFFF50];
	v54 =	vpop (erf);
	(erf) = vpow2.f32 v43  }
0x4cb: {  	v55 =	vld [tilespmem:s6+$0xFFFFFFC0];
	v43 =	vadd.f32 v53, v57;
	(erf) = vrcp.f32 v40;
	v31 =	vpop (erf);
	v37 =	vmul.f32 v54, v37  }
0x4cc: {  	(erf) = vpow2.f32 v44;
	v44 =	vld [tilespmem:s7+$0xFFFFFFC0];
	v40 =	vadd.f32 v58, v42;
	v27 =	vmul.f32 v31, v27  }
0x4cd: {  	v42 =	vmul.f32 $1.442695020e+00, v52;
	v53 =	vld [tilespmem:s31+$0xFFFFFF50];
	v31 =	vpop (erf);
	v52 =	vsub.f32 $0.0e+00, v43;
	[tilespmem:s17+$0xFFFFFF70] =	vst v37  }
0x4ce: {  	v54 =	vadd.f32 $1.000000000e+00, v31;
	v37 =	vld [tilespmem:s12+$0xFFFFFFC0];
	v40 =	vadd.f32 v29, v40;
	[tilespmem:s11+$0x0] =	vst v27;
	v29 =	vmovc v30;
	v30 =	vmovc v32;
	v32 =	vmov v59  }
0x4cf: {  	(erf) = vpow2.f32 v42;
	v56 =	vmul.f32 $1.442695020e+00, v52;
	v38 =	vadd.f32 v38, v41;
	v41 =	vld [tilespmem:s10+$0xFFFFFF60]  }
0x4d0: {  	(erf) = vrcp.f32 v54;
	v31 =	vpop (erf);
	v42 =	vsub.f32 $0.0e+00, v40;
	v52 =	vld [tilespmem:s1+$0xFFFFFF60]  }
0x4d1: {  	v54 =	vld [tilespmem:s31+$0xFFFFFF60];
	v57 =	vmul.f32 v31, v49;
	v44 =	vadd.f32 v44, v55;
	(erf) = vpow2.f32 v56;
	v27 =	vpop (erf)  }
0x4d2: {  	v38 =	vadd.f32 v24, v38;
	v49 =	vpop (erf);
	v55 =	vmul.f32 $1.442695020e+00, v42;
	v59 =	vadd.f32 $1.000000000e+00, v27;
	v56 =	vld [tilespmem:s29+$0xFFFFFF70]  }
0x4d3: {  	v24 =	vmov v23;
	v49 =	vadd.f32 $1.000000000e+00, v49;
	[tilespmem:s8+$0xFFFFFFA0] =	vst v57;
	v42 =	vadd.f32 v37, v44;
	v37 =	vld [tilespmem:s14+$0xFFFFFF70];
	v31 =	vpop (erf)  }
0x4d4: {  	v60 =	vsub.f32 $0.0e+00, v38;
	v44 =	vld [tilespmem:s20+$0xFFFFFFB0];
	(erf) = vrcp.f32 v59;
	v27 =	vpop (erf);
	v57 =	vadd.f32 $1.000000000e+00, v31  }
0x4d5: {  	(erf) = vrcp.f32 v49;
	v49 =	vld [tilespmem:s19+$0xFFFFFFB0];
	v58 =	vpop (erf);
	v59 =	vsub.f32 $0.0e+00, v42;
	v61 =	vmul.f32 v27, v51  }
0x4d6: {  	v23 =	vmovc v25;
	v25 =	vmovc v28;
	v31 =	vld [tilespmem:s31+$0xFFFFFF70];
	v51 =	vadd.f32 $1.000000000e+00, v58;
	(erf) = vpow2.f32 v55;
	v55 =	vmul.f32 $1.442695020e+00, v60  }
0x4d7: {  	v28 =	vmovc v53;
	v41 =	vadd.f32 v52, v41;
	v58 =	vld [tilespmem:s8+$0xFFFFFFB0];
	v59 =	vmul.f32 $1.442695020e+00, v59;
	[tilespmem:s18+$0xFFFFFFF0] =	vst v61;
	(erf) = vrcp.f32 v57  }
0x4d8: {  	(erf) = vrcp.f32 v51;
	v27 =	vpop (erf);
	v51 =	vld [tilespmem:s10+$0x0];
	v37 =	vadd.f32 v37, v56  }
0x4d9: {  	v41 =	vadd.f32 v18, v41;
	v52 =	vpop (erf);
	v27 =	vadd.f32 $1.000000000e+00, v27;
	(erf) = vpow2.f32 v59;
	v53 =	vld [tilespmem:s1+$0x0]  }
0x4da: {  	v50 =	vmul.f32 v52, v50;
	v44 =	vadd.f32 v49, v44;
	v18 =	vpop (erf);
	(erf) = vpow2.f32 v55;
	v52 =	vld [tilespmem:s15+$0xFFFFFF80];
	s15 =	smov.u32 s29;
	s29 =	smov.u32 s10;
	s10 =	smov.u32 s0  }
0x4db: {  	v49 =	vsub.f32 $0.0e+00, v41;
	s0 =	smov.u32 s16;
	s16 =	smov.u32 s6;
	s6 =	smov.u32 s20;
	(erf) = vrcp.f32 v27;
	v57 =	vadd.f32 $1.000000000e+00, v18;
	v55 =	vld [tilespmem:s18+$0x0];
	v18 =	vmovc v17;
	v17 =	vmovc v19  }
0x4dc: {  	v37 =	vadd.f32 v46, v37;
	v19 =	vmovc v22;
	v22 =	vmov v26;
	[tilespmem:s31+$0xFFFFFF90] =	vst v50;
	v44 =	vadd.f32 v58, v44;
	v46 =	vld [tilespmem:s13+$0xFFFFFF80];
	s13 =	smov.u32 s14;
	s14 =	smov.u32 s1;
	s1 =	smov.u32 s24  }
0x4dd: {  	v26 =	vmov v54;
	v49 =	vmul.f32 $1.442695020e+00, v49;
	s24 =	smov.u32 s5;
	s5 =	smov.u32 s7;
	s7 =	smov.u32 s19;
	v56 =	vld [tilespmem:s22+$0xFFFFFFA0];
	(erf) = vrcp.f32 v57;
	v27 =	vpop (erf)  }
0x4de: {  	s20 =	smov.u32 s22;
	s19 =	smov.u32 s28;
	v54 =	vld [tilespmem:s28+$0xFFFFFFA0];
	v50 =	vpop (erf);
	v57 =	vsub.f32 $0.0e+00, v44;
	v27 =	vmul.f32 v27, v48;
	v48 =	vadd.f32 v53, v51  }
0x4df: {  	v53 =	vsub.f32 $0.0e+00, v37;
	v50 =	vmul.f32 v50, v33;
	v33 =	vld [tilespmem:s31+$0xFFFFFF80];
	v51 =	vpop (erf);
	(erf) = vpow2.f32 v49  }
.Ltmp4:
0x4e0: {  	v49 =	vld [tilespmem:s31+$0xFFFFFFA0];
	v57 =	vmul.f32 $1.442695020e+00, v57;
	v58 =	vadd.f32 $1.000000000e+00, v51;
	[tilespmem:s30+$0xFFFFFFE0] =	vst v27;
	v27 =	vadd.f32 v55, v48;
	v51 =	vpop (erf);
	(pc) =	sbr.rel @p1 .LBB2_9-.Ltmp4, $4  }
0x4e1: {  	v59 =	vmul.f32 $1.442695020e+00, v53;
	[tilespmem:s31+$0xFFFFFF10] =	vst v50;
	v55 =	vpop (erf);
	v50 =	vld [tilespmem:s10+$0xFFFFFFF0];
	v48 =	vadd.f32 v46, v52;
	v60 =	vmul.f32 v51, v45  }
0x4e2: {  	v52 =	vmul.f32 v55, v47;
	(erf) = vpow2.f32 v57;
	v46 =	vpop (erf);
	v51 =	vld [tilespmem:s1+$0xFFFFFFF0];
	v55 =	vsub.f32 $0.0e+00, v27  }
0x4e3: {  	v47 =	vld [tilespmem:s22+$0xFFFFFF20];
	v54 =	vadd.f32 v54, v56;
	v46 =	vadd.f32 $1.000000000e+00, v46;
	(erf) = vrcp.f32 v58;
	v53 =	vpop (erf);
	[tilespmem:s9+$0xFFFFFF80] =	vst v60;
	s9 =	smov.u32 s17;
	s17 =	smov.u32 s11;
	s11 =	smov.u32 s18  }
0x4e4: {  	s22 =	sadd.s32 $0x100, s22;
	s18 =	smov.u32 s30;
	[tilespmem:s8+$0xFFFFFF20] =	vst v52;
	v45 =	vpop (erf);
	v53 =	vadd.f32 $1.000000000e+00, v53;
	v52 =	vld [tilespmem:s30+$0xFFFFFFF0];
	v55 =	vmul.f32 $1.442695020e+00, v55;
	(erf) = vpow2.f32 v59;
	s30 =	smov.u32 s25  }
0x4e5: {  	v49 =	vadd.f32 v49, v54;
	_ =	sdelay $0x1  }
0x4e6: {  	(erf) = vrcp.f32 v46;
	v54 =	vsub.f32 $0.0e+00, v49  }
0x4e7: {  	v58 =	vpop (erf);
	(erf) = vpow2.f32 v55  }
0x4e8: {  	v43 =	vmul.f32 v58, v43;
	v59 =	vadd.f32 v51, v50;
	v54 =	vmul.f32 $1.442695020e+00, v54  }
0x4e9: {  	(erf) = vrcp.f32 v53  }
0x4ea: {  	[tilespmem:s30+$0xFFFFFFD0] =	vst v43;
	v43 =	vadd.f32 v52, v59;
	(erf) = vpow2.f32 v54  }
0x4eb: {  	v60 =	vpop (erf);
	v50 =	vld [tilespmem:s0+$0xFFFFFFE0]  }
0x4ec: {  	v46 =	vadd.f32 $1.000000000e+00, v60;
	v52 =	vld [tilespmem:s24+$0xFFFFFFE0];
	v61 =	vpop (erf);
	v62 =	vsub.f32 $0.0e+00, v43  }
0x4ed: {  	v51 =	vadd.f32 $1.000000000e+00, v61;
	v54 =	vpop (erf)  }
0x4ee: {  	(erf) = vrcp.f32 v46;
	v46 =	vld [tilespmem:s30+$0xFFFFFFE0];
	v53 =	vmul.f32 $1.442695020e+00, v62;
	v63 =	vpop (erf)  }
0x4ef: {  	v56 =	vld [tilespmem:s19+$0xFFFFFF20];
	(erf) = vrcp.f32 v51;
	v59 =	vpop (erf)  }
0x4f0: {  	(erf) = vpow2.f32 v53;
	v42 =	vmul.f32 v59, v42  }
0x4f1: {  	v57 =	vld [tilespmem:s7+$0xFFFFFF30];
	v50 =	vadd.f32 v52, v50;
	v60 =	vpop (erf)  }
0x4f2: {  	v11 =	vadd.f32 v11, v48;
	v62 =	vld [tilespmem:s6+$0xFFFFFF30];
	v61 =	vadd.f32 $1.000000000e+00, v63;
	v52 =	vpop (erf);
	[tilespmem:s12+$0xFFFFFFC0] =	vst v42  }
0x4f3: {  	v45 =	vmul.f32 v45, v39;
	v53 =	vadd.f32 $1.000000000e+00, v60;
	v46 =	vadd.f32 v46, v50;
	v50 =	vld [tilespmem:s16+$0xFFFFFFD0];
	v63 =	vpop (erf)  }
0x4f4: {  	v47 =	vadd.f32 v56, v47;
	(erf) = vrcp.f32 v61;
	v48 =	vld [tilespmem:s5+$0xFFFFFFD0];
	v42 =	vadd.f32 $1.000000000e+00, v63  }
0x4f5: {  	(erf) = vrcp.f32 v53  }
0x4f6: {  	v39 =	vadd.f32 v36, v47;
	v36 =	vld [tilespmem:s12+$0xFFFFFFD0];
	v58 =	vsub.f32 $0.0e+00, v46;
	(erf) = vrcp.f32 v42  }
0x4f7: {  	[tilespmem:s12+$0xFFFFFF30] =	vst v45;
	v40 =	vmul.f32 v54, v40;
	v59 =	vsub.f32 $0.0e+00, v11;
	v45 =	vpop (erf)  }
0x4f8: {  	v51 =	vld [tilespmem:s16+$0xFFFFFF40];
	v61 =	vsub.f32 $0.0e+00, v39;
	v60 =	vadd.f32 v57, v62;
	v47 =	vmul.f32 $1.442695020e+00, v58;
	v62 =	vpop (erf)  }
0x4f9: {  	[tilespmem:s30+$0xFFFFFF40] =	vst v40;
	v63 =	vld [tilespmem:s5+$0xFFFFFF40];
	v42 =	vmul.f32 $1.442695020e+00, v59;
	v44 =	vmul.f32 v62, v44;
	v55 =	vpop (erf);
	v48 =	vadd.f32 v48, v50  }
0x4fa: {  	v40 =	vadd.f32 v35, v60;
	(erf) = vpow2.f32 v47;
	v50 =	vld [tilespmem:s0+$0xFFFFFF50];
	v57 =	vadd.f32 $1.000000000e+00, v55  }
0x4fb: {  	v58 =	vmul.f32 $1.442695020e+00, v61;
	(erf) = vpow2.f32 v42;
	[tilespmem:s8+$0xFFFFFFB0] =	vst v44;
	v44 =	vld [tilespmem:s24+$0xFFFFFF50];
	v42 =	vadd.f32 v36, v48  }
0x4fc: {  	v59 =	vsub.f32 $0.0e+00, v40;
	v60 =	vld [tilespmem:s6+$0xFFFFFFC0];
	(erf) = vrcp.f32 v57  }
0x4fd: {  	v61 =	vld [tilespmem:s7+$0xFFFFFFC0];
	v48 =	vpop (erf);
	(erf) = vpow2.f32 v58;
	v62 =	vsub.f32 $0.0e+00, v42  }
0x4fe: {  	v38 =	vmul.f32 v52, v38;
	v51 =	vadd.f32 v63, v51;
	v63 =	vmul.f32 $1.442695020e+00, v59;
	v35 =	vpop (erf)  }
0x4ff: {  	v58 =	vld [tilespmem:s8+$0xFFFFFFC0];
	v52 =	vmul.f32 $1.442695020e+00, v62;
	v57 =	vpop (erf)  }
0x500: {  	[tilespmem:s18+$0xFFFFFF50] =	vst v38;
	(erf) = vpow2.f32 v63;
	v49 =	vmul.f32 v57, v49  }
0x501: {  	v36 =	vadd.f32 v29, v51;
	v29 =	vld [tilespmem:s10+$0xFFFFFF60];
	v44 =	vadd.f32 v44, v50;
	(erf) = vpow2.f32 v52  }
0x502: {  	v50 =	vld [tilespmem:s1+$0xFFFFFF60];
	v47 =	vadd.f32 v61, v60;
	[tilespmem:s31+$0xFFFFFFA0] =	vst v49  }
0x503: {  	v59 =	vsub.f32 $0.0e+00, v36;
	v60 =	vpop (erf);
	v24 =	vadd.f32 v24, v44;
	v52 =	vld [tilespmem:s20+$0xFFFFFFB0]  }
0x504: {  	v61 =	vadd.f32 $1.000000000e+00, v60;
	v38 =	vadd.f32 v58, v47;
	v62 =	vpop (erf);
	v51 =	vld [tilespmem:s19+$0xFFFFFFB0]  }
0x505: {  	v41 =	vmul.f32 v45, v41;
	v63 =	vmul.f32 $1.442695020e+00, v59;
	v49 =	vsub.f32 $0.0e+00, v24;
	v57 =	vpop (erf)  }
0x506: {  	v53 =	vld [tilespmem:s31+$0xFFFFFFB0];
	v45 =	vadd.f32 $1.000000000e+00, v62;
	(erf) = vrcp.f32 v61;
	v59 =	vsub.f32 $0.0e+00, v38;
	v58 =	vpop (erf)  }
0x507: {  	[tilespmem:s11+$0xFFFFFF60] =	vst v41;
	v43 =	vmul.f32 v57, v43;
	(erf) = vpow2.f32 v63;
	v60 =	vadd.f32 $1.000000000e+00, v58  }
0x508: {  	v44 =	vld [tilespmem:s29+$0xFFFFFF70];
	v29 =	vadd.f32 v50, v29;
	v61 =	vmul.f32 $1.442695020e+00, v59;
	(erf) = vrcp.f32 v45  }
0x509: {  	v63 =	vld [tilespmem:s14+$0xFFFFFF70];
	v49 =	vmul.f32 $1.442695020e+00, v49;
	v54 =	vpop (erf);
	[tilespmem:s18+$0xFFFFFFF0] =	vst v43;
	(erf) = vrcp.f32 v60;
	v62 =	vadd.f32 v51, v52  }
0x50a: {  	v43 =	vadd.f32 v18, v29;
	v56 =	vadd.f32 $1.000000000e+00, v54;
	v55 =	vld [tilespmem:s10+$0x0];
	(erf) = vpow2.f32 v61;
	v57 =	vpop (erf)  }
0x50b: {  	v58 =	vld [tilespmem:s1+$0x0];
	(erf) = vpow2.f32 v49;
	v41 =	vadd.f32 $1.000000000e+00, v57;
	v45 =	vadd.f32 v53, v62  }
0x50c: {  	v59 =	vsub.f32 $0.0e+00, v43;
	(erf) = vrcp.f32 v56  }
0x50d: {  	(erf) = vrcp.f32 v41;
	v60 =	vsub.f32 $0.0e+00, v45  }
0x50e: {  	v44 =	vadd.f32 v63, v44;
	v62 =	vmul.f32 $1.442695020e+00, v59  }
0x50f: {  	v61 =	vld [tilespmem:s18+$0x0];
	v52 =	vpop (erf);
	v63 =	vmul.f32 $1.442695020e+00, v60  }
0x510: {  	v29 =	vadd.f32 v15, v44;
	(erf) = vpow2.f32 v62;
	v53 =	vadd.f32 v58, v55;
	v54 =	vpop (erf)  }
0x511: {  	v55 =	vmul.f32 v52, v46;
	v18 =	vpop (erf);
	v41 =	vadd.f32 $1.000000000e+00, v54;
	(erf) = vpow2.f32 v63  }
0x512: {  	v47 =	vpop (erf)  }
0x513: {  	v56 =	vsub.f32 $0.0e+00, v29;
	[tilespmem:s30+$0xFFFFFFE0] =	vst v55;
	v57 =	vpop (erf)  }
0x514: {  	v15 =	vadd.f32 v61, v53;
	v61 =	vld [tilespmem:s0+$0xFFFFFFF0];
	v60 =	vpop (erf)  }
0x515: {  	v58 =	vmul.f32 $1.442695020e+00, v56;
	v62 =	vld [tilespmem:s24+$0xFFFFFFF0];
	(erf) = vrcp.f32 v41;
	v41 =	vpop (erf)  }
0x516: {  	v59 =	vsub.f32 $0.0e+00, v15;
	v49 =	vadd.f32 $1.000000000e+00, v57;
	v63 =	vpop (erf)  }
0x517: {  	v53 =	vld [tilespmem:s30+$0xFFFFFFF0];
	(erf) = vpow2.f32 v58;
	v42 =	vmul.f32 v63, v42  }
0x518: {  	v46 =	vmul.f32 $1.442695020e+00, v59;
	(erf) = vrcp.f32 v49  }
0x519: {  	v37 =	vmul.f32 v48, v37;
	v52 =	vadd.f32 $1.000000000e+00, v60;
	v54 =	vpop (erf);
	[tilespmem:s12+$0xFFFFFFD0] =	vst v42  }
0x51a: {  	(erf) = vpow2.f32 v46;
	v48 =	vadd.f32 v62, v61;
	v55 =	vadd.f32 $1.000000000e+00, v54;
	v57 =	vld [tilespmem:s16+$0xFFFFFFE0];
	v56 =	vpop (erf)  }
0x51b: {  	[tilespmem:s17+$0xFFFFFF70] =	vst v37;
	v58 =	vld [tilespmem:s5+$0xFFFFFFE0];
	(erf) = vrcp.f32 v52;
	v46 =	vadd.f32 $1.000000000e+00, v56  }
0x51c: {  	v50 =	vld [tilespmem:s15+$0xFFFFFF80];
	v44 =	vadd.f32 v53, v48;
	(erf) = vrcp.f32 v55  }
0x51d: {  	v60 =	vld [tilespmem:s12+$0xFFFFFFE0];
	(erf) = vrcp.f32 v46  }
0x51e: {  	v59 =	vld [tilespmem:s13+$0xFFFFFF80];
	v61 =	vsub.f32 $0.0e+00, v44  }
0x51f: {  	v39 =	vmul.f32 v47, v39;
	v48 =	vpop (erf)  }
0x520: {  	v62 =	vpop (erf);
	v55 =	vmul.f32 $1.442695020e+00, v61;
	v37 =	vadd.f32 v58, v57  }
0x521: {  	[tilespmem:s31+$0xFFFFFF20] =	vst v39;
	v40 =	vmul.f32 v41, v40;
	v63 =	vpop (erf)  }
0x522: {  	v49 =	vld [tilespmem:s20+$0xFFFFFF30];
	(erf) = vpow2.f32 v55;
	v38 =	vmul.f32 v63, v38;
	v37 =	vadd.f32 v60, v37  }
0x523: {  	[tilespmem:s8+$0xFFFFFF30] =	vst v40;
	v42 =	vadd.f32 v59, v50;
	v58 =	vld [tilespmem:s19+$0xFFFFFF30];
	v56 =	vpop (erf)  }
0x524: {  	v52 =	vld [tilespmem:s6+$0xFFFFFF40];
	v57 =	vadd.f32 $1.000000000e+00, v62;
	[tilespmem:s8+$0xFFFFFFC0] =	vst v38;
	v59 =	vsub.f32 $0.0e+00, v37;
	v46 =	vpop (erf)  }
0x525: {  	v9 =	vadd.f32 v9, v42;
	v60 =	vadd.f32 $1.000000000e+00, v56;
	v38 =	vld [tilespmem:s6+$0xFFFFFFD0];
	v50 =	vpop (erf)  }
0x526: {  	(erf) = vrcp.f32 v57;
	v61 =	vld [tilespmem:s7+$0xFFFFFFD0];
	v42 =	vmul.f32 $1.442695020e+00, v59;
	v62 =	vpop (erf)  }
0x527: {  	v63 =	vsub.f32 $0.0e+00, v9;
	v56 =	vld [tilespmem:s8+$0xFFFFFFD0];
	(erf) = vrcp.f32 v60;
	v45 =	vmul.f32 v62, v45  }
0x528: {  	v39 =	vadd.f32 v58, v49;
	v58 =	vld [tilespmem:s7+$0xFFFFFF40];
	(erf) = vpow2.f32 v42  }
0x529: {  	v57 =	vmul.f32 $1.442695020e+00, v63;
	[tilespmem:s31+$0xFFFFFFB0] =	vst v45  }
0x52a: {  	v34 =	vadd.f32 v34, v39;
	v59 =	vld [tilespmem:s20+$0xFFFFFFC0]  }
0x52b: {  	v38 =	vadd.f32 v61, v38;
	(erf) = vpow2.f32 v57;
	v61 =	vpop (erf);
	v60 =	vld [tilespmem:s19+$0xFFFFFFC0]  }
0x52c: {  	v62 =	vsub.f32 $0.0e+00, v34;
	v41 =	vadd.f32 $1.000000000e+00, v61  }
0x52d: {  	v36 =	vmul.f32 v48, v36;
	v63 =	vld [tilespmem:s31+$0xFFFFFFC0];
	v53 =	vadd.f32 v58, v52;
	v38 =	vadd.f32 v56, v38;
	_ =	sdelay $0x1  }
0x52e: {  	[tilespmem:s12+$0xFFFFFF40] =	vst v36;
	v49 =	vpop (erf);
	(erf) = vrcp.f32 v41;
	v41 =	vadd.f32 v30, v53;
	v55 =	vsub.f32 $0.0e+00, v38  }
0x52f: {  	v54 =	vmul.f32 v46, v24;
	v45 =	vmul.f32 $1.442695020e+00, v62;
	v56 =	vld [tilespmem:s16+$0xFFFFFF50];
	v24 =	vpop (erf);
	v57 =	vadd.f32 v60, v59  }
0x530: {  	v58 =	vmul.f32 v50, v43;
	v61 =	vsub.f32 $0.0e+00, v41;
	v59 =	vld [tilespmem:s5+$0xFFFFFF50];
	v60 =	vmul.f32 $1.442695020e+00, v55;
	v62 =	vpop (erf)  }
0x531: {  	[tilespmem:s30+$0xFFFFFF50] =	vst v54;
	(erf) = vpow2.f32 v45;
	v45 =	vadd.f32 $1.000000000e+00, v62;
	v40 =	vadd.f32 v63, v57  }
0x532: {  	v50 =	vld [tilespmem:s24+$0xFFFFFF60];
	(erf) = vpow2.f32 v60  }
0x533: {  	[tilespmem:s18+$0xFFFFFF60] =	vst v58;
	v51 =	vmul.f32 $1.442695020e+00, v61;
	v52 =	vpop (erf);
	v63 =	vld [tilespmem:s0+$0xFFFFFF60];
	(erf) = vrcp.f32 v45;
	v53 =	vsub.f32 $0.0e+00, v40  }
0x534: {  	v54 =	vld [tilespmem:s10+$0xFFFFFF70];
	v43 =	vadd.f32 $1.000000000e+00, v52  }
0x535: {  	v55 =	vld [tilespmem:s1+$0xFFFFFF70];
	(erf) = vpow2.f32 v51;
	v42 =	vadd.f32 v59, v56;
	v56 =	vmul.f32 $1.442695020e+00, v53  }
0x536: {  	(erf) = vrcp.f32 v43  }
0x537: {  	v42 =	vadd.f32 v23, v42;
	(erf) = vpow2.f32 v56  }
0x538: {  	v57 =	vadd.f32 v50, v63  }
0x539: {  	v59 =	vpop (erf);
	v58 =	vsub.f32 $0.0e+00, v42  }
0x53a: {  	v61 =	vadd.f32 v55, v54;
	v60 =	vpop (erf);
	v45 =	vadd.f32 v17, v57  }
0x53b: {  	v36 =	vmul.f32 v59, v44;
	v63 =	vadd.f32 $1.000000000e+00, v60;
	v62 =	vmul.f32 $1.442695020e+00, v58;
	v48 =	vpop (erf)  }
0x53c: {  	v30 =	vadd.f32 v12, v61;
	v50 =	vsub.f32 $0.0e+00, v45;
	v52 =	vpop (erf)  }
0x53d: {  	[tilespmem:s30+$0xFFFFFFF0] =	vst v36;
	v51 =	vadd.f32 $1.000000000e+00, v48;
	(erf) = vpow2.f32 v62;
	v17 =	vmul.f32 v52, v37  }
0x53e: {  	v55 =	vsub.f32 $0.0e+00, v30;
	v56 =	vld [tilespmem:s0+$0x0];
	v53 =	vmul.f32 $1.442695020e+00, v50;
	v54 =	vpop (erf);
	(erf) = vrcp.f32 v63  }
0x53f: {  	v57 =	vld [tilespmem:s24+$0x0];
	v36 =	vadd.f32 $1.000000000e+00, v54;
	v12 =	vpop (erf);
	(erf) = vrcp.f32 v51;
	[tilespmem:s12+$0xFFFFFFE0] =	vst v17  }
0x540: {  	v58 =	vmul.f32 $1.442695020e+00, v55;
	(erf) = vpow2.f32 v53;
	v62 =	vld [tilespmem:s16+$0xFFFFFFF0];
	v59 =	vpop (erf)  }
0x541: {  	v63 =	vld [tilespmem:s5+$0xFFFFFFF0];
	(erf) = vrcp.f32 v36;
	v61 =	vadd.f32 $1.000000000e+00, v59  }
0x542: {  	v60 =	vld [tilespmem:s30+$0x0];
	(erf) = vpow2.f32 v58  }
0x543: {  	(erf) = vrcp.f32 v61;
	_ =	sdelay $0x1  }
0x544: {  	v48 =	vld [tilespmem:s12+$0xFFFFFFF0];
	v47 =	vadd.f32 v57, v56  }
0x545: {  	v23 =	vadd.f32 v63, v62;
	v50 =	vpop (erf)  }
0x546: {  	v17 =	vadd.f32 v60, v47;
	v43 =	vpop (erf)  }
0x547: {  	v29 =	vmul.f32 v49, v29;
	v51 =	vpop (erf)  }
0x548: {  	v52 =	vsub.f32 $0.0e+00, v17;
	v38 =	vmul.f32 v51, v38;
	v53 =	vpop (erf)  }
0x549: {  	[tilespmem:s11+$0xFFFFFF70] =	vst v29;
	v29 =	vadd.f32 v48, v23;
	v23 =	vpop (erf)  }
0x54a: {  	v54 =	vld [tilespmem:s29+$0xFFFFFF80];
	v36 =	vmul.f32 $1.442695020e+00, v52;
	[tilespmem:s8+$0xFFFFFFD0] =	vst v38;
	v55 =	vpop (erf)  }
0x54b: {  	v39 =	vadd.f32 $1.000000000e+00, v50;
	v56 =	vld [tilespmem:s6+$0xFFFFFFE0];
	v58 =	vpop (erf)  }
0x54c: {  	(erf) = vpow2.f32 v36;
	v57 =	vsub.f32 $0.0e+00, v29;
	v60 =	vld [tilespmem:s7+$0xFFFFFFE0];
	v40 =	vmul.f32 v58, v40  }
0x54d: {  	v61 =	vld [tilespmem:s14+$0xFFFFFF80];
	v59 =	vadd.f32 $1.000000000e+00, v53  }
0x54e: {  	v63 =	vld [tilespmem:s8+$0xFFFFFFE0];
	(erf) = vrcp.f32 v39;
	v62 =	vmul.f32 $1.442695020e+00, v57;
	[tilespmem:s31+$0xFFFFFFC0] =	vst v40  }
0x54f: {  	(erf) = vrcp.f32 v59;
	v49 =	vld [tilespmem:s20+$0xFFFFFFD0]  }
0x550: {  	(erf) = vpow2.f32 v62;
	v40 =	vld [tilespmem:s19+$0xFFFFFFD0]  }
0x551: {  	v44 =	vadd.f32 v60, v56  }
0x552: {  	v50 =	vld [tilespmem:s31+$0xFFFFFFD0];
	v37 =	vadd.f32 v61, v54  }
0x553: {  	v36 =	vadd.f32 v63, v44  }
0x554: {  	v34 =	vmul.f32 v43, v34;
	v8 =	vadd.f32 v8, v37;
	v51 =	vadd.f32 $1.000000000e+00, v55  }
0x555: {  	v52 =	vpop (erf);
	v53 =	vsub.f32 $0.0e+00, v36;
	v39 =	vadd.f32 v40, v49  }
0x556: {  	[tilespmem:s31+$0xFFFFFF30] =	vst v34;
	v23 =	vmul.f32 v23, v41;
	v54 =	vsub.f32 $0.0e+00, v8;
	v38 =	vadd.f32 $1.000000000e+00, v52  }
0x557: {  	(erf) = vrcp.f32 v51;
	v58 =	vld [tilespmem:s20+$0xFFFFFF40];
	v55 =	vpop (erf);
	v57 =	vmul.f32 $1.442695020e+00, v53;
	v39 =	vadd.f32 v50, v39  }
0x558: {  	[tilespmem:s8+$0xFFFFFF40] =	vst v23;
	v60 =	vld [tilespmem:s19+$0xFFFFFF40];
	(erf) = vrcp.f32 v38;
	v56 =	vpop (erf)  }
0x559: {  	v47 =	vld [tilespmem:s7+$0xFFFFFF50];
	v40 =	vmul.f32 $1.442695020e+00, v54;
	v59 =	vpop (erf);
	(erf) = vpow2.f32 v57;
	v62 =	vsub.f32 $0.0e+00, v39  }
0x55a: {  	v63 =	vld [tilespmem:s6+$0xFFFFFF50];
	v61 =	vadd.f32 $1.000000000e+00, v59  }
0x55b: {  	(erf) = vpow2.f32 v40;
	v48 =	vmul.f32 $1.442695020e+00, v62  }
0x55c: {  	(erf) = vrcp.f32 v61  }
0x55d: {  	v23 =	vadd.f32 v60, v58;
	(erf) = vpow2.f32 v48;
	_ =	sdelay $0x1  }
0x55e: {  	v49 =	vadd.f32 v47, v63  }
0x55f: {  	v37 =	vpop (erf);
	v32 =	vadd.f32 v32, v23  }
0x560: {  	v38 =	vadd.f32 v25, v49;
	v23 =	vpop (erf)  }
0x561: {  	v34 =	vmul.f32 v56, v45;
	v51 =	vsub.f32 $0.0e+00, v32;
	v52 =	vpop (erf)  }
0x562: {  	v50 =	vmul.f32 v55, v42;
	v56 =	vsub.f32 $0.0e+00, v38;
	v53 =	vadd.f32 $1.000000000e+00, v52  }
0x563: {  	[tilespmem:s30+$0xFFFFFF60] =	vst v34;
	v55 =	vmul.f32 $1.442695020e+00, v51;
	v54 =	vpop (erf)  }
0x564: {  	v63 =	vld [tilespmem:s0+$0xFFFFFF70];
	[tilespmem:s12+$0xFFFFFF50] =	vst v50;
	v61 =	vmul.f32 $1.442695020e+00, v56;
	v57 =	vpop (erf);
	v59 =	vadd.f32 $1.000000000e+00, v54;
	(erf) = vrcp.f32 v53  }
0x565: {  	v58 =	vld [tilespmem:s16+$0xFFFFFF60];
	v29 =	vmul.f32 v57, v29;
	(erf) = vpow2.f32 v55;
	v62 =	vpop (erf)  }
0x566: {  	v60 =	vld [tilespmem:s5+$0xFFFFFF60];
	(erf) = vrcp.f32 v59;
	v45 =	vadd.f32 $1.000000000e+00, v62  }
0x567: {  	v46 =	vld [tilespmem:s24+$0xFFFFFF70];
	[tilespmem:s12+$0xFFFFFFF0] =	vst v29;
	(erf) = vpow2.f32 v61  }
0x568: {  	v29 =	vld [tilespmem:s16+$0x0];
	(erf) = vrcp.f32 v45  }
0x569: {  	v47 =	vld [tilespmem:s5+$0x0];
	_ =	sdelay $0x1  }
0x56a: {  	v48 =	vld [tilespmem:s12+$0x0];
	v34 =	vadd.f32 v60, v58;
	_ =	sdelay $0x1  }
0x56b: {  	v41 =	vadd.f32 v46, v63;
	v34 =	vadd.f32 v19, v34;
	v49 =	vpop (erf)  }
0x56c: {  	v25 =	vadd.f32 v47, v29;
	v50 =	vpop (erf)  }
0x56d: {  	v41 =	vadd.f32 v13, v41;
	v51 =	vsub.f32 $0.0e+00, v34;
	v36 =	vmul.f32 v49, v36;
	v19 =	vpop (erf)  }
0x56e: {  	v13 =	vadd.f32 v48, v25;
	v52 =	vpop (erf)  }
0x56f: {  	v54 =	vsub.f32 $0.0e+00, v41;
	v53 =	vmul.f32 $1.442695020e+00, v51;
	[tilespmem:s8+$0xFFFFFFE0] =	vst v36;
	v55 =	vpop (erf)  }
0x570: {  	v29 =	vadd.f32 $1.000000000e+00, v50;
	v57 =	vsub.f32 $0.0e+00, v13;
	v56 =	vld [tilespmem:s6+$0xFFFFFFF0];
	v36 =	vmul.f32 v55, v39  }
0x571: {  	v58 =	vmul.f32 $1.442695020e+00, v54;
	(erf) = vpow2.f32 v53;
	v59 =	vld [tilespmem:s7+$0xFFFFFFF0]  }
0x572: {  	v60 =	vld [tilespmem:s8+$0xFFFFFFF0];
	(erf) = vrcp.f32 v29;
	v61 =	vmul.f32 $1.442695020e+00, v57;
	[tilespmem:s31+$0xFFFFFFD0] =	vst v36  }
0x573: {  	(erf) = vpow2.f32 v58;
	v36 =	vld [tilespmem:s20+$0xFFFFFFE0]  }
0x574: {  	(erf) = vpow2.f32 v61;
	v62 =	vld [tilespmem:s19+$0xFFFFFFE0];
	_ =	sdelay $0x1  }
0x575: {  	v30 =	vmul.f32 v37, v30;
	v63 =	vld [tilespmem:s31+$0xFFFFFFE0];
	v40 =	vadd.f32 v59, v56;
	_ =	sdelay $0x1  }
0x576: {  	[tilespmem:s18+$0xFFFFFF70] =	vst v30;
	v29 =	vadd.f32 v60, v40  }
0x577: {  	v46 =	vld [tilespmem:s10+$0xFFFFFF80];
	v36 =	vadd.f32 v62, v36  }
0x578: {  	v48 =	vld [tilespmem:s1+$0xFFFFFF80];
	v25 =	vadd.f32 $1.000000000e+00, v52;
	v44 =	vpop (erf);
	v45 =	vsub.f32 $0.0e+00, v29  }
0x579: {  	v30 =	vadd.f32 $1.000000000e+00, v44;
	v47 =	vpop (erf);
	v36 =	vadd.f32 v63, v36  }
0x57a: {  	(erf) = vrcp.f32 v25;
	v50 =	vpop (erf);
	v49 =	vmul.f32 $1.442695020e+00, v45  }
0x57b: {  	(erf) = vrcp.f32 v30;
	v51 =	vadd.f32 $1.000000000e+00, v50;
	v52 =	vpop (erf);
	v53 =	vsub.f32 $0.0e+00, v36  }
0x57c: {  	(erf) = vpow2.f32 v49;
	v54 =	vadd.f32 $1.000000000e+00, v52  }
0x57d: {  	v56 =	vadd.f32 v48, v46;
	(erf) = vrcp.f32 v51;
	v55 =	vmul.f32 $1.442695020e+00, v53  }
0x57e: {  	(erf) = vrcp.f32 v54  }
0x57f: {  	v7 =	vadd.f32 v7, v56;
	(erf) = vpow2.f32 v55;
	_ =	sdelay $0x1  }
0x580: {  	v25 =	vsub.f32 $0.0e+00, v7;
	_ =	sdelay $0x1  }
0x581: {  	v25 =	vmul.f32 $1.442695020e+00, v25;
	v57 =	vpop (erf)  }
0x582: {  	v58 =	vpop (erf)  }
0x583: {  	v59 =	vpop (erf)  }
0x584: {  	v32 =	vmul.f32 v47, v32;
	v39 =	vadd.f32 $1.000000000e+00, v59;
	v60 =	vpop (erf)  }
0x585: {  	(erf) = vpow2.f32 v25;
	v25 =	vpop (erf)  }
0x586: {  	[tilespmem:s31+$0xFFFFFF40] =	vst v32;
	v30 =	vmul.f32 v57, v38;
	(erf) = vrcp.f32 v39;
	v61 =	vpop (erf)  }
0x587: {  	v62 =	vld [tilespmem:s20+$0xFFFFFF50];
	v32 =	vadd.f32 $1.000000000e+00, v61  }
0x588: {  	v63 =	vld [tilespmem:s19+$0xFFFFFF50];
	[tilespmem:s8+$0xFFFFFF50] =	vst v30  }
0x589: {  	v42 =	vld [tilespmem:s6+$0xFFFFFF60];
	(erf) = vrcp.f32 v32  }
0x58a: {  	v43 =	vld [tilespmem:s7+$0xFFFFFF60];
	_ =	sdelay $0x3  }
0x58b: {  	v30 =	vadd.f32 v63, v62;
	v34 =	vmul.f32 v58, v34;
	v44 =	vpop (erf)  }
0x58c: {  	v32 =	vadd.f32 v43, v42;
	v45 =	vpop (erf)  }
0x58d: {  	v28 =	vadd.f32 v28, v30;
	[tilespmem:s12+$0xFFFFFF60] =	vst v34;
	v29 =	vmul.f32 v45, v29  }
0x58e: {  	v46 =	vld [tilespmem:s16+$0xFFFFFF70];
	v32 =	vadd.f32 v22, v32  }
0x58f: {  	v47 =	vld [tilespmem:s5+$0xFFFFFF70];
	v48 =	vsub.f32 $0.0e+00, v28;
	[tilespmem:s8+$0xFFFFFFF0] =	vst v29;
	v49 =	vpop (erf)  }
0x590: {  	v37 =	vadd.f32 $1.000000000e+00, v44;
	v51 =	vsub.f32 $0.0e+00, v32;
	v50 =	vld [tilespmem:s6+$0x0];
	v29 =	vmul.f32 v49, v36  }
0x591: {  	v34 =	vmul.f32 $1.442695020e+00, v48;
	v52 =	vld [tilespmem:s7+$0x0]  }
0x592: {  	v53 =	vld [tilespmem:s8+$0x0];
	(erf) = vrcp.f32 v37;
	v39 =	vmul.f32 $1.442695020e+00, v51;
	[tilespmem:s31+$0xFFFFFFE0] =	vst v29  }
0x593: {  	(erf) = vpow2.f32 v34;
	v29 =	vld [tilespmem:s20+$0xFFFFFFF0]  }
0x594: {  	(erf) = vpow2.f32 v39;
	v54 =	vld [tilespmem:s19+$0xFFFFFFF0]  }
0x595: {  	v22 =	vadd.f32 v47, v46  }
0x596: {  	v56 =	vld [tilespmem:s31+$0xFFFFFFF0];
	v55 =	vadd.f32 v52, v50  }
0x597: {  	v38 =	vadd.f32 v16, v22  }
0x598: {  	v16 =	vadd.f32 v53, v55  }
0x599: {  	v57 =	vsub.f32 $0.0e+00, v38;
	v29 =	vadd.f32 v54, v29  }
0x59a: {  	v58 =	vsub.f32 $0.0e+00, v16  }
0x59b: {  	v59 =	vmul.f32 v60, v41;
	v30 =	vmul.f32 $1.442695020e+00, v57;
	v22 =	vpop (erf);
	v29 =	vadd.f32 v56, v29  }
0x59c: {  	v60 =	vpop (erf);
	v34 =	vmul.f32 $1.442695020e+00, v58  }
0x59d: {  	[tilespmem:s30+$0xFFFFFF70] =	vst v59;
	(erf) = vpow2.f32 v30;
	v36 =	vadd.f32 $1.000000000e+00, v60;
	v61 =	vpop (erf);
	v62 =	vsub.f32 $0.0e+00, v29  }
0x59e: {  	v63 =	vld [tilespmem:s0+$0xFFFFFF80];
	v30 =	vadd.f32 $1.000000000e+00, v61;
	(erf) = vpow2.f32 v34  }
0x59f: {  	v40 =	vld [tilespmem:s24+$0xFFFFFF80];
	(erf) = vrcp.f32 v36;
	v41 =	vmul.f32 $1.442695020e+00, v62  }
0x5a0: {  	(erf) = vrcp.f32 v30  }
0x5a1: {  	(erf) = vpow2.f32 v41;
	_ =	sdelay $0x2  }
0x5a2: {  	v42 =	vadd.f32 v40, v63;
	_ =	sdelay $0x1  }
0x5a3: {  	v10 =	vadd.f32 v10, v42;
	v43 =	vpop (erf)  }
0x5a4: {  	v44 =	vpop (erf)  }
0x5a5: {  	v45 =	vsub.f32 $0.0e+00, v10;
	v30 =	vadd.f32 $1.000000000e+00, v43;
	v46 =	vpop (erf)  }
0x5a6: {  	v34 =	vadd.f32 $1.000000000e+00, v44;
	v47 =	vpop (erf)  }
0x5a7: {  	v36 =	vmul.f32 $1.442695020e+00, v45;
	(erf) = vrcp.f32 v30;
	v48 =	vpop (erf)  }
0x5a8: {  	(erf) = vrcp.f32 v34;
	v30 =	vadd.f32 $1.000000000e+00, v48  }
0x5a9: {  	v28 =	vmul.f32 v46, v28;
	(erf) = vpow2.f32 v36  }
0x5aa: {  	(erf) = vrcp.f32 v30  }
0x5ab: {  	[tilespmem:s31+$0xFFFFFF50] =	vst v28  }
0x5ac: {  	v28 =	vld [tilespmem:s20+$0xFFFFFF60]  }
0x5ad: {  	v49 =	vld [tilespmem:s19+$0xFFFFFF60];
	_ =	sdelay $0x2  }
0x5ae: {  	v50 =	vpop (erf)  }
0x5af: {  	v36 =	vpop (erf)  }
0x5b0: {  	v32 =	vmul.f32 v47, v32;
	v28 =	vadd.f32 v49, v28;
	v51 =	vpop (erf)  }
0x5b1: {  	v52 =	vpop (erf)  }
0x5b2: {  	[tilespmem:s8+$0xFFFFFF60] =	vst v32;
	v26 =	vadd.f32 v26, v28;
	v29 =	vmul.f32 v52, v29  }
0x5b3: {  	v53 =	vld [tilespmem:s6+$0xFFFFFF70]  }
0x5b4: {  	v54 =	vld [tilespmem:s7+$0xFFFFFF70];
	v55 =	vsub.f32 $0.0e+00, v26;
	[tilespmem:s31+$0xFFFFFFF0] =	vst v29  }
0x5b5: {  	v56 =	vadd.f32 $1.000000000e+00, v51;
	v57 =	vld [tilespmem:s20+$0x0]  }
0x5b6: {  	v29 =	vmul.f32 $1.442695020e+00, v55;
	v58 =	vld [tilespmem:s19+$0x0]  }
0x5b7: {  	(erf) = vrcp.f32 v56  }
0x5b8: {  	v59 =	vld [tilespmem:s31+$0x0];
	(erf) = vpow2.f32 v29;
	_ =	sdelay $0x1  }
0x5b9: {  	v28 =	vadd.f32 v54, v53  }
0x5ba: {  	v60 =	vadd.f32 v58, v57  }
0x5bb: {  	v21 =	vadd.f32 v21, v28  }
0x5bc: {  	v28 =	vadd.f32 v59, v60  }
0x5bd: {  	v61 =	vsub.f32 $0.0e+00, v21  }
0x5be: {  	v62 =	vsub.f32 $0.0e+00, v28  }
0x5bf: {  	v29 =	vmul.f32 $1.442695020e+00, v61;
	v32 =	vpop (erf)  }
0x5c0: {  	v34 =	vmul.f32 v50, v38;
	v63 =	vpop (erf);
	v30 =	vmul.f32 $1.442695020e+00, v62  }
0x5c1: {  	(erf) = vpow2.f32 v29;
	v39 =	vadd.f32 $1.000000000e+00, v63  }
0x5c2: {  	[tilespmem:s12+$0xFFFFFF70] =	vst v34;
	(erf) = vpow2.f32 v30  }
0x5c3: {  	v40 =	vld [tilespmem:s16+$0xFFFFFF80];
	(erf) = vrcp.f32 v39  }
0x5c4: {  	v41 =	vld [tilespmem:s5+$0xFFFFFF80];
	_ =	sdelay $0x4  }
0x5c5: {  	v29 =	vadd.f32 v41, v40  }
0x5c6: {  	v42 =	vpop (erf)  }
0x5c7: {  	v14 =	vadd.f32 v14, v29;
	v43 =	vpop (erf)  }
0x5c8: {  	v44 =	vpop (erf)  }
0x5c9: {  	v45 =	vsub.f32 $0.0e+00, v14;
	v30 =	vadd.f32 $1.000000000e+00, v42;
	v26 =	vmul.f32 v44, v26  }
0x5ca: {  	v29 =	vadd.f32 $1.000000000e+00, v43  }
0x5cb: {  	v46 =	vmul.f32 $1.442695020e+00, v45;
	(erf) = vrcp.f32 v30;
	[tilespmem:s31+$0xFFFFFF60] =	vst v26  }
0x5cc: {  	(erf) = vrcp.f32 v29;
	v26 =	vld [tilespmem:s20+$0xFFFFFF70]  }
0x5cd: {  	(erf) = vpow2.f32 v46;
	v47 =	vld [tilespmem:s19+$0xFFFFFF70];
	_ =	sdelay $0x4  }
0x5ce: {  	v26 =	vadd.f32 v47, v26;
	_ =	sdelay $0x1  }
0x5cf: {  	v48 =	vpop (erf);
	v26 =	vadd.f32 v31, v26  }
0x5d0: {  	v49 =	vpop (erf)  }
0x5d1: {  	v50 =	vpop (erf);
	v51 =	vsub.f32 $0.0e+00, v26  }
0x5d2: {  	v31 =	vadd.f32 $1.000000000e+00, v50  }
0x5d3: {  	v34 =	vmul.f32 $1.442695020e+00, v51  }
0x5d4: {  	(erf) = vrcp.f32 v31  }
0x5d5: {  	(erf) = vpow2.f32 v34;
	_ =	sdelay $0x7  }
0x5d6: {  	v31 =	vpop (erf)  }
0x5d7: {  	v21 =	vmul.f32 v48, v21;
	v52 =	vpop (erf)  }
0x5d8: {  	v29 =	vadd.f32 $1.000000000e+00, v52  }
0x5d9: {  	[tilespmem:s8+$0xFFFFFF70] =	vst v21  }
0x5da: {  	v21 =	vld [tilespmem:s6+$0xFFFFFF80];
	(erf) = vrcp.f32 v29  }
0x5db: {  	v53 =	vld [tilespmem:s7+$0xFFFFFF80];
	_ =	sdelay $0x4  }
0x5dc: {  	v21 =	vadd.f32 v53, v21;
	_ =	sdelay $0x1  }
0x5dd: {  	v20 =	vadd.f32 v20, v21  }
0x5de: {  	v54 =	vpop (erf)  }
0x5df: {  	v55 =	vsub.f32 $0.0e+00, v20;
	v21 =	vmul.f32 v54, v26;
	_ =	sdelay $0x1  }
0x5e0: {  	v56 =	vmul.f32 $1.442695020e+00, v55;
	[tilespmem:s31+$0xFFFFFF70] =	vst v21  }
0x5e1: {  	v21 =	vld [tilespmem:s20+$0xFFFFFF80]  }
0x5e2: {  	(erf) = vpow2.f32 v56;
	v57 =	vld [tilespmem:s19+$0xFFFFFF80];
	_ =	sdelay $0x4  }
0x5e3: {  	v21 =	vadd.f32 v57, v21;
	_ =	sdelay $0x1  }
0x5e4: {  	v21 =	vadd.f32 v33, v21;
	_ =	sdelay $0x1  }
0x5e5: {  	v26 =	vpop (erf);
	v58 =	vsub.f32 $0.0e+00, v21  }
0x5e6: {  	v26 =	vadd.f32 $1.000000000e+00, v26  }
0x5e7: {  	v29 =	vmul.f32 $1.442695020e+00, v58  }
0x5e8: {  	(erf) = vrcp.f32 v26  }
0x5e9: {  	(erf) = vpow2.f32 v29;
	_ =	sdelay $0x7  }
0x5ea: {  	v26 =	vpop (erf)  }
0x5eb: {  	v8 =	vmul.f32 v19, v8;
	v59 =	vpop (erf)  }
0x5ec: {  	v11 =	vmul.f32 v18, v11;
	v60 =	vadd.f32 $1.000000000e+00, v59  }
0x5ed: {  	[tilespmem:s11+$0xFFFFFF80] =	vst v8;
	v8 =	vmul.f32 v23, v17  }
0x5ee: {  	[tilespmem:s9+$0xFFFFFF80] =	vst v11;
	v9 =	vmul.f32 v12, v9;
	(erf) = vrcp.f32 v60  }
0x5ef: {  	[tilespmem:s30+$0x0] =	vst v8;
	v8 =	vmul.f32 v25, v13  }
0x5f0: {  	[tilespmem:s17+$0xFFFFFF80] =	vst v9;
	v7 =	vmul.f32 v22, v7  }
0x5f1: {  	[tilespmem:s12+$0x0] =	vst v8;
	v8 =	vmul.f32 v36, v16  }
0x5f2: {  	[tilespmem:s18+$0xFFFFFF80] =	vst v7;
	v7 =	vmul.f32 v32, v10  }
0x5f3: {  	[tilespmem:s8+$0x0] =	vst v8;
	v61 =	vmul.f32 v35, v27  }
0x5f4: {  	[tilespmem:s30+$0xFFFFFF80] =	vst v7;
	v7 =	vmul.f32 v31, v14  }
0x5f5: {  	[tilespmem:s11+$0x0] =	vst v61;
	v62 =	vmul.f32 v24, v15  }
0x5f6: {  	[tilespmem:s12+$0xFFFFFF80] =	vst v7;
	v7 =	vmul.f32 v26, v20  }
0x5f7: {  	[tilespmem:s18+$0x0] =	vst v62;
	v8 =	vmul.f32 v49, v28;
	v63 =	vpop (erf)  }
0x5f8: {  	[tilespmem:s8+$0xFFFFFF80] =	vst v7;
	v7 =	vmul.f32 v63, v21  }
0x5f9: {  	[tilespmem:s31+$0x0] =	vst v8  }
0x5fa: {  	s17 =	simm.s32 $0x5200;
	s16 =	simm.s32 $0x80;
	[tilespmem:s31+$0xFFFFFF80] =	vst v7  }
0x5fb: {  	[spmem:s2] =	stream.indirect.scatter.add.f32 [tilespmem:s17], [sflag:$0x7], $0x80, s16, s21, $0xb8;
	[tilespmem:$0x19E00] =	vst v63  }
0x5fc: {  	_ =	swait.ge [sflag:s23], $0x1000  }
0x5fd: {  	s31 =	rddreg [dreg:$0x15]  }
0x5fe: {  	s5 =	sadd.s32 $0x1, s31  }
0x5ff: {  	p1 =	sne.s32 s5, $0x9E  }
.Ltmp5:
0x600: {  	_ = 	snop;
	(pc) =	sbr.rel @p1 .LBB2_6-.Ltmp5, $3  }
0x601: {  	_ =	sdelay $0x1  }
0x602: {  	[sflag:s23] =	ssyncset.done $0x0  }
0x603: {  	[sflag:s23] =	ssyncadd.s32 $0xFFFFF000  }
0x604: {  	[bflag:$0x0] =	sbarrier.arrive $0xFFFF  }
.Ltmp6:
0x605: {  	s14 =	rddreg [dreg:$0x8];
	(pc) =	sbr.rel @!p0 .LBB2_15-.Ltmp6, $4  }
0x606: {  	s8 =	rddreg [dreg:$0x10]  }
0x607: {  	s9 =	rddreg [dreg:$0x11]  }
0x608: {  	p1 =	por $0x0, $0x0;
	s12 =	simm.s32 $0x200;
	s10 =	rddreg [dreg:$0x12]  }
0x609: {  	v7 =	vmov v3;
	s0 =	sadd.s32 $0xFFFFFFFF, s14;
	s1 =	sadd.s32 $0x20, s8;
	s5 =	smov.u32 s9  }
0x60a: {  	[tilespmem:$0x0] =	vst v3  }
0x60b: {  	[tilespmem:$0x10] =	vst v6  }
0x60c: {  	[tilespmem:s12], [sflag:$0x1] =	stream.indirect.gather [spmem:s2], $0x80, s4, s21, $0xb8;
	[tilespmem:$0x19E00] =	vst v63  }
0x60d: {  	p2 =	sne.s32 s0, $0x1;
	_ =	swait.ge [sflag:s3], $0x1000  }
.Ltmp7:
0x60e: {  	[sflag:s3] =	ssyncset.done $0x0;
	(pc) =	sbr.rel @!p2 .LBB2_13-.Ltmp7, $4  }
0x60f: {  	[sflag:s3] =	ssyncadd.s32 $0xFFFFF000  }
0x610: {  	v5 =	vmov s1;
	[hbm4b:s9+s4] =	stream.linear.scatter [tilespmem:s12], [sflag:$0x7], $0x1000, $0x38;
	[tilespmem:$0x19E00] =	vst v63  }
0x611: {  	s6 =	sadd.s32 $0xFFFFFFFF, s0;
	s7 =	sadd.s32 $0x20, s1;
	v5 =	vor.u32 $0x10, v5;
	_ =	swait.ge [sflag:s23], $0x1000  }
0x612: {  	v7 =	vor.u32 s1, v1;
	p1 =	por $0x1, $0x1;
	s5 =	smov.u32 s9;
	v5 =	vbroadcast v5, $0x0;
	[sflag:s23] =	ssyncset.done $0x0  }
.LBB2_14:
0x613: {  	v6 =	vor.u32 s7, v1;
	p2 =	sne.s32 s6, $0x1;
	[sflag:s23] =	ssyncadd.s32 $0xFFFFF000;
	s5 =	sadd.s32 $0x200, s5  }
0x614: {  	s6 =	sadd.s32 $0xFFFFFFFF, s6;
	[tilespmem:$0x0] =	vst v7;
	v5 =	vor.u32 v1, v5;
	v7 =	vmov v6  }
0x615: {  	[tilespmem:$0x10] =	vst v5  }
0x616: {  	[tilespmem:s12], [sflag:$0x1] =	stream.indirect.gather [spmem:s2], $0x80, s4, s21, $0xb8;
	[tilespmem:$0x19E00] =	vst v63  }
0x617: {  	_ =	swait.ge [sflag:s3], $0x1000  }
.Ltmp8:
0x618: {  	[sflag:s3] =	ssyncset.done $0x0;
	(pc) =	sbr.rel @p2 .LBB2_14-.Ltmp8, $4  }
0x619: {  	[sflag:s3] =	ssyncadd.s32 $0xFFFFF000  }
0x61a: {  	v5 =	vmov s7;
	[hbm4b:s5+s4] =	stream.linear.scatter [tilespmem:s12], [sflag:$0x7], $0x1000, $0x38;
	[tilespmem:$0x19E00] =	vst v63  }
0x61b: {  	v5 =	vor.u32 $0x10, v5;
	_ =	swait.ge [sflag:s23], $0x1000  }
0x61c: {  	s7 =	sadd.s32 $0x20, s7;
	v5 =	vbroadcast v5, $0x0;
	[sflag:s23] =	ssyncset.done $0x0  }
.LBB2_15:
0x61d: {  	[sflag:s23] =	ssyncadd.s32 @p1 $0xFFFFF000  }
0x61e: {  	[tilespmem:$0x0] =	vst v7;
	v5 =	vor.u32 v1, v5  }
0x61f: {  	[tilespmem:$0x10] =	vst v5  }
0x620: {  	[tilespmem:s12], [sflag:$0x1] =	stream.indirect.gather [spmem:s2], $0x80, s4, s21, $0xb8;
	[tilespmem:$0x19E00] =	vst v63  }
0x621: {  	_ =	swait.ge [sflag:s3], $0x1000  }
0x622: {  	s5 =	sadd.s32 @p1 $0x200, s5;
	s6 =	smov.u32 s9;
	[sflag:s3] =	ssyncset.done $0x0  }
0x623: {  	s6 =	smov.u32 @p1 s5;
	[sflag:s3] =	ssyncadd.s32 $0xFFFFF000  }
0x624: {  	[hbm4b:s6+s4] =	stream.linear.scatter [tilespmem:s12], [sflag:$0x7], $0x1000, $0x38;
	[tilespmem:$0x19E00] =	vst v63  }
0x625: {  	_ =	swait.ge [sflag:s23], $0x1000  }
0x626: {  	[sflag:s23] =	ssyncset.done $0x0  }
0x627: {  	[sflag:s23] =	ssyncadd.s32 $0xFFFFF000  }
0x628: {  	s5 =	simm.s32 $0x0;
	s6 =	simm.s32 $0x200;
	[bflag:$0x0] =	sbarrier.arrive $0xFFFF  }
.LBB2_16:
0x629: {  	p1 =	sne.s32 s6, $0x3E00;
	[tilespmem:s5+$0x4270] =	vst v2  }
0x62a: {  	[tilespmem:s5+$0x4200] =	vst v2  }
0x62b: {  	[tilespmem:s5+$0x4210] =	vst v2  }
.Ltmp9:
0x62c: {  	[tilespmem:s5+$0x4220] =	vst v2;
	(pc) =	sbr.rel @p1 .LBB2_16-.Ltmp9, $4  }
0x62d: {  	[tilespmem:s5+$0x4230] =	vst v2  }
0x62e: {  	[tilespmem:s5+$0x4240] =	vst v2  }
0x62f: {  	[tilespmem:s5+$0x4250] =	vst v2  }
0x630: {  	[tilespmem:s5+$0x4260] =	vst v2;
	s5 =	sshra.s32 s6, $0x2;
	s6 =	sadd.s32 $0x200, s6  }
0x631: {  	[tilespmem:s5+$0x4270] =	vst v2  }
0x632: {  	[tilespmem:s5+$0x4200] =	vst v2  }
0x633: {  	[tilespmem:s5+$0x4210] =	vst v2  }
0x634: {  	[tilespmem:s5+$0x4220] =	vst v2  }
0x635: {  	[tilespmem:s5+$0x4230] =	vst v2  }
0x636: {  	[tilespmem:s5+$0x4240] =	vst v2  }
0x637: {  	[tilespmem:s5+$0x4250] =	vst v2  }
0x638: {  	[tilespmem:s5+$0x4260] =	vst v2;
	s5 =	simm.s32 $0x0;
	s6 =	simm.s32 $0x200  }
0x639: {  	s15 =	rddreg [dreg:$0xa];
	s11 =	simm.s32 $0x4200;
	s13 =	simm.s32 $0x2200  }
.LBB2_18:
0x63a: {  	p1 =	sne.s32 s6, $0x3E00;
	[tilespmem:s5+$0x2270] =	vst v0  }
0x63b: {  	[tilespmem:s5+$0x2200] =	vst v0  }
0x63c: {  	[tilespmem:s5+$0x2210] =	vst v0  }
.Ltmp10:
0x63d: {  	[tilespmem:s5+$0x2220] =	vst v0;
	(pc) =	sbr.rel @p1 .LBB2_18-.Ltmp10, $4  }
0x63e: {  	[tilespmem:s5+$0x2230] =	vst v0  }
0x63f: {  	[tilespmem:s5+$0x2240] =	vst v0  }
0x640: {  	[tilespmem:s5+$0x2250] =	vst v0  }
0x641: {  	[tilespmem:s5+$0x2260] =	vst v0;
	s5 =	sshra.s32 s6, $0x2;
	s6 =	sadd.s32 $0x200, s6  }
0x642: {  	[tilespmem:s5+$0x2270] =	vst v0  }
0x643: {  	[tilespmem:s5+$0x2200] =	vst v0  }
0x644: {  	[tilespmem:s5+$0x2210] =	vst v0  }
0x645: {  	[tilespmem:s5+$0x2220] =	vst v0  }
0x646: {  	[tilespmem:s5+$0x2230] =	vst v0  }
.Ltmp11:
0x647: {  	[tilespmem:s5+$0x2240] =	vst v0;
	(pc) =	sbr.rel @!p0 .LBB2_21-.Ltmp11, $4  }
0x648: {  	[tilespmem:s5+$0x2250] =	vst v0;
	v4 =	vbroadcast v4, $0x0  }
0x649: {  	[tilespmem:s5+$0x2260] =	vst v0  }
0x64a: {  	[tilespmem:$0x0] =	vst v3;
	v5 =	vor.u32 v1, v4  }
0x64b: {  	[tilespmem:$0x10] =	vst v5  }
.LBB2_20:
0x64c: {  	[spmem:s2] =	stream.indirect.scatter [tilespmem:s13], [sflag:$0x7], $0x80, s4, s21, $0xb8;
	[tilespmem:$0x19E00] =	vst v63  }
0x64d: {  	v6 =	vmov s1;
	p1 =	sne.s32 s0, $0x1  }
.Ltmp12:
0x64e: {  	v6 =	vor.u32 $0x10, v6;
	_ =	swait.ge [sflag:s23], $0x1000;
	(pc) =	sbr.rel @p1 .LBB2_20-.Ltmp12, $4  }
0x64f: {  	s0 =	sadd.s32 $0xFFFFFFFF, s0;
	v6 =	vbroadcast v6, $0x0;
	[sflag:s23] =	ssyncset.done $0x0  }
0x650: {  	v7 =	vor.u32 s1, v1;
	[sflag:s23] =	ssyncadd.s32 $0xFFFFF000  }
0x651: {  	[tilespmem:$0x0] =	vst v7;
	v6 =	vor.u32 v1, v6  }
0x652: {  	s1 =	sadd.s32 $0x20, s1;
	[tilespmem:$0x10] =	vst v6  }
.LBB2_21:
0x653: {  	[spmem:s2] =	stream.indirect.scatter [tilespmem:s13], [sflag:$0x7], $0x80, s4, s21, $0xb8;
	[tilespmem:$0x19E00] =	vst v63  }
0x654: {  	_ =	swait.ge [sflag:s23], $0x1000  }
0x655: {  	[sflag:s23] =	ssyncset.done $0x0  }
0x656: {  	[sflag:s23] =	ssyncadd.s32 $0xFFFFF000  }
0x657: {  	[bflag:$0x0] =	sbarrier.arrive $0xFFFF  }
0x658: {  	[tilespmem:s4], [sflag:$0x7] =	stream.linear.gather [hbm4b:s15+s4], $0x20, $0x38;
	[tilespmem:$0x19E00] =	vst v63  }
0x659: {  	_ =	swait.ge [sflag:s23], $0x20  }
0x65a: {  	s0 =	sadd.s32 $0xFFFFFB18, s10;
	[sflag:s23] =	ssyncset.done $0x0  }
0x65b: {  	s1 =	sadd.s32 $0x4EC, s0;
	[sflag:s23] =	ssyncadd.s32 $0xFFFFFFE0  }
0x65c: {  	[tilespmem:s16], [sflag:$0x7] =	stream.linear.gather [hbm4b:s1+s4], $0x20, $0x38;
	[tilespmem:$0x19E00] =	vst v63  }
0x65d: {  	_ =	swait.ge [sflag:s23], $0x20  }
0x65e: {  	[sflag:s23] =	ssyncset.done $0x0  }
0x65f: {  	[sflag:s23] =	ssyncadd.s32 $0xFFFFFFE0  }
0x660: {  	[spmem:s2] =	stream.indirect.scatter.add.f32 [tilespmem:s11], [sflag:$0x7], $0x80, s4, s21, $0xb8;
	[tilespmem:$0x19E00] =	vst v63  }
0x661: {  	_ =	swait.ge [sflag:s23], $0x1000  }
0x662: {  	[sflag:s23] =	ssyncset.done $0x0  }
0x663: {  	s0 =	sadd.s32 $0x4F0, s0;
	[sflag:s23] =	ssyncadd.s32 $0xFFFFF000  }
0x664: {  	[tilespmem:s4], [sflag:$0x7] =	stream.linear.gather [hbm4b:s0+s4], $0x20, $0x38;
	[tilespmem:$0x19E00] =	vst v63  }
0x665: {  	_ =	swait.ge [sflag:s23], $0x20  }
0x666: {  	[sflag:s23] =	ssyncset.done $0x0  }
0x667: {  	[sflag:s23] =	ssyncadd.s32 $0xFFFFFFE0  }
0x668: {  	[spmem:s2] =	stream.indirect.scatter.add.f32 [tilespmem:s11], [sflag:$0x7], $0x80, s16, s21, $0xb8;
	[tilespmem:$0x19E00] =	vst v63  }
0x669: {  	_ =	swait.ge [sflag:s23], $0x1000  }
0x66a: {  	s1 =	simm.s32 $0xFFFFFB28;
	s0 =	sadd.s32 $0xFFFFFB20, s10;
	[sflag:s23] =	ssyncset.done $0x0  }
.LBB2_22:
0x66b: {  	s5 =	sadd.s32 $0x4EC, s0  }
0x66c: {  	[sflag:s23] =	ssyncadd.s32 $0xFFFFF000;
	s6 =	smov.u32 s1;
	s7 =	sadd.s32 $0x8, s1  }
0x66d: {  	[tilespmem:s16], [sflag:$0x7] =	stream.linear.gather [hbm4b:s5+s4], $0x20, $0x38;
	[tilespmem:$0x19E00] =	vst v63  }
0x66e: {  	p1 =	sne.s32 s1, $0xFFFFFFF8;
	_ =	swait.ge [sflag:s23], $0x20  }
0x66f: {  	[sflag:s23] =	ssyncset.done $0x0  }
0x670: {  	[sflag:s23] =	ssyncadd.s32 $0xFFFFFFE0  }
0x671: {  	[spmem:s2] =	stream.indirect.scatter.add.f32 [tilespmem:s11], [sflag:$0x7], $0x80, s4, s21, $0xb8;
	[tilespmem:$0x19E00] =	vst v63  }
0x672: {  	_ =	swait.ge [sflag:s23], $0x1000  }
0x673: {  	[sflag:s23] =	ssyncset.done $0x0  }
0x674: {  	s0 =	sadd.s32 $0x4F0, s0;
	[sflag:s23] =	ssyncadd.s32 $0xFFFFF000  }
0x675: {  	[tilespmem:s4], [sflag:$0x7] =	stream.linear.gather [hbm4b:s0+s4], $0x20, $0x38;
	[tilespmem:$0x19E00] =	vst v63  }
0x676: {  	_ =	swait.ge [sflag:s23], $0x20  }
.Ltmp13:
0x677: {  	[sflag:s23] =	ssyncset.done $0x0;
	(pc) =	sbr.rel @p1 .LBB2_22-.Ltmp13, $4  }
0x678: {  	[sflag:s23] =	ssyncadd.s32 $0xFFFFFFE0  }
0x679: {  	[spmem:s2] =	stream.indirect.scatter.add.f32 [tilespmem:s11], [sflag:$0x7], $0x80, s16, s21, $0xb8;
	[tilespmem:$0x19E00] =	vst v63  }
0x67a: {  	_ =	swait.ge [sflag:s23], $0x1000  }
0x67b: {  	s1 =	smov.u32 s7;
	s0 =	sadd.s32 s6, s10;
	[sflag:s23] =	ssyncset.done $0x0  }
0x67c: {  	s1 =	sadd.s32 $0x4EC, s0;
	[sflag:s23] =	ssyncadd.s32 $0xFFFFF000  }
0x67d: {  	[tilespmem:s16], [sflag:$0x7] =	stream.linear.gather [hbm4b:s1+s4], $0x20, $0x38;
	[tilespmem:$0x19E00] =	vst v63  }
0x67e: {  	_ =	swait.ge [sflag:s23], $0x20  }
0x67f: {  	[sflag:s23] =	ssyncset.done $0x0  }
0x680: {  	[sflag:s23] =	ssyncadd.s32 $0xFFFFFFE0  }
0x681: {  	[spmem:s2] =	stream.indirect.scatter.add.f32 [tilespmem:s11], [sflag:$0x7], $0x80, s4, s21, $0xb8;
	[tilespmem:$0x19E00] =	vst v63  }
0x682: {  	_ =	swait.ge [sflag:s23], $0x1000  }
0x683: {  	[sflag:s23] =	ssyncset.done $0x0  }
0x684: {  	s30 =	sadd.s32 $0x4F0, s0;
	[sflag:s23] =	ssyncadd.s32 $0xFFFFF000  }
0x685: {  	[tilespmem:s4], [sflag:$0x7] =	stream.linear.gather [hbm4b:s30+s4], $0x20, $0x38;
	[tilespmem:$0x19E00] =	vst v63  }
0x686: {  	_ =	swait.ge [sflag:s23], $0x20  }
0x687: {  	[sflag:s23] =	ssyncset.done $0x0  }
0x688: {  	[sflag:s23] =	ssyncadd.s32 $0xFFFFFFE0  }
0x689: {  	[spmem:s2] =	stream.indirect.scatter.add.f32 [tilespmem:s11], [sflag:$0x7], $0x80, s16, s21, $0xb8;
	[tilespmem:$0x19E00] =	vst v63  }
0x68a: {  	_ =	swait.ge [sflag:s23], $0x1000  }
0x68b: {  	[sflag:s23] =	ssyncset.done $0x0  }
0x68c: {  	s31 =	rddreg [dreg:$0xf];
	[sflag:s23] =	ssyncadd.s32 $0xFFFFF000  }
0x68d: {  	[tilespmem:s16], [sflag:$0x7] =	stream.linear.gather [hbm4b:s31+s4], $0x20, $0x38;
	[tilespmem:$0x19E00] =	vst v63  }
0x68e: {  	_ =	swait.ge [sflag:s23], $0x20  }
0x68f: {  	[sflag:s23] =	ssyncset.done $0x0  }
0x690: {  	[sflag:s23] =	ssyncadd.s32 $0xFFFFFFE0  }
0x691: {  	[spmem:s2] =	stream.indirect.scatter.add.f32 [tilespmem:s11], [sflag:$0x7], $0x80, s4, s21, $0xb8;
	[tilespmem:$0x19E00] =	vst v63  }
0x692: {  	_ =	swait.ge [sflag:s23], $0x1000  }
0x693: {  	[sflag:s23] =	ssyncset.done $0x0  }
0x694: {  	[sflag:s23] =	ssyncadd.s32 $0xFFFFF000  }
0x695: {  	[spmem:s2] =	stream.indirect.scatter.add.f32 [tilespmem:s11], [sflag:$0x7], $0x80, s16, s21, $0xb8;
	[tilespmem:$0x19E00] =	vst v63  }
.Ltmp14:
0x696: {  	_ =	swait.ge [sflag:s23], $0x1000;
	(pc) =	sbr.rel @!p0 .LBB2_24-.Ltmp14, $4  }
0x697: {  	[sflag:s23] =	ssyncset.done $0x0  }
0x698: {  	[sflag:s23] =	ssyncadd.s32 $0xFFFFF000  }
0x699: {  	[bflag:$0x0] =	sbarrier.arrive $0xFFFF  }
0x69a: {  	s0 =	sadd.s32 $0x20, s8;
	p1 =	por $0x0, $0x0;
	s1 =	sadd.s32 $0xFFFFFFFF, s14  }
0x69b: {  	[tilespmem:$0x0] =	vst v3  }
0x69c: {  	[tilespmem:$0x10] =	vst v5  }
0x69d: {  	[tilespmem:s12], [sflag:$0x1] =	stream.indirect.gather [spmem:s2], $0x80, s4, s21, $0xb8;
	[tilespmem:$0x19E00] =	vst v63  }
0x69e: {  	p0 =	sne.s32 s1, $0x1;
	_ =	swait.ge [sflag:s3], $0x1000  }
.Ltmp15:
0x69f: {  	[sflag:s3] =	ssyncset.done $0x0;
	(pc) =	sbr.rel @!p0 .LBB2_26-.Ltmp15, $4  }
0x6a0: {  	s1 =	sadd.s32 $0xFFFFFFFF, s1;
	s6 =	rddreg [dreg:$0x13];
	[sflag:s3] =	ssyncadd.s32 $0xFFFFF000  }
0x6a1: {  	v3 =	vmov s0;
	[hbm4b:s6+s4] =	stream.linear.scatter [tilespmem:s12], [sflag:$0x7], $0x1000, $0x38;
	[tilespmem:$0x19E00] =	vst v63  }
0x6a2: {  	s5 =	sadd.s32 $0x20, s0;
	p1 =	por $0x1, $0x1;
	v4 =	vor.u32 $0x10, v3;
	_ =	swait.ge [sflag:s23], $0x1000  }
0x6a3: {  	v3 =	vor.u32 s0, v1;
	v4 =	vbroadcast v4, $0x0;
	s0 =	smov.u32 s6;
	[sflag:s23] =	ssyncset.done $0x0;
	s7 =	rddreg [dreg:$0x14]  }
.LBB2_27:
0x6a4: {  	v5 =	vor.u32 s5, v1;
	p0 =	sne.s32 s1, $0x1;
	[sflag:s23] =	ssyncadd.s32 $0xFFFFF000;
	s0 =	sadd.s32 $0x200, s0  }
0x6a5: {  	s1 =	sadd.s32 $0xFFFFFFFF, s1;
	[tilespmem:$0x0] =	vst v3;
	v4 =	vor.u32 v1, v4;
	v3 =	vmov v5  }
0x6a6: {  	[tilespmem:$0x10] =	vst v4  }
0x6a7: {  	[tilespmem:s12], [sflag:$0x1] =	stream.indirect.gather [spmem:s2], $0x80, s4, s21, $0xb8;
	[tilespmem:$0x19E00] =	vst v63  }
0x6a8: {  	_ =	swait.ge [sflag:s3], $0x1000  }
.Ltmp16:
0x6a9: {  	[sflag:s3] =	ssyncset.done $0x0;
	(pc) =	sbr.rel @p0 .LBB2_27-.Ltmp16, $4  }
0x6aa: {  	[sflag:s3] =	ssyncadd.s32 $0xFFFFF000  }
0x6ab: {  	v4 =	vmov s5;
	[hbm4b:s0+s4] =	stream.linear.scatter [tilespmem:s12], [sflag:$0x7], $0x1000, $0x38;
	[tilespmem:$0x19E00] =	vst v63  }
0x6ac: {  	v4 =	vor.u32 $0x10, v4;
	_ =	swait.ge [sflag:s23], $0x1000  }
0x6ad: {  	s5 =	sadd.s32 $0x20, s5;
	v4 =	vbroadcast v4, $0x0;
	[sflag:s23] =	ssyncset.done $0x0  }
.LBB2_28:
0x6ae: {  	[sflag:s23] =	ssyncadd.s32 @p1 $0xFFFFF000  }
0x6af: {  	[tilespmem:$0x0] =	vst v3;
	v3 =	vor.u32 v1, v4  }
0x6b0: {  	[tilespmem:$0x10] =	vst v3  }
0x6b1: {  	[tilespmem:s12], [sflag:$0x1] =	stream.indirect.gather [spmem:s2], $0x80, s4, s21, $0xb8;
	[tilespmem:$0x19E00] =	vst v63  }
0x6b2: {  	_ =	swait.ge [sflag:s3], $0x1000  }
0x6b3: {  	s0 =	sadd.s32 @p1 $0x200, s0;
	s1 =	smov.u32 s6;
	[sflag:s3] =	ssyncset.done $0x0  }
0x6b4: {  	s1 =	smov.u32 @p1 s0;
	[sflag:s3] =	ssyncadd.s32 $0xFFFFF000  }
0x6b5: {  	[hbm4b:s1+s4] =	stream.linear.scatter [tilespmem:s12], [sflag:$0x7], $0x1000, $0x38;
	[tilespmem:$0x19E00] =	vst v63  }
0x6b6: {  	_ =	swait.ge [sflag:s23], $0x1000  }
0x6b7: {  	s7 =	sadd.s32 $0x1, s7;
	s31 =	rddreg [dreg:$0xe]  }
0x6b8: {  	p0 =	sne.s32 s7, s31  }
.Ltmp17:
0x6b9: {  	_ = 	snop;
	(pc) =	sbr.rel @p0 .LBB2_1-.Ltmp17, $4  }
.Ltmp18:
0x6ba: {  	_ = 	snop;
	(pc) =	sbr.rel @!p0 .LBB2_29-.Ltmp18, $4  }
0x6bb: {  	_ = 	snop  }
0x6bc: {  	[sflag:s23] =	ssyncset.done $0x0  }
0x6bd: {  	[sflag:s23] =	ssyncadd.s32 $0xFFFFF000  }
0x6be: {  	_ = 	snop  }
.LBB2_24:
.Ltmp19:
0x6bf: {  	(pc) =	sbr.rel .LBB2_28-.Ltmp19, $3  }
0x6c0: {  	_ =	sdelay $0x1  }
0x6c1: {  	s6 =	rddreg [dreg:$0x13]  }
0x6c2: {  	s7 =	rddreg [dreg:$0x14];
	s0 =	smov.u32 s6  }
.LBB2_13:
.Ltmp20:
0x6c3: {  	(pc) =	sbr.rel .LBB2_15-.Ltmp20, $2  }
0x6c4: {  	_ =	sdelay $0x2  }
0x6c5: {  	s5 =	smov.u32 s9  }
.LBB2_26:
.Ltmp21:
0x6c6: {  	(pc) =	sbr.rel .LBB2_28-.Ltmp21, $2  }
0x6c7: {  	_ =	sdelay $0x2  }
0x6c8: {  	s0 =	smov.u32 s6  }
.LBB2_29:
0x6c9: {  	_ =	sfence.sel $0x180000  }
0x6ca: {  	[bflag:$0x0] =	sbarrier.arrive $0xFFFF  }
0x6cb: {  	_ =	strace $0x90000047  }
0x6cc: {  	s0 =	stileid.u32;
	[bflag:$0x2] =	sbarrier.arrive $0xFFFF  }
0x6cd: {  	p0 =	sne.s32 s0, $0x0;
	s0 =	rddreg [dreg:$0x3]  }
0x6ce: {  	s0 =	sadd.s32 @!p0 $0x100000, s0  }
0x6cf: {  	[sflag:s0] =	ssyncadd.tile.s32 @!p0 $0x1;
	_ =	shalt  }
.Lfunc_end2:
_tile_overlayer_lowered:
.L_overlay_start_2:
0x6d0: {  	(tag) =	ssettag $0x2  }
0x6d1: {  	s0 =	rddreg [dreg:$0x0];
	s2 =	stileid.u32  }
0x6d2: {  	s1 =	rddreg [dreg:$0x1];
	p0 =	sne.s32 s2, $0x0  }
0x6d3: {  	s3 =	rddreg [dreg:$0x2];
	[bflag:$0x3] =	sbarrier.arrive $0xFFFF;
	s2 =	simm.s32 @!p0 $0x1C07  }
0x6d4: {  	[timem:s3], [sflag:s2] =	dma.local @!p0 [hbm:s0], s1  }
0x6d5: {  	s0 =	simm.s32 @!p0 $0x7  }
0x6d6: {  	_ =	swait.ge @!p0 [sflag:s0], s1  }
0x6d7: {  	s1 =	ssub.s32 @!p0 $0x0, s1;
	[sflag:s0] =	ssyncset.done @!p0 $0x0  }
0x6d8: {  	[sflag:s0] =	ssyncadd.s32 @!p0 s1  }
0x6d9: {  	[bflag:$0x3] =	sbarrier.arrive $0xFFFF  }
0x6da: {  	_ =	shalt  }

</sc_bundles>
